<compile_context>
chip_gen: v7x
topology: tpu7x:2x2x1
jax: 0.10.2.dev20260603
libtpu: 0.0.44.dev20260713+nightly
codegen_flags: <defaults>
</compile_context>

<pallas_src>
import functools

import jax
import jax.numpy as jnp
from jax import lax
from jax.experimental import pallas as pl
from jax.experimental.pallas import tpu as pltpu
from jax.experimental.pallas import tpu_sc as plsc

H = 128
CHUNK = 80
NSUB = 16
LANES = 16

def _edge_linear_body(ea_ref, w_ref, b_ref, out_ref):
    a = ea_ref[...].astype(jnp.bfloat16)
    y = jnp.dot(a, w_ref[...], preferred_element_type=jnp.float32) + b_ref[...]
    out_ref[0] = y[:, :H]
    out_ref[1] = y[:, H:]


def _edge_linear(edge_attr, w_stack, b_stack, lo, span, block_e=1280):
    return pl.pallas_call(
        _edge_linear_body,
        grid=(span // block_e,),
        in_specs=[
            pl.BlockSpec((block_e, H), lambda i: (i + lo // block_e, 0)),
            pl.BlockSpec((H, 2 * H), lambda i: (0, 0)),
            pl.BlockSpec((1, 2 * H), lambda i: (0, 0)),
        ],
        out_specs=pl.BlockSpec((2, block_e, H), lambda i: (0, i, 0)),
        out_shape=jax.ShapeDtypeStruct((2, span, H), jnp.float32),
        compiler_params=pltpu.CompilerParams(
            dimension_semantics=("parallel",)
        ),
    )(edge_attr, w_stack, b_stack)


def _sc_aggregate(g_idx, x, e_stack, lo):
    N = x.shape[0]
    E = g_idx.shape[0] // 2
    span = e_stack.shape[1]
    n_chunks = span // CHUNK
    assert span % (NSUB * CHUNK) == 0, span
    chunks_per_sub = n_chunks // NSUB
    rows_per_sub = 624
    extra_rows = N - NSUB * rows_per_sub
    full_zero = rows_per_sub // CHUNK
    rem_zero = rows_per_sub % CHUNK

    mesh = plsc.VectorSubcoreMesh(core_axis_name="c", subcore_axis_name="s")

    @functools.partial(
        pl.kernel,
        out_type=jax.ShapeDtypeStruct((2, N, H), jnp.float32),
        mesh=mesh,
        scratch_types=[
            pltpu.VMEM((CHUNK,), jnp.int32),
            pltpu.VMEM((CHUNK,), jnp.int32),
            pltpu.VMEM((CHUNK, H), jnp.float32),
            pltpu.VMEM((CHUNK, H), jnp.float32),
            pltpu.VMEM((CHUNK, H), jnp.float32),
            pltpu.VMEM((CHUNK, H), jnp.float32),
            pltpu.VMEM((chunks_per_sub * CHUNK,), jnp.int32),
            pltpu.VMEM_SHARED((N, H), jnp.float32),
        ] + [pltpu.SemaphoreType.DMA] * 8,
    )
    def k(gi_hbm, x_hbm, e_hbm, out_hbm, sidx0, sidx1, xg0, xg1, e0, e1,
          gbulk, acc_sh, sem_si0, sem_si1, sem_x0, sem_x1, sem_e0, sem_e1,
          sem_s0, sem_s1):
        c = lax.axis_index("c")
        s = lax.axis_index("s")
        sidx = [sidx0, sidx1]
        xg = [xg0, xg1]
        ev = [e0, e1]
        sem_si = [sem_si0, sem_si1]
        sem_x = [sem_x0, sem_x1]
        sem_e = [sem_e0, sem_e1]
        sem_s = [sem_s0, sem_s1]

        edges_per_sub = chunks_per_sub * CHUNK
        gcp = pltpu.async_copy(
            gi_hbm.at[pl.ds(c * E + lo + s * edges_per_sub, edges_per_sub)],
            gbulk, sem_s0,
        )

        @pl.loop(0, CHUNK)
        def _(i):
            for j in range(H // LANES):
                xg0[i, pl.ds(j * LANES, LANES)] = jnp.zeros(
                    (LANES,), jnp.float32
                )

        base_rows = s * rows_per_sub

        @pl.loop(0, full_zero)
        def _(t):
            pltpu.sync_copy(
                xg0, acc_sh.at[pl.ds(base_rows + t * CHUNK, CHUNK)]
            )

        pltpu.sync_copy(
            xg0.at[pl.ds(0, rem_zero)],
            acc_sh.at[pl.ds(base_rows + full_zero * CHUNK, rem_zero)],
        )

        @pl.when(s == NSUB - 1)
        def _():
            pltpu.sync_copy(
                xg0.at[pl.ds(0, extra_rows)],
                acc_sh.at[pl.ds(NSUB * rows_per_sub, extra_rows)],
            )

        gcp.wait()
        plsc.subcore_barrier()

        def ci_of(t):
            return s * chunks_per_sub + t

        def issue_sidx(t, b):
            pltpu.async_copy(
                gi_hbm.at[pl.ds((1 - c) * E + lo + ci_of(t) * CHUNK, CHUNK)],
                sidx[b], sem_si[b],
            )

        def issue_data(t, b):
            pltpu.async_copy(
                e_hbm.at[c, pl.ds(ci_of(t) * CHUNK, CHUNK)], ev[b],
                sem_e[b],
            )
            pltpu.async_copy(
                x_hbm.at[gbulk.at[pl.ds(t * CHUNK, CHUNK)]], xg[b], sem_x[b]
            )

        def wait_data(t, b):
            pltpu.make_async_copy(
                e_hbm.at[c, pl.ds(ci_of(t) * CHUNK, CHUNK)], ev[b],
                sem_e[b],
            ).wait()
            pltpu.make_async_copy(
                x_hbm.at[gbulk.at[pl.ds(t * CHUNK, CHUNK)]], xg[b], sem_x[b]
            ).wait()

        def wait_sidx(t, b):
            pltpu.make_async_copy(
                gi_hbm.at[pl.ds((1 - c) * E + lo + ci_of(t) * CHUNK, CHUNK)],
                sidx[b], sem_si[b],
            ).wait()

        def wait_scatter(b):
            pltpu.make_async_copy(xg[b], acc_sh.at[sidx[b]], sem_s[b]).wait()

        issue_sidx(0, 0)
        issue_data(0, 0)

        @pl.loop(0, chunks_per_sub + 1, step=2)
        def _(t_outer):
          for b in (0, 1):
            bn = 1 - b
            t = t_outer + b
            if True:
                @pl.when((t >= 1) & (t - 1 < chunks_per_sub))
                def _():
                    wait_scatter(bn)

                @pl.when(t + 1 < chunks_per_sub)
                def _():
                    issue_sidx(t + 1, bn)
                    issue_data(t + 1, bn)

                @pl.when(t < chunks_per_sub)
                def _():
                    wait_data(t, b)

                    @plsc.parallel_loop(0, CHUNK, unroll=4)
                    def _(i):
                        for j in range(H // LANES):
                            sl = pl.ds(j * LANES, LANES)
                            xg[b][i, sl] = jnp.maximum(
                                xg[b][i, sl] + ev[b][i, sl], 0.0
                            )

                    wait_sidx(t, b)
                    pltpu.async_copy(
                        xg[b], acc_sh.at[sidx[b]], sem_s[b], add=True
                    )

        plsc.subcore_barrier()
        pltpu.sync_copy(
            acc_sh.at[pl.ds(base_rows, rows_per_sub)],
            out_hbm.at[c, pl.ds(base_rows, rows_per_sub)],
        )

        @pl.when(s == NSUB - 1)
        def _():
            pltpu.sync_copy(
                acc_sh.at[pl.ds(NSUB * rows_per_sub, extra_rows)],
                out_hbm.at[c, pl.ds(NSUB * rows_per_sub, extra_rows)],
            )

    return k(g_idx, x, e_stack)


def _node_mlp_body(x_ref, agg_ref, aggb_ref, aggc_ref, w1_ref,
                   b1_ref, w2_ref, b2_ref, w3_ref, b3_ref, out_ref):
    w1 = w1_ref[...]
    b1 = b1_ref[...]
    w2 = w2_ref[...]
    b2 = b2_ref[...]

    def head(a):
        h = jnp.maximum(
            jnp.dot(a, w1, preferred_element_type=jnp.float32) + b1, 0.0
        )
        return jnp.dot(h, w2, preferred_element_type=jnp.float32) + b2

    yf = head(agg_ref[0] + aggb_ref[0] + aggc_ref[0])
    yb = head(agg_ref[1] + aggb_ref[1] + aggc_ref[1])
    xb = x_ref[...]
    out = (
        jnp.dot(xb, w3_ref[0:H], preferred_element_type=jnp.float32)
        + jnp.dot(yf, w3_ref[H:2 * H], preferred_element_type=jnp.float32)
        + jnp.dot(yb, w3_ref[2 * H:3 * H], preferred_element_type=jnp.float32)
        + b3_ref[...]
    )
    out_ref[...] = out


def _node_mlp(x, aggr, aggr_b, aggr_c, W1, b1, W2, b2, W3, b3,
              block_n=1000):
    N = x.shape[0]
    return pl.pallas_call(
        _node_mlp_body,
        grid=(N // block_n,),
        in_specs=[
            pl.BlockSpec((block_n, H), lambda i: (i, 0)),
            pl.BlockSpec((2, block_n, H), lambda i: (0, i, 0)),
            pl.BlockSpec((2, block_n, H), lambda i: (0, i, 0)),
            pl.BlockSpec((2, block_n, H), lambda i: (0, i, 0)),
            pl.BlockSpec((H, 2 * H), lambda i: (0, 0)),
            pl.BlockSpec((1, 2 * H), lambda i: (0, 0)),
            pl.BlockSpec((2 * H, H), lambda i: (0, 0)),
            pl.BlockSpec((1, H), lambda i: (0, 0)),
            pl.BlockSpec((3 * H, H), lambda i: (0, 0)),
            pl.BlockSpec((1, H), lambda i: (0, 0)),
        ],
        out_specs=pl.BlockSpec((block_n, H), lambda i: (i, 0)),
        out_shape=jax.ShapeDtypeStruct((N, H), jnp.float32),
        compiler_params=pltpu.CompilerParams(
            dimension_semantics=("parallel",)
        ),
    )(x, aggr, aggr_b, aggr_c, W1, b1.reshape(1, -1), W2,
      b2.reshape(1, -1), W3, b3.reshape(1, -1))


def kernel(x, edge_index, edge_attr, W_ef, b_ef, W_eb, b_eb, W1, b1, W2, b2,
           W3, b3):
    E = edge_index.shape[1]
    unit = NSUB * CHUNK
    s1 = 84 * unit
    s2 = s1 + 83 * unit
    w_stack = jnp.concatenate([W_ef, W_eb], axis=1).astype(jnp.bfloat16)
    b_stack = jnp.concatenate([b_ef, b_eb]).reshape(1, 2 * H)
    g_idx = edge_index.reshape(-1)
    e_a = _edge_linear(edge_attr, w_stack, b_stack, 0, s1)
    e_b = _edge_linear(edge_attr, w_stack, b_stack, s1, s2 - s1)
    e_c = _edge_linear(edge_attr, w_stack, b_stack, s2, E - s2)
    aggr_a = _sc_aggregate(g_idx, x, e_a, 0)
    aggr_b = _sc_aggregate(g_idx, x, e_b, s1)
    aggr_c = _sc_aggregate(g_idx, x, e_c, s2)
    return _node_mlp(x, aggr_a, aggr_b, aggr_c, W1, b1, W2, b2, W3, b3)

# --- scband reference (transcript-rebuilt; emitter-appended) ---
"""Pipeline reference for scband-gineconv-hetero-30227979829589 (READ-ONLY COPY).

The authoritative reference and input builder live on the scoring server;
editing this copy changes nothing except your own understanding.
"""

import jax, jax.numpy as jnp
import numpy as np

N = 10000
E = 320000
H = 128

def setup_inputs(seed: int = 0):
    key = jax.random.key(seed)
    ks = jax.random.split(key, 14)
    def lin(k, fi, fo):
        return jax.random.normal(k, (fi, fo), dtype=jnp.float32) / np.sqrt(fi)
    x = jax.random.normal(ks[0], (N, H), dtype=jnp.float32)
    edge_index = jax.random.randint(ks[1], (2, E), 0, N, dtype=jnp.int32)
    edge_attr = jax.random.normal(ks[2], (E, H), dtype=jnp.float32)
    W_ef = lin(ks[3], H, H); b_ef = jnp.zeros((H,), jnp.float32)
    W_eb = lin(ks[4], H, H); b_eb = jnp.zeros((H,), jnp.float32)
    # the SAME `network` module instance is passed to both GINEConvs -> shared MLP params
    W1 = lin(ks[5], H, 2 * H); b1 = jnp.zeros((2 * H,), jnp.float32)
    W2 = lin(ks[6], 2 * H, H); b2 = jnp.zeros((H,), jnp.float32)
    W3 = lin(ks[7], 3 * H, H); b3 = jnp.zeros((H,), jnp.float32)
    return {"x": x, "edge_index": edge_index, "edge_attr": edge_attr,
            "W_ef": W_ef, "b_ef": b_ef, "W_eb": W_eb, "b_eb": b_eb,
            "W1": W1, "b1": b1, "W2": W2, "b2": b2, "W3": W3, "b3": b3}

def _gine(x, src, dst, edge_attr, Wl, bl, W1, b1, W2, b2):
    # GINEConv with x passed as (x, None): out = nn(sum_{j->i} relu(x_j + lin(e_ji)))
    # (the (1+eps)*x_r self term is skipped because x_r is None; default eps=0 anyway)
    e = edge_attr @ Wl + bl
    msg = jax.nn.relu(x[src] + e)
    aggr = jax.ops.segment_sum(msg, dst, num_segments=x.shape[0])
    h = jax.nn.relu(aggr @ W1 + b1)
    return h @ W2 + b2

def reference(x, edge_index, edge_attr, W_ef, b_ef, W_eb, b_eb, W1, b1, W2, b2, W3, b3):
    src = edge_index[0]
    dst = edge_index[1]
    # conv_forw: messages src -> dst (aggregate at edge_index[1])
    a_in = _gine(x, src, dst, edge_attr, W_ef, b_ef, W1, b1, W2, b2)
    # conv_back: edge_index.flipud() -> messages dst -> src (aggregate at edge_index[0])
    a_out = _gine(x, dst, src, edge_attr, W_eb, b_eb, W1, b1, W2, b2)
    return jnp.concatenate([x, a_in, a_out], axis=1) @ W3 + b3

if __name__ == "__main__":
    import jax
    _d = setup_inputs()
    print(jax.jit(kernel)(*tuple(_d.values())))

</pallas_src>

<mosaic_0001>
#map = affine_map<(d0, d1) -> (0)>
#map1 = affine_map<(d0, d1) -> (0, 0)>
#map2 = affine_map<(d0, d1) -> (0, 0, 0)>
module attributes {stable_mosaic.version = 14 : i64} {
  func.func @k(%arg0: i32, %arg1: i32, %arg2: memref<640000xi32, #tpu.memory_space<hbm>>, %arg3: memref<10000x128xf32, #tpu.memory_space<hbm>>, %arg4: memref<2x106240x128xf32, #tpu.memory_space<hbm>>, %arg5: memref<2x10000x128xf32, #tpu.memory_space<hbm>>, %arg6: memref<80xi32, #tpu.memory_space<vmem>>, %arg7: memref<80xi32, #tpu.memory_space<vmem>>, %arg8: memref<80x128xf32, #tpu.memory_space<vmem>>, %arg9: memref<80x128xf32, #tpu.memory_space<vmem>>, %arg10: memref<80x128xf32, #tpu.memory_space<vmem>>, %arg11: memref<80x128xf32, #tpu.memory_space<vmem>>, %arg12: memref<6640xi32, #tpu.memory_space<vmem>>, %arg13: memref<10000x128xf32, #tpu.memory_space<vmem_shared>>, %arg14: memref<!tpu.dma_semaphore, #tpu.memory_space<semaphore_mem>>, %arg15: memref<!tpu.dma_semaphore, #tpu.memory_space<semaphore_mem>>, %arg16: memref<!tpu.dma_semaphore, #tpu.memory_space<semaphore_mem>>, %arg17: memref<!tpu.dma_semaphore, #tpu.memory_space<semaphore_mem>>, %arg18: memref<!tpu.dma_semaphore, #tpu.memory_space<semaphore_mem>>, %arg19: memref<!tpu.dma_semaphore, #tpu.memory_space<semaphore_mem>>, %arg20: memref<!tpu.dma_semaphore, #tpu.memory_space<semaphore_mem>>, %arg21: memref<!tpu.dma_semaphore, #tpu.memory_space<semaphore_mem>>) attributes {dimension_semantics = [#tpu.dimension_semantics<core_parallel>, #tpu.dimension_semantics<subcore_parallel>], iteration_bounds = array<i64: 2, 16>, scalar_prefetch = 0 : i64, scratch_operands = 16 : i64, tpu.core_type = #tpu.core_type<sc_vector_subcore>, window_params = [{transform_indices = #map}, {transform_indices = #map1}, {transform_indices = #map2}, {transform_indices = #map2}]} {
    %mul3A = arith.constant 320000 : i32
    %mul3A_0 = arith.muli %arg0, %mul3A : i32
    %add3A = arith.constant 107520 : i32
    %add3A_1 = arith.addi %mul3A_0, %add3A : i32
    %mul3A_2 = arith.constant 6640 : i32
    %mul3A_3 = arith.muli %arg1, %mul3A_2 : i32
    %add3A_4 = arith.addi %add3A_1, %mul3A_3 : i32
    %dma_start3A = tpu.memref_slice %arg2[%add3A_4] : memref<640000xi32, #tpu.memory_space<hbm>> -> memref<6640xi32, #tpu.memory_space<hbm>>
    %dma_start3A_5 = tpu.memref_slice %arg2[%add3A_4] : memref<640000xi32, #tpu.memory_space<hbm>> -> memref<6640xi32, #tpu.memory_space<hbm>>
    tpu.enqueue_dma source(%dma_start3A_5 : memref<6640xi32, #tpu.memory_space<hbm>>) target(%arg12 : memref<6640xi32, #tpu.memory_space<vmem>>) target_semaphore(%arg20 : memref<!tpu.dma_semaphore, #tpu.memory_space<semaphore_mem>>)
    %scan3A = arith.constant 0 : i32
    %scan3A_6 = arith.constant 80 : i32
    %scan3A_7 = arith.addi %scan3A, %scan3A_6 : i32
    %scan3A_8 = arith.constant 1 : i32
    scf.for %scan3A_64 = %scan3A to %scan3A_7 step %scan3A_8  : i32 {
      %mul3A_65 = arith.constant 1 : i32
      %mul3A_66 = arith.muli %scan3A_64, %mul3A_65 : i32
      %add3A_67 = arith.constant 0 : i32
      %add3A_68 = arith.addi %add3A_67, %mul3A_66 : i32
      %broadcast_in_dim3A = arith.constant 0.000000e+00 : f32
      %broadcast_in_dim3A_69 = vector.broadcast %broadcast_in_dim3A : f32 to vector<16xf32>
      %swap3A = arith.index_cast %add3A_68 : i32 to index
      %swap3A_70 = arith.constant 0 : index
      %swap3A_71 = tpu.vector_load %arg8[%swap3A, %swap3A_70] {strides = array<i32>} : memref<80x128xf32, #tpu.memory_space<vmem>>, vector<1x16xf32>,
      %swap3A_72 = vector.shape_cast %swap3A_71 : vector<1x16xf32> to vector<16xf32>
      %swap3A_73 = vector.shape_cast %broadcast_in_dim3A_69 : vector<16xf32> to vector<1x16xf32>
      tpu.vector_store %arg8[%swap3A, %swap3A_70], %swap3A_73 {strides = array<i32>} : memref<80x128xf32, #tpu.memory_space<vmem>>, vector<1x16xf32>,
      %broadcast_in_dim3A_74 = arith.constant 0.000000e+00 : f32
      %broadcast_in_dim3A_75 = vector.broadcast %broadcast_in_dim3A_74 : f32 to vector<16xf32>
      %swap3A_76 = arith.index_cast %add3A_68 : i32 to index
      %swap3A_77 = arith.constant 16 : index
      %swap3A_78 = tpu.vector_load %arg8[%swap3A_76, %swap3A_77] {strides = array<i32>} : memref<80x128xf32, #tpu.memory_space<vmem>>, vector<1x16xf32>,
      %swap3A_79 = vector.shape_cast %swap3A_78 : vector<1x16xf32> to vector<16xf32>
      %swap3A_80 = vector.shape_cast %broadcast_in_dim3A_75 : vector<16xf32> to vector<1x16xf32>
      tpu.vector_store %arg8[%swap3A_76, %swap3A_77], %swap3A_80 {strides = array<i32>} : memref<80x128xf32, #tpu.memory_space<vmem>>, vector<1x16xf32>,
      %broadcast_in_dim3A_81 = arith.constant 0.000000e+00 : f32
      %broadcast_in_dim3A_82 = vector.broadcast %broadcast_in_dim3A_81 : f32 to vector<16xf32>
      %swap3A_83 = arith.index_cast %add3A_68 : i32 to index
      %swap3A_84 = arith.constant 32 : index
      %swap3A_85 = tpu.vector_load %arg8[%swap3A_83, %swap3A_84] {strides = array<i32>} : memref<80x128xf32, #tpu.memory_space<vmem>>, vector<1x16xf32>,
      %swap3A_86 = vector.shape_cast %swap3A_85 : vector<1x16xf32> to vector<16xf32>
      %swap3A_87 = vector.shape_cast %broadcast_in_dim3A_82 : vector<16xf32> to vector<1x16xf32>
      tpu.vector_store %arg8[%swap3A_83, %swap3A_84], %swap3A_87 {strides = array<i32>} : memref<80x128xf32, #tpu.memory_space<vmem>>, vector<1x16xf32>,
      %broadcast_in_dim3A_88 = arith.constant 0.000000e+00 : f32
      %broadcast_in_dim3A_89 = vector.broadcast %broadcast_in_dim3A_88 : f32 to vector<16xf32>
      %swap3A_90 = arith.index_cast %add3A_68 : i32 to index
      %swap3A_91 = arith.constant 48 : index
      %swap3A_92 = tpu.vector_load %arg8[%swap3A_90, %swap3A_91] {strides = array<i32>} : memref<80x128xf32, #tpu.memory_space<vmem>>, vector<1x16xf32>,
      %swap3A_93 = vector.shape_cast %swap3A_92 : vector<1x16xf32> to vector<16xf32>
      %swap3A_94 = vector.shape_cast %broadcast_in_dim3A_89 : vector<16xf32> to vector<1x16xf32>
      tpu.vector_store %arg8[%swap3A_90, %swap3A_91], %swap3A_94 {strides = array<i32>} : memref<80x128xf32, #tpu.memory_space<vmem>>, vector<1x16xf32>,
      %broadcast_in_dim3A_95 = arith.constant 0.000000e+00 : f32
      %broadcast_in_dim3A_96 = vector.broadcast %broadcast_in_dim3A_95 : f32 to vector<16xf32>
      %swap3A_97 = arith.index_cast %add3A_68 : i32 to index
      %swap3A_98 = arith.constant 64 : index
      %swap3A_99 = tpu.vector_load %arg8[%swap3A_97, %swap3A_98] {strides = array<i32>} : memref<80x128xf32, #tpu.memory_space<vmem>>, vector<1x16xf32>,
      %swap3A_100 = vector.shape_cast %swap3A_99 : vector<1x16xf32> to vector<16xf32>
      %swap3A_101 = vector.shape_cast %broadcast_in_dim3A_96 : vector<16xf32> to vector<1x16xf32>
      tpu.vector_store %arg8[%swap3A_97, %swap3A_98], %swap3A_101 {strides = array<i32>} : memref<80x128xf32, #tpu.memory_space<vmem>>, vector<1x16xf32>,
      %broadcast_in_dim3A_102 = arith.constant 0.000000e+00 : f32
      %broadcast_in_dim3A_103 = vector.broadcast %broadcast_in_dim3A_102 : f32 to vector<16xf32>
      %swap3A_104 = arith.index_cast %add3A_68 : i32 to index
      %swap3A_105 = arith.constant 80 : index
      %swap3A_106 = tpu.vector_load %arg8[%swap3A_104, %swap3A_105] {strides = array<i32>} : memref<80x128xf32, #tpu.memory_space<vmem>>, vector<1x16xf32>,
      %swap3A_107 = vector.shape_cast %swap3A_106 : vector<1x16xf32> to vector<16xf32>
      %swap3A_108 = vector.shape_cast %broadcast_in_dim3A_103 : vector<16xf32> to vector<1x16xf32>
      tpu.vector_store %arg8[%swap3A_104, %swap3A_105], %swap3A_108 {strides = array<i32>} : memref<80x128xf32, #tpu.memory_space<vmem>>, vector<1x16xf32>,
      %broadcast_in_dim3A_109 = arith.constant 0.000000e+00 : f32
      %broadcast_in_dim3A_110 = vector.broadcast %broadcast_in_dim3A_109 : f32 to vector<16xf32>
      %swap3A_111 = arith.index_cast %add3A_68 : i32 to index
      %swap3A_112 = arith.constant 96 : index
      %swap3A_113 = tpu.vector_load %arg8[%swap3A_111, %swap3A_112] {strides = array<i32>} : memref<80x128xf32, #tpu.memory_space<vmem>>, vector<1x16xf32>,
      %swap3A_114 = vector.shape_cast %swap3A_113 : vector<1x16xf32> to vector<16xf32>
      %swap3A_115 = vector.shape_cast %broadcast_in_dim3A_110 : vector<16xf32> to vector<1x16xf32>
      tpu.vector_store %arg8[%swap3A_111, %swap3A_112], %swap3A_115 {strides = array<i32>} : memref<80x128xf32, #tpu.memory_space<vmem>>, vector<1x16xf32>,
      %broadcast_in_dim3A_116 = arith.constant 0.000000e+00 : f32
      %broadcast_in_dim3A_117 = vector.broadcast %broadcast_in_dim3A_116 : f32 to vector<16xf32>
      %swap3A_118 = arith.index_cast %add3A_68 : i32 to index
      %swap3A_119 = arith.constant 112 : index
      %swap3A_120 = tpu.vector_load %arg8[%swap3A_118, %swap3A_119] {strides = array<i32>} : memref<80x128xf32, #tpu.memory_space<vmem>>, vector<1x16xf32>,
      %swap3A_121 = vector.shape_cast %swap3A_120 : vector<1x16xf32> to vector<16xf32>
      %swap3A_122 = vector.shape_cast %broadcast_in_dim3A_117 : vector<16xf32> to vector<1x16xf32>
      tpu.vector_store %arg8[%swap3A_118, %swap3A_119], %swap3A_122 {strides = array<i32>} : memref<80x128xf32, #tpu.memory_space<vmem>>, vector<1x16xf32>,
    }
    %scan3A_9 = arith.constant 80 : i32
    %mul3A_10 = arith.constant 624 : i32
    %mul3A_11 = arith.muli %arg1, %mul3A_10 : i32
    %scan3A_12 = arith.constant 0 : i32
    %scan3A_13 = arith.constant 7 : i32
    %scan3A_14 = arith.addi %scan3A_12, %scan3A_13 : i32
    %scan3A_15 = arith.constant 1 : i32
    scf.for %scan3A_64 = %scan3A_12 to %scan3A_14 step %scan3A_15  : i32 {
      %mul3A_65 = arith.constant 1 : i32
      %mul3A_66 = arith.muli %scan3A_64, %mul3A_65 : i32
      %add3A_67 = arith.constant 0 : i32
      %add3A_68 = arith.addi %add3A_67, %mul3A_66 : i32
      %mul3A_69 = arith.constant 80 : i32
      %mul3A_70 = arith.muli %add3A_68, %mul3A_69 : i32
      %add3A_71 = arith.addi %mul3A_11, %mul3A_70 : i32
      "tpu.region"() ({
        %run_scoped3A = tpu.sem_alloc : memref<!tpu.dma_semaphore, #tpu.memory_space<semaphore_mem>>
        %dma_start3A_72 = arith.constant 0 : i32
        %dma_start3A_73 = tpu.memref_slice %arg13[%add3A_71, %dma_start3A_72] : memref<10000x128xf32, #tpu.memory_space<vmem_shared>> -> memref<80x128xf32, #tpu.memory_space<vmem_shared>>
        %dma_start3A_74 = arith.constant 0 : i32
        %dma_start3A_75 = tpu.memref_slice %arg13[%add3A_71, %dma_start3A_74] : memref<10000x128xf32, #tpu.memory_space<vmem_shared>> -> memref<80x128xf32, #tpu.memory_space<vmem_shared>>
        tpu.enqueue_dma source(%arg8 : memref<80x128xf32, #tpu.memory_space<vmem>>) target(%dma_start3A_75 : memref<80x128xf32, #tpu.memory_space<vmem_shared>>) target_semaphore(%run_scoped3A : memref<!tpu.dma_semaphore, #tpu.memory_space<semaphore_mem>>)
        %dma_wait3A_76 = arith.constant 0 : i32
        %dma_wait3A_77 = tpu.memref_slice %arg13[%add3A_71, %dma_wait3A_76] : memref<10000x128xf32, #tpu.memory_space<vmem_shared>> -> memref<80x128xf32, #tpu.memory_space<vmem_shared>>
        %dma_wait3A_78 = arith.constant 0 : i32
        %dma_wait3A_79 = tpu.memref_slice %arg13[%add3A_71, %dma_wait3A_78] : memref<10000x128xf32, #tpu.memory_space<vmem_shared>> -> memref<80x128xf32, #tpu.memory_space<vmem_shared>>
        tpu.wait_dma2 semaphore(%run_scoped3A : memref<!tpu.dma_semaphore, #tpu.memory_space<semaphore_mem>>) src(%arg8 : memref<80x128xf32, #tpu.memory_space<vmem>>) dst(%dma_wait3A_79 : memref<80x128xf32, #tpu.memory_space<vmem_shared>>)
        tpu.yield
      }) : () -> ()
    }
    %scan3A_16 = arith.constant 7 : i32
    %add3A_17 = arith.constant 560 : i32
    %add3A_18 = arith.addi %mul3A_11, %add3A_17 : i32
    "tpu.region"() ({
      %run_scoped3A = tpu.sem_alloc : memref<!tpu.dma_semaphore, #tpu.memory_space<semaphore_mem>>
      %dma_start3A_64 = arith.constant 0 : i32
      %dma_start3A_65 = arith.constant 0 : i32
      %dma_start3A_66 = tpu.memref_slice %arg8[%dma_start3A_64, %dma_start3A_65] : memref<80x128xf32, #tpu.memory_space<vmem>> -> memref<64x128xf32, #tpu.memory_space<vmem>>
      %dma_start3A_67 = arith.constant 0 : i32
      %dma_start3A_68 = tpu.memref_slice %arg13[%add3A_18, %dma_start3A_67] : memref<10000x128xf32, #tpu.memory_space<vmem_shared>> -> memref<64x128xf32, #tpu.memory_space<vmem_shared>>
      %dma_start3A_69 = arith.constant 0 : i32
      %dma_start3A_70 = tpu.memref_slice %arg13[%add3A_18, %dma_start3A_69] : memref<10000x128xf32, #tpu.memory_space<vmem_shared>> -> memref<64x128xf32, #tpu.memory_space<vmem_shared>>
      %dma_start3A_71 = arith.constant 0 : i32
      %dma_start3A_72 = arith.constant 0 : i32
      %dma_start3A_73 = tpu.memref_slice %arg8[%dma_start3A_71, %dma_start3A_72] : memref<80x128xf32, #tpu.memory_space<vmem>> -> memref<64x128xf32, #tpu.memory_space<vmem>>
      tpu.enqueue_dma source(%dma_start3A_73 : memref<64x128xf32, #tpu.memory_space<vmem>>) target(%dma_start3A_70 : memref<64x128xf32, #tpu.memory_space<vmem_shared>>) target_semaphore(%run_scoped3A : memref<!tpu.dma_semaphore, #tpu.memory_space<semaphore_mem>>)
      %dma_wait3A_74 = arith.constant 0 : i32
      %dma_wait3A_75 = arith.constant 0 : i32
      %dma_wait3A_76 = tpu.memref_slice %arg8[%dma_wait3A_74, %dma_wait3A_75] : memref<80x128xf32, #tpu.memory_space<vmem>> -> memref<64x128xf32, #tpu.memory_space<vmem>>
      %dma_wait3A_77 = arith.constant 0 : i32
      %dma_wait3A_78 = tpu.memref_slice %arg13[%add3A_18, %dma_wait3A_77] : memref<10000x128xf32, #tpu.memory_space<vmem_shared>> -> memref<64x128xf32, #tpu.memory_space<vmem_shared>>
      %dma_wait3A_79 = arith.constant 0 : i32
      %dma_wait3A_80 = tpu.memref_slice %arg13[%add3A_18, %dma_wait3A_79] : memref<10000x128xf32, #tpu.memory_space<vmem_shared>> -> memref<64x128xf32, #tpu.memory_space<vmem_shared>>
      %dma_wait3A_81 = arith.constant 0 : i32
      %dma_wait3A_82 = arith.constant 0 : i32
      %dma_wait3A_83 = tpu.memref_slice %arg8[%dma_wait3A_81, %dma_wait3A_82] : memref<80x128xf32, #tpu.memory_space<vmem>> -> memref<64x128xf32, #tpu.memory_space<vmem>>
      tpu.wait_dma2 semaphore(%run_scoped3A : memref<!tpu.dma_semaphore, #tpu.memory_space<semaphore_mem>>) src(%dma_wait3A_83 : memref<64x128xf32, #tpu.memory_space<vmem>>) dst(%dma_wait3A_80 : memref<64x128xf32, #tpu.memory_space<vmem_shared>>)
      tpu.yield
    }) : () -> ()
    %eq3A = arith.constant 15 : i32
    %eq3A_19 = arith.cmpi eq, %arg1, %eq3A : i32
    %convert_element_type3A = arith.extui %eq3A_19 : i1 to i32
    %cond3A = arith.constant 0 : i32
    %cond3A_20 = arith.cmpi ne, %convert_element_type3A, %cond3A : i32
    scf.if %cond3A_20 {
      "tpu.region"() ({
        %run_scoped3A = tpu.sem_alloc : memref<!tpu.dma_semaphore, #tpu.memory_space<semaphore_mem>>
        %dma_start3A_64 = arith.constant 0 : i32
        %dma_start3A_65 = arith.constant 0 : i32
        %dma_start3A_66 = tpu.memref_slice %arg8[%dma_start3A_64, %dma_start3A_65] : memref<80x128xf32, #tpu.memory_space<vmem>> -> memref<16x128xf32, #tpu.memory_space<vmem>>
        %dma_start3A_67 = arith.constant 9984 : i32
        %dma_start3A_68 = arith.constant 0 : i32
        %dma_start3A_69 = tpu.memref_slice %arg13[%dma_start3A_67, %dma_start3A_68] : memref<10000x128xf32, #tpu.memory_space<vmem_shared>> -> memref<16x128xf32, #tpu.memory_space<vmem_shared>>
        %dma_start3A_70 = arith.constant 9984 : i32
        %dma_start3A_71 = arith.constant 0 : i32
        %dma_start3A_72 = tpu.memref_slice %arg13[%dma_start3A_70, %dma_start3A_71] : memref<10000x128xf32, #tpu.memory_space<vmem_shared>> -> memref<16x128xf32, #tpu.memory_space<vmem_shared>>
        %dma_start3A_73 = arith.constant 0 : i32
        %dma_start3A_74 = arith.constant 0 : i32
        %dma_start3A_75 = tpu.memref_slice %arg8[%dma_start3A_73, %dma_start3A_74] : memref<80x128xf32, #tpu.memory_space<vmem>> -> memref<16x128xf32, #tpu.memory_space<vmem>>
        tpu.enqueue_dma source(%dma_start3A_75 : memref<16x128xf32, #tpu.memory_space<vmem>>) target(%dma_start3A_72 : memref<16x128xf32, #tpu.memory_space<vmem_shared>>) target_semaphore(%run_scoped3A : memref<!tpu.dma_semaphore, #tpu.memory_space<semaphore_mem>>)
        %dma_wait3A_76 = arith.constant 0 : i32
        %dma_wait3A_77 = arith.constant 0 : i32
        %dma_wait3A_78 = tpu.memref_slice %arg8[%dma_wait3A_76, %dma_wait3A_77] : memref<80x128xf32, #tpu.memory_space<vmem>> -> memref<16x128xf32, #tpu.memory_space<vmem>>
        %dma_wait3A_79 = arith.constant 9984 : i32
        %dma_wait3A_80 = arith.constant 0 : i32
        %dma_wait3A_81 = tpu.memref_slice %arg13[%dma_wait3A_79, %dma_wait3A_80] : memref<10000x128xf32, #tpu.memory_space<vmem_shared>> -> memref<16x128xf32, #tpu.memory_space<vmem_shared>>
        %dma_wait3A_82 = arith.constant 9984 : i32
        %dma_wait3A_83 = arith.constant 0 : i32
        %dma_wait3A_84 = tpu.memref_slice %arg13[%dma_wait3A_82, %dma_wait3A_83] : memref<10000x128xf32, #tpu.memory_space<vmem_shared>> -> memref<16x128xf32, #tpu.memory_space<vmem_shared>>
        %dma_wait3A_85 = arith.constant 0 : i32
        %dma_wait3A_86 = arith.constant 0 : i32
        %dma_wait3A_87 = tpu.memref_slice %arg8[%dma_wait3A_85, %dma_wait3A_86] : memref<80x128xf32, #tpu.memory_space<vmem>> -> memref<16x128xf32, #tpu.memory_space<vmem>>
        tpu.wait_dma2 semaphore(%run_scoped3A : memref<!tpu.dma_semaphore, #tpu.memory_space<semaphore_mem>>) src(%dma_wait3A_87 : memref<16x128xf32, #tpu.memory_space<vmem>>) dst(%dma_wait3A_84 : memref<16x128xf32, #tpu.memory_space<vmem_shared>>)
        tpu.yield
      }) : () -> ()
    } else {
    }
    %dma_wait3A = tpu.memref_slice %arg2[%add3A_4] : memref<640000xi32, #tpu.memory_space<hbm>> -> memref<6640xi32, #tpu.memory_space<hbm>>
    %dma_wait3A_21 = tpu.memref_slice %arg2[%add3A_4] : memref<640000xi32, #tpu.memory_space<hbm>> -> memref<6640xi32, #tpu.memory_space<hbm>>
    tpu.wait_dma2 semaphore(%arg20 : memref<!tpu.dma_semaphore, #tpu.memory_space<semaphore_mem>>) src(%dma_wait3A_21 : memref<6640xi32, #tpu.memory_space<hbm>>) dst(%arg12 : memref<6640xi32, #tpu.memory_space<vmem>>)
    %barrier3A = arith.constant 0 : index
    tpu.barrier barrier_id(%barrier3A)
    %sub3A = arith.constant 1 : i32
    %sub3A_22 = arith.subi %sub3A, %arg0 : i32
    %mul3A_23 = arith.constant 320000 : i32
    %mul3A_24 = arith.muli %sub3A_22, %mul3A_23 : i32
    %add3A_25 = arith.constant 107520 : i32
    %add3A_26 = arith.addi %mul3A_24, %add3A_25 : i32
    %mul3A_27 = arith.constant 83 : i32
    %mul3A_28 = arith.muli %arg1, %mul3A_27 : i32
    %add3A_29 = arith.constant 0 : i32
    %add3A_30 = arith.addi %mul3A_28, %add3A_29 : i32
    %mul3A_31 = arith.constant 80 : i32
    %mul3A_32 = arith.muli %add3A_30, %mul3A_31 : i32
    %add3A_33 = arith.addi %add3A_26, %mul3A_32 : i32
    %dma_start3A_34 = tpu.memref_slice %arg2[%add3A_33] : memref<640000xi32, #tpu.memory_space<hbm>> -> memref<80xi32, #tpu.memory_space<hbm>>
    %dma_start3A_35 = tpu.memref_slice %arg2[%add3A_33] : memref<640000xi32, #tpu.memory_space<hbm>> -> memref<80xi32, #tpu.memory_space<hbm>>
    tpu.enqueue_dma source(%dma_start3A_35 : memref<80xi32, #tpu.memory_space<hbm>>) target(%arg6 : memref<80xi32, #tpu.memory_space<vmem>>) target_semaphore(%arg14 : memref<!tpu.dma_semaphore, #tpu.memory_space<semaphore_mem>>)
    %mul3A_36 = arith.constant 83 : i32
    %mul3A_37 = arith.muli %arg1, %mul3A_36 : i32
    %add3A_38 = arith.constant 0 : i32
    %add3A_39 = arith.addi %mul3A_37, %add3A_38 : i32
    %mul3A_40 = arith.constant 80 : i32
    %mul3A_41 = arith.muli %add3A_39, %mul3A_40 : i32
    %dma_start3A_42 = arith.constant 0 : i32
    %dma_start3A_43 = tpu.memref_slice %arg4[%arg0, %mul3A_41, %dma_start3A_42] : memref<2x106240x128xf32, #tpu.memory_space<hbm>> -> memref<1x80x128xf32, #tpu.memory_space<hbm>>
    %dma_start3A_44 = tpu.memref_squeeze %dma_start3A_43 : memref<1x80x128xf32, #tpu.memory_space<hbm>> -> memref<80x128xf32, #tpu.memory_space<hbm>>
    %dma_start3A_45 = arith.constant 0 : i32
    %dma_start3A_46 = tpu.memref_slice %arg4[%arg0, %mul3A_41, %dma_start3A_45] : memref<2x106240x128xf32, #tpu.memory_space<hbm>> -> memref<1x80x128xf32, #tpu.memory_space<hbm>>
    %dma_start3A_47 = tpu.memref_squeeze %dma_start3A_46 : memref<1x80x128xf32, #tpu.memory_space<hbm>> -> memref<80x128xf32, #tpu.memory_space<hbm>>
    tpu.enqueue_dma source(%dma_start3A_47 : memref<80x128xf32, #tpu.memory_space<hbm>>) target(%arg10 : memref<80x128xf32, #tpu.memory_space<vmem>>) target_semaphore(%arg18 : memref<!tpu.dma_semaphore, #tpu.memory_space<semaphore_mem>>)
    %dma_start3A_48 = arith.constant 0 : i32
    %dma_start3A_49 = tpu.memref_slice %arg12[%dma_start3A_48] : memref<6640xi32, #tpu.memory_space<vmem>> -> memref<80xi32, #tpu.memory_space<vmem>>
    %dma_start3A_50 = arith.constant 0 : i32
    %dma_start3A_51 = arith.constant 0 : i32
    %dma_start3A_52 = tpu.memref_slice %arg3[%dma_start3A_50, %dma_start3A_51] : memref<10000x128xf32, #tpu.memory_space<hbm>> -> memref<10000x128xf32, #tpu.memory_space<hbm>>
    tpu.enqueue_indirect_dma source(%dma_start3A_52 : memref<10000x128xf32, #tpu.memory_space<hbm>>) target(%arg8 : memref<80x128xf32, #tpu.memory_space<vmem>>) offsets(%dma_start3A_49 : memref<80xi32, #tpu.memory_space<vmem>>) semaphore(%arg16 : memref<!tpu.dma_semaphore, #tpu.memory_space<semaphore_mem>>)
    %scan3A_53 = arith.constant 0 : i32
    %scan3A_54 = arith.constant 42 : i32
    %scan3A_55 = arith.addi %scan3A_53, %scan3A_54 : i32
    %scan3A_56 = arith.constant 1 : i32
    scf.for %scan3A_64 = %scan3A_53 to %scan3A_55 step %scan3A_56  : i32 {
      %mul3A_65 = arith.constant 2 : i32
      %mul3A_66 = arith.muli %scan3A_64, %mul3A_65 : i32
      %add3A_67 = arith.constant 0 : i32
      %add3A_68 = arith.addi %add3A_67, %mul3A_66 : i32
      %add3A_69 = arith.constant 0 : i32
      %add3A_70 = arith.addi %add3A_68, %add3A_69 : i32
      %ge3A = arith.constant 1 : i32
      %ge3A_71 = arith.cmpi sge, %add3A_70, %ge3A : i32
      %sub3A_72 = arith.constant 1 : i32
      %sub3A_73 = arith.subi %add3A_70, %sub3A_72 : i32
      %lt3A = arith.constant 83 : i32
      %lt3A_74 = arith.cmpi slt, %sub3A_73, %lt3A : i32
      %and3A = arith.andi %ge3A_71, %lt3A_74 : i1
      %convert_element_type3A_75 = arith.extui %and3A : i1 to i32
      %cond3A_76 = arith.constant 0 : i32
      %cond3A_77 = arith.cmpi ne, %convert_element_type3A_75, %cond3A_76 : i32
      scf.if %cond3A_77 {
        %dma_wait3A_114 = arith.constant 0 : i32
        %dma_wait3A_115 = arith.constant 0 : i32
        %dma_wait3A_116 = tpu.memref_slice %arg13[%dma_wait3A_114, %dma_wait3A_115] : memref<10000x128xf32, #tpu.memory_space<vmem_shared>> -> memref<10000x128xf32, #tpu.memory_space<vmem_shared>>
        tpu.wait_indirect_dma semaphore(%arg21 : memref<!tpu.dma_semaphore, #tpu.memory_space<semaphore_mem>>) src(%arg9 : memref<80x128xf32, #tpu.memory_space<vmem>>) dst(%dma_wait3A_116 : memref<10000x128xf32, #tpu.memory_space<vmem_shared>>)
      } else {
      }
      %add3A_78 = arith.constant 1 : i32
      %add3A_79 = arith.addi %add3A_70, %add3A_78 : i32
      %lt3A_80 = arith.constant 83 : i32
      %lt3A_81 = arith.cmpi slt, %add3A_79, %lt3A_80 : i32
      %convert_element_type3A_82 = arith.extui %lt3A_81 : i1 to i32
      %cond3A_83 = arith.constant 0 : i32
      %cond3A_84 = arith.cmpi ne, %convert_element_type3A_82, %cond3A_83 : i32
      scf.if %cond3A_84 {
        %add3A_114 = arith.constant 1 : i32
        %add3A_115 = arith.addi %add3A_70, %add3A_114 : i32
        %sub3A_116 = arith.constant 1 : i32
        %sub3A_117 = arith.subi %sub3A_116, %arg0 : i32
        %mul3A_118 = arith.constant 320000 : i32
        %mul3A_119 = arith.muli %sub3A_117, %mul3A_118 : i32
        %add3A_120 = arith.constant 107520 : i32
        %add3A_121 = arith.addi %mul3A_119, %add3A_120 : i32
        %mul3A_122 = arith.constant 83 : i32
        %mul3A_123 = arith.muli %arg1, %mul3A_122 : i32
        %add3A_124 = arith.addi %mul3A_123, %add3A_115 : i32
        %mul3A_125 = arith.constant 80 : i32
        %mul3A_126 = arith.muli %add3A_124, %mul3A_125 : i32
        %add3A_127 = arith.addi %add3A_121, %mul3A_126 : i32
        %dma_start3A_128 = tpu.memref_slice %arg2[%add3A_127] : memref<640000xi32, #tpu.memory_space<hbm>> -> memref<80xi32, #tpu.memory_space<hbm>>
        %dma_start3A_129 = tpu.memref_slice %arg2[%add3A_127] : memref<640000xi32, #tpu.memory_space<hbm>> -> memref<80xi32, #tpu.memory_space<hbm>>
        tpu.enqueue_dma source(%dma_start3A_129 : memref<80xi32, #tpu.memory_space<hbm>>) target(%arg7 : memref<80xi32, #tpu.memory_space<vmem>>) target_semaphore(%arg15 : memref<!tpu.dma_semaphore, #tpu.memory_space<semaphore_mem>>)
        %add3A_130 = arith.constant 1 : i32
        %add3A_131 = arith.addi %add3A_70, %add3A_130 : i32
        %mul3A_132 = arith.constant 83 : i32
        %mul3A_133 = arith.muli %arg1, %mul3A_132 : i32
        %add3A_134 = arith.addi %mul3A_133, %add3A_131 : i32
        %mul3A_135 = arith.constant 80 : i32
        %mul3A_136 = arith.muli %add3A_134, %mul3A_135 : i32
        %dma_start3A_137 = arith.constant 0 : i32
        %dma_start3A_138 = tpu.memref_slice %arg4[%arg0, %mul3A_136, %dma_start3A_137] : memref<2x106240x128xf32, #tpu.memory_space<hbm>> -> memref<1x80x128xf32, #tpu.memory_space<hbm>>
        %dma_start3A_139 = tpu.memref_squeeze %dma_start3A_138 : memref<1x80x128xf32, #tpu.memory_space<hbm>> -> memref<80x128xf32, #tpu.memory_space<hbm>>
        %dma_start3A_140 = arith.constant 0 : i32
        %dma_start3A_141 = tpu.memref_slice %arg4[%arg0, %mul3A_136, %dma_start3A_140] : memref<2x106240x128xf32, #tpu.memory_space<hbm>> -> memref<1x80x128xf32, #tpu.memory_space<hbm>>
        %dma_start3A_142 = tpu.memref_squeeze %dma_start3A_141 : memref<1x80x128xf32, #tpu.memory_space<hbm>> -> memref<80x128xf32, #tpu.memory_space<hbm>>
        tpu.enqueue_dma source(%dma_start3A_142 : memref<80x128xf32, #tpu.memory_space<hbm>>) target(%arg11 : memref<80x128xf32, #tpu.memory_space<vmem>>) target_semaphore(%arg19 : memref<!tpu.dma_semaphore, #tpu.memory_space<semaphore_mem>>)
        %mul3A_143 = arith.constant 80 : i32
        %mul3A_144 = arith.muli %add3A_131, %mul3A_143 : i32
        %dma_start3A_145 = tpu.memref_slice %arg12[%mul3A_144] : memref<6640xi32, #tpu.memory_space<vmem>> -> memref<80xi32, #tpu.memory_space<vmem>>
        %dma_start3A_146 = arith.constant 0 : i32
        %dma_start3A_147 = arith.constant 0 : i32
        %dma_start3A_148 = tpu.memref_slice %arg3[%dma_start3A_146, %dma_start3A_147] : memref<10000x128xf32, #tpu.memory_space<hbm>> -> memref<10000x128xf32, #tpu.memory_space<hbm>>
        tpu.enqueue_indirect_dma source(%dma_start3A_148 : memref<10000x128xf32, #tpu.memory_space<hbm>>) target(%arg9 : memref<80x128xf32, #tpu.memory_space<vmem>>) offsets(%dma_start3A_145 : memref<80xi32, #tpu.memory_space<vmem>>) semaphore(%arg17 : memref<!tpu.dma_semaphore, #tpu.memory_space<semaphore_mem>>)
      } else {
      }
      %lt3A_85 = arith.constant 83 : i32
      %lt3A_86 = arith.cmpi slt, %add3A_70, %lt3A_85 : i32
      %convert_element_type3A_87 = arith.extui %lt3A_86 : i1 to i32
      %cond3A_88 = arith.constant 0 : i32
      %cond3A_89 = arith.cmpi ne, %convert_element_type3A_87, %cond3A_88 : i32
      scf.if %cond3A_89 {
        %mul3A_114 = arith.constant 83 : i32
        %mul3A_115 = arith.muli %arg1, %mul3A_114 : i32
        %add3A_116 = arith.addi %mul3A_115, %add3A_70 : i32
        %mul3A_117 = arith.constant 80 : i32
        %mul3A_118 = arith.muli %add3A_116, %mul3A_117 : i32
        %dma_wait3A_119 = arith.constant 0 : i32
        %dma_wait3A_120 = tpu.memref_slice %arg4[%arg0, %mul3A_118, %dma_wait3A_119] : memref<2x106240x128xf32, #tpu.memory_space<hbm>> -> memref<1x80x128xf32, #tpu.memory_space<hbm>>
        %dma_wait3A_121 = tpu.memref_squeeze %dma_wait3A_120 : memref<1x80x128xf32, #tpu.memory_space<hbm>> -> memref<80x128xf32, #tpu.memory_space<hbm>>
        %dma_wait3A_122 = arith.constant 0 : i32
        %dma_wait3A_123 = tpu.memref_slice %arg4[%arg0, %mul3A_118, %dma_wait3A_122] : memref<2x106240x128xf32, #tpu.memory_space<hbm>> -> memref<1x80x128xf32, #tpu.memory_space<hbm>>
        %dma_wait3A_124 = tpu.memref_squeeze %dma_wait3A_123 : memref<1x80x128xf32, #tpu.memory_space<hbm>> -> memref<80x128xf32, #tpu.memory_space<hbm>>
        tpu.wait_dma2 semaphore(%arg18 : memref<!tpu.dma_semaphore, #tpu.memory_space<semaphore_mem>>) src(%dma_wait3A_124 : memref<80x128xf32, #tpu.memory_space<hbm>>) dst(%arg10 : memref<80x128xf32, #tpu.memory_space<vmem>>)
        %mul3A_125 = arith.constant 80 : i32
        %mul3A_126 = arith.muli %add3A_70, %mul3A_125 : i32
        %dma_wait3A_127 = tpu.memref_slice %arg12[%mul3A_126] : memref<6640xi32, #tpu.memory_space<vmem>> -> memref<80xi32, #tpu.memory_space<vmem>>
        %dma_wait3A_128 = arith.constant 0 : i32
        %dma_wait3A_129 = arith.constant 0 : i32
        %dma_wait3A_130 = tpu.memref_slice %arg3[%dma_wait3A_128, %dma_wait3A_129] : memref<10000x128xf32, #tpu.memory_space<hbm>> -> memref<10000x128xf32, #tpu.memory_space<hbm>>
        tpu.wait_indirect_dma semaphore(%arg16 : memref<!tpu.dma_semaphore, #tpu.memory_space<semaphore_mem>>) src(%dma_wait3A_130 : memref<10000x128xf32, #tpu.memory_space<hbm>>) dst(%arg8 : memref<80x128xf32, #tpu.memory_space<vmem>>)
        %parallel_loop3A = arith.constant 0 : i32
        %parallel_loop3A_131 = arith.constant 80 : i32
        %parallel_loop3A_132 = arith.constant 1 : i32
        scf.for %parallel_loop3A_150 = %parallel_loop3A to %parallel_loop3A_131 step %parallel_loop3A_132  : i32 {
          %parallel_loop3A_151 = arith.index_cast %parallel_loop3A_150 : i32 to index
          %parallel_loop3A_152 = arith.constant 0 : index
          %parallel_loop3A_153 = tpu.vector_load %arg8[%parallel_loop3A_151, %parallel_loop3A_152] {strides = array<i32>} : memref<80x128xf32, #tpu.memory_space<vmem>>, vector<1x16xf32>,
          %parallel_loop3A_154 = vector.shape_cast %parallel_loop3A_153 : vector<1x16xf32> to vector<16xf32>
          %parallel_loop3A_155 = arith.index_cast %parallel_loop3A_150 : i32 to index
          %parallel_loop3A_156 = arith.constant 0 : index
          %parallel_loop3A_157 = tpu.vector_load %arg10[%parallel_loop3A_155, %parallel_loop3A_156] {strides = array<i32>} : memref<80x128xf32, #tpu.memory_space<vmem>>, vector<1x16xf32>,
          %parallel_loop3A_158 = vector.shape_cast %parallel_loop3A_157 : vector<1x16xf32> to vector<16xf32>
          %parallel_loop3A_159 = arith.addf %parallel_loop3A_154, %parallel_loop3A_158 : vector<16xf32>
          %parallel_loop3A_160 = arith.constant 0.000000e+00 : f32
          %parallel_loop3A_161 = vector.broadcast %parallel_loop3A_160 : f32 to vector<16xf32>
          %parallel_loop3A_162 = arith.maximumf %parallel_loop3A_159, %parallel_loop3A_161 : vector<16xf32>
          %parallel_loop3A_163 = arith.index_cast %parallel_loop3A_150 : i32 to index
          %parallel_loop3A_164 = arith.constant 0 : index
          %parallel_loop3A_165 = tpu.vector_load %arg8[%parallel_loop3A_163, %parallel_loop3A_164] {strides = array<i32>} : memref<80x128xf32, #tpu.memory_space<vmem>>, vector<1x16xf32>,
          %parallel_loop3A_166 = vector.shape_cast %parallel_loop3A_165 : vector<1x16xf32> to vector<16xf32>
          %parallel_loop3A_167 = vector.shape_cast %parallel_loop3A_162 : vector<16xf32> to vector<1x16xf32>
          tpu.vector_store %arg8[%parallel_loop3A_163, %parallel_loop3A_164], %parallel_loop3A_167 {strides = array<i32>} : memref<80x128xf32, #tpu.memory_space<vmem>>, vector<1x16xf32>,
          %parallel_loop3A_168 = arith.index_cast %parallel_loop3A_150 : i32 to index
          %parallel_loop3A_169 = arith.constant 16 : index
          %parallel_loop3A_170 = tpu.vector_load %arg8[%parallel_loop3A_168, %parallel_loop3A_169] {strides = array<i32>} : memref<80x128xf32, #tpu.memory_space<vmem>>, vector<1x16xf32>,
          %parallel_loop3A_171 = vector.shape_cast %parallel_loop3A_170 : vector<1x16xf32> to vector<16xf32>
          %parallel_loop3A_172 = arith.index_cast %parallel_loop3A_150 : i32 to index
          %parallel_loop3A_173 = arith.constant 16 : index
          %parallel_loop3A_174 = tpu.vector_load %arg10[%parallel_loop3A_172, %parallel_loop3A_173] {strides = array<i32>} : memref<80x128xf32, #tpu.memory_space<vmem>>, vector<1x16xf32>,
          %parallel_loop3A_175 = vector.shape_cast %parallel_loop3A_174 : vector<1x16xf32> to vector<16xf32>
          %parallel_loop3A_176 = arith.addf %parallel_loop3A_171, %parallel_loop3A_175 : vector<16xf32>
          %parallel_loop3A_177 = arith.constant 0.000000e+00 : f32
          %parallel_loop3A_178 = vector.broadcast %parallel_loop3A_177 : f32 to vector<16xf32>
          %parallel_loop3A_179 = arith.maximumf %parallel_loop3A_176, %parallel_loop3A_178 : vector<16xf32>
          %parallel_loop3A_180 = arith.index_cast %parallel_loop3A_150 : i32 to index
          %parallel_loop3A_181 = arith.constant 16 : index
          %parallel_loop3A_182 = tpu.vector_load %arg8[%parallel_loop3A_180, %parallel_loop3A_181] {strides = array<i32>} : memref<80x128xf32, #tpu.memory_space<vmem>>, vector<1x16xf32>,
          %parallel_loop3A_183 = vector.shape_cast %parallel_loop3A_182 : vector<1x16xf32> to vector<16xf32>
          %parallel_loop3A_184 = vector.shape_cast %parallel_loop3A_179 : vector<16xf32> to vector<1x16xf32>
          tpu.vector_store %arg8[%parallel_loop3A_180, %parallel_loop3A_181], %parallel_loop3A_184 {strides = array<i32>} : memref<80x128xf32, #tpu.memory_space<vmem>>, vector<1x16xf32>,
          %parallel_loop3A_185 = arith.index_cast %parallel_loop3A_150 : i32 to index
          %parallel_loop3A_186 = arith.constant 32 : index
          %parallel_loop3A_187 = tpu.vector_load %arg8[%parallel_loop3A_185, %parallel_loop3A_186] {strides = array<i32>} : memref<80x128xf32, #tpu.memory_space<vmem>>, vector<1x16xf32>,
          %parallel_loop3A_188 = vector.shape_cast %parallel_loop3A_187 : vector<1x16xf32> to vector<16xf32>
          %parallel_loop3A_189 = arith.index_cast %parallel_loop3A_150 : i32 to index
          %parallel_loop3A_190 = arith.constant 32 : index
          %parallel_loop3A_191 = tpu.vector_load %arg10[%parallel_loop3A_189, %parallel_loop3A_190] {strides = array<i32>} : memref<80x128xf32, #tpu.memory_space<vmem>>, vector<1x16xf32>,
          %parallel_loop3A_192 = vector.shape_cast %parallel_loop3A_191 : vector<1x16xf32> to vector<16xf32>
          %parallel_loop3A_193 = arith.addf %parallel_loop3A_188, %parallel_loop3A_192 : vector<16xf32>
          %parallel_loop3A_194 = arith.constant 0.000000e+00 : f32
          %parallel_loop3A_195 = vector.broadcast %parallel_loop3A_194 : f32 to vector<16xf32>
          %parallel_loop3A_196 = arith.maximumf %parallel_loop3A_193, %parallel_loop3A_195 : vector<16xf32>
          %parallel_loop3A_197 = arith.index_cast %parallel_loop3A_150 : i32 to index
          %parallel_loop3A_198 = arith.constant 32 : index
          %parallel_loop3A_199 = tpu.vector_load %arg8[%parallel_loop3A_197, %parallel_loop3A_198] {strides = array<i32>} : memref<80x128xf32, #tpu.memory_space<vmem>>, vector<1x16xf32>,
          %parallel_loop3A_200 = vector.shape_cast %parallel_loop3A_199 : vector<1x16xf32> to vector<16xf32>
          %parallel_loop3A_201 = vector.shape_cast %parallel_loop3A_196 : vector<16xf32> to vector<1x16xf32>
          tpu.vector_store %arg8[%parallel_loop3A_197, %parallel_loop3A_198], %parallel_loop3A_201 {strides = array<i32>} : memref<80x128xf32, #tpu.memory_space<vmem>>, vector<1x16xf32>,
          %parallel_loop3A_202 = arith.index_cast %parallel_loop3A_150 : i32 to index
          %parallel_loop3A_203 = arith.constant 48 : index
          %parallel_loop3A_204 = tpu.vector_load %arg8[%parallel_loop3A_202, %parallel_loop3A_203] {strides = array<i32>} : memref<80x128xf32, #tpu.memory_space<vmem>>, vector<1x16xf32>,
          %parallel_loop3A_205 = vector.shape_cast %parallel_loop3A_204 : vector<1x16xf32> to vector<16xf32>
          %parallel_loop3A_206 = arith.index_cast %parallel_loop3A_150 : i32 to index
          %parallel_loop3A_207 = arith.constant 48 : index
          %parallel_loop3A_208 = tpu.vector_load %arg10[%parallel_loop3A_206, %parallel_loop3A_207] {strides = array<i32>} : memref<80x128xf32, #tpu.memory_space<vmem>>, vector<1x16xf32>,
          %parallel_loop3A_209 = vector.shape_cast %parallel_loop3A_208 : vector<1x16xf32> to vector<16xf32>
          %parallel_loop3A_210 = arith.addf %parallel_loop3A_205, %parallel_loop3A_209 : vector<16xf32>
          %parallel_loop3A_211 = arith.constant 0.000000e+00 : f32
          %parallel_loop3A_212 = vector.broadcast %parallel_loop3A_211 : f32 to vector<16xf32>
          %parallel_loop3A_213 = arith.maximumf %parallel_loop3A_210, %parallel_loop3A_212 : vector<16xf32>
          %parallel_loop3A_214 = arith.index_cast %parallel_loop3A_150 : i32 to index
          %parallel_loop3A_215 = arith.constant 48 : index
          %parallel_loop3A_216 = tpu.vector_load %arg8[%parallel_loop3A_214, %parallel_loop3A_215] {strides = array<i32>} : memref<80x128xf32, #tpu.memory_space<vmem>>, vector<1x16xf32>,
          %parallel_loop3A_217 = vector.shape_cast %parallel_loop3A_216 : vector<1x16xf32> to vector<16xf32>
          %parallel_loop3A_218 = vector.shape_cast %parallel_loop3A_213 : vector<16xf32> to vector<1x16xf32>
          tpu.vector_store %arg8[%parallel_loop3A_214, %parallel_loop3A_215], %parallel_loop3A_218 {strides = array<i32>} : memref<80x128xf32, #tpu.memory_space<vmem>>, vector<1x16xf32>,
          %parallel_loop3A_219 = arith.index_cast %parallel_loop3A_150 : i32 to index
          %parallel_loop3A_220 = arith.constant 64 : index
          %parallel_loop3A_221 = tpu.vector_load %arg8[%parallel_loop3A_219, %parallel_loop3A_220] {strides = array<i32>} : memref<80x128xf32, #tpu.memory_space<vmem>>, vector<1x16xf32>,
          %parallel_loop3A_222 = vector.shape_cast %parallel_loop3A_221 : vector<1x16xf32> to vector<16xf32>
          %parallel_loop3A_223 = arith.index_cast %parallel_loop3A_150 : i32 to index
          %parallel_loop3A_224 = arith.constant 64 : index
          %parallel_loop3A_225 = tpu.vector_load %arg10[%parallel_loop3A_223, %parallel_loop3A_224] {strides = array<i32>} : memref<80x128xf32, #tpu.memory_space<vmem>>, vector<1x16xf32>,
          %parallel_loop3A_226 = vector.shape_cast %parallel_loop3A_225 : vector<1x16xf32> to vector<16xf32>
          %parallel_loop3A_227 = arith.addf %parallel_loop3A_222, %parallel_loop3A_226 : vector<16xf32>
          %parallel_loop3A_228 = arith.constant 0.000000e+00 : f32
          %parallel_loop3A_229 = vector.broadcast %parallel_loop3A_228 : f32 to vector<16xf32>
          %parallel_loop3A_230 = arith.maximumf %parallel_loop3A_227, %parallel_loop3A_229 : vector<16xf32>
          %parallel_loop3A_231 = arith.index_cast %parallel_loop3A_150 : i32 to index
          %parallel_loop3A_232 = arith.constant 64 : index
          %parallel_loop3A_233 = tpu.vector_load %arg8[%parallel_loop3A_231, %parallel_loop3A_232] {strides = array<i32>} : memref<80x128xf32, #tpu.memory_space<vmem>>, vector<1x16xf32>,
          %parallel_loop3A_234 = vector.shape_cast %parallel_loop3A_233 : vector<1x16xf32> to vector<16xf32>
          %parallel_loop3A_235 = vector.shape_cast %parallel_loop3A_230 : vector<16xf32> to vector<1x16xf32>
          tpu.vector_store %arg8[%parallel_loop3A_231, %parallel_loop3A_232], %parallel_loop3A_235 {strides = array<i32>} : memref<80x128xf32, #tpu.memory_space<vmem>>, vector<1x16xf32>,
          %parallel_loop3A_236 = arith.index_cast %parallel_loop3A_150 : i32 to index
          %parallel_loop3A_237 = arith.constant 80 : index
          %parallel_loop3A_238 = tpu.vector_load %arg8[%parallel_loop3A_236, %parallel_loop3A_237] {strides = array<i32>} : memref<80x128xf32, #tpu.memory_space<vmem>>, vector<1x16xf32>,
          %parallel_loop3A_239 = vector.shape_cast %parallel_loop3A_238 : vector<1x16xf32> to vector<16xf32>
          %parallel_loop3A_240 = arith.index_cast %parallel_loop3A_150 : i32 to index
          %parallel_loop3A_241 = arith.constant 80 : index
          %parallel_loop3A_242 = tpu.vector_load %arg10[%parallel_loop3A_240, %parallel_loop3A_241] {strides = array<i32>} : memref<80x128xf32, #tpu.memory_space<vmem>>, vector<1x16xf32>,
          %parallel_loop3A_243 = vector.shape_cast %parallel_loop3A_242 : vector<1x16xf32> to vector<16xf32>
          %parallel_loop3A_244 = arith.addf %parallel_loop3A_239, %parallel_loop3A_243 : vector<16xf32>
          %parallel_loop3A_245 = arith.constant 0.000000e+00 : f32
          %parallel_loop3A_246 = vector.broadcast %parallel_loop3A_245 : f32 to vector<16xf32>
          %parallel_loop3A_247 = arith.maximumf %parallel_loop3A_244, %parallel_loop3A_246 : vector<16xf32>
          %parallel_loop3A_248 = arith.index_cast %parallel_loop3A_150 : i32 to index
          %parallel_loop3A_249 = arith.constant 80 : index
          %parallel_loop3A_250 = tpu.vector_load %arg8[%parallel_loop3A_248, %parallel_loop3A_249] {strides = array<i32>} : memref<80x128xf32, #tpu.memory_space<vmem>>, vector<1x16xf32>,
          %parallel_loop3A_251 = vector.shape_cast %parallel_loop3A_250 : vector<1x16xf32> to vector<16xf32>
          %parallel_loop3A_252 = vector.shape_cast %parallel_loop3A_247 : vector<16xf32> to vector<1x16xf32>
          tpu.vector_store %arg8[%parallel_loop3A_248, %parallel_loop3A_249], %parallel_loop3A_252 {strides = array<i32>} : memref<80x128xf32, #tpu.memory_space<vmem>>, vector<1x16xf32>,
          %parallel_loop3A_253 = arith.index_cast %parallel_loop3A_150 : i32 to index
          %parallel_loop3A_254 = arith.constant 96 : index
          %parallel_loop3A_255 = tpu.vector_load %arg8[%parallel_loop3A_253, %parallel_loop3A_254] {strides = array<i32>} : memref<80x128xf32, #tpu.memory_space<vmem>>, vector<1x16xf32>,
          %parallel_loop3A_256 = vector.shape_cast %parallel_loop3A_255 : vector<1x16xf32> to vector<16xf32>
          %parallel_loop3A_257 = arith.index_cast %parallel_loop3A_150 : i32 to index
          %parallel_loop3A_258 = arith.constant 96 : index
          %parallel_loop3A_259 = tpu.vector_load %arg10[%parallel_loop3A_257, %parallel_loop3A_258] {strides = array<i32>} : memref<80x128xf32, #tpu.memory_space<vmem>>, vector<1x16xf32>,
          %parallel_loop3A_260 = vector.shape_cast %parallel_loop3A_259 : vector<1x16xf32> to vector<16xf32>
          %parallel_loop3A_261 = arith.addf %parallel_loop3A_256, %parallel_loop3A_260 : vector<16xf32>
          %parallel_loop3A_262 = arith.constant 0.000000e+00 : f32
          %parallel_loop3A_263 = vector.broadcast %parallel_loop3A_262 : f32 to vector<16xf32>
          %parallel_loop3A_264 = arith.maximumf %parallel_loop3A_261, %parallel_loop3A_263 : vector<16xf32>
          %parallel_loop3A_265 = arith.index_cast %parallel_loop3A_150 : i32 to index
          %parallel_loop3A_266 = arith.constant 96 : index
          %parallel_loop3A_267 = tpu.vector_load %arg8[%parallel_loop3A_265, %parallel_loop3A_266] {strides = array<i32>} : memref<80x128xf32, #tpu.memory_space<vmem>>, vector<1x16xf32>,
          %parallel_loop3A_268 = vector.shape_cast %parallel_loop3A_267 : vector<1x16xf32> to vector<16xf32>
          %parallel_loop3A_269 = vector.shape_cast %parallel_loop3A_264 : vector<16xf32> to vector<1x16xf32>
          tpu.vector_store %arg8[%parallel_loop3A_265, %parallel_loop3A_266], %parallel_loop3A_269 {strides = array<i32>} : memref<80x128xf32, #tpu.memory_space<vmem>>, vector<1x16xf32>,
          %parallel_loop3A_270 = arith.index_cast %parallel_loop3A_150 : i32 to index
          %parallel_loop3A_271 = arith.constant 112 : index
          %parallel_loop3A_272 = tpu.vector_load %arg8[%parallel_loop3A_270, %parallel_loop3A_271] {strides = array<i32>} : memref<80x128xf32, #tpu.memory_space<vmem>>, vector<1x16xf32>,
          %parallel_loop3A_273 = vector.shape_cast %parallel_loop3A_272 : vector<1x16xf32> to vector<16xf32>
          %parallel_loop3A_274 = arith.index_cast %parallel_loop3A_150 : i32 to index
          %parallel_loop3A_275 = arith.constant 112 : index
          %parallel_loop3A_276 = tpu.vector_load %arg10[%parallel_loop3A_274, %parallel_loop3A_275] {strides = array<i32>} : memref<80x128xf32, #tpu.memory_space<vmem>>, vector<1x16xf32>,
          %parallel_loop3A_277 = vector.shape_cast %parallel_loop3A_276 : vector<1x16xf32> to vector<16xf32>
          %parallel_loop3A_278 = arith.addf %parallel_loop3A_273, %parallel_loop3A_277 : vector<16xf32>
          %parallel_loop3A_279 = arith.constant 0.000000e+00 : f32
          %parallel_loop3A_280 = vector.broadcast %parallel_loop3A_279 : f32 to vector<16xf32>
          %parallel_loop3A_281 = arith.maximumf %parallel_loop3A_278, %parallel_loop3A_280 : vector<16xf32>
          %parallel_loop3A_282 = arith.index_cast %parallel_loop3A_150 : i32 to index
          %parallel_loop3A_283 = arith.constant 112 : index
          %parallel_loop3A_284 = tpu.vector_load %arg8[%parallel_loop3A_282, %parallel_loop3A_283] {strides = array<i32>} : memref<80x128xf32, #tpu.memory_space<vmem>>, vector<1x16xf32>,
          %parallel_loop3A_285 = vector.shape_cast %parallel_loop3A_284 : vector<1x16xf32> to vector<16xf32>
          %parallel_loop3A_286 = vector.shape_cast %parallel_loop3A_281 : vector<16xf32> to vector<1x16xf32>
          tpu.vector_store %arg8[%parallel_loop3A_282, %parallel_loop3A_283], %parallel_loop3A_286 {strides = array<i32>} : memref<80x128xf32, #tpu.memory_space<vmem>>, vector<1x16xf32>,
        } {sc.loop_unroll_factor = 4 : i64, sc.parallel_access}
        %sub3A_133 = arith.constant 1 : i32
        %sub3A_134 = arith.subi %sub3A_133, %arg0 : i32
        %mul3A_135 = arith.constant 320000 : i32
        %mul3A_136 = arith.muli %sub3A_134, %mul3A_135 : i32
        %add3A_137 = arith.constant 107520 : i32
        %add3A_138 = arith.addi %mul3A_136, %add3A_137 : i32
        %mul3A_139 = arith.constant 83 : i32
        %mul3A_140 = arith.muli %arg1, %mul3A_139 : i32
        %add3A_141 = arith.addi %mul3A_140, %add3A_70 : i32
        %mul3A_142 = arith.constant 80 : i32
        %mul3A_143 = arith.muli %add3A_141, %mul3A_142 : i32
        %add3A_144 = arith.addi %add3A_138, %mul3A_143 : i32
        %dma_wait3A_145 = tpu.memref_slice %arg2[%add3A_144] : memref<640000xi32, #tpu.memory_space<hbm>> -> memref<80xi32, #tpu.memory_space<hbm>>
        %dma_wait3A_146 = tpu.memref_slice %arg2[%add3A_144] : memref<640000xi32, #tpu.memory_space<hbm>> -> memref<80xi32, #tpu.memory_space<hbm>>
        tpu.wait_dma2 semaphore(%arg14 : memref<!tpu.dma_semaphore, #tpu.memory_space<semaphore_mem>>) src(%dma_wait3A_146 : memref<80xi32, #tpu.memory_space<hbm>>) dst(%arg6 : memref<80xi32, #tpu.memory_space<vmem>>)
        %dma_start3A_147 = arith.constant 0 : i32
        %dma_start3A_148 = arith.constant 0 : i32
        %dma_start3A_149 = tpu.memref_slice %arg13[%dma_start3A_147, %dma_start3A_148] : memref<10000x128xf32, #tpu.memory_space<vmem_shared>> -> memref<10000x128xf32, #tpu.memory_space<vmem_shared>>
        tpu.enqueue_indirect_dma source(%arg8 : memref<80x128xf32, #tpu.memory_space<vmem>>) target(%dma_start3A_149 : memref<10000x128xf32, #tpu.memory_space<vmem_shared>>) offsets(%arg6 : memref<80xi32, #tpu.memory_space<vmem>>) semaphore(%arg20 : memref<!tpu.dma_semaphore, #tpu.memory_space<semaphore_mem>>) {add = true}
      } else {
      }
      %add3A_90 = arith.constant 1 : i32
      %add3A_91 = arith.addi %add3A_68, %add3A_90 : i32
      %ge3A_92 = arith.constant 1 : i32
      %ge3A_93 = arith.cmpi sge, %add3A_91, %ge3A_92 : i32
      %sub3A_94 = arith.constant 1 : i32
      %sub3A_95 = arith.subi %add3A_91, %sub3A_94 : i32
      %lt3A_96 = arith.constant 83 : i32
      %lt3A_97 = arith.cmpi slt, %sub3A_95, %lt3A_96 : i32
      %and3A_98 = arith.andi %ge3A_93, %lt3A_97 : i1
      %convert_element_type3A_99 = arith.extui %and3A_98 : i1 to i32
      %cond3A_100 = arith.constant 0 : i32
      %cond3A_101 = arith.cmpi ne, %convert_element_type3A_99, %cond3A_100 : i32
      scf.if %cond3A_101 {
        %dma_wait3A_114 = arith.constant 0 : i32
        %dma_wait3A_115 = arith.constant 0 : i32
        %dma_wait3A_116 = tpu.memref_slice %arg13[%dma_wait3A_114, %dma_wait3A_115] : memref<10000x128xf32, #tpu.memory_space<vmem_shared>> -> memref<10000x128xf32, #tpu.memory_space<vmem_shared>>
        tpu.wait_indirect_dma semaphore(%arg20 : memref<!tpu.dma_semaphore, #tpu.memory_space<semaphore_mem>>) src(%arg8 : memref<80x128xf32, #tpu.memory_space<vmem>>) dst(%dma_wait3A_116 : memref<10000x128xf32, #tpu.memory_space<vmem_shared>>)
      } else {
      }
      %add3A_102 = arith.constant 1 : i32
      %add3A_103 = arith.addi %add3A_91, %add3A_102 : i32
      %lt3A_104 = arith.constant 83 : i32
      %lt3A_105 = arith.cmpi slt, %add3A_103, %lt3A_104 : i32
      %convert_element_type3A_106 = arith.extui %lt3A_105 : i1 to i32
      %cond3A_107 = arith.constant 0 : i32
      %cond3A_108 = arith.cmpi ne, %convert_element_type3A_106, %cond3A_107 : i32
      scf.if %cond3A_108 {
        %add3A_114 = arith.constant 1 : i32
        %add3A_115 = arith.addi %add3A_91, %add3A_114 : i32
        %sub3A_116 = arith.constant 1 : i32
        %sub3A_117 = arith.subi %sub3A_116, %arg0 : i32
        %mul3A_118 = arith.constant 320000 : i32
        %mul3A_119 = arith.muli %sub3A_117, %mul3A_118 : i32
        %add3A_120 = arith.constant 107520 : i32
        %add3A_121 = arith.addi %mul3A_119, %add3A_120 : i32
        %mul3A_122 = arith.constant 83 : i32
        %mul3A_123 = arith.muli %arg1, %mul3A_122 : i32
        %add3A_124 = arith.addi %mul3A_123, %add3A_115 : i32
        %mul3A_125 = arith.constant 80 : i32
        %mul3A_126 = arith.muli %add3A_124, %mul3A_125 : i32
        %add3A_127 = arith.addi %add3A_121, %mul3A_126 : i32
        %dma_start3A_128 = tpu.memref_slice %arg2[%add3A_127] : memref<640000xi32, #tpu.memory_space<hbm>> -> memref<80xi32, #tpu.memory_space<hbm>>
        %dma_start3A_129 = tpu.memref_slice %arg2[%add3A_127] : memref<640000xi32, #tpu.memory_space<hbm>> -> memref<80xi32, #tpu.memory_space<hbm>>
        tpu.enqueue_dma source(%dma_start3A_129 : memref<80xi32, #tpu.memory_space<hbm>>) target(%arg6 : memref<80xi32, #tpu.memory_space<vmem>>) target_semaphore(%arg14 : memref<!tpu.dma_semaphore, #tpu.memory_space<semaphore_mem>>)
        %add3A_130 = arith.constant 1 : i32
        %add3A_131 = arith.addi %add3A_91, %add3A_130 : i32
        %mul3A_132 = arith.constant 83 : i32
        %mul3A_133 = arith.muli %arg1, %mul3A_132 : i32
        %add3A_134 = arith.addi %mul3A_133, %add3A_131 : i32
        %mul3A_135 = arith.constant 80 : i32
        %mul3A_136 = arith.muli %add3A_134, %mul3A_135 : i32
        %dma_start3A_137 = arith.constant 0 : i32
        %dma_start3A_138 = tpu.memref_slice %arg4[%arg0, %mul3A_136, %dma_start3A_137] : memref<2x106240x128xf32, #tpu.memory_space<hbm>> -> memref<1x80x128xf32, #tpu.memory_space<hbm>>
        %dma_start3A_139 = tpu.memref_squeeze %dma_start3A_138 : memref<1x80x128xf32, #tpu.memory_space<hbm>> -> memref<80x128xf32, #tpu.memory_space<hbm>>
        %dma_start3A_140 = arith.constant 0 : i32
        %dma_start3A_141 = tpu.memref_slice %arg4[%arg0, %mul3A_136, %dma_start3A_140] : memref<2x106240x128xf32, #tpu.memory_space<hbm>> -> memref<1x80x128xf32, #tpu.memory_space<hbm>>
        %dma_start3A_142 = tpu.memref_squeeze %dma_start3A_141 : memref<1x80x128xf32, #tpu.memory_space<hbm>> -> memref<80x128xf32, #tpu.memory_space<hbm>>
        tpu.enqueue_dma source(%dma_start3A_142 : memref<80x128xf32, #tpu.memory_space<hbm>>) target(%arg10 : memref<80x128xf32, #tpu.memory_space<vmem>>) target_semaphore(%arg18 : memref<!tpu.dma_semaphore, #tpu.memory_space<semaphore_mem>>)
        %mul3A_143 = arith.constant 80 : i32
        %mul3A_144 = arith.muli %add3A_131, %mul3A_143 : i32
        %dma_start3A_145 = tpu.memref_slice %arg12[%mul3A_144] : memref<6640xi32, #tpu.memory_space<vmem>> -> memref<80xi32, #tpu.memory_space<vmem>>
        %dma_start3A_146 = arith.constant 0 : i32
        %dma_start3A_147 = arith.constant 0 : i32
        %dma_start3A_148 = tpu.memref_slice %arg3[%dma_start3A_146, %dma_start3A_147] : memref<10000x128xf32, #tpu.memory_space<hbm>> -> memref<10000x128xf32, #tpu.memory_space<hbm>>
        tpu.enqueue_indirect_dma source(%dma_start3A_148 : memref<10000x128xf32, #tpu.memory_space<hbm>>) target(%arg8 : memref<80x128xf32, #tpu.memory_space<vmem>>) offsets(%dma_start3A_145 : memref<80xi32, #tpu.memory_space<vmem>>) semaphore(%arg16 : memref<!tpu.dma_semaphore, #tpu.memory_space<semaphore_mem>>)
      } else {
      }
      %lt3A_109 = arith.constant 83 : i32
      %lt3A_110 = arith.cmpi slt, %add3A_91, %lt3A_109 : i32
      %convert_element_type3A_111 = arith.extui %lt3A_110 : i1 to i32
      %cond3A_112 = arith.constant 0 : i32
      %cond3A_113 = arith.cmpi ne, %convert_element_type3A_111, %cond3A_112 : i32
      scf.if %cond3A_113 {
        %mul3A_114 = arith.constant 83 : i32
        %mul3A_115 = arith.muli %arg1, %mul3A_114 : i32
        %add3A_116 = arith.addi %mul3A_115, %add3A_91 : i32
        %mul3A_117 = arith.constant 80 : i32
        %mul3A_118 = arith.muli %add3A_116, %mul3A_117 : i32
        %dma_wait3A_119 = arith.constant 0 : i32
        %dma_wait3A_120 = tpu.memref_slice %arg4[%arg0, %mul3A_118, %dma_wait3A_119] : memref<2x106240x128xf32, #tpu.memory_space<hbm>> -> memref<1x80x128xf32, #tpu.memory_space<hbm>>
        %dma_wait3A_121 = tpu.memref_squeeze %dma_wait3A_120 : memref<1x80x128xf32, #tpu.memory_space<hbm>> -> memref<80x128xf32, #tpu.memory_space<hbm>>
        %dma_wait3A_122 = arith.constant 0 : i32
        %dma_wait3A_123 = tpu.memref_slice %arg4[%arg0, %mul3A_118, %dma_wait3A_122] : memref<2x106240x128xf32, #tpu.memory_space<hbm>> -> memref<1x80x128xf32, #tpu.memory_space<hbm>>
        %dma_wait3A_124 = tpu.memref_squeeze %dma_wait3A_123 : memref<1x80x128xf32, #tpu.memory_space<hbm>> -> memref<80x128xf32, #tpu.memory_space<hbm>>
        tpu.wait_dma2 semaphore(%arg19 : memref<!tpu.dma_semaphore, #tpu.memory_space<semaphore_mem>>) src(%dma_wait3A_124 : memref<80x128xf32, #tpu.memory_space<hbm>>) dst(%arg11 : memref<80x128xf32, #tpu.memory_space<vmem>>)
        %mul3A_125 = arith.constant 80 : i32
        %mul3A_126 = arith.muli %add3A_91, %mul3A_125 : i32
        %dma_wait3A_127 = tpu.memref_slice %arg12[%mul3A_126] : memref<6640xi32, #tpu.memory_space<vmem>> -> memref<80xi32, #tpu.memory_space<vmem>>
        %dma_wait3A_128 = arith.constant 0 : i32
        %dma_wait3A_129 = arith.constant 0 : i32
        %dma_wait3A_130 = tpu.memref_slice %arg3[%dma_wait3A_128, %dma_wait3A_129] : memref<10000x128xf32, #tpu.memory_space<hbm>> -> memref<10000x128xf32, #tpu.memory_space<hbm>>
        tpu.wait_indirect_dma semaphore(%arg17 : memref<!tpu.dma_semaphore, #tpu.memory_space<semaphore_mem>>) src(%dma_wait3A_130 : memref<10000x128xf32, #tpu.memory_space<hbm>>) dst(%arg9 : memref<80x128xf32, #tpu.memory_space<vmem>>)
        %parallel_loop3A = arith.constant 0 : i32
        %parallel_loop3A_131 = arith.constant 80 : i32
        %parallel_loop3A_132 = arith.constant 1 : i32
        scf.for %parallel_loop3A_150 = %parallel_loop3A to %parallel_loop3A_131 step %parallel_loop3A_132  : i32 {
          %parallel_loop3A_151 = arith.index_cast %parallel_loop3A_150 : i32 to index
          %parallel_loop3A_152 = arith.constant 0 : index
          %parallel_loop3A_153 = tpu.vector_load %arg9[%parallel_loop3A_151, %parallel_loop3A_152] {strides = array<i32>} : memref<80x128xf32, #tpu.memory_space<vmem>>, vector<1x16xf32>,
          %parallel_loop3A_154 = vector.shape_cast %parallel_loop3A_153 : vector<1x16xf32> to vector<16xf32>
          %parallel_loop3A_155 = arith.index_cast %parallel_loop3A_150 : i32 to index
          %parallel_loop3A_156 = arith.constant 0 : index
          %parallel_loop3A_157 = tpu.vector_load %arg11[%parallel_loop3A_155, %parallel_loop3A_156] {strides = array<i32>} : memref<80x128xf32, #tpu.memory_space<vmem>>, vector<1x16xf32>,
          %parallel_loop3A_158 = vector.shape_cast %parallel_loop3A_157 : vector<1x16xf32> to vector<16xf32>
          %parallel_loop3A_159 = arith.addf %parallel_loop3A_154, %parallel_loop3A_158 : vector<16xf32>
          %parallel_loop3A_160 = arith.constant 0.000000e+00 : f32
          %parallel_loop3A_161 = vector.broadcast %parallel_loop3A_160 : f32 to vector<16xf32>
          %parallel_loop3A_162 = arith.maximumf %parallel_loop3A_159, %parallel_loop3A_161 : vector<16xf32>
          %parallel_loop3A_163 = arith.index_cast %parallel_loop3A_150 : i32 to index
          %parallel_loop3A_164 = arith.constant 0 : index
          %parallel_loop3A_165 = tpu.vector_load %arg9[%parallel_loop3A_163, %parallel_loop3A_164] {strides = array<i32>} : memref<80x128xf32, #tpu.memory_space<vmem>>, vector<1x16xf32>,
          %parallel_loop3A_166 = vector.shape_cast %parallel_loop3A_165 : vector<1x16xf32> to vector<16xf32>
          %parallel_loop3A_167 = vector.shape_cast %parallel_loop3A_162 : vector<16xf32> to vector<1x16xf32>
          tpu.vector_store %arg9[%parallel_loop3A_163, %parallel_loop3A_164], %parallel_loop3A_167 {strides = array<i32>} : memref<80x128xf32, #tpu.memory_space<vmem>>, vector<1x16xf32>,
          %parallel_loop3A_168 = arith.index_cast %parallel_loop3A_150 : i32 to index
          %parallel_loop3A_169 = arith.constant 16 : index
          %parallel_loop3A_170 = tpu.vector_load %arg9[%parallel_loop3A_168, %parallel_loop3A_169] {strides = array<i32>} : memref<80x128xf32, #tpu.memory_space<vmem>>, vector<1x16xf32>,
          %parallel_loop3A_171 = vector.shape_cast %parallel_loop3A_170 : vector<1x16xf32> to vector<16xf32>
          %parallel_loop3A_172 = arith.index_cast %parallel_loop3A_150 : i32 to index
          %parallel_loop3A_173 = arith.constant 16 : index
          %parallel_loop3A_174 = tpu.vector_load %arg11[%parallel_loop3A_172, %parallel_loop3A_173] {strides = array<i32>} : memref<80x128xf32, #tpu.memory_space<vmem>>, vector<1x16xf32>,
          %parallel_loop3A_175 = vector.shape_cast %parallel_loop3A_174 : vector<1x16xf32> to vector<16xf32>
          %parallel_loop3A_176 = arith.addf %parallel_loop3A_171, %parallel_loop3A_175 : vector<16xf32>
          %parallel_loop3A_177 = arith.constant 0.000000e+00 : f32
          %parallel_loop3A_178 = vector.broadcast %parallel_loop3A_177 : f32 to vector<16xf32>
          %parallel_loop3A_179 = arith.maximumf %parallel_loop3A_176, %parallel_loop3A_178 : vector<16xf32>
          %parallel_loop3A_180 = arith.index_cast %parallel_loop3A_150 : i32 to index
          %parallel_loop3A_181 = arith.constant 16 : index
          %parallel_loop3A_182 = tpu.vector_load %arg9[%parallel_loop3A_180, %parallel_loop3A_181] {strides = array<i32>} : memref<80x128xf32, #tpu.memory_space<vmem>>, vector<1x16xf32>,
          %parallel_loop3A_183 = vector.shape_cast %parallel_loop3A_182 : vector<1x16xf32> to vector<16xf32>
          %parallel_loop3A_184 = vector.shape_cast %parallel_loop3A_179 : vector<16xf32> to vector<1x16xf32>
          tpu.vector_store %arg9[%parallel_loop3A_180, %parallel_loop3A_181], %parallel_loop3A_184 {strides = array<i32>} : memref<80x128xf32, #tpu.memory_space<vmem>>, vector<1x16xf32>,
          %parallel_loop3A_185 = arith.index_cast %parallel_loop3A_150 : i32 to index
          %parallel_loop3A_186 = arith.constant 32 : index
          %parallel_loop3A_187 = tpu.vector_load %arg9[%parallel_loop3A_185, %parallel_loop3A_186] {strides = array<i32>} : memref<80x128xf32, #tpu.memory_space<vmem>>, vector<1x16xf32>,
          %parallel_loop3A_188 = vector.shape_cast %parallel_loop3A_187 : vector<1x16xf32> to vector<16xf32>
          %parallel_loop3A_189 = arith.index_cast %parallel_loop3A_150 : i32 to index
          %parallel_loop3A_190 = arith.constant 32 : index
          %parallel_loop3A_191 = tpu.vector_load %arg11[%parallel_loop3A_189, %parallel_loop3A_190] {strides = array<i32>} : memref<80x128xf32, #tpu.memory_space<vmem>>, vector<1x16xf32>,
          %parallel_loop3A_192 = vector.shape_cast %parallel_loop3A_191 : vector<1x16xf32> to vector<16xf32>
          %parallel_loop3A_193 = arith.addf %parallel_loop3A_188, %parallel_loop3A_192 : vector<16xf32>
          %parallel_loop3A_194 = arith.constant 0.000000e+00 : f32
          %parallel_loop3A_195 = vector.broadcast %parallel_loop3A_194 : f32 to vector<16xf32>
          %parallel_loop3A_196 = arith.maximumf %parallel_loop3A_193, %parallel_loop3A_195 : vector<16xf32>
          %parallel_loop3A_197 = arith.index_cast %parallel_loop3A_150 : i32 to index
          %parallel_loop3A_198 = arith.constant 32 : index
          %parallel_loop3A_199 = tpu.vector_load %arg9[%parallel_loop3A_197, %parallel_loop3A_198] {strides = array<i32>} : memref<80x128xf32, #tpu.memory_space<vmem>>, vector<1x16xf32>,
          %parallel_loop3A_200 = vector.shape_cast %parallel_loop3A_199 : vector<1x16xf32> to vector<16xf32>
          %parallel_loop3A_201 = vector.shape_cast %parallel_loop3A_196 : vector<16xf32> to vector<1x16xf32>
          tpu.vector_store %arg9[%parallel_loop3A_197, %parallel_loop3A_198], %parallel_loop3A_201 {strides = array<i32>} : memref<80x128xf32, #tpu.memory_space<vmem>>, vector<1x16xf32>,
          %parallel_loop3A_202 = arith.index_cast %parallel_loop3A_150 : i32 to index
          %parallel_loop3A_203 = arith.constant 48 : index
          %parallel_loop3A_204 = tpu.vector_load %arg9[%parallel_loop3A_202, %parallel_loop3A_203] {strides = array<i32>} : memref<80x128xf32, #tpu.memory_space<vmem>>, vector<1x16xf32>,
          %parallel_loop3A_205 = vector.shape_cast %parallel_loop3A_204 : vector<1x16xf32> to vector<16xf32>
          %parallel_loop3A_206 = arith.index_cast %parallel_loop3A_150 : i32 to index
          %parallel_loop3A_207 = arith.constant 48 : index
          %parallel_loop3A_208 = tpu.vector_load %arg11[%parallel_loop3A_206, %parallel_loop3A_207] {strides = array<i32>} : memref<80x128xf32, #tpu.memory_space<vmem>>, vector<1x16xf32>,
          %parallel_loop3A_209 = vector.shape_cast %parallel_loop3A_208 : vector<1x16xf32> to vector<16xf32>
          %parallel_loop3A_210 = arith.addf %parallel_loop3A_205, %parallel_loop3A_209 : vector<16xf32>
          %parallel_loop3A_211 = arith.constant 0.000000e+00 : f32
          %parallel_loop3A_212 = vector.broadcast %parallel_loop3A_211 : f32 to vector<16xf32>
          %parallel_loop3A_213 = arith.maximumf %parallel_loop3A_210, %parallel_loop3A_212 : vector<16xf32>
          %parallel_loop3A_214 = arith.index_cast %parallel_loop3A_150 : i32 to index
          %parallel_loop3A_215 = arith.constant 48 : index
          %parallel_loop3A_216 = tpu.vector_load %arg9[%parallel_loop3A_214, %parallel_loop3A_215] {strides = array<i32>} : memref<80x128xf32, #tpu.memory_space<vmem>>, vector<1x16xf32>,
          %parallel_loop3A_217 = vector.shape_cast %parallel_loop3A_216 : vector<1x16xf32> to vector<16xf32>
          %parallel_loop3A_218 = vector.shape_cast %parallel_loop3A_213 : vector<16xf32> to vector<1x16xf32>
          tpu.vector_store %arg9[%parallel_loop3A_214, %parallel_loop3A_215], %parallel_loop3A_218 {strides = array<i32>} : memref<80x128xf32, #tpu.memory_space<vmem>>, vector<1x16xf32>,
          %parallel_loop3A_219 = arith.index_cast %parallel_loop3A_150 : i32 to index
          %parallel_loop3A_220 = arith.constant 64 : index
          %parallel_loop3A_221 = tpu.vector_load %arg9[%parallel_loop3A_219, %parallel_loop3A_220] {strides = array<i32>} : memref<80x128xf32, #tpu.memory_space<vmem>>, vector<1x16xf32>,
          %parallel_loop3A_222 = vector.shape_cast %parallel_loop3A_221 : vector<1x16xf32> to vector<16xf32>
          %parallel_loop3A_223 = arith.index_cast %parallel_loop3A_150 : i32 to index
          %parallel_loop3A_224 = arith.constant 64 : index
          %parallel_loop3A_225 = tpu.vector_load %arg11[%parallel_loop3A_223, %parallel_loop3A_224] {strides = array<i32>} : memref<80x128xf32, #tpu.memory_space<vmem>>, vector<1x16xf32>,
          %parallel_loop3A_226 = vector.shape_cast %parallel_loop3A_225 : vector<1x16xf32> to vector<16xf32>
          %parallel_loop3A_227 = arith.addf %parallel_loop3A_222, %parallel_loop3A_226 : vector<16xf32>
          %parallel_loop3A_228 = arith.constant 0.000000e+00 : f32
          %parallel_loop3A_229 = vector.broadcast %parallel_loop3A_228 : f32 to vector<16xf32>
          %parallel_loop3A_230 = arith.maximumf %parallel_loop3A_227, %parallel_loop3A_229 : vector<16xf32>
          %parallel_loop3A_231 = arith.index_cast %parallel_loop3A_150 : i32 to index
          %parallel_loop3A_232 = arith.constant 64 : index
          %parallel_loop3A_233 = tpu.vector_load %arg9[%parallel_loop3A_231, %parallel_loop3A_232] {strides = array<i32>} : memref<80x128xf32, #tpu.memory_space<vmem>>, vector<1x16xf32>,
          %parallel_loop3A_234 = vector.shape_cast %parallel_loop3A_233 : vector<1x16xf32> to vector<16xf32>
          %parallel_loop3A_235 = vector.shape_cast %parallel_loop3A_230 : vector<16xf32> to vector<1x16xf32>
          tpu.vector_store %arg9[%parallel_loop3A_231, %parallel_loop3A_232], %parallel_loop3A_235 {strides = array<i32>} : memref<80x128xf32, #tpu.memory_space<vmem>>, vector<1x16xf32>,
          %parallel_loop3A_236 = arith.index_cast %parallel_loop3A_150 : i32 to index
          %parallel_loop3A_237 = arith.constant 80 : index
          %parallel_loop3A_238 = tpu.vector_load %arg9[%parallel_loop3A_236, %parallel_loop3A_237] {strides = array<i32>} : memref<80x128xf32, #tpu.memory_space<vmem>>, vector<1x16xf32>,
          %parallel_loop3A_239 = vector.shape_cast %parallel_loop3A_238 : vector<1x16xf32> to vector<16xf32>
          %parallel_loop3A_240 = arith.index_cast %parallel_loop3A_150 : i32 to index
          %parallel_loop3A_241 = arith.constant 80 : index
          %parallel_loop3A_242 = tpu.vector_load %arg11[%parallel_loop3A_240, %parallel_loop3A_241] {strides = array<i32>} : memref<80x128xf32, #tpu.memory_space<vmem>>, vector<1x16xf32>,
          %parallel_loop3A_243 = vector.shape_cast %parallel_loop3A_242 : vector<1x16xf32> to vector<16xf32>
          %parallel_loop3A_244 = arith.addf %parallel_loop3A_239, %parallel_loop3A_243 : vector<16xf32>
          %parallel_loop3A_245 = arith.constant 0.000000e+00 : f32
          %parallel_loop3A_246 = vector.broadcast %parallel_loop3A_245 : f32 to vector<16xf32>
          %parallel_loop3A_247 = arith.maximumf %parallel_loop3A_244, %parallel_loop3A_246 : vector<16xf32>
          %parallel_loop3A_248 = arith.index_cast %parallel_loop3A_150 : i32 to index
          %parallel_loop3A_249 = arith.constant 80 : index
          %parallel_loop3A_250 = tpu.vector_load %arg9[%parallel_loop3A_248, %parallel_loop3A_249] {strides = array<i32>} : memref<80x128xf32, #tpu.memory_space<vmem>>, vector<1x16xf32>,
          %parallel_loop3A_251 = vector.shape_cast %parallel_loop3A_250 : vector<1x16xf32> to vector<16xf32>
          %parallel_loop3A_252 = vector.shape_cast %parallel_loop3A_247 : vector<16xf32> to vector<1x16xf32>
          tpu.vector_store %arg9[%parallel_loop3A_248, %parallel_loop3A_249], %parallel_loop3A_252 {strides = array<i32>} : memref<80x128xf32, #tpu.memory_space<vmem>>, vector<1x16xf32>,
          %parallel_loop3A_253 = arith.index_cast %parallel_loop3A_150 : i32 to index
          %parallel_loop3A_254 = arith.constant 96 : index
          %parallel_loop3A_255 = tpu.vector_load %arg9[%parallel_loop3A_253, %parallel_loop3A_254] {strides = array<i32>} : memref<80x128xf32, #tpu.memory_space<vmem>>, vector<1x16xf32>,
          %parallel_loop3A_256 = vector.shape_cast %parallel_loop3A_255 : vector<1x16xf32> to vector<16xf32>
          %parallel_loop3A_257 = arith.index_cast %parallel_loop3A_150 : i32 to index
          %parallel_loop3A_258 = arith.constant 96 : index
          %parallel_loop3A_259 = tpu.vector_load %arg11[%parallel_loop3A_257, %parallel_loop3A_258] {strides = array<i32>} : memref<80x128xf32, #tpu.memory_space<vmem>>, vector<1x16xf32>,
          %parallel_loop3A_260 = vector.shape_cast %parallel_loop3A_259 : vector<1x16xf32> to vector<16xf32>
          %parallel_loop3A_261 = arith.addf %parallel_loop3A_256, %parallel_loop3A_260 : vector<16xf32>
          %parallel_loop3A_262 = arith.constant 0.000000e+00 : f32
          %parallel_loop3A_263 = vector.broadcast %parallel_loop3A_262 : f32 to vector<16xf32>
          %parallel_loop3A_264 = arith.maximumf %parallel_loop3A_261, %parallel_loop3A_263 : vector<16xf32>
          %parallel_loop3A_265 = arith.index_cast %parallel_loop3A_150 : i32 to index
          %parallel_loop3A_266 = arith.constant 96 : index
          %parallel_loop3A_267 = tpu.vector_load %arg9[%parallel_loop3A_265, %parallel_loop3A_266] {strides = array<i32>} : memref<80x128xf32, #tpu.memory_space<vmem>>, vector<1x16xf32>,
          %parallel_loop3A_268 = vector.shape_cast %parallel_loop3A_267 : vector<1x16xf32> to vector<16xf32>
          %parallel_loop3A_269 = vector.shape_cast %parallel_loop3A_264 : vector<16xf32> to vector<1x16xf32>
          tpu.vector_store %arg9[%parallel_loop3A_265, %parallel_loop3A_266], %parallel_loop3A_269 {strides = array<i32>} : memref<80x128xf32, #tpu.memory_space<vmem>>, vector<1x16xf32>,
          %parallel_loop3A_270 = arith.index_cast %parallel_loop3A_150 : i32 to index
          %parallel_loop3A_271 = arith.constant 112 : index
          %parallel_loop3A_272 = tpu.vector_load %arg9[%parallel_loop3A_270, %parallel_loop3A_271] {strides = array<i32>} : memref<80x128xf32, #tpu.memory_space<vmem>>, vector<1x16xf32>,
          %parallel_loop3A_273 = vector.shape_cast %parallel_loop3A_272 : vector<1x16xf32> to vector<16xf32>
          %parallel_loop3A_274 = arith.index_cast %parallel_loop3A_150 : i32 to index
          %parallel_loop3A_275 = arith.constant 112 : index
          %parallel_loop3A_276 = tpu.vector_load %arg11[%parallel_loop3A_274, %parallel_loop3A_275] {strides = array<i32>} : memref<80x128xf32, #tpu.memory_space<vmem>>, vector<1x16xf32>,
          %parallel_loop3A_277 = vector.shape_cast %parallel_loop3A_276 : vector<1x16xf32> to vector<16xf32>
          %parallel_loop3A_278 = arith.addf %parallel_loop3A_273, %parallel_loop3A_277 : vector<16xf32>
          %parallel_loop3A_279 = arith.constant 0.000000e+00 : f32
          %parallel_loop3A_280 = vector.broadcast %parallel_loop3A_279 : f32 to vector<16xf32>
          %parallel_loop3A_281 = arith.maximumf %parallel_loop3A_278, %parallel_loop3A_280 : vector<16xf32>
          %parallel_loop3A_282 = arith.index_cast %parallel_loop3A_150 : i32 to index
          %parallel_loop3A_283 = arith.constant 112 : index
          %parallel_loop3A_284 = tpu.vector_load %arg9[%parallel_loop3A_282, %parallel_loop3A_283] {strides = array<i32>} : memref<80x128xf32, #tpu.memory_space<vmem>>, vector<1x16xf32>,
          %parallel_loop3A_285 = vector.shape_cast %parallel_loop3A_284 : vector<1x16xf32> to vector<16xf32>
          %parallel_loop3A_286 = vector.shape_cast %parallel_loop3A_281 : vector<16xf32> to vector<1x16xf32>
          tpu.vector_store %arg9[%parallel_loop3A_282, %parallel_loop3A_283], %parallel_loop3A_286 {strides = array<i32>} : memref<80x128xf32, #tpu.memory_space<vmem>>, vector<1x16xf32>,
        } {sc.loop_unroll_factor = 4 : i64, sc.parallel_access}
        %sub3A_133 = arith.constant 1 : i32
        %sub3A_134 = arith.subi %sub3A_133, %arg0 : i32
        %mul3A_135 = arith.constant 320000 : i32
        %mul3A_136 = arith.muli %sub3A_134, %mul3A_135 : i32
        %add3A_137 = arith.constant 107520 : i32
        %add3A_138 = arith.addi %mul3A_136, %add3A_137 : i32
        %mul3A_139 = arith.constant 83 : i32
        %mul3A_140 = arith.muli %arg1, %mul3A_139 : i32
        %add3A_141 = arith.addi %mul3A_140, %add3A_91 : i32
        %mul3A_142 = arith.constant 80 : i32
        %mul3A_143 = arith.muli %add3A_141, %mul3A_142 : i32
        %add3A_144 = arith.addi %add3A_138, %mul3A_143 : i32
        %dma_wait3A_145 = tpu.memref_slice %arg2[%add3A_144] : memref<640000xi32, #tpu.memory_space<hbm>> -> memref<80xi32, #tpu.memory_space<hbm>>
        %dma_wait3A_146 = tpu.memref_slice %arg2[%add3A_144] : memref<640000xi32, #tpu.memory_space<hbm>> -> memref<80xi32, #tpu.memory_space<hbm>>
        tpu.wait_dma2 semaphore(%arg15 : memref<!tpu.dma_semaphore, #tpu.memory_space<semaphore_mem>>) src(%dma_wait3A_146 : memref<80xi32, #tpu.memory_space<hbm>>) dst(%arg7 : memref<80xi32, #tpu.memory_space<vmem>>)
        %dma_start3A_147 = arith.constant 0 : i32
        %dma_start3A_148 = arith.constant 0 : i32
        %dma_start3A_149 = tpu.memref_slice %arg13[%dma_start3A_147, %dma_start3A_148] : memref<10000x128xf32, #tpu.memory_space<vmem_shared>> -> memref<10000x128xf32, #tpu.memory_space<vmem_shared>>
        tpu.enqueue_indirect_dma source(%arg9 : memref<80x128xf32, #tpu.memory_space<vmem>>) target(%dma_start3A_149 : memref<10000x128xf32, #tpu.memory_space<vmem_shared>>) offsets(%arg7 : memref<80xi32, #tpu.memory_space<vmem>>) semaphore(%arg21 : memref<!tpu.dma_semaphore, #tpu.memory_space<semaphore_mem>>) {add = true}
      } else {
      }
    }
    %scan3A_57 = arith.constant 42 : i32
    %barrier3A_58 = arith.constant 0 : index
    tpu.barrier barrier_id(%barrier3A_58)
    "tpu.region"() ({
      %run_scoped3A = tpu.sem_alloc : memref<!tpu.dma_semaphore, #tpu.memory_space<semaphore_mem>>
      %dma_start3A_64 = arith.constant 0 : i32
      %dma_start3A_65 = tpu.memref_slice %arg5[%arg0, %mul3A_11, %dma_start3A_64] : memref<2x10000x128xf32, #tpu.memory_space<hbm>> -> memref<1x624x128xf32, #tpu.memory_space<hbm>>
      %dma_start3A_66 = tpu.memref_squeeze %dma_start3A_65 : memref<1x624x128xf32, #tpu.memory_space<hbm>> -> memref<624x128xf32, #tpu.memory_space<hbm>>
      %dma_start3A_67 = arith.constant 0 : i32
      %dma_start3A_68 = tpu.memref_slice %arg13[%mul3A_11, %dma_start3A_67] : memref<10000x128xf32, #tpu.memory_space<vmem_shared>> -> memref<624x128xf32, #tpu.memory_space<vmem_shared>>
      tpu.enqueue_dma source(%dma_start3A_68 : memref<624x128xf32, #tpu.memory_space<vmem_shared>>) target(%dma_start3A_66 : memref<624x128xf32, #tpu.memory_space<hbm>>) target_semaphore(%run_scoped3A : memref<!tpu.dma_semaphore, #tpu.memory_space<semaphore_mem>>)
      %dma_wait3A_69 = arith.constant 0 : i32
      %dma_wait3A_70 = tpu.memref_slice %arg5[%arg0, %mul3A_11, %dma_wait3A_69] : memref<2x10000x128xf32, #tpu.memory_space<hbm>> -> memref<1x624x128xf32, #tpu.memory_space<hbm>>
      %dma_wait3A_71 = tpu.memref_squeeze %dma_wait3A_70 : memref<1x624x128xf32, #tpu.memory_space<hbm>> -> memref<624x128xf32, #tpu.memory_space<hbm>>
      %dma_wait3A_72 = arith.constant 0 : i32
      %dma_wait3A_73 = tpu.memref_slice %arg13[%mul3A_11, %dma_wait3A_72] : memref<10000x128xf32, #tpu.memory_space<vmem_shared>> -> memref<624x128xf32, #tpu.memory_space<vmem_shared>>
      tpu.wait_dma2 semaphore(%run_scoped3A : memref<!tpu.dma_semaphore, #tpu.memory_space<semaphore_mem>>) src(%dma_wait3A_73 : memref<624x128xf32, #tpu.memory_space<vmem_shared>>) dst(%dma_wait3A_71 : memref<624x128xf32, #tpu.memory_space<hbm>>)
      tpu.yield
    }) : () -> ()
    %eq3A_59 = arith.constant 15 : i32
    %eq3A_60 = arith.cmpi eq, %arg1, %eq3A_59 : i32
    %convert_element_type3A_61 = arith.extui %eq3A_60 : i1 to i32
    %cond3A_62 = arith.constant 0 : i32
    %cond3A_63 = arith.cmpi ne, %convert_element_type3A_61, %cond3A_62 : i32
    scf.if %cond3A_63 {
      "tpu.region"() ({
        %run_scoped3A = tpu.sem_alloc : memref<!tpu.dma_semaphore, #tpu.memory_space<semaphore_mem>>
        %dma_start3A_64 = arith.constant 9984 : i32
        %dma_start3A_65 = arith.constant 0 : i32
        %dma_start3A_66 = tpu.memref_slice %arg5[%arg0, %dma_start3A_64, %dma_start3A_65] : memref<2x10000x128xf32, #tpu.memory_space<hbm>> -> memref<1x16x128xf32, #tpu.memory_space<hbm>>
        %dma_start3A_67 = tpu.memref_squeeze %dma_start3A_66 : memref<1x16x128xf32, #tpu.memory_space<hbm>> -> memref<16x128xf32, #tpu.memory_space<hbm>>
        %dma_start3A_68 = arith.constant 9984 : i32
        %dma_start3A_69 = arith.constant 0 : i32
        %dma_start3A_70 = tpu.memref_slice %arg13[%dma_start3A_68, %dma_start3A_69] : memref<10000x128xf32, #tpu.memory_space<vmem_shared>> -> memref<16x128xf32, #tpu.memory_space<vmem_shared>>
        tpu.enqueue_dma source(%dma_start3A_70 : memref<16x128xf32, #tpu.memory_space<vmem_shared>>) target(%dma_start3A_67 : memref<16x128xf32, #tpu.memory_space<hbm>>) target_semaphore(%run_scoped3A : memref<!tpu.dma_semaphore, #tpu.memory_space<semaphore_mem>>)
        %dma_wait3A_71 = arith.constant 9984 : i32
        %dma_wait3A_72 = arith.constant 0 : i32
        %dma_wait3A_73 = tpu.memref_slice %arg5[%arg0, %dma_wait3A_71, %dma_wait3A_72] : memref<2x10000x128xf32, #tpu.memory_space<hbm>> -> memref<1x16x128xf32, #tpu.memory_space<hbm>>
        %dma_wait3A_74 = tpu.memref_squeeze %dma_wait3A_73 : memref<1x16x128xf32, #tpu.memory_space<hbm>> -> memref<16x128xf32, #tpu.memory_space<hbm>>
        %dma_wait3A_75 = arith.constant 9984 : i32
        %dma_wait3A_76 = arith.constant 0 : i32
        %dma_wait3A_77 = tpu.memref_slice %arg13[%dma_wait3A_75, %dma_wait3A_76] : memref<10000x128xf32, #tpu.memory_space<vmem_shared>> -> memref<16x128xf32, #tpu.memory_space<vmem_shared>>
        tpu.wait_dma2 semaphore(%run_scoped3A : memref<!tpu.dma_semaphore, #tpu.memory_space<semaphore_mem>>) src(%dma_wait3A_77 : memref<16x128xf32, #tpu.memory_space<vmem_shared>>) dst(%dma_wait3A_74 : memref<16x128xf32, #tpu.memory_space<hbm>>)
        tpu.yield
      }) : () -> ()
    } else {
    }
    return
  }
}

#map = affine_map<(d0, d1) -> (0)>
#map1 = affine_map<(d0, d1) -> (0, 0)>
#map2 = affine_map<(d0, d1) -> (0, 0, 0)>
module attributes {stable_mosaic.version = 14 : i64} {
  func.func @k(%arg0: i32, %arg1: i32, %arg2: memref<640000xi32, #tpu.memory_space<hbm>>, %arg3: memref<10000x128xf32, #tpu.memory_space<hbm>>, %arg4: memref<2x106240x128xf32, #tpu.memory_space<hbm>>, %arg5: memref<2x10000x128xf32, #tpu.memory_space<hbm>>, %arg6: memref<80xi32, #tpu.memory_space<vmem>>, %arg7: memref<80xi32, #tpu.memory_space<vmem>>, %arg8: memref<80x128xf32, #tpu.memory_space<vmem>>, %arg9: memref<80x128xf32, #tpu.memory_space<vmem>>, %arg10: memref<80x128xf32, #tpu.memory_space<vmem>>, %arg11: memref<80x128xf32, #tpu.memory_space<vmem>>, %arg12: memref<6640xi32, #tpu.memory_space<vmem>>, %arg13: memref<10000x128xf32, #tpu.memory_space<vmem_shared>>, %arg14: memref<!tpu.dma_semaphore, #tpu.memory_space<semaphore_mem>>, %arg15: memref<!tpu.dma_semaphore, #tpu.memory_space<semaphore_mem>>, %arg16: memref<!tpu.dma_semaphore, #tpu.memory_space<semaphore_mem>>, %arg17: memref<!tpu.dma_semaphore, #tpu.memory_space<semaphore_mem>>, %arg18: memref<!tpu.dma_semaphore, #tpu.memory_space<semaphore_mem>>, %arg19: memref<!tpu.dma_semaphore, #tpu.memory_space<semaphore_mem>>, %arg20: memref<!tpu.dma_semaphore, #tpu.memory_space<semaphore_mem>>, %arg21: memref<!tpu.dma_semaphore, #tpu.memory_space<semaphore_mem>>) attributes {dimension_semantics = [#tpu.dimension_semantics<core_parallel>, #tpu.dimension_semantics<subcore_parallel>], iteration_bounds = array<i64: 2, 16>, scalar_prefetch = 0 : i64, scratch_operands = 16 : i64, tpu.core_type = #tpu.core_type<sc_vector_subcore>, window_params = [{transform_indices = #map}, {transform_indices = #map1}, {transform_indices = #map2}, {transform_indices = #map2}]} {
    %mul3A = arith.constant 320000 : i32
    %mul3A_0 = arith.muli %arg0, %mul3A : i32
    %add3A = arith.constant 213760 : i32
    %add3A_1 = arith.addi %mul3A_0, %add3A : i32
    %mul3A_2 = arith.constant 6640 : i32
    %mul3A_3 = arith.muli %arg1, %mul3A_2 : i32
    %add3A_4 = arith.addi %add3A_1, %mul3A_3 : i32
    %dma_start3A = tpu.memref_slice %arg2[%add3A_4] : memref<640000xi32, #tpu.memory_space<hbm>> -> memref<6640xi32, #tpu.memory_space<hbm>>
    %dma_start3A_5 = tpu.memref_slice %arg2[%add3A_4] : memref<640000xi32, #tpu.memory_space<hbm>> -> memref<6640xi32, #tpu.memory_space<hbm>>
    tpu.enqueue_dma source(%dma_start3A_5 : memref<6640xi32, #tpu.memory_space<hbm>>) target(%arg12 : memref<6640xi32, #tpu.memory_space<vmem>>) target_semaphore(%arg20 : memref<!tpu.dma_semaphore, #tpu.memory_space<semaphore_mem>>)
    %scan3A = arith.constant 0 : i32
    %scan3A_6 = arith.constant 80 : i32
    %scan3A_7 = arith.addi %scan3A, %scan3A_6 : i32
    %scan3A_8 = arith.constant 1 : i32
    scf.for %scan3A_64 = %scan3A to %scan3A_7 step %scan3A_8  : i32 {
      %mul3A_65 = arith.constant 1 : i32
      %mul3A_66 = arith.muli %scan3A_64, %mul3A_65 : i32
      %add3A_67 = arith.constant 0 : i32
      %add3A_68 = arith.addi %add3A_67, %mul3A_66 : i32
      %broadcast_in_dim3A = arith.constant 0.000000e+00 : f32
      %broadcast_in_dim3A_69 = vector.broadcast %broadcast_in_dim3A : f32 to vector<16xf32>
      %swap3A = arith.index_cast %add3A_68 : i32 to index
      %swap3A_70 = arith.constant 0 : index
      %swap3A_71 = tpu.vector_load %arg8[%swap3A, %swap3A_70] {strides = array<i32>} : memref<80x128xf32, #tpu.memory_space<vmem>>, vector<1x16xf32>,
      %swap3A_72 = vector.shape_cast %swap3A_71 : vector<1x16xf32> to vector<16xf32>
      %swap3A_73 = vector.shape_cast %broadcast_in_dim3A_69 : vector<16xf32> to vector<1x16xf32>
      tpu.vector_store %arg8[%swap3A, %swap3A_70], %swap3A_73 {strides = array<i32>} : memref<80x128xf32, #tpu.memory_space<vmem>>, vector<1x16xf32>,
      %broadcast_in_dim3A_74 = arith.constant 0.000000e+00 : f32
      %broadcast_in_dim3A_75 = vector.broadcast %broadcast_in_dim3A_74 : f32 to vector<16xf32>
      %swap3A_76 = arith.index_cast %add3A_68 : i32 to index
      %swap3A_77 = arith.constant 16 : index
      %swap3A_78 = tpu.vector_load %arg8[%swap3A_76, %swap3A_77] {strides = array<i32>} : memref<80x128xf32, #tpu.memory_space<vmem>>, vector<1x16xf32>,
      %swap3A_79 = vector.shape_cast %swap3A_78 : vector<1x16xf32> to vector<16xf32>
      %swap3A_80 = vector.shape_cast %broadcast_in_dim3A_75 : vector<16xf32> to vector<1x16xf32>
      tpu.vector_store %arg8[%swap3A_76, %swap3A_77], %swap3A_80 {strides = array<i32>} : memref<80x128xf32, #tpu.memory_space<vmem>>, vector<1x16xf32>,
      %broadcast_in_dim3A_81 = arith.constant 0.000000e+00 : f32
      %broadcast_in_dim3A_82 = vector.broadcast %broadcast_in_dim3A_81 : f32 to vector<16xf32>
      %swap3A_83 = arith.index_cast %add3A_68 : i32 to index
      %swap3A_84 = arith.constant 32 : index
      %swap3A_85 = tpu.vector_load %arg8[%swap3A_83, %swap3A_84] {strides = array<i32>} : memref<80x128xf32, #tpu.memory_space<vmem>>, vector<1x16xf32>,
      %swap3A_86 = vector.shape_cast %swap3A_85 : vector<1x16xf32> to vector<16xf32>
      %swap3A_87 = vector.shape_cast %broadcast_in_dim3A_82 : vector<16xf32> to vector<1x16xf32>
      tpu.vector_store %arg8[%swap3A_83, %swap3A_84], %swap3A_87 {strides = array<i32>} : memref<80x128xf32, #tpu.memory_space<vmem>>, vector<1x16xf32>,
      %broadcast_in_dim3A_88 = arith.constant 0.000000e+00 : f32
      %broadcast_in_dim3A_89 = vector.broadcast %broadcast_in_dim3A_88 : f32 to vector<16xf32>
      %swap3A_90 = arith.index_cast %add3A_68 : i32 to index
      %swap3A_91 = arith.constant 48 : index
      %swap3A_92 = tpu.vector_load %arg8[%swap3A_90, %swap3A_91] {strides = array<i32>} : memref<80x128xf32, #tpu.memory_space<vmem>>, vector<1x16xf32>,
      %swap3A_93 = vector.shape_cast %swap3A_92 : vector<1x16xf32> to vector<16xf32>
      %swap3A_94 = vector.shape_cast %broadcast_in_dim3A_89 : vector<16xf32> to vector<1x16xf32>
      tpu.vector_store %arg8[%swap3A_90, %swap3A_91], %swap3A_94 {strides = array<i32>} : memref<80x128xf32, #tpu.memory_space<vmem>>, vector<1x16xf32>,
      %broadcast_in_dim3A_95 = arith.constant 0.000000e+00 : f32
      %broadcast_in_dim3A_96 = vector.broadcast %broadcast_in_dim3A_95 : f32 to vector<16xf32>
      %swap3A_97 = arith.index_cast %add3A_68 : i32 to index
      %swap3A_98 = arith.constant 64 : index
      %swap3A_99 = tpu.vector_load %arg8[%swap3A_97, %swap3A_98] {strides = array<i32>} : memref<80x128xf32, #tpu.memory_space<vmem>>, vector<1x16xf32>,
      %swap3A_100 = vector.shape_cast %swap3A_99 : vector<1x16xf32> to vector<16xf32>
      %swap3A_101 = vector.shape_cast %broadcast_in_dim3A_96 : vector<16xf32> to vector<1x16xf32>
      tpu.vector_store %arg8[%swap3A_97, %swap3A_98], %swap3A_101 {strides = array<i32>} : memref<80x128xf32, #tpu.memory_space<vmem>>, vector<1x16xf32>,
      %broadcast_in_dim3A_102 = arith.constant 0.000000e+00 : f32
      %broadcast_in_dim3A_103 = vector.broadcast %broadcast_in_dim3A_102 : f32 to vector<16xf32>
      %swap3A_104 = arith.index_cast %add3A_68 : i32 to index
      %swap3A_105 = arith.constant 80 : index
      %swap3A_106 = tpu.vector_load %arg8[%swap3A_104, %swap3A_105] {strides = array<i32>} : memref<80x128xf32, #tpu.memory_space<vmem>>, vector<1x16xf32>,
      %swap3A_107 = vector.shape_cast %swap3A_106 : vector<1x16xf32> to vector<16xf32>
      %swap3A_108 = vector.shape_cast %broadcast_in_dim3A_103 : vector<16xf32> to vector<1x16xf32>
      tpu.vector_store %arg8[%swap3A_104, %swap3A_105], %swap3A_108 {strides = array<i32>} : memref<80x128xf32, #tpu.memory_space<vmem>>, vector<1x16xf32>,
      %broadcast_in_dim3A_109 = arith.constant 0.000000e+00 : f32
      %broadcast_in_dim3A_110 = vector.broadcast %broadcast_in_dim3A_109 : f32 to vector<16xf32>
      %swap3A_111 = arith.index_cast %add3A_68 : i32 to index
      %swap3A_112 = arith.constant 96 : index
      %swap3A_113 = tpu.vector_load %arg8[%swap3A_111, %swap3A_112] {strides = array<i32>} : memref<80x128xf32, #tpu.memory_space<vmem>>, vector<1x16xf32>,
      %swap3A_114 = vector.shape_cast %swap3A_113 : vector<1x16xf32> to vector<16xf32>
      %swap3A_115 = vector.shape_cast %broadcast_in_dim3A_110 : vector<16xf32> to vector<1x16xf32>
      tpu.vector_store %arg8[%swap3A_111, %swap3A_112], %swap3A_115 {strides = array<i32>} : memref<80x128xf32, #tpu.memory_space<vmem>>, vector<1x16xf32>,
      %broadcast_in_dim3A_116 = arith.constant 0.000000e+00 : f32
      %broadcast_in_dim3A_117 = vector.broadcast %broadcast_in_dim3A_116 : f32 to vector<16xf32>
      %swap3A_118 = arith.index_cast %add3A_68 : i32 to index
      %swap3A_119 = arith.constant 112 : index
      %swap3A_120 = tpu.vector_load %arg8[%swap3A_118, %swap3A_119] {strides = array<i32>} : memref<80x128xf32, #tpu.memory_space<vmem>>, vector<1x16xf32>,
      %swap3A_121 = vector.shape_cast %swap3A_120 : vector<1x16xf32> to vector<16xf32>
      %swap3A_122 = vector.shape_cast %broadcast_in_dim3A_117 : vector<16xf32> to vector<1x16xf32>
      tpu.vector_store %arg8[%swap3A_118, %swap3A_119], %swap3A_122 {strides = array<i32>} : memref<80x128xf32, #tpu.memory_space<vmem>>, vector<1x16xf32>,
    }
    %scan3A_9 = arith.constant 80 : i32
    %mul3A_10 = arith.constant 624 : i32
    %mul3A_11 = arith.muli %arg1, %mul3A_10 : i32
    %scan3A_12 = arith.constant 0 : i32
    %scan3A_13 = arith.constant 7 : i32
    %scan3A_14 = arith.addi %scan3A_12, %scan3A_13 : i32
    %scan3A_15 = arith.constant 1 : i32
    scf.for %scan3A_64 = %scan3A_12 to %scan3A_14 step %scan3A_15  : i32 {
      %mul3A_65 = arith.constant 1 : i32
      %mul3A_66 = arith.muli %scan3A_64, %mul3A_65 : i32
      %add3A_67 = arith.constant 0 : i32
      %add3A_68 = arith.addi %add3A_67, %mul3A_66 : i32
      %mul3A_69 = arith.constant 80 : i32
      %mul3A_70 = arith.muli %add3A_68, %mul3A_69 : i32
      %add3A_71 = arith.addi %mul3A_11, %mul3A_70 : i32
      "tpu.region"() ({
        %run_scoped3A = tpu.sem_alloc : memref<!tpu.dma_semaphore, #tpu.memory_space<semaphore_mem>>
        %dma_start3A_72 = arith.constant 0 : i32
        %dma_start3A_73 = tpu.memref_slice %arg13[%add3A_71, %dma_start3A_72] : memref<10000x128xf32, #tpu.memory_space<vmem_shared>> -> memref<80x128xf32, #tpu.memory_space<vmem_shared>>
        %dma_start3A_74 = arith.constant 0 : i32
        %dma_start3A_75 = tpu.memref_slice %arg13[%add3A_71, %dma_start3A_74] : memref<10000x128xf32, #tpu.memory_space<vmem_shared>> -> memref<80x128xf32, #tpu.memory_space<vmem_shared>>
        tpu.enqueue_dma source(%arg8 : memref<80x128xf32, #tpu.memory_space<vmem>>) target(%dma_start3A_75 : memref<80x128xf32, #tpu.memory_space<vmem_shared>>) target_semaphore(%run_scoped3A : memref<!tpu.dma_semaphore, #tpu.memory_space<semaphore_mem>>)
        %dma_wait3A_76 = arith.constant 0 : i32
        %dma_wait3A_77 = tpu.memref_slice %arg13[%add3A_71, %dma_wait3A_76] : memref<10000x128xf32, #tpu.memory_space<vmem_shared>> -> memref<80x128xf32, #tpu.memory_space<vmem_shared>>
        %dma_wait3A_78 = arith.constant 0 : i32
        %dma_wait3A_79 = tpu.memref_slice %arg13[%add3A_71, %dma_wait3A_78] : memref<10000x128xf32, #tpu.memory_space<vmem_shared>> -> memref<80x128xf32, #tpu.memory_space<vmem_shared>>
        tpu.wait_dma2 semaphore(%run_scoped3A : memref<!tpu.dma_semaphore, #tpu.memory_space<semaphore_mem>>) src(%arg8 : memref<80x128xf32, #tpu.memory_space<vmem>>) dst(%dma_wait3A_79 : memref<80x128xf32, #tpu.memory_space<vmem_shared>>)
        tpu.yield
      }) : () -> ()
    }
    %scan3A_16 = arith.constant 7 : i32
    %add3A_17 = arith.constant 560 : i32
    %add3A_18 = arith.addi %mul3A_11, %add3A_17 : i32
    "tpu.region"() ({
      %run_scoped3A = tpu.sem_alloc : memref<!tpu.dma_semaphore, #tpu.memory_space<semaphore_mem>>
      %dma_start3A_64 = arith.constant 0 : i32
      %dma_start3A_65 = arith.constant 0 : i32
      %dma_start3A_66 = tpu.memref_slice %arg8[%dma_start3A_64, %dma_start3A_65] : memref<80x128xf32, #tpu.memory_space<vmem>> -> memref<64x128xf32, #tpu.memory_space<vmem>>
      %dma_start3A_67 = arith.constant 0 : i32
      %dma_start3A_68 = tpu.memref_slice %arg13[%add3A_18, %dma_start3A_67] : memref<10000x128xf32, #tpu.memory_space<vmem_shared>> -> memref<64x128xf32, #tpu.memory_space<vmem_shared>>
      %dma_start3A_69 = arith.constant 0 : i32
      %dma_start3A_70 = tpu.memref_slice %arg13[%add3A_18, %dma_start3A_69] : memref<10000x128xf32, #tpu.memory_space<vmem_shared>> -> memref<64x128xf32, #tpu.memory_space<vmem_shared>>
      %dma_start3A_71 = arith.constant 0 : i32
      %dma_start3A_72 = arith.constant 0 : i32
      %dma_start3A_73 = tpu.memref_slice %arg8[%dma_start3A_71, %dma_start3A_72] : memref<80x128xf32, #tpu.memory_space<vmem>> -> memref<64x128xf32, #tpu.memory_space<vmem>>
      tpu.enqueue_dma source(%dma_start3A_73 : memref<64x128xf32, #tpu.memory_space<vmem>>) target(%dma_start3A_70 : memref<64x128xf32, #tpu.memory_space<vmem_shared>>) target_semaphore(%run_scoped3A : memref<!tpu.dma_semaphore, #tpu.memory_space<semaphore_mem>>)
      %dma_wait3A_74 = arith.constant 0 : i32
      %dma_wait3A_75 = arith.constant 0 : i32
      %dma_wait3A_76 = tpu.memref_slice %arg8[%dma_wait3A_74, %dma_wait3A_75] : memref<80x128xf32, #tpu.memory_space<vmem>> -> memref<64x128xf32, #tpu.memory_space<vmem>>
      %dma_wait3A_77 = arith.constant 0 : i32
      %dma_wait3A_78 = tpu.memref_slice %arg13[%add3A_18, %dma_wait3A_77] : memref<10000x128xf32, #tpu.memory_space<vmem_shared>> -> memref<64x128xf32, #tpu.memory_space<vmem_shared>>
      %dma_wait3A_79 = arith.constant 0 : i32
      %dma_wait3A_80 = tpu.memref_slice %arg13[%add3A_18, %dma_wait3A_79] : memref<10000x128xf32, #tpu.memory_space<vmem_shared>> -> memref<64x128xf32, #tpu.memory_space<vmem_shared>>
      %dma_wait3A_81 = arith.constant 0 : i32
      %dma_wait3A_82 = arith.constant 0 : i32
      %dma_wait3A_83 = tpu.memref_slice %arg8[%dma_wait3A_81, %dma_wait3A_82] : memref<80x128xf32, #tpu.memory_space<vmem>> -> memref<64x128xf32, #tpu.memory_space<vmem>>
      tpu.wait_dma2 semaphore(%run_scoped3A : memref<!tpu.dma_semaphore, #tpu.memory_space<semaphore_mem>>) src(%dma_wait3A_83 : memref<64x128xf32, #tpu.memory_space<vmem>>) dst(%dma_wait3A_80 : memref<64x128xf32, #tpu.memory_space<vmem_shared>>)
      tpu.yield
    }) : () -> ()
    %eq3A = arith.constant 15 : i32
    %eq3A_19 = arith.cmpi eq, %arg1, %eq3A : i32
    %convert_element_type3A = arith.extui %eq3A_19 : i1 to i32
    %cond3A = arith.constant 0 : i32
    %cond3A_20 = arith.cmpi ne, %convert_element_type3A, %cond3A : i32
    scf.if %cond3A_20 {
      "tpu.region"() ({
        %run_scoped3A = tpu.sem_alloc : memref<!tpu.dma_semaphore, #tpu.memory_space<semaphore_mem>>
        %dma_start3A_64 = arith.constant 0 : i32
        %dma_start3A_65 = arith.constant 0 : i32
        %dma_start3A_66 = tpu.memref_slice %arg8[%dma_start3A_64, %dma_start3A_65] : memref<80x128xf32, #tpu.memory_space<vmem>> -> memref<16x128xf32, #tpu.memory_space<vmem>>
        %dma_start3A_67 = arith.constant 9984 : i32
        %dma_start3A_68 = arith.constant 0 : i32
        %dma_start3A_69 = tpu.memref_slice %arg13[%dma_start3A_67, %dma_start3A_68] : memref<10000x128xf32, #tpu.memory_space<vmem_shared>> -> memref<16x128xf32, #tpu.memory_space<vmem_shared>>
        %dma_start3A_70 = arith.constant 9984 : i32
        %dma_start3A_71 = arith.constant 0 : i32
        %dma_start3A_72 = tpu.memref_slice %arg13[%dma_start3A_70, %dma_start3A_71] : memref<10000x128xf32, #tpu.memory_space<vmem_shared>> -> memref<16x128xf32, #tpu.memory_space<vmem_shared>>
        %dma_start3A_73 = arith.constant 0 : i32
        %dma_start3A_74 = arith.constant 0 : i32
        %dma_start3A_75 = tpu.memref_slice %arg8[%dma_start3A_73, %dma_start3A_74] : memref<80x128xf32, #tpu.memory_space<vmem>> -> memref<16x128xf32, #tpu.memory_space<vmem>>
        tpu.enqueue_dma source(%dma_start3A_75 : memref<16x128xf32, #tpu.memory_space<vmem>>) target(%dma_start3A_72 : memref<16x128xf32, #tpu.memory_space<vmem_shared>>) target_semaphore(%run_scoped3A : memref<!tpu.dma_semaphore, #tpu.memory_space<semaphore_mem>>)
        %dma_wait3A_76 = arith.constant 0 : i32
        %dma_wait3A_77 = arith.constant 0 : i32
        %dma_wait3A_78 = tpu.memref_slice %arg8[%dma_wait3A_76, %dma_wait3A_77] : memref<80x128xf32, #tpu.memory_space<vmem>> -> memref<16x128xf32, #tpu.memory_space<vmem>>
        %dma_wait3A_79 = arith.constant 9984 : i32
        %dma_wait3A_80 = arith.constant 0 : i32
        %dma_wait3A_81 = tpu.memref_slice %arg13[%dma_wait3A_79, %dma_wait3A_80] : memref<10000x128xf32, #tpu.memory_space<vmem_shared>> -> memref<16x128xf32, #tpu.memory_space<vmem_shared>>
        %dma_wait3A_82 = arith.constant 9984 : i32
        %dma_wait3A_83 = arith.constant 0 : i32
        %dma_wait3A_84 = tpu.memref_slice %arg13[%dma_wait3A_82, %dma_wait3A_83] : memref<10000x128xf32, #tpu.memory_space<vmem_shared>> -> memref<16x128xf32, #tpu.memory_space<vmem_shared>>
        %dma_wait3A_85 = arith.constant 0 : i32
        %dma_wait3A_86 = arith.constant 0 : i32
        %dma_wait3A_87 = tpu.memref_slice %arg8[%dma_wait3A_85, %dma_wait3A_86] : memref<80x128xf32, #tpu.memory_space<vmem>> -> memref<16x128xf32, #tpu.memory_space<vmem>>
        tpu.wait_dma2 semaphore(%run_scoped3A : memref<!tpu.dma_semaphore, #tpu.memory_space<semaphore_mem>>) src(%dma_wait3A_87 : memref<16x128xf32, #tpu.memory_space<vmem>>) dst(%dma_wait3A_84 : memref<16x128xf32, #tpu.memory_space<vmem_shared>>)
        tpu.yield
      }) : () -> ()
    } else {
    }
    %dma_wait3A = tpu.memref_slice %arg2[%add3A_4] : memref<640000xi32, #tpu.memory_space<hbm>> -> memref<6640xi32, #tpu.memory_space<hbm>>
    %dma_wait3A_21 = tpu.memref_slice %arg2[%add3A_4] : memref<640000xi32, #tpu.memory_space<hbm>> -> memref<6640xi32, #tpu.memory_space<hbm>>
    tpu.wait_dma2 semaphore(%arg20 : memref<!tpu.dma_semaphore, #tpu.memory_space<semaphore_mem>>) src(%dma_wait3A_21 : memref<6640xi32, #tpu.memory_space<hbm>>) dst(%arg12 : memref<6640xi32, #tpu.memory_space<vmem>>)
    %barrier3A = arith.constant 0 : index
    tpu.barrier barrier_id(%barrier3A)
    %sub3A = arith.constant 1 : i32
    %sub3A_22 = arith.subi %sub3A, %arg0 : i32
    %mul3A_23 = arith.constant 320000 : i32
    %mul3A_24 = arith.muli %sub3A_22, %mul3A_23 : i32
    %add3A_25 = arith.constant 213760 : i32
    %add3A_26 = arith.addi %mul3A_24, %add3A_25 : i32
    %mul3A_27 = arith.constant 83 : i32
    %mul3A_28 = arith.muli %arg1, %mul3A_27 : i32
    %add3A_29 = arith.constant 0 : i32
    %add3A_30 = arith.addi %mul3A_28, %add3A_29 : i32
    %mul3A_31 = arith.constant 80 : i32
    %mul3A_32 = arith.muli %add3A_30, %mul3A_31 : i32
    %add3A_33 = arith.addi %add3A_26, %mul3A_32 : i32
    %dma_start3A_34 = tpu.memref_slice %arg2[%add3A_33] : memref<640000xi32, #tpu.memory_space<hbm>> -> memref<80xi32, #tpu.memory_space<hbm>>
    %dma_start3A_35 = tpu.memref_slice %arg2[%add3A_33] : memref<640000xi32, #tpu.memory_space<hbm>> -> memref<80xi32, #tpu.memory_space<hbm>>
    tpu.enqueue_dma source(%dma_start3A_35 : memref<80xi32, #tpu.memory_space<hbm>>) target(%arg6 : memref<80xi32, #tpu.memory_space<vmem>>) target_semaphore(%arg14 : memref<!tpu.dma_semaphore, #tpu.memory_space<semaphore_mem>>)
    %mul3A_36 = arith.constant 83 : i32
    %mul3A_37 = arith.muli %arg1, %mul3A_36 : i32
    %add3A_38 = arith.constant 0 : i32
    %add3A_39 = arith.addi %mul3A_37, %add3A_38 : i32
    %mul3A_40 = arith.constant 80 : i32
    %mul3A_41 = arith.muli %add3A_39, %mul3A_40 : i32
    %dma_start3A_42 = arith.constant 0 : i32
    %dma_start3A_43 = tpu.memref_slice %arg4[%arg0, %mul3A_41, %dma_start3A_42] : memref<2x106240x128xf32, #tpu.memory_space<hbm>> -> memref<1x80x128xf32, #tpu.memory_space<hbm>>
    %dma_start3A_44 = tpu.memref_squeeze %dma_start3A_43 : memref<1x80x128xf32, #tpu.memory_space<hbm>> -> memref<80x128xf32, #tpu.memory_space<hbm>>
    %dma_start3A_45 = arith.constant 0 : i32
    %dma_start3A_46 = tpu.memref_slice %arg4[%arg0, %mul3A_41, %dma_start3A_45] : memref<2x106240x128xf32, #tpu.memory_space<hbm>> -> memref<1x80x128xf32, #tpu.memory_space<hbm>>
    %dma_start3A_47 = tpu.memref_squeeze %dma_start3A_46 : memref<1x80x128xf32, #tpu.memory_space<hbm>> -> memref<80x128xf32, #tpu.memory_space<hbm>>
    tpu.enqueue_dma source(%dma_start3A_47 : memref<80x128xf32, #tpu.memory_space<hbm>>) target(%arg10 : memref<80x128xf32, #tpu.memory_space<vmem>>) target_semaphore(%arg18 : memref<!tpu.dma_semaphore, #tpu.memory_space<semaphore_mem>>)
    %dma_start3A_48 = arith.constant 0 : i32
    %dma_start3A_49 = tpu.memref_slice %arg12[%dma_start3A_48] : memref<6640xi32, #tpu.memory_space<vmem>> -> memref<80xi32, #tpu.memory_space<vmem>>
    %dma_start3A_50 = arith.constant 0 : i32
    %dma_start3A_51 = arith.constant 0 : i32
    %dma_start3A_52 = tpu.memref_slice %arg3[%dma_start3A_50, %dma_start3A_51] : memref<10000x128xf32, #tpu.memory_space<hbm>> -> memref<10000x128xf32, #tpu.memory_space<hbm>>
    tpu.enqueue_indirect_dma source(%dma_start3A_52 : memref<10000x128xf32, #tpu.memory_space<hbm>>) target(%arg8 : memref<80x128xf32, #tpu.memory_space<vmem>>) offsets(%dma_start3A_49 : memref<80xi32, #tpu.memory_space<vmem>>) semaphore(%arg16 : memref<!tpu.dma_semaphore, #tpu.memory_space<semaphore_mem>>)
    %scan3A_53 = arith.constant 0 : i32
    %scan3A_54 = arith.constant 42 : i32
    %scan3A_55 = arith.addi %scan3A_53, %scan3A_54 : i32
    %scan3A_56 = arith.constant 1 : i32
    scf.for %scan3A_64 = %scan3A_53 to %scan3A_55 step %scan3A_56  : i32 {
      %mul3A_65 = arith.constant 2 : i32
      %mul3A_66 = arith.muli %scan3A_64, %mul3A_65 : i32
      %add3A_67 = arith.constant 0 : i32
      %add3A_68 = arith.addi %add3A_67, %mul3A_66 : i32
      %add3A_69 = arith.constant 0 : i32
      %add3A_70 = arith.addi %add3A_68, %add3A_69 : i32
      %ge3A = arith.constant 1 : i32
      %ge3A_71 = arith.cmpi sge, %add3A_70, %ge3A : i32
      %sub3A_72 = arith.constant 1 : i32
      %sub3A_73 = arith.subi %add3A_70, %sub3A_72 : i32
      %lt3A = arith.constant 83 : i32
      %lt3A_74 = arith.cmpi slt, %sub3A_73, %lt3A : i32
      %and3A = arith.andi %ge3A_71, %lt3A_74 : i1
      %convert_element_type3A_75 = arith.extui %and3A : i1 to i32
      %cond3A_76 = arith.constant 0 : i32
      %cond3A_77 = arith.cmpi ne, %convert_element_type3A_75, %cond3A_76 : i32
      scf.if %cond3A_77 {
        %dma_wait3A_114 = arith.constant 0 : i32
        %dma_wait3A_115 = arith.constant 0 : i32
        %dma_wait3A_116 = tpu.memref_slice %arg13[%dma_wait3A_114, %dma_wait3A_115] : memref<10000x128xf32, #tpu.memory_space<vmem_shared>> -> memref<10000x128xf32, #tpu.memory_space<vmem_shared>>
        tpu.wait_indirect_dma semaphore(%arg21 : memref<!tpu.dma_semaphore, #tpu.memory_space<semaphore_mem>>) src(%arg9 : memref<80x128xf32, #tpu.memory_space<vmem>>) dst(%dma_wait3A_116 : memref<10000x128xf32, #tpu.memory_space<vmem_shared>>)
      } else {
      }
      %add3A_78 = arith.constant 1 : i32
      %add3A_79 = arith.addi %add3A_70, %add3A_78 : i32
      %lt3A_80 = arith.constant 83 : i32
      %lt3A_81 = arith.cmpi slt, %add3A_79, %lt3A_80 : i32
      %convert_element_type3A_82 = arith.extui %lt3A_81 : i1 to i32
      %cond3A_83 = arith.constant 0 : i32
      %cond3A_84 = arith.cmpi ne, %convert_element_type3A_82, %cond3A_83 : i32
      scf.if %cond3A_84 {
        %add3A_114 = arith.constant 1 : i32
        %add3A_115 = arith.addi %add3A_70, %add3A_114 : i32
        %sub3A_116 = arith.constant 1 : i32
        %sub3A_117 = arith.subi %sub3A_116, %arg0 : i32
        %mul3A_118 = arith.constant 320000 : i32
        %mul3A_119 = arith.muli %sub3A_117, %mul3A_118 : i32
        %add3A_120 = arith.constant 213760 : i32
        %add3A_121 = arith.addi %mul3A_119, %add3A_120 : i32
        %mul3A_122 = arith.constant 83 : i32
        %mul3A_123 = arith.muli %arg1, %mul3A_122 : i32
        %add3A_124 = arith.addi %mul3A_123, %add3A_115 : i32
        %mul3A_125 = arith.constant 80 : i32
        %mul3A_126 = arith.muli %add3A_124, %mul3A_125 : i32
        %add3A_127 = arith.addi %add3A_121, %mul3A_126 : i32
        %dma_start3A_128 = tpu.memref_slice %arg2[%add3A_127] : memref<640000xi32, #tpu.memory_space<hbm>> -> memref<80xi32, #tpu.memory_space<hbm>>
        %dma_start3A_129 = tpu.memref_slice %arg2[%add3A_127] : memref<640000xi32, #tpu.memory_space<hbm>> -> memref<80xi32, #tpu.memory_space<hbm>>
        tpu.enqueue_dma source(%dma_start3A_129 : memref<80xi32, #tpu.memory_space<hbm>>) target(%arg7 : memref<80xi32, #tpu.memory_space<vmem>>) target_semaphore(%arg15 : memref<!tpu.dma_semaphore, #tpu.memory_space<semaphore_mem>>)
        %add3A_130 = arith.constant 1 : i32
        %add3A_131 = arith.addi %add3A_70, %add3A_130 : i32
        %mul3A_132 = arith.constant 83 : i32
        %mul3A_133 = arith.muli %arg1, %mul3A_132 : i32
        %add3A_134 = arith.addi %mul3A_133, %add3A_131 : i32
        %mul3A_135 = arith.constant 80 : i32
        %mul3A_136 = arith.muli %add3A_134, %mul3A_135 : i32
        %dma_start3A_137 = arith.constant 0 : i32
        %dma_start3A_138 = tpu.memref_slice %arg4[%arg0, %mul3A_136, %dma_start3A_137] : memref<2x106240x128xf32, #tpu.memory_space<hbm>> -> memref<1x80x128xf32, #tpu.memory_space<hbm>>
        %dma_start3A_139 = tpu.memref_squeeze %dma_start3A_138 : memref<1x80x128xf32, #tpu.memory_space<hbm>> -> memref<80x128xf32, #tpu.memory_space<hbm>>
        %dma_start3A_140 = arith.constant 0 : i32
        %dma_start3A_141 = tpu.memref_slice %arg4[%arg0, %mul3A_136, %dma_start3A_140] : memref<2x106240x128xf32, #tpu.memory_space<hbm>> -> memref<1x80x128xf32, #tpu.memory_space<hbm>>
        %dma_start3A_142 = tpu.memref_squeeze %dma_start3A_141 : memref<1x80x128xf32, #tpu.memory_space<hbm>> -> memref<80x128xf32, #tpu.memory_space<hbm>>
        tpu.enqueue_dma source(%dma_start3A_142 : memref<80x128xf32, #tpu.memory_space<hbm>>) target(%arg11 : memref<80x128xf32, #tpu.memory_space<vmem>>) target_semaphore(%arg19 : memref<!tpu.dma_semaphore, #tpu.memory_space<semaphore_mem>>)
        %mul3A_143 = arith.constant 80 : i32
        %mul3A_144 = arith.muli %add3A_131, %mul3A_143 : i32
        %dma_start3A_145 = tpu.memref_slice %arg12[%mul3A_144] : memref<6640xi32, #tpu.memory_space<vmem>> -> memref<80xi32, #tpu.memory_space<vmem>>
        %dma_start3A_146 = arith.constant 0 : i32
        %dma_start3A_147 = arith.constant 0 : i32
        %dma_start3A_148 = tpu.memref_slice %arg3[%dma_start3A_146, %dma_start3A_147] : memref<10000x128xf32, #tpu.memory_space<hbm>> -> memref<10000x128xf32, #tpu.memory_space<hbm>>
        tpu.enqueue_indirect_dma source(%dma_start3A_148 : memref<10000x128xf32, #tpu.memory_space<hbm>>) target(%arg9 : memref<80x128xf32, #tpu.memory_space<vmem>>) offsets(%dma_start3A_145 : memref<80xi32, #tpu.memory_space<vmem>>) semaphore(%arg17 : memref<!tpu.dma_semaphore, #tpu.memory_space<semaphore_mem>>)
      } else {
      }
      %lt3A_85 = arith.constant 83 : i32
      %lt3A_86 = arith.cmpi slt, %add3A_70, %lt3A_85 : i32
      %convert_element_type3A_87 = arith.extui %lt3A_86 : i1 to i32
      %cond3A_88 = arith.constant 0 : i32
      %cond3A_89 = arith.cmpi ne, %convert_element_type3A_87, %cond3A_88 : i32
      scf.if %cond3A_89 {
        %mul3A_114 = arith.constant 83 : i32
        %mul3A_115 = arith.muli %arg1, %mul3A_114 : i32
        %add3A_116 = arith.addi %mul3A_115, %add3A_70 : i32
        %mul3A_117 = arith.constant 80 : i32
        %mul3A_118 = arith.muli %add3A_116, %mul3A_117 : i32
        %dma_wait3A_119 = arith.constant 0 : i32
        %dma_wait3A_120 = tpu.memref_slice %arg4[%arg0, %mul3A_118, %dma_wait3A_119] : memref<2x106240x128xf32, #tpu.memory_space<hbm>> -> memref<1x80x128xf32, #tpu.memory_space<hbm>>
        %dma_wait3A_121 = tpu.memref_squeeze %dma_wait3A_120 : memref<1x80x128xf32, #tpu.memory_space<hbm>> -> memref<80x128xf32, #tpu.memory_space<hbm>>
        %dma_wait3A_122 = arith.constant 0 : i32
        %dma_wait3A_123 = tpu.memref_slice %arg4[%arg0, %mul3A_118, %dma_wait3A_122] : memref<2x106240x128xf32, #tpu.memory_space<hbm>> -> memref<1x80x128xf32, #tpu.memory_space<hbm>>
        %dma_wait3A_124 = tpu.memref_squeeze %dma_wait3A_123 : memref<1x80x128xf32, #tpu.memory_space<hbm>> -> memref<80x128xf32, #tpu.memory_space<hbm>>
        tpu.wait_dma2 semaphore(%arg18 : memref<!tpu.dma_semaphore, #tpu.memory_space<semaphore_mem>>) src(%dma_wait3A_124 : memref<80x128xf32, #tpu.memory_space<hbm>>) dst(%arg10 : memref<80x128xf32, #tpu.memory_space<vmem>>)
        %mul3A_125 = arith.constant 80 : i32
        %mul3A_126 = arith.muli %add3A_70, %mul3A_125 : i32
        %dma_wait3A_127 = tpu.memref_slice %arg12[%mul3A_126] : memref<6640xi32, #tpu.memory_space<vmem>> -> memref<80xi32, #tpu.memory_space<vmem>>
        %dma_wait3A_128 = arith.constant 0 : i32
        %dma_wait3A_129 = arith.constant 0 : i32
        %dma_wait3A_130 = tpu.memref_slice %arg3[%dma_wait3A_128, %dma_wait3A_129] : memref<10000x128xf32, #tpu.memory_space<hbm>> -> memref<10000x128xf32, #tpu.memory_space<hbm>>
        tpu.wait_indirect_dma semaphore(%arg16 : memref<!tpu.dma_semaphore, #tpu.memory_space<semaphore_mem>>) src(%dma_wait3A_130 : memref<10000x128xf32, #tpu.memory_space<hbm>>) dst(%arg8 : memref<80x128xf32, #tpu.memory_space<vmem>>)
        %parallel_loop3A = arith.constant 0 : i32
        %parallel_loop3A_131 = arith.constant 80 : i32
        %parallel_loop3A_132 = arith.constant 1 : i32
        scf.for %parallel_loop3A_150 = %parallel_loop3A to %parallel_loop3A_131 step %parallel_loop3A_132  : i32 {
          %parallel_loop3A_151 = arith.index_cast %parallel_loop3A_150 : i32 to index
          %parallel_loop3A_152 = arith.constant 0 : index
          %parallel_loop3A_153 = tpu.vector_load %arg8[%parallel_loop3A_151, %parallel_loop3A_152] {strides = array<i32>} : memref<80x128xf32, #tpu.memory_space<vmem>>, vector<1x16xf32>,
          %parallel_loop3A_154 = vector.shape_cast %parallel_loop3A_153 : vector<1x16xf32> to vector<16xf32>
          %parallel_loop3A_155 = arith.index_cast %parallel_loop3A_150 : i32 to index
          %parallel_loop3A_156 = arith.constant 0 : index
          %parallel_loop3A_157 = tpu.vector_load %arg10[%parallel_loop3A_155, %parallel_loop3A_156] {strides = array<i32>} : memref<80x128xf32, #tpu.memory_space<vmem>>, vector<1x16xf32>,
          %parallel_loop3A_158 = vector.shape_cast %parallel_loop3A_157 : vector<1x16xf32> to vector<16xf32>
          %parallel_loop3A_159 = arith.addf %parallel_loop3A_154, %parallel_loop3A_158 : vector<16xf32>
          %parallel_loop3A_160 = arith.constant 0.000000e+00 : f32
          %parallel_loop3A_161 = vector.broadcast %parallel_loop3A_160 : f32 to vector<16xf32>
          %parallel_loop3A_162 = arith.maximumf %parallel_loop3A_159, %parallel_loop3A_161 : vector<16xf32>
          %parallel_loop3A_163 = arith.index_cast %parallel_loop3A_150 : i32 to index
          %parallel_loop3A_164 = arith.constant 0 : index
          %parallel_loop3A_165 = tpu.vector_load %arg8[%parallel_loop3A_163, %parallel_loop3A_164] {strides = array<i32>} : memref<80x128xf32, #tpu.memory_space<vmem>>, vector<1x16xf32>,
          %parallel_loop3A_166 = vector.shape_cast %parallel_loop3A_165 : vector<1x16xf32> to vector<16xf32>
          %parallel_loop3A_167 = vector.shape_cast %parallel_loop3A_162 : vector<16xf32> to vector<1x16xf32>
          tpu.vector_store %arg8[%parallel_loop3A_163, %parallel_loop3A_164], %parallel_loop3A_167 {strides = array<i32>} : memref<80x128xf32, #tpu.memory_space<vmem>>, vector<1x16xf32>,
          %parallel_loop3A_168 = arith.index_cast %parallel_loop3A_150 : i32 to index
          %parallel_loop3A_169 = arith.constant 16 : index
          %parallel_loop3A_170 = tpu.vector_load %arg8[%parallel_loop3A_168, %parallel_loop3A_169] {strides = array<i32>} : memref<80x128xf32, #tpu.memory_space<vmem>>, vector<1x16xf32>,
          %parallel_loop3A_171 = vector.shape_cast %parallel_loop3A_170 : vector<1x16xf32> to vector<16xf32>
          %parallel_loop3A_172 = arith.index_cast %parallel_loop3A_150 : i32 to index
          %parallel_loop3A_173 = arith.constant 16 : index
          %parallel_loop3A_174 = tpu.vector_load %arg10[%parallel_loop3A_172, %parallel_loop3A_173] {strides = array<i32>} : memref<80x128xf32, #tpu.memory_space<vmem>>, vector<1x16xf32>,
          %parallel_loop3A_175 = vector.shape_cast %parallel_loop3A_174 : vector<1x16xf32> to vector<16xf32>
          %parallel_loop3A_176 = arith.addf %parallel_loop3A_171, %parallel_loop3A_175 : vector<16xf32>
          %parallel_loop3A_177 = arith.constant 0.000000e+00 : f32
          %parallel_loop3A_178 = vector.broadcast %parallel_loop3A_177 : f32 to vector<16xf32>
          %parallel_loop3A_179 = arith.maximumf %parallel_loop3A_176, %parallel_loop3A_178 : vector<16xf32>
          %parallel_loop3A_180 = arith.index_cast %parallel_loop3A_150 : i32 to index
          %parallel_loop3A_181 = arith.constant 16 : index
          %parallel_loop3A_182 = tpu.vector_load %arg8[%parallel_loop3A_180, %parallel_loop3A_181] {strides = array<i32>} : memref<80x128xf32, #tpu.memory_space<vmem>>, vector<1x16xf32>,
          %parallel_loop3A_183 = vector.shape_cast %parallel_loop3A_182 : vector<1x16xf32> to vector<16xf32>
          %parallel_loop3A_184 = vector.shape_cast %parallel_loop3A_179 : vector<16xf32> to vector<1x16xf32>
          tpu.vector_store %arg8[%parallel_loop3A_180, %parallel_loop3A_181], %parallel_loop3A_184 {strides = array<i32>} : memref<80x128xf32, #tpu.memory_space<vmem>>, vector<1x16xf32>,
          %parallel_loop3A_185 = arith.index_cast %parallel_loop3A_150 : i32 to index
          %parallel_loop3A_186 = arith.constant 32 : index
          %parallel_loop3A_187 = tpu.vector_load %arg8[%parallel_loop3A_185, %parallel_loop3A_186] {strides = array<i32>} : memref<80x128xf32, #tpu.memory_space<vmem>>, vector<1x16xf32>,
          %parallel_loop3A_188 = vector.shape_cast %parallel_loop3A_187 : vector<1x16xf32> to vector<16xf32>
          %parallel_loop3A_189 = arith.index_cast %parallel_loop3A_150 : i32 to index
          %parallel_loop3A_190 = arith.constant 32 : index
          %parallel_loop3A_191 = tpu.vector_load %arg10[%parallel_loop3A_189, %parallel_loop3A_190] {strides = array<i32>} : memref<80x128xf32, #tpu.memory_space<vmem>>, vector<1x16xf32>,
          %parallel_loop3A_192 = vector.shape_cast %parallel_loop3A_191 : vector<1x16xf32> to vector<16xf32>
          %parallel_loop3A_193 = arith.addf %parallel_loop3A_188, %parallel_loop3A_192 : vector<16xf32>
          %parallel_loop3A_194 = arith.constant 0.000000e+00 : f32
          %parallel_loop3A_195 = vector.broadcast %parallel_loop3A_194 : f32 to vector<16xf32>
          %parallel_loop3A_196 = arith.maximumf %parallel_loop3A_193, %parallel_loop3A_195 : vector<16xf32>
          %parallel_loop3A_197 = arith.index_cast %parallel_loop3A_150 : i32 to index
          %parallel_loop3A_198 = arith.constant 32 : index
          %parallel_loop3A_199 = tpu.vector_load %arg8[%parallel_loop3A_197, %parallel_loop3A_198] {strides = array<i32>} : memref<80x128xf32, #tpu.memory_space<vmem>>, vector<1x16xf32>,
          %parallel_loop3A_200 = vector.shape_cast %parallel_loop3A_199 : vector<1x16xf32> to vector<16xf32>
          %parallel_loop3A_201 = vector.shape_cast %parallel_loop3A_196 : vector<16xf32> to vector<1x16xf32>
          tpu.vector_store %arg8[%parallel_loop3A_197, %parallel_loop3A_198], %parallel_loop3A_201 {strides = array<i32>} : memref<80x128xf32, #tpu.memory_space<vmem>>, vector<1x16xf32>,
          %parallel_loop3A_202 = arith.index_cast %parallel_loop3A_150 : i32 to index
          %parallel_loop3A_203 = arith.constant 48 : index
          %parallel_loop3A_204 = tpu.vector_load %arg8[%parallel_loop3A_202, %parallel_loop3A_203] {strides = array<i32>} : memref<80x128xf32, #tpu.memory_space<vmem>>, vector<1x16xf32>,
          %parallel_loop3A_205 = vector.shape_cast %parallel_loop3A_204 : vector<1x16xf32> to vector<16xf32>
          %parallel_loop3A_206 = arith.index_cast %parallel_loop3A_150 : i32 to index
          %parallel_loop3A_207 = arith.constant 48 : index
          %parallel_loop3A_208 = tpu.vector_load %arg10[%parallel_loop3A_206, %parallel_loop3A_207] {strides = array<i32>} : memref<80x128xf32, #tpu.memory_space<vmem>>, vector<1x16xf32>,
          %parallel_loop3A_209 = vector.shape_cast %parallel_loop3A_208 : vector<1x16xf32> to vector<16xf32>
          %parallel_loop3A_210 = arith.addf %parallel_loop3A_205, %parallel_loop3A_209 : vector<16xf32>
          %parallel_loop3A_211 = arith.constant 0.000000e+00 : f32
          %parallel_loop3A_212 = vector.broadcast %parallel_loop3A_211 : f32 to vector<16xf32>
          %parallel_loop3A_213 = arith.maximumf %parallel_loop3A_210, %parallel_loop3A_212 : vector<16xf32>
          %parallel_loop3A_214 = arith.index_cast %parallel_loop3A_150 : i32 to index
          %parallel_loop3A_215 = arith.constant 48 : index
          %parallel_loop3A_216 = tpu.vector_load %arg8[%parallel_loop3A_214, %parallel_loop3A_215] {strides = array<i32>} : memref<80x128xf32, #tpu.memory_space<vmem>>, vector<1x16xf32>,
          %parallel_loop3A_217 = vector.shape_cast %parallel_loop3A_216 : vector<1x16xf32> to vector<16xf32>
          %parallel_loop3A_218 = vector.shape_cast %parallel_loop3A_213 : vector<16xf32> to vector<1x16xf32>
          tpu.vector_store %arg8[%parallel_loop3A_214, %parallel_loop3A_215], %parallel_loop3A_218 {strides = array<i32>} : memref<80x128xf32, #tpu.memory_space<vmem>>, vector<1x16xf32>,
          %parallel_loop3A_219 = arith.index_cast %parallel_loop3A_150 : i32 to index
          %parallel_loop3A_220 = arith.constant 64 : index
          %parallel_loop3A_221 = tpu.vector_load %arg8[%parallel_loop3A_219, %parallel_loop3A_220] {strides = array<i32>} : memref<80x128xf32, #tpu.memory_space<vmem>>, vector<1x16xf32>,
          %parallel_loop3A_222 = vector.shape_cast %parallel_loop3A_221 : vector<1x16xf32> to vector<16xf32>
          %parallel_loop3A_223 = arith.index_cast %parallel_loop3A_150 : i32 to index
          %parallel_loop3A_224 = arith.constant 64 : index
          %parallel_loop3A_225 = tpu.vector_load %arg10[%parallel_loop3A_223, %parallel_loop3A_224] {strides = array<i32>} : memref<80x128xf32, #tpu.memory_space<vmem>>, vector<1x16xf32>,
          %parallel_loop3A_226 = vector.shape_cast %parallel_loop3A_225 : vector<1x16xf32> to vector<16xf32>
          %parallel_loop3A_227 = arith.addf %parallel_loop3A_222, %parallel_loop3A_226 : vector<16xf32>
          %parallel_loop3A_228 = arith.constant 0.000000e+00 : f32
          %parallel_loop3A_229 = vector.broadcast %parallel_loop3A_228 : f32 to vector<16xf32>
          %parallel_loop3A_230 = arith.maximumf %parallel_loop3A_227, %parallel_loop3A_229 : vector<16xf32>
          %parallel_loop3A_231 = arith.index_cast %parallel_loop3A_150 : i32 to index
          %parallel_loop3A_232 = arith.constant 64 : index
          %parallel_loop3A_233 = tpu.vector_load %arg8[%parallel_loop3A_231, %parallel_loop3A_232] {strides = array<i32>} : memref<80x128xf32, #tpu.memory_space<vmem>>, vector<1x16xf32>,
          %parallel_loop3A_234 = vector.shape_cast %parallel_loop3A_233 : vector<1x16xf32> to vector<16xf32>
          %parallel_loop3A_235 = vector.shape_cast %parallel_loop3A_230 : vector<16xf32> to vector<1x16xf32>
          tpu.vector_store %arg8[%parallel_loop3A_231, %parallel_loop3A_232], %parallel_loop3A_235 {strides = array<i32>} : memref<80x128xf32, #tpu.memory_space<vmem>>, vector<1x16xf32>,
          %parallel_loop3A_236 = arith.index_cast %parallel_loop3A_150 : i32 to index
          %parallel_loop3A_237 = arith.constant 80 : index
          %parallel_loop3A_238 = tpu.vector_load %arg8[%parallel_loop3A_236, %parallel_loop3A_237] {strides = array<i32>} : memref<80x128xf32, #tpu.memory_space<vmem>>, vector<1x16xf32>,
          %parallel_loop3A_239 = vector.shape_cast %parallel_loop3A_238 : vector<1x16xf32> to vector<16xf32>
          %parallel_loop3A_240 = arith.index_cast %parallel_loop3A_150 : i32 to index
          %parallel_loop3A_241 = arith.constant 80 : index
          %parallel_loop3A_242 = tpu.vector_load %arg10[%parallel_loop3A_240, %parallel_loop3A_241] {strides = array<i32>} : memref<80x128xf32, #tpu.memory_space<vmem>>, vector<1x16xf32>,
          %parallel_loop3A_243 = vector.shape_cast %parallel_loop3A_242 : vector<1x16xf32> to vector<16xf32>
          %parallel_loop3A_244 = arith.addf %parallel_loop3A_239, %parallel_loop3A_243 : vector<16xf32>
          %parallel_loop3A_245 = arith.constant 0.000000e+00 : f32
          %parallel_loop3A_246 = vector.broadcast %parallel_loop3A_245 : f32 to vector<16xf32>
          %parallel_loop3A_247 = arith.maximumf %parallel_loop3A_244, %parallel_loop3A_246 : vector<16xf32>
          %parallel_loop3A_248 = arith.index_cast %parallel_loop3A_150 : i32 to index
          %parallel_loop3A_249 = arith.constant 80 : index
          %parallel_loop3A_250 = tpu.vector_load %arg8[%parallel_loop3A_248, %parallel_loop3A_249] {strides = array<i32>} : memref<80x128xf32, #tpu.memory_space<vmem>>, vector<1x16xf32>,
          %parallel_loop3A_251 = vector.shape_cast %parallel_loop3A_250 : vector<1x16xf32> to vector<16xf32>
          %parallel_loop3A_252 = vector.shape_cast %parallel_loop3A_247 : vector<16xf32> to vector<1x16xf32>
          tpu.vector_store %arg8[%parallel_loop3A_248, %parallel_loop3A_249], %parallel_loop3A_252 {strides = array<i32>} : memref<80x128xf32, #tpu.memory_space<vmem>>, vector<1x16xf32>,
          %parallel_loop3A_253 = arith.index_cast %parallel_loop3A_150 : i32 to index
          %parallel_loop3A_254 = arith.constant 96 : index
          %parallel_loop3A_255 = tpu.vector_load %arg8[%parallel_loop3A_253, %parallel_loop3A_254] {strides = array<i32>} : memref<80x128xf32, #tpu.memory_space<vmem>>, vector<1x16xf32>,
          %parallel_loop3A_256 = vector.shape_cast %parallel_loop3A_255 : vector<1x16xf32> to vector<16xf32>
          %parallel_loop3A_257 = arith.index_cast %parallel_loop3A_150 : i32 to index
          %parallel_loop3A_258 = arith.constant 96 : index
          %parallel_loop3A_259 = tpu.vector_load %arg10[%parallel_loop3A_257, %parallel_loop3A_258] {strides = array<i32>} : memref<80x128xf32, #tpu.memory_space<vmem>>, vector<1x16xf32>,
          %parallel_loop3A_260 = vector.shape_cast %parallel_loop3A_259 : vector<1x16xf32> to vector<16xf32>
          %parallel_loop3A_261 = arith.addf %parallel_loop3A_256, %parallel_loop3A_260 : vector<16xf32>
          %parallel_loop3A_262 = arith.constant 0.000000e+00 : f32
          %parallel_loop3A_263 = vector.broadcast %parallel_loop3A_262 : f32 to vector<16xf32>
          %parallel_loop3A_264 = arith.maximumf %parallel_loop3A_261, %parallel_loop3A_263 : vector<16xf32>
          %parallel_loop3A_265 = arith.index_cast %parallel_loop3A_150 : i32 to index
          %parallel_loop3A_266 = arith.constant 96 : index
          %parallel_loop3A_267 = tpu.vector_load %arg8[%parallel_loop3A_265, %parallel_loop3A_266] {strides = array<i32>} : memref<80x128xf32, #tpu.memory_space<vmem>>, vector<1x16xf32>,
          %parallel_loop3A_268 = vector.shape_cast %parallel_loop3A_267 : vector<1x16xf32> to vector<16xf32>
          %parallel_loop3A_269 = vector.shape_cast %parallel_loop3A_264 : vector<16xf32> to vector<1x16xf32>
          tpu.vector_store %arg8[%parallel_loop3A_265, %parallel_loop3A_266], %parallel_loop3A_269 {strides = array<i32>} : memref<80x128xf32, #tpu.memory_space<vmem>>, vector<1x16xf32>,
          %parallel_loop3A_270 = arith.index_cast %parallel_loop3A_150 : i32 to index
          %parallel_loop3A_271 = arith.constant 112 : index
          %parallel_loop3A_272 = tpu.vector_load %arg8[%parallel_loop3A_270, %parallel_loop3A_271] {strides = array<i32>} : memref<80x128xf32, #tpu.memory_space<vmem>>, vector<1x16xf32>,
          %parallel_loop3A_273 = vector.shape_cast %parallel_loop3A_272 : vector<1x16xf32> to vector<16xf32>
          %parallel_loop3A_274 = arith.index_cast %parallel_loop3A_150 : i32 to index
          %parallel_loop3A_275 = arith.constant 112 : index
          %parallel_loop3A_276 = tpu.vector_load %arg10[%parallel_loop3A_274, %parallel_loop3A_275] {strides = array<i32>} : memref<80x128xf32, #tpu.memory_space<vmem>>, vector<1x16xf32>,
          %parallel_loop3A_277 = vector.shape_cast %parallel_loop3A_276 : vector<1x16xf32> to vector<16xf32>
          %parallel_loop3A_278 = arith.addf %parallel_loop3A_273, %parallel_loop3A_277 : vector<16xf32>
          %parallel_loop3A_279 = arith.constant 0.000000e+00 : f32
          %parallel_loop3A_280 = vector.broadcast %parallel_loop3A_279 : f32 to vector<16xf32>
          %parallel_loop3A_281 = arith.maximumf %parallel_loop3A_278, %parallel_loop3A_280 : vector<16xf32>
          %parallel_loop3A_282 = arith.index_cast %parallel_loop3A_150 : i32 to index
          %parallel_loop3A_283 = arith.constant 112 : index
          %parallel_loop3A_284 = tpu.vector_load %arg8[%parallel_loop3A_282, %parallel_loop3A_283] {strides = array<i32>} : memref<80x128xf32, #tpu.memory_space<vmem>>, vector<1x16xf32>,
          %parallel_loop3A_285 = vector.shape_cast %parallel_loop3A_284 : vector<1x16xf32> to vector<16xf32>
          %parallel_loop3A_286 = vector.shape_cast %parallel_loop3A_281 : vector<16xf32> to vector<1x16xf32>
          tpu.vector_store %arg8[%parallel_loop3A_282, %parallel_loop3A_283], %parallel_loop3A_286 {strides = array<i32>} : memref<80x128xf32, #tpu.memory_space<vmem>>, vector<1x16xf32>,
        } {sc.loop_unroll_factor = 4 : i64, sc.parallel_access}
        %sub3A_133 = arith.constant 1 : i32
        %sub3A_134 = arith.subi %sub3A_133, %arg0 : i32
        %mul3A_135 = arith.constant 320000 : i32
        %mul3A_136 = arith.muli %sub3A_134, %mul3A_135 : i32
        %add3A_137 = arith.constant 213760 : i32
        %add3A_138 = arith.addi %mul3A_136, %add3A_137 : i32
        %mul3A_139 = arith.constant 83 : i32
        %mul3A_140 = arith.muli %arg1, %mul3A_139 : i32
        %add3A_141 = arith.addi %mul3A_140, %add3A_70 : i32
        %mul3A_142 = arith.constant 80 : i32
        %mul3A_143 = arith.muli %add3A_141, %mul3A_142 : i32
        %add3A_144 = arith.addi %add3A_138, %mul3A_143 : i32
        %dma_wait3A_145 = tpu.memref_slice %arg2[%add3A_144] : memref<640000xi32, #tpu.memory_space<hbm>> -> memref<80xi32, #tpu.memory_space<hbm>>
        %dma_wait3A_146 = tpu.memref_slice %arg2[%add3A_144] : memref<640000xi32, #tpu.memory_space<hbm>> -> memref<80xi32, #tpu.memory_space<hbm>>
        tpu.wait_dma2 semaphore(%arg14 : memref<!tpu.dma_semaphore, #tpu.memory_space<semaphore_mem>>) src(%dma_wait3A_146 : memref<80xi32, #tpu.memory_space<hbm>>) dst(%arg6 : memref<80xi32, #tpu.memory_space<vmem>>)
        %dma_start3A_147 = arith.constant 0 : i32
        %dma_start3A_148 = arith.constant 0 : i32
        %dma_start3A_149 = tpu.memref_slice %arg13[%dma_start3A_147, %dma_start3A_148] : memref<10000x128xf32, #tpu.memory_space<vmem_shared>> -> memref<10000x128xf32, #tpu.memory_space<vmem_shared>>
        tpu.enqueue_indirect_dma source(%arg8 : memref<80x128xf32, #tpu.memory_space<vmem>>) target(%dma_start3A_149 : memref<10000x128xf32, #tpu.memory_space<vmem_shared>>) offsets(%arg6 : memref<80xi32, #tpu.memory_space<vmem>>) semaphore(%arg20 : memref<!tpu.dma_semaphore, #tpu.memory_space<semaphore_mem>>) {add = true}
      } else {
      }
      %add3A_90 = arith.constant 1 : i32
      %add3A_91 = arith.addi %add3A_68, %add3A_90 : i32
      %ge3A_92 = arith.constant 1 : i32
      %ge3A_93 = arith.cmpi sge, %add3A_91, %ge3A_92 : i32
      %sub3A_94 = arith.constant 1 : i32
      %sub3A_95 = arith.subi %add3A_91, %sub3A_94 : i32
      %lt3A_96 = arith.constant 83 : i32
      %lt3A_97 = arith.cmpi slt, %sub3A_95, %lt3A_96 : i32
      %and3A_98 = arith.andi %ge3A_93, %lt3A_97 : i1
      %convert_element_type3A_99 = arith.extui %and3A_98 : i1 to i32
      %cond3A_100 = arith.constant 0 : i32
      %cond3A_101 = arith.cmpi ne, %convert_element_type3A_99, %cond3A_100 : i32
      scf.if %cond3A_101 {
        %dma_wait3A_114 = arith.constant 0 : i32
        %dma_wait3A_115 = arith.constant 0 : i32
        %dma_wait3A_116 = tpu.memref_slice %arg13[%dma_wait3A_114, %dma_wait3A_115] : memref<10000x128xf32, #tpu.memory_space<vmem_shared>> -> memref<10000x128xf32, #tpu.memory_space<vmem_shared>>
        tpu.wait_indirect_dma semaphore(%arg20 : memref<!tpu.dma_semaphore, #tpu.memory_space<semaphore_mem>>) src(%arg8 : memref<80x128xf32, #tpu.memory_space<vmem>>) dst(%dma_wait3A_116 : memref<10000x128xf32, #tpu.memory_space<vmem_shared>>)
      } else {
      }
      %add3A_102 = arith.constant 1 : i32
      %add3A_103 = arith.addi %add3A_91, %add3A_102 : i32
      %lt3A_104 = arith.constant 83 : i32
      %lt3A_105 = arith.cmpi slt, %add3A_103, %lt3A_104 : i32
      %convert_element_type3A_106 = arith.extui %lt3A_105 : i1 to i32
      %cond3A_107 = arith.constant 0 : i32
      %cond3A_108 = arith.cmpi ne, %convert_element_type3A_106, %cond3A_107 : i32
      scf.if %cond3A_108 {
        %add3A_114 = arith.constant 1 : i32
        %add3A_115 = arith.addi %add3A_91, %add3A_114 : i32
        %sub3A_116 = arith.constant 1 : i32
        %sub3A_117 = arith.subi %sub3A_116, %arg0 : i32
        %mul3A_118 = arith.constant 320000 : i32
        %mul3A_119 = arith.muli %sub3A_117, %mul3A_118 : i32
        %add3A_120 = arith.constant 213760 : i32
        %add3A_121 = arith.addi %mul3A_119, %add3A_120 : i32
        %mul3A_122 = arith.constant 83 : i32
        %mul3A_123 = arith.muli %arg1, %mul3A_122 : i32
        %add3A_124 = arith.addi %mul3A_123, %add3A_115 : i32
        %mul3A_125 = arith.constant 80 : i32
        %mul3A_126 = arith.muli %add3A_124, %mul3A_125 : i32
        %add3A_127 = arith.addi %add3A_121, %mul3A_126 : i32
        %dma_start3A_128 = tpu.memref_slice %arg2[%add3A_127] : memref<640000xi32, #tpu.memory_space<hbm>> -> memref<80xi32, #tpu.memory_space<hbm>>
        %dma_start3A_129 = tpu.memref_slice %arg2[%add3A_127] : memref<640000xi32, #tpu.memory_space<hbm>> -> memref<80xi32, #tpu.memory_space<hbm>>
        tpu.enqueue_dma source(%dma_start3A_129 : memref<80xi32, #tpu.memory_space<hbm>>) target(%arg6 : memref<80xi32, #tpu.memory_space<vmem>>) target_semaphore(%arg14 : memref<!tpu.dma_semaphore, #tpu.memory_space<semaphore_mem>>)
        %add3A_130 = arith.constant 1 : i32
        %add3A_131 = arith.addi %add3A_91, %add3A_130 : i32
        %mul3A_132 = arith.constant 83 : i32
        %mul3A_133 = arith.muli %arg1, %mul3A_132 : i32
        %add3A_134 = arith.addi %mul3A_133, %add3A_131 : i32
        %mul3A_135 = arith.constant 80 : i32
        %mul3A_136 = arith.muli %add3A_134, %mul3A_135 : i32
        %dma_start3A_137 = arith.constant 0 : i32
        %dma_start3A_138 = tpu.memref_slice %arg4[%arg0, %mul3A_136, %dma_start3A_137] : memref<2x106240x128xf32, #tpu.memory_space<hbm>> -> memref<1x80x128xf32, #tpu.memory_space<hbm>>
        %dma_start3A_139 = tpu.memref_squeeze %dma_start3A_138 : memref<1x80x128xf32, #tpu.memory_space<hbm>> -> memref<80x128xf32, #tpu.memory_space<hbm>>
        %dma_start3A_140 = arith.constant 0 : i32
        %dma_start3A_141 = tpu.memref_slice %arg4[%arg0, %mul3A_136, %dma_start3A_140] : memref<2x106240x128xf32, #tpu.memory_space<hbm>> -> memref<1x80x128xf32, #tpu.memory_space<hbm>>
        %dma_start3A_142 = tpu.memref_squeeze %dma_start3A_141 : memref<1x80x128xf32, #tpu.memory_space<hbm>> -> memref<80x128xf32, #tpu.memory_space<hbm>>
        tpu.enqueue_dma source(%dma_start3A_142 : memref<80x128xf32, #tpu.memory_space<hbm>>) target(%arg10 : memref<80x128xf32, #tpu.memory_space<vmem>>) target_semaphore(%arg18 : memref<!tpu.dma_semaphore, #tpu.memory_space<semaphore_mem>>)
        %mul3A_143 = arith.constant 80 : i32
        %mul3A_144 = arith.muli %add3A_131, %mul3A_143 : i32
        %dma_start3A_145 = tpu.memref_slice %arg12[%mul3A_144] : memref<6640xi32, #tpu.memory_space<vmem>> -> memref<80xi32, #tpu.memory_space<vmem>>
        %dma_start3A_146 = arith.constant 0 : i32
        %dma_start3A_147 = arith.constant 0 : i32
        %dma_start3A_148 = tpu.memref_slice %arg3[%dma_start3A_146, %dma_start3A_147] : memref<10000x128xf32, #tpu.memory_space<hbm>> -> memref<10000x128xf32, #tpu.memory_space<hbm>>
        tpu.enqueue_indirect_dma source(%dma_start3A_148 : memref<10000x128xf32, #tpu.memory_space<hbm>>) target(%arg8 : memref<80x128xf32, #tpu.memory_space<vmem>>) offsets(%dma_start3A_145 : memref<80xi32, #tpu.memory_space<vmem>>) semaphore(%arg16 : memref<!tpu.dma_semaphore, #tpu.memory_space<semaphore_mem>>)
      } else {
      }
      %lt3A_109 = arith.constant 83 : i32
      %lt3A_110 = arith.cmpi slt, %add3A_91, %lt3A_109 : i32
      %convert_element_type3A_111 = arith.extui %lt3A_110 : i1 to i32
      %cond3A_112 = arith.constant 0 : i32
      %cond3A_113 = arith.cmpi ne, %convert_element_type3A_111, %cond3A_112 : i32
      scf.if %cond3A_113 {
        %mul3A_114 = arith.constant 83 : i32
        %mul3A_115 = arith.muli %arg1, %mul3A_114 : i32
        %add3A_116 = arith.addi %mul3A_115, %add3A_91 : i32
        %mul3A_117 = arith.constant 80 : i32
        %mul3A_118 = arith.muli %add3A_116, %mul3A_117 : i32
        %dma_wait3A_119 = arith.constant 0 : i32
        %dma_wait3A_120 = tpu.memref_slice %arg4[%arg0, %mul3A_118, %dma_wait3A_119] : memref<2x106240x128xf32, #tpu.memory_space<hbm>> -> memref<1x80x128xf32, #tpu.memory_space<hbm>>
        %dma_wait3A_121 = tpu.memref_squeeze %dma_wait3A_120 : memref<1x80x128xf32, #tpu.memory_space<hbm>> -> memref<80x128xf32, #tpu.memory_space<hbm>>
        %dma_wait3A_122 = arith.constant 0 : i32
        %dma_wait3A_123 = tpu.memref_slice %arg4[%arg0, %mul3A_118, %dma_wait3A_122] : memref<2x106240x128xf32, #tpu.memory_space<hbm>> -> memref<1x80x128xf32, #tpu.memory_space<hbm>>
        %dma_wait3A_124 = tpu.memref_squeeze %dma_wait3A_123 : memref<1x80x128xf32, #tpu.memory_space<hbm>> -> memref<80x128xf32, #tpu.memory_space<hbm>>
        tpu.wait_dma2 semaphore(%arg19 : memref<!tpu.dma_semaphore, #tpu.memory_space<semaphore_mem>>) src(%dma_wait3A_124 : memref<80x128xf32, #tpu.memory_space<hbm>>) dst(%arg11 : memref<80x128xf32, #tpu.memory_space<vmem>>)
        %mul3A_125 = arith.constant 80 : i32
        %mul3A_126 = arith.muli %add3A_91, %mul3A_125 : i32
        %dma_wait3A_127 = tpu.memref_slice %arg12[%mul3A_126] : memref<6640xi32, #tpu.memory_space<vmem>> -> memref<80xi32, #tpu.memory_space<vmem>>
        %dma_wait3A_128 = arith.constant 0 : i32
        %dma_wait3A_129 = arith.constant 0 : i32
        %dma_wait3A_130 = tpu.memref_slice %arg3[%dma_wait3A_128, %dma_wait3A_129] : memref<10000x128xf32, #tpu.memory_space<hbm>> -> memref<10000x128xf32, #tpu.memory_space<hbm>>
        tpu.wait_indirect_dma semaphore(%arg17 : memref<!tpu.dma_semaphore, #tpu.memory_space<semaphore_mem>>) src(%dma_wait3A_130 : memref<10000x128xf32, #tpu.memory_space<hbm>>) dst(%arg9 : memref<80x128xf32, #tpu.memory_space<vmem>>)
        %parallel_loop3A = arith.constant 0 : i32
        %parallel_loop3A_131 = arith.constant 80 : i32
        %parallel_loop3A_132 = arith.constant 1 : i32
        scf.for %parallel_loop3A_150 = %parallel_loop3A to %parallel_loop3A_131 step %parallel_loop3A_132  : i32 {
          %parallel_loop3A_151 = arith.index_cast %parallel_loop3A_150 : i32 to index
          %parallel_loop3A_152 = arith.constant 0 : index
          %parallel_loop3A_153 = tpu.vector_load %arg9[%parallel_loop3A_151, %parallel_loop3A_152] {strides = array<i32>} : memref<80x128xf32, #tpu.memory_space<vmem>>, vector<1x16xf32>,
          %parallel_loop3A_154 = vector.shape_cast %parallel_loop3A_153 : vector<1x16xf32> to vector<16xf32>
          %parallel_loop3A_155 = arith.index_cast %parallel_loop3A_150 : i32 to index
          %parallel_loop3A_156 = arith.constant 0 : index
          %parallel_loop3A_157 = tpu.vector_load %arg11[%parallel_loop3A_155, %parallel_loop3A_156] {strides = array<i32>} : memref<80x128xf32, #tpu.memory_space<vmem>>, vector<1x16xf32>,
          %parallel_loop3A_158 = vector.shape_cast %parallel_loop3A_157 : vector<1x16xf32> to vector<16xf32>
          %parallel_loop3A_159 = arith.addf %parallel_loop3A_154, %parallel_loop3A_158 : vector<16xf32>
          %parallel_loop3A_160 = arith.constant 0.000000e+00 : f32
          %parallel_loop3A_161 = vector.broadcast %parallel_loop3A_160 : f32 to vector<16xf32>
          %parallel_loop3A_162 = arith.maximumf %parallel_loop3A_159, %parallel_loop3A_161 : vector<16xf32>
          %parallel_loop3A_163 = arith.index_cast %parallel_loop3A_150 : i32 to index
          %parallel_loop3A_164 = arith.constant 0 : index
          %parallel_loop3A_165 = tpu.vector_load %arg9[%parallel_loop3A_163, %parallel_loop3A_164] {strides = array<i32>} : memref<80x128xf32, #tpu.memory_space<vmem>>, vector<1x16xf32>,
          %parallel_loop3A_166 = vector.shape_cast %parallel_loop3A_165 : vector<1x16xf32> to vector<16xf32>
          %parallel_loop3A_167 = vector.shape_cast %parallel_loop3A_162 : vector<16xf32> to vector<1x16xf32>
          tpu.vector_store %arg9[%parallel_loop3A_163, %parallel_loop3A_164], %parallel_loop3A_167 {strides = array<i32>} : memref<80x128xf32, #tpu.memory_space<vmem>>, vector<1x16xf32>,
          %parallel_loop3A_168 = arith.index_cast %parallel_loop3A_150 : i32 to index
          %parallel_loop3A_169 = arith.constant 16 : index
          %parallel_loop3A_170 = tpu.vector_load %arg9[%parallel_loop3A_168, %parallel_loop3A_169] {strides = array<i32>} : memref<80x128xf32, #tpu.memory_space<vmem>>, vector<1x16xf32>,
          %parallel_loop3A_171 = vector.shape_cast %parallel_loop3A_170 : vector<1x16xf32> to vector<16xf32>
          %parallel_loop3A_172 = arith.index_cast %parallel_loop3A_150 : i32 to index
          %parallel_loop3A_173 = arith.constant 16 : index
          %parallel_loop3A_174 = tpu.vector_load %arg11[%parallel_loop3A_172, %parallel_loop3A_173] {strides = array<i32>} : memref<80x128xf32, #tpu.memory_space<vmem>>, vector<1x16xf32>,
          %parallel_loop3A_175 = vector.shape_cast %parallel_loop3A_174 : vector<1x16xf32> to vector<16xf32>
          %parallel_loop3A_176 = arith.addf %parallel_loop3A_171, %parallel_loop3A_175 : vector<16xf32>
          %parallel_loop3A_177 = arith.constant 0.000000e+00 : f32
          %parallel_loop3A_178 = vector.broadcast %parallel_loop3A_177 : f32 to vector<16xf32>
          %parallel_loop3A_179 = arith.maximumf %parallel_loop3A_176, %parallel_loop3A_178 : vector<16xf32>
          %parallel_loop3A_180 = arith.index_cast %parallel_loop3A_150 : i32 to index
          %parallel_loop3A_181 = arith.constant 16 : index
          %parallel_loop3A_182 = tpu.vector_load %arg9[%parallel_loop3A_180, %parallel_loop3A_181] {strides = array<i32>} : memref<80x128xf32, #tpu.memory_space<vmem>>, vector<1x16xf32>,
          %parallel_loop3A_183 = vector.shape_cast %parallel_loop3A_182 : vector<1x16xf32> to vector<16xf32>
          %parallel_loop3A_184 = vector.shape_cast %parallel_loop3A_179 : vector<16xf32> to vector<1x16xf32>
          tpu.vector_store %arg9[%parallel_loop3A_180, %parallel_loop3A_181], %parallel_loop3A_184 {strides = array<i32>} : memref<80x128xf32, #tpu.memory_space<vmem>>, vector<1x16xf32>,
          %parallel_loop3A_185 = arith.index_cast %parallel_loop3A_150 : i32 to index
          %parallel_loop3A_186 = arith.constant 32 : index
          %parallel_loop3A_187 = tpu.vector_load %arg9[%parallel_loop3A_185, %parallel_loop3A_186] {strides = array<i32>} : memref<80x128xf32, #tpu.memory_space<vmem>>, vector<1x16xf32>,
          %parallel_loop3A_188 = vector.shape_cast %parallel_loop3A_187 : vector<1x16xf32> to vector<16xf32>
          %parallel_loop3A_189 = arith.index_cast %parallel_loop3A_150 : i32 to index
          %parallel_loop3A_190 = arith.constant 32 : index
          %parallel_loop3A_191 = tpu.vector_load %arg11[%parallel_loop3A_189, %parallel_loop3A_190] {strides = array<i32>} : memref<80x128xf32, #tpu.memory_space<vmem>>, vector<1x16xf32>,
          %parallel_loop3A_192 = vector.shape_cast %parallel_loop3A_191 : vector<1x16xf32> to vector<16xf32>
          %parallel_loop3A_193 = arith.addf %parallel_loop3A_188, %parallel_loop3A_192 : vector<16xf32>
          %parallel_loop3A_194 = arith.constant 0.000000e+00 : f32
          %parallel_loop3A_195 = vector.broadcast %parallel_loop3A_194 : f32 to vector<16xf32>
          %parallel_loop3A_196 = arith.maximumf %parallel_loop3A_193, %parallel_loop3A_195 : vector<16xf32>
          %parallel_loop3A_197 = arith.index_cast %parallel_loop3A_150 : i32 to index
          %parallel_loop3A_198 = arith.constant 32 : index
          %parallel_loop3A_199 = tpu.vector_load %arg9[%parallel_loop3A_197, %parallel_loop3A_198] {strides = array<i32>} : memref<80x128xf32, #tpu.memory_space<vmem>>, vector<1x16xf32>,
          %parallel_loop3A_200 = vector.shape_cast %parallel_loop3A_199 : vector<1x16xf32> to vector<16xf32>
          %parallel_loop3A_201 = vector.shape_cast %parallel_loop3A_196 : vector<16xf32> to vector<1x16xf32>
          tpu.vector_store %arg9[%parallel_loop3A_197, %parallel_loop3A_198], %parallel_loop3A_201 {strides = array<i32>} : memref<80x128xf32, #tpu.memory_space<vmem>>, vector<1x16xf32>,
          %parallel_loop3A_202 = arith.index_cast %parallel_loop3A_150 : i32 to index
          %parallel_loop3A_203 = arith.constant 48 : index
          %parallel_loop3A_204 = tpu.vector_load %arg9[%parallel_loop3A_202, %parallel_loop3A_203] {strides = array<i32>} : memref<80x128xf32, #tpu.memory_space<vmem>>, vector<1x16xf32>,
          %parallel_loop3A_205 = vector.shape_cast %parallel_loop3A_204 : vector<1x16xf32> to vector<16xf32>
          %parallel_loop3A_206 = arith.index_cast %parallel_loop3A_150 : i32 to index
          %parallel_loop3A_207 = arith.constant 48 : index
          %parallel_loop3A_208 = tpu.vector_load %arg11[%parallel_loop3A_206, %parallel_loop3A_207] {strides = array<i32>} : memref<80x128xf32, #tpu.memory_space<vmem>>, vector<1x16xf32>,
          %parallel_loop3A_209 = vector.shape_cast %parallel_loop3A_208 : vector<1x16xf32> to vector<16xf32>
          %parallel_loop3A_210 = arith.addf %parallel_loop3A_205, %parallel_loop3A_209 : vector<16xf32>
          %parallel_loop3A_211 = arith.constant 0.000000e+00 : f32
          %parallel_loop3A_212 = vector.broadcast %parallel_loop3A_211 : f32 to vector<16xf32>
          %parallel_loop3A_213 = arith.maximumf %parallel_loop3A_210, %parallel_loop3A_212 : vector<16xf32>
          %parallel_loop3A_214 = arith.index_cast %parallel_loop3A_150 : i32 to index
          %parallel_loop3A_215 = arith.constant 48 : index
          %parallel_loop3A_216 = tpu.vector_load %arg9[%parallel_loop3A_214, %parallel_loop3A_215] {strides = array<i32>} : memref<80x128xf32, #tpu.memory_space<vmem>>, vector<1x16xf32>,
          %parallel_loop3A_217 = vector.shape_cast %parallel_loop3A_216 : vector<1x16xf32> to vector<16xf32>
          %parallel_loop3A_218 = vector.shape_cast %parallel_loop3A_213 : vector<16xf32> to vector<1x16xf32>
          tpu.vector_store %arg9[%parallel_loop3A_214, %parallel_loop3A_215], %parallel_loop3A_218 {strides = array<i32>} : memref<80x128xf32, #tpu.memory_space<vmem>>, vector<1x16xf32>,
          %parallel_loop3A_219 = arith.index_cast %parallel_loop3A_150 : i32 to index
          %parallel_loop3A_220 = arith.constant 64 : index
          %parallel_loop3A_221 = tpu.vector_load %arg9[%parallel_loop3A_219, %parallel_loop3A_220] {strides = array<i32>} : memref<80x128xf32, #tpu.memory_space<vmem>>, vector<1x16xf32>,
          %parallel_loop3A_222 = vector.shape_cast %parallel_loop3A_221 : vector<1x16xf32> to vector<16xf32>
          %parallel_loop3A_223 = arith.index_cast %parallel_loop3A_150 : i32 to index
          %parallel_loop3A_224 = arith.constant 64 : index
          %parallel_loop3A_225 = tpu.vector_load %arg11[%parallel_loop3A_223, %parallel_loop3A_224] {strides = array<i32>} : memref<80x128xf32, #tpu.memory_space<vmem>>, vector<1x16xf32>,
          %parallel_loop3A_226 = vector.shape_cast %parallel_loop3A_225 : vector<1x16xf32> to vector<16xf32>
          %parallel_loop3A_227 = arith.addf %parallel_loop3A_222, %parallel_loop3A_226 : vector<16xf32>
          %parallel_loop3A_228 = arith.constant 0.000000e+00 : f32
          %parallel_loop3A_229 = vector.broadcast %parallel_loop3A_228 : f32 to vector<16xf32>
          %parallel_loop3A_230 = arith.maximumf %parallel_loop3A_227, %parallel_loop3A_229 : vector<16xf32>
          %parallel_loop3A_231 = arith.index_cast %parallel_loop3A_150 : i32 to index
          %parallel_loop3A_232 = arith.constant 64 : index
          %parallel_loop3A_233 = tpu.vector_load %arg9[%parallel_loop3A_231, %parallel_loop3A_232] {strides = array<i32>} : memref<80x128xf32, #tpu.memory_space<vmem>>, vector<1x16xf32>,
          %parallel_loop3A_234 = vector.shape_cast %parallel_loop3A_233 : vector<1x16xf32> to vector<16xf32>
          %parallel_loop3A_235 = vector.shape_cast %parallel_loop3A_230 : vector<16xf32> to vector<1x16xf32>
          tpu.vector_store %arg9[%parallel_loop3A_231, %parallel_loop3A_232], %parallel_loop3A_235 {strides = array<i32>} : memref<80x128xf32, #tpu.memory_space<vmem>>, vector<1x16xf32>,
          %parallel_loop3A_236 = arith.index_cast %parallel_loop3A_150 : i32 to index
          %parallel_loop3A_237 = arith.constant 80 : index
          %parallel_loop3A_238 = tpu.vector_load %arg9[%parallel_loop3A_236, %parallel_loop3A_237] {strides = array<i32>} : memref<80x128xf32, #tpu.memory_space<vmem>>, vector<1x16xf32>,
          %parallel_loop3A_239 = vector.shape_cast %parallel_loop3A_238 : vector<1x16xf32> to vector<16xf32>
          %parallel_loop3A_240 = arith.index_cast %parallel_loop3A_150 : i32 to index
          %parallel_loop3A_241 = arith.constant 80 : index
          %parallel_loop3A_242 = tpu.vector_load %arg11[%parallel_loop3A_240, %parallel_loop3A_241] {strides = array<i32>} : memref<80x128xf32, #tpu.memory_space<vmem>>, vector<1x16xf32>,
          %parallel_loop3A_243 = vector.shape_cast %parallel_loop3A_242 : vector<1x16xf32> to vector<16xf32>
          %parallel_loop3A_244 = arith.addf %parallel_loop3A_239, %parallel_loop3A_243 : vector<16xf32>
          %parallel_loop3A_245 = arith.constant 0.000000e+00 : f32
          %parallel_loop3A_246 = vector.broadcast %parallel_loop3A_245 : f32 to vector<16xf32>
          %parallel_loop3A_247 = arith.maximumf %parallel_loop3A_244, %parallel_loop3A_246 : vector<16xf32>
          %parallel_loop3A_248 = arith.index_cast %parallel_loop3A_150 : i32 to index
          %parallel_loop3A_249 = arith.constant 80 : index
          %parallel_loop3A_250 = tpu.vector_load %arg9[%parallel_loop3A_248, %parallel_loop3A_249] {strides = array<i32>} : memref<80x128xf32, #tpu.memory_space<vmem>>, vector<1x16xf32>,
          %parallel_loop3A_251 = vector.shape_cast %parallel_loop3A_250 : vector<1x16xf32> to vector<16xf32>
          %parallel_loop3A_252 = vector.shape_cast %parallel_loop3A_247 : vector<16xf32> to vector<1x16xf32>
          tpu.vector_store %arg9[%parallel_loop3A_248, %parallel_loop3A_249], %parallel_loop3A_252 {strides = array<i32>} : memref<80x128xf32, #tpu.memory_space<vmem>>, vector<1x16xf32>,
          %parallel_loop3A_253 = arith.index_cast %parallel_loop3A_150 : i32 to index
          %parallel_loop3A_254 = arith.constant 96 : index
          %parallel_loop3A_255 = tpu.vector_load %arg9[%parallel_loop3A_253, %parallel_loop3A_254] {strides = array<i32>} : memref<80x128xf32, #tpu.memory_space<vmem>>, vector<1x16xf32>,
          %parallel_loop3A_256 = vector.shape_cast %parallel_loop3A_255 : vector<1x16xf32> to vector<16xf32>
          %parallel_loop3A_257 = arith.index_cast %parallel_loop3A_150 : i32 to index
          %parallel_loop3A_258 = arith.constant 96 : index
          %parallel_loop3A_259 = tpu.vector_load %arg11[%parallel_loop3A_257, %parallel_loop3A_258] {strides = array<i32>} : memref<80x128xf32, #tpu.memory_space<vmem>>, vector<1x16xf32>,
          %parallel_loop3A_260 = vector.shape_cast %parallel_loop3A_259 : vector<1x16xf32> to vector<16xf32>
          %parallel_loop3A_261 = arith.addf %parallel_loop3A_256, %parallel_loop3A_260 : vector<16xf32>
          %parallel_loop3A_262 = arith.constant 0.000000e+00 : f32
          %parallel_loop3A_263 = vector.broadcast %parallel_loop3A_262 : f32 to vector<16xf32>
          %parallel_loop3A_264 = arith.maximumf %parallel_loop3A_261, %parallel_loop3A_263 : vector<16xf32>
          %parallel_loop3A_265 = arith.index_cast %parallel_loop3A_150 : i32 to index
          %parallel_loop3A_266 = arith.constant 96 : index
          %parallel_loop3A_267 = tpu.vector_load %arg9[%parallel_loop3A_265, %parallel_loop3A_266] {strides = array<i32>} : memref<80x128xf32, #tpu.memory_space<vmem>>, vector<1x16xf32>,
          %parallel_loop3A_268 = vector.shape_cast %parallel_loop3A_267 : vector<1x16xf32> to vector<16xf32>
          %parallel_loop3A_269 = vector.shape_cast %parallel_loop3A_264 : vector<16xf32> to vector<1x16xf32>
          tpu.vector_store %arg9[%parallel_loop3A_265, %parallel_loop3A_266], %parallel_loop3A_269 {strides = array<i32>} : memref<80x128xf32, #tpu.memory_space<vmem>>, vector<1x16xf32>,
          %parallel_loop3A_270 = arith.index_cast %parallel_loop3A_150 : i32 to index
          %parallel_loop3A_271 = arith.constant 112 : index
          %parallel_loop3A_272 = tpu.vector_load %arg9[%parallel_loop3A_270, %parallel_loop3A_271] {strides = array<i32>} : memref<80x128xf32, #tpu.memory_space<vmem>>, vector<1x16xf32>,
          %parallel_loop3A_273 = vector.shape_cast %parallel_loop3A_272 : vector<1x16xf32> to vector<16xf32>
          %parallel_loop3A_274 = arith.index_cast %parallel_loop3A_150 : i32 to index
          %parallel_loop3A_275 = arith.constant 112 : index
          %parallel_loop3A_276 = tpu.vector_load %arg11[%parallel_loop3A_274, %parallel_loop3A_275] {strides = array<i32>} : memref<80x128xf32, #tpu.memory_space<vmem>>, vector<1x16xf32>,
          %parallel_loop3A_277 = vector.shape_cast %parallel_loop3A_276 : vector<1x16xf32> to vector<16xf32>
          %parallel_loop3A_278 = arith.addf %parallel_loop3A_273, %parallel_loop3A_277 : vector<16xf32>
          %parallel_loop3A_279 = arith.constant 0.000000e+00 : f32
          %parallel_loop3A_280 = vector.broadcast %parallel_loop3A_279 : f32 to vector<16xf32>
          %parallel_loop3A_281 = arith.maximumf %parallel_loop3A_278, %parallel_loop3A_280 : vector<16xf32>
          %parallel_loop3A_282 = arith.index_cast %parallel_loop3A_150 : i32 to index
          %parallel_loop3A_283 = arith.constant 112 : index
          %parallel_loop3A_284 = tpu.vector_load %arg9[%parallel_loop3A_282, %parallel_loop3A_283] {strides = array<i32>} : memref<80x128xf32, #tpu.memory_space<vmem>>, vector<1x16xf32>,
          %parallel_loop3A_285 = vector.shape_cast %parallel_loop3A_284 : vector<1x16xf32> to vector<16xf32>
          %parallel_loop3A_286 = vector.shape_cast %parallel_loop3A_281 : vector<16xf32> to vector<1x16xf32>
          tpu.vector_store %arg9[%parallel_loop3A_282, %parallel_loop3A_283], %parallel_loop3A_286 {strides = array<i32>} : memref<80x128xf32, #tpu.memory_space<vmem>>, vector<1x16xf32>,
        } {sc.loop_unroll_factor = 4 : i64, sc.parallel_access}
        %sub3A_133 = arith.constant 1 : i32
        %sub3A_134 = arith.subi %sub3A_133, %arg0 : i32
        %mul3A_135 = arith.constant 320000 : i32
        %mul3A_136 = arith.muli %sub3A_134, %mul3A_135 : i32
        %add3A_137 = arith.constant 213760 : i32
        %add3A_138 = arith.addi %mul3A_136, %add3A_137 : i32
        %mul3A_139 = arith.constant 83 : i32
        %mul3A_140 = arith.muli %arg1, %mul3A_139 : i32
        %add3A_141 = arith.addi %mul3A_140, %add3A_91 : i32
        %mul3A_142 = arith.constant 80 : i32
        %mul3A_143 = arith.muli %add3A_141, %mul3A_142 : i32
        %add3A_144 = arith.addi %add3A_138, %mul3A_143 : i32
        %dma_wait3A_145 = tpu.memref_slice %arg2[%add3A_144] : memref<640000xi32, #tpu.memory_space<hbm>> -> memref<80xi32, #tpu.memory_space<hbm>>
        %dma_wait3A_146 = tpu.memref_slice %arg2[%add3A_144] : memref<640000xi32, #tpu.memory_space<hbm>> -> memref<80xi32, #tpu.memory_space<hbm>>
        tpu.wait_dma2 semaphore(%arg15 : memref<!tpu.dma_semaphore, #tpu.memory_space<semaphore_mem>>) src(%dma_wait3A_146 : memref<80xi32, #tpu.memory_space<hbm>>) dst(%arg7 : memref<80xi32, #tpu.memory_space<vmem>>)
        %dma_start3A_147 = arith.constant 0 : i32
        %dma_start3A_148 = arith.constant 0 : i32
        %dma_start3A_149 = tpu.memref_slice %arg13[%dma_start3A_147, %dma_start3A_148] : memref<10000x128xf32, #tpu.memory_space<vmem_shared>> -> memref<10000x128xf32, #tpu.memory_space<vmem_shared>>
        tpu.enqueue_indirect_dma source(%arg9 : memref<80x128xf32, #tpu.memory_space<vmem>>) target(%dma_start3A_149 : memref<10000x128xf32, #tpu.memory_space<vmem_shared>>) offsets(%arg7 : memref<80xi32, #tpu.memory_space<vmem>>) semaphore(%arg21 : memref<!tpu.dma_semaphore, #tpu.memory_space<semaphore_mem>>) {add = true}
      } else {
      }
    }
    %scan3A_57 = arith.constant 42 : i32
    %barrier3A_58 = arith.constant 0 : index
    tpu.barrier barrier_id(%barrier3A_58)
    "tpu.region"() ({
      %run_scoped3A = tpu.sem_alloc : memref<!tpu.dma_semaphore, #tpu.memory_space<semaphore_mem>>
      %dma_start3A_64 = arith.constant 0 : i32
      %dma_start3A_65 = tpu.memref_slice %arg5[%arg0, %mul3A_11, %dma_start3A_64] : memref<2x10000x128xf32, #tpu.memory_space<hbm>> -> memref<1x624x128xf32, #tpu.memory_space<hbm>>
      %dma_start3A_66 = tpu.memref_squeeze %dma_start3A_65 : memref<1x624x128xf32, #tpu.memory_space<hbm>> -> memref<624x128xf32, #tpu.memory_space<hbm>>
      %dma_start3A_67 = arith.constant 0 : i32
      %dma_start3A_68 = tpu.memref_slice %arg13[%mul3A_11, %dma_start3A_67] : memref<10000x128xf32, #tpu.memory_space<vmem_shared>> -> memref<624x128xf32, #tpu.memory_space<vmem_shared>>
      tpu.enqueue_dma source(%dma_start3A_68 : memref<624x128xf32, #tpu.memory_space<vmem_shared>>) target(%dma_start3A_66 : memref<624x128xf32, #tpu.memory_space<hbm>>) target_semaphore(%run_scoped3A : memref<!tpu.dma_semaphore, #tpu.memory_space<semaphore_mem>>)
      %dma_wait3A_69 = arith.constant 0 : i32
      %dma_wait3A_70 = tpu.memref_slice %arg5[%arg0, %mul3A_11, %dma_wait3A_69] : memref<2x10000x128xf32, #tpu.memory_space<hbm>> -> memref<1x624x128xf32, #tpu.memory_space<hbm>>
      %dma_wait3A_71 = tpu.memref_squeeze %dma_wait3A_70 : memref<1x624x128xf32, #tpu.memory_space<hbm>> -> memref<624x128xf32, #tpu.memory_space<hbm>>
      %dma_wait3A_72 = arith.constant 0 : i32
      %dma_wait3A_73 = tpu.memref_slice %arg13[%mul3A_11, %dma_wait3A_72] : memref<10000x128xf32, #tpu.memory_space<vmem_shared>> -> memref<624x128xf32, #tpu.memory_space<vmem_shared>>
      tpu.wait_dma2 semaphore(%run_scoped3A : memref<!tpu.dma_semaphore, #tpu.memory_space<semaphore_mem>>) src(%dma_wait3A_73 : memref<624x128xf32, #tpu.memory_space<vmem_shared>>) dst(%dma_wait3A_71 : memref<624x128xf32, #tpu.memory_space<hbm>>)
      tpu.yield
    }) : () -> ()
    %eq3A_59 = arith.constant 15 : i32
    %eq3A_60 = arith.cmpi eq, %arg1, %eq3A_59 : i32
    %convert_element_type3A_61 = arith.extui %eq3A_60 : i1 to i32
    %cond3A_62 = arith.constant 0 : i32
    %cond3A_63 = arith.cmpi ne, %convert_element_type3A_61, %cond3A_62 : i32
    scf.if %cond3A_63 {
      "tpu.region"() ({
        %run_scoped3A = tpu.sem_alloc : memref<!tpu.dma_semaphore, #tpu.memory_space<semaphore_mem>>
        %dma_start3A_64 = arith.constant 9984 : i32
        %dma_start3A_65 = arith.constant 0 : i32
        %dma_start3A_66 = tpu.memref_slice %arg5[%arg0, %dma_start3A_64, %dma_start3A_65] : memref<2x10000x128xf32, #tpu.memory_space<hbm>> -> memref<1x16x128xf32, #tpu.memory_space<hbm>>
        %dma_start3A_67 = tpu.memref_squeeze %dma_start3A_66 : memref<1x16x128xf32, #tpu.memory_space<hbm>> -> memref<16x128xf32, #tpu.memory_space<hbm>>
        %dma_start3A_68 = arith.constant 9984 : i32
        %dma_start3A_69 = arith.constant 0 : i32
        %dma_start3A_70 = tpu.memref_slice %arg13[%dma_start3A_68, %dma_start3A_69] : memref<10000x128xf32, #tpu.memory_space<vmem_shared>> -> memref<16x128xf32, #tpu.memory_space<vmem_shared>>
        tpu.enqueue_dma source(%dma_start3A_70 : memref<16x128xf32, #tpu.memory_space<vmem_shared>>) target(%dma_start3A_67 : memref<16x128xf32, #tpu.memory_space<hbm>>) target_semaphore(%run_scoped3A : memref<!tpu.dma_semaphore, #tpu.memory_space<semaphore_mem>>)
        %dma_wait3A_71 = arith.constant 9984 : i32
        %dma_wait3A_72 = arith.constant 0 : i32
        %dma_wait3A_73 = tpu.memref_slice %arg5[%arg0, %dma_wait3A_71, %dma_wait3A_72] : memref<2x10000x128xf32, #tpu.memory_space<hbm>> -> memref<1x16x128xf32, #tpu.memory_space<hbm>>
        %dma_wait3A_74 = tpu.memref_squeeze %dma_wait3A_73 : memref<1x16x128xf32, #tpu.memory_space<hbm>> -> memref<16x128xf32, #tpu.memory_space<hbm>>
        %dma_wait3A_75 = arith.constant 9984 : i32
        %dma_wait3A_76 = arith.constant 0 : i32
        %dma_wait3A_77 = tpu.memref_slice %arg13[%dma_wait3A_75, %dma_wait3A_76] : memref<10000x128xf32, #tpu.memory_space<vmem_shared>> -> memref<16x128xf32, #tpu.memory_space<vmem_shared>>
        tpu.wait_dma2 semaphore(%run_scoped3A : memref<!tpu.dma_semaphore, #tpu.memory_space<semaphore_mem>>) src(%dma_wait3A_77 : memref<16x128xf32, #tpu.memory_space<vmem_shared>>) dst(%dma_wait3A_74 : memref<16x128xf32, #tpu.memory_space<hbm>>)
        tpu.yield
      }) : () -> ()
    } else {
    }
    return
  }
}

#map = affine_map<(d0, d1) -> (0)>
#map1 = affine_map<(d0, d1) -> (0, 0)>
#map2 = affine_map<(d0, d1) -> (0, 0, 0)>
module attributes {stable_mosaic.version = 14 : i64} {
  func.func @k(%arg0: i32, %arg1: i32, %arg2: memref<640000xi32, #tpu.memory_space<hbm>>, %arg3: memref<10000x128xf32, #tpu.memory_space<hbm>>, %arg4: memref<2x107520x128xf32, #tpu.memory_space<hbm>>, %arg5: memref<2x10000x128xf32, #tpu.memory_space<hbm>>, %arg6: memref<80xi32, #tpu.memory_space<vmem>>, %arg7: memref<80xi32, #tpu.memory_space<vmem>>, %arg8: memref<80x128xf32, #tpu.memory_space<vmem>>, %arg9: memref<80x128xf32, #tpu.memory_space<vmem>>, %arg10: memref<80x128xf32, #tpu.memory_space<vmem>>, %arg11: memref<80x128xf32, #tpu.memory_space<vmem>>, %arg12: memref<6720xi32, #tpu.memory_space<vmem>>, %arg13: memref<10000x128xf32, #tpu.memory_space<vmem_shared>>, %arg14: memref<!tpu.dma_semaphore, #tpu.memory_space<semaphore_mem>>, %arg15: memref<!tpu.dma_semaphore, #tpu.memory_space<semaphore_mem>>, %arg16: memref<!tpu.dma_semaphore, #tpu.memory_space<semaphore_mem>>, %arg17: memref<!tpu.dma_semaphore, #tpu.memory_space<semaphore_mem>>, %arg18: memref<!tpu.dma_semaphore, #tpu.memory_space<semaphore_mem>>, %arg19: memref<!tpu.dma_semaphore, #tpu.memory_space<semaphore_mem>>, %arg20: memref<!tpu.dma_semaphore, #tpu.memory_space<semaphore_mem>>, %arg21: memref<!tpu.dma_semaphore, #tpu.memory_space<semaphore_mem>>) attributes {dimension_semantics = [#tpu.dimension_semantics<core_parallel>, #tpu.dimension_semantics<subcore_parallel>], iteration_bounds = array<i64: 2, 16>, scalar_prefetch = 0 : i64, scratch_operands = 16 : i64, tpu.core_type = #tpu.core_type<sc_vector_subcore>, window_params = [{transform_indices = #map}, {transform_indices = #map1}, {transform_indices = #map2}, {transform_indices = #map2}]} {
    %mul3A = arith.constant 320000 : i32
    %mul3A_0 = arith.muli %arg0, %mul3A : i32
    %add3A = arith.constant 0 : i32
    %add3A_1 = arith.addi %mul3A_0, %add3A : i32
    %mul3A_2 = arith.constant 6720 : i32
    %mul3A_3 = arith.muli %arg1, %mul3A_2 : i32
    %add3A_4 = arith.addi %add3A_1, %mul3A_3 : i32
    %dma_start3A = tpu.memref_slice %arg2[%add3A_4] : memref<640000xi32, #tpu.memory_space<hbm>> -> memref<6720xi32, #tpu.memory_space<hbm>>
    %dma_start3A_5 = tpu.memref_slice %arg2[%add3A_4] : memref<640000xi32, #tpu.memory_space<hbm>> -> memref<6720xi32, #tpu.memory_space<hbm>>
    tpu.enqueue_dma source(%dma_start3A_5 : memref<6720xi32, #tpu.memory_space<hbm>>) target(%arg12 : memref<6720xi32, #tpu.memory_space<vmem>>) target_semaphore(%arg20 : memref<!tpu.dma_semaphore, #tpu.memory_space<semaphore_mem>>)
    %scan3A = arith.constant 0 : i32
    %scan3A_6 = arith.constant 80 : i32
    %scan3A_7 = arith.addi %scan3A, %scan3A_6 : i32
    %scan3A_8 = arith.constant 1 : i32
    scf.for %scan3A_64 = %scan3A to %scan3A_7 step %scan3A_8  : i32 {
      %mul3A_65 = arith.constant 1 : i32
      %mul3A_66 = arith.muli %scan3A_64, %mul3A_65 : i32
      %add3A_67 = arith.constant 0 : i32
      %add3A_68 = arith.addi %add3A_67, %mul3A_66 : i32
      %broadcast_in_dim3A = arith.constant 0.000000e+00 : f32
      %broadcast_in_dim3A_69 = vector.broadcast %broadcast_in_dim3A : f32 to vector<16xf32>
      %swap3A = arith.index_cast %add3A_68 : i32 to index
      %swap3A_70 = arith.constant 0 : index
      %swap3A_71 = tpu.vector_load %arg8[%swap3A, %swap3A_70] {strides = array<i32>} : memref<80x128xf32, #tpu.memory_space<vmem>>, vector<1x16xf32>,
      %swap3A_72 = vector.shape_cast %swap3A_71 : vector<1x16xf32> to vector<16xf32>
      %swap3A_73 = vector.shape_cast %broadcast_in_dim3A_69 : vector<16xf32> to vector<1x16xf32>
      tpu.vector_store %arg8[%swap3A, %swap3A_70], %swap3A_73 {strides = array<i32>} : memref<80x128xf32, #tpu.memory_space<vmem>>, vector<1x16xf32>,
      %broadcast_in_dim3A_74 = arith.constant 0.000000e+00 : f32
      %broadcast_in_dim3A_75 = vector.broadcast %broadcast_in_dim3A_74 : f32 to vector<16xf32>
      %swap3A_76 = arith.index_cast %add3A_68 : i32 to index
      %swap3A_77 = arith.constant 16 : index
      %swap3A_78 = tpu.vector_load %arg8[%swap3A_76, %swap3A_77] {strides = array<i32>} : memref<80x128xf32, #tpu.memory_space<vmem>>, vector<1x16xf32>,
      %swap3A_79 = vector.shape_cast %swap3A_78 : vector<1x16xf32> to vector<16xf32>
      %swap3A_80 = vector.shape_cast %broadcast_in_dim3A_75 : vector<16xf32> to vector<1x16xf32>
      tpu.vector_store %arg8[%swap3A_76, %swap3A_77], %swap3A_80 {strides = array<i32>} : memref<80x128xf32, #tpu.memory_space<vmem>>, vector<1x16xf32>,
      %broadcast_in_dim3A_81 = arith.constant 0.000000e+00 : f32
      %broadcast_in_dim3A_82 = vector.broadcast %broadcast_in_dim3A_81 : f32 to vector<16xf32>
      %swap3A_83 = arith.index_cast %add3A_68 : i32 to index
      %swap3A_84 = arith.constant 32 : index
      %swap3A_85 = tpu.vector_load %arg8[%swap3A_83, %swap3A_84] {strides = array<i32>} : memref<80x128xf32, #tpu.memory_space<vmem>>, vector<1x16xf32>,
      %swap3A_86 = vector.shape_cast %swap3A_85 : vector<1x16xf32> to vector<16xf32>
      %swap3A_87 = vector.shape_cast %broadcast_in_dim3A_82 : vector<16xf32> to vector<1x16xf32>
      tpu.vector_store %arg8[%swap3A_83, %swap3A_84], %swap3A_87 {strides = array<i32>} : memref<80x128xf32, #tpu.memory_space<vmem>>, vector<1x16xf32>,
      %broadcast_in_dim3A_88 = arith.constant 0.000000e+00 : f32
      %broadcast_in_dim3A_89 = vector.broadcast %broadcast_in_dim3A_88 : f32 to vector<16xf32>
      %swap3A_90 = arith.index_cast %add3A_68 : i32 to index
      %swap3A_91 = arith.constant 48 : index
      %swap3A_92 = tpu.vector_load %arg8[%swap3A_90, %swap3A_91] {strides = array<i32>} : memref<80x128xf32, #tpu.memory_space<vmem>>, vector<1x16xf32>,
      %swap3A_93 = vector.shape_cast %swap3A_92 : vector<1x16xf32> to vector<16xf32>
      %swap3A_94 = vector.shape_cast %broadcast_in_dim3A_89 : vector<16xf32> to vector<1x16xf32>
      tpu.vector_store %arg8[%swap3A_90, %swap3A_91], %swap3A_94 {strides = array<i32>} : memref<80x128xf32, #tpu.memory_space<vmem>>, vector<1x16xf32>,
      %broadcast_in_dim3A_95 = arith.constant 0.000000e+00 : f32
      %broadcast_in_dim3A_96 = vector.broadcast %broadcast_in_dim3A_95 : f32 to vector<16xf32>
      %swap3A_97 = arith.index_cast %add3A_68 : i32 to index
      %swap3A_98 = arith.constant 64 : index
      %swap3A_99 = tpu.vector_load %arg8[%swap3A_97, %swap3A_98] {strides = array<i32>} : memref<80x128xf32, #tpu.memory_space<vmem>>, vector<1x16xf32>,
      %swap3A_100 = vector.shape_cast %swap3A_99 : vector<1x16xf32> to vector<16xf32>
      %swap3A_101 = vector.shape_cast %broadcast_in_dim3A_96 : vector<16xf32> to vector<1x16xf32>
      tpu.vector_store %arg8[%swap3A_97, %swap3A_98], %swap3A_101 {strides = array<i32>} : memref<80x128xf32, #tpu.memory_space<vmem>>, vector<1x16xf32>,
      %broadcast_in_dim3A_102 = arith.constant 0.000000e+00 : f32
      %broadcast_in_dim3A_103 = vector.broadcast %broadcast_in_dim3A_102 : f32 to vector<16xf32>
      %swap3A_104 = arith.index_cast %add3A_68 : i32 to index
      %swap3A_105 = arith.constant 80 : index
      %swap3A_106 = tpu.vector_load %arg8[%swap3A_104, %swap3A_105] {strides = array<i32>} : memref<80x128xf32, #tpu.memory_space<vmem>>, vector<1x16xf32>,
      %swap3A_107 = vector.shape_cast %swap3A_106 : vector<1x16xf32> to vector<16xf32>
      %swap3A_108 = vector.shape_cast %broadcast_in_dim3A_103 : vector<16xf32> to vector<1x16xf32>
      tpu.vector_store %arg8[%swap3A_104, %swap3A_105], %swap3A_108 {strides = array<i32>} : memref<80x128xf32, #tpu.memory_space<vmem>>, vector<1x16xf32>,
      %broadcast_in_dim3A_109 = arith.constant 0.000000e+00 : f32
      %broadcast_in_dim3A_110 = vector.broadcast %broadcast_in_dim3A_109 : f32 to vector<16xf32>
      %swap3A_111 = arith.index_cast %add3A_68 : i32 to index
      %swap3A_112 = arith.constant 96 : index
      %swap3A_113 = tpu.vector_load %arg8[%swap3A_111, %swap3A_112] {strides = array<i32>} : memref<80x128xf32, #tpu.memory_space<vmem>>, vector<1x16xf32>,
      %swap3A_114 = vector.shape_cast %swap3A_113 : vector<1x16xf32> to vector<16xf32>
      %swap3A_115 = vector.shape_cast %broadcast_in_dim3A_110 : vector<16xf32> to vector<1x16xf32>
      tpu.vector_store %arg8[%swap3A_111, %swap3A_112], %swap3A_115 {strides = array<i32>} : memref<80x128xf32, #tpu.memory_space<vmem>>, vector<1x16xf32>,
      %broadcast_in_dim3A_116 = arith.constant 0.000000e+00 : f32
      %broadcast_in_dim3A_117 = vector.broadcast %broadcast_in_dim3A_116 : f32 to vector<16xf32>
      %swap3A_118 = arith.index_cast %add3A_68 : i32 to index
      %swap3A_119 = arith.constant 112 : index
      %swap3A_120 = tpu.vector_load %arg8[%swap3A_118, %swap3A_119] {strides = array<i32>} : memref<80x128xf32, #tpu.memory_space<vmem>>, vector<1x16xf32>,
      %swap3A_121 = vector.shape_cast %swap3A_120 : vector<1x16xf32> to vector<16xf32>
      %swap3A_122 = vector.shape_cast %broadcast_in_dim3A_117 : vector<16xf32> to vector<1x16xf32>
      tpu.vector_store %arg8[%swap3A_118, %swap3A_119], %swap3A_122 {strides = array<i32>} : memref<80x128xf32, #tpu.memory_space<vmem>>, vector<1x16xf32>,
    }
    %scan3A_9 = arith.constant 80 : i32
    %mul3A_10 = arith.constant 624 : i32
    %mul3A_11 = arith.muli %arg1, %mul3A_10 : i32
    %scan3A_12 = arith.constant 0 : i32
    %scan3A_13 = arith.constant 7 : i32
    %scan3A_14 = arith.addi %scan3A_12, %scan3A_13 : i32
    %scan3A_15 = arith.constant 1 : i32
    scf.for %scan3A_64 = %scan3A_12 to %scan3A_14 step %scan3A_15  : i32 {
      %mul3A_65 = arith.constant 1 : i32
      %mul3A_66 = arith.muli %scan3A_64, %mul3A_65 : i32
      %add3A_67 = arith.constant 0 : i32
      %add3A_68 = arith.addi %add3A_67, %mul3A_66 : i32
      %mul3A_69 = arith.constant 80 : i32
      %mul3A_70 = arith.muli %add3A_68, %mul3A_69 : i32
      %add3A_71 = arith.addi %mul3A_11, %mul3A_70 : i32
      "tpu.region"() ({
        %run_scoped3A = tpu.sem_alloc : memref<!tpu.dma_semaphore, #tpu.memory_space<semaphore_mem>>
        %dma_start3A_72 = arith.constant 0 : i32
        %dma_start3A_73 = tpu.memref_slice %arg13[%add3A_71, %dma_start3A_72] : memref<10000x128xf32, #tpu.memory_space<vmem_shared>> -> memref<80x128xf32, #tpu.memory_space<vmem_shared>>
        %dma_start3A_74 = arith.constant 0 : i32
        %dma_start3A_75 = tpu.memref_slice %arg13[%add3A_71, %dma_start3A_74] : memref<10000x128xf32, #tpu.memory_space<vmem_shared>> -> memref<80x128xf32, #tpu.memory_space<vmem_shared>>
        tpu.enqueue_dma source(%arg8 : memref<80x128xf32, #tpu.memory_space<vmem>>) target(%dma_start3A_75 : memref<80x128xf32, #tpu.memory_space<vmem_shared>>) target_semaphore(%run_scoped3A : memref<!tpu.dma_semaphore, #tpu.memory_space<semaphore_mem>>)
        %dma_wait3A_76 = arith.constant 0 : i32
        %dma_wait3A_77 = tpu.memref_slice %arg13[%add3A_71, %dma_wait3A_76] : memref<10000x128xf32, #tpu.memory_space<vmem_shared>> -> memref<80x128xf32, #tpu.memory_space<vmem_shared>>
        %dma_wait3A_78 = arith.constant 0 : i32
        %dma_wait3A_79 = tpu.memref_slice %arg13[%add3A_71, %dma_wait3A_78] : memref<10000x128xf32, #tpu.memory_space<vmem_shared>> -> memref<80x128xf32, #tpu.memory_space<vmem_shared>>
        tpu.wait_dma2 semaphore(%run_scoped3A : memref<!tpu.dma_semaphore, #tpu.memory_space<semaphore_mem>>) src(%arg8 : memref<80x128xf32, #tpu.memory_space<vmem>>) dst(%dma_wait3A_79 : memref<80x128xf32, #tpu.memory_space<vmem_shared>>)
        tpu.yield
      }) : () -> ()
    }
    %scan3A_16 = arith.constant 7 : i32
    %add3A_17 = arith.constant 560 : i32
    %add3A_18 = arith.addi %mul3A_11, %add3A_17 : i32
    "tpu.region"() ({
      %run_scoped3A = tpu.sem_alloc : memref<!tpu.dma_semaphore, #tpu.memory_space<semaphore_mem>>
      %dma_start3A_64 = arith.constant 0 : i32
      %dma_start3A_65 = arith.constant 0 : i32
      %dma_start3A_66 = tpu.memref_slice %arg8[%dma_start3A_64, %dma_start3A_65] : memref<80x128xf32, #tpu.memory_space<vmem>> -> memref<64x128xf32, #tpu.memory_space<vmem>>
      %dma_start3A_67 = arith.constant 0 : i32
      %dma_start3A_68 = tpu.memref_slice %arg13[%add3A_18, %dma_start3A_67] : memref<10000x128xf32, #tpu.memory_space<vmem_shared>> -> memref<64x128xf32, #tpu.memory_space<vmem_shared>>
      %dma_start3A_69 = arith.constant 0 : i32
      %dma_start3A_70 = tpu.memref_slice %arg13[%add3A_18, %dma_start3A_69] : memref<10000x128xf32, #tpu.memory_space<vmem_shared>> -> memref<64x128xf32, #tpu.memory_space<vmem_shared>>
      %dma_start3A_71 = arith.constant 0 : i32
      %dma_start3A_72 = arith.constant 0 : i32
      %dma_start3A_73 = tpu.memref_slice %arg8[%dma_start3A_71, %dma_start3A_72] : memref<80x128xf32, #tpu.memory_space<vmem>> -> memref<64x128xf32, #tpu.memory_space<vmem>>
      tpu.enqueue_dma source(%dma_start3A_73 : memref<64x128xf32, #tpu.memory_space<vmem>>) target(%dma_start3A_70 : memref<64x128xf32, #tpu.memory_space<vmem_shared>>) target_semaphore(%run_scoped3A : memref<!tpu.dma_semaphore, #tpu.memory_space<semaphore_mem>>)
      %dma_wait3A_74 = arith.constant 0 : i32
      %dma_wait3A_75 = arith.constant 0 : i32
      %dma_wait3A_76 = tpu.memref_slice %arg8[%dma_wait3A_74, %dma_wait3A_75] : memref<80x128xf32, #tpu.memory_space<vmem>> -> memref<64x128xf32, #tpu.memory_space<vmem>>
      %dma_wait3A_77 = arith.constant 0 : i32
      %dma_wait3A_78 = tpu.memref_slice %arg13[%add3A_18, %dma_wait3A_77] : memref<10000x128xf32, #tpu.memory_space<vmem_shared>> -> memref<64x128xf32, #tpu.memory_space<vmem_shared>>
      %dma_wait3A_79 = arith.constant 0 : i32
      %dma_wait3A_80 = tpu.memref_slice %arg13[%add3A_18, %dma_wait3A_79] : memref<10000x128xf32, #tpu.memory_space<vmem_shared>> -> memref<64x128xf32, #tpu.memory_space<vmem_shared>>
      %dma_wait3A_81 = arith.constant 0 : i32
      %dma_wait3A_82 = arith.constant 0 : i32
      %dma_wait3A_83 = tpu.memref_slice %arg8[%dma_wait3A_81, %dma_wait3A_82] : memref<80x128xf32, #tpu.memory_space<vmem>> -> memref<64x128xf32, #tpu.memory_space<vmem>>
      tpu.wait_dma2 semaphore(%run_scoped3A : memref<!tpu.dma_semaphore, #tpu.memory_space<semaphore_mem>>) src(%dma_wait3A_83 : memref<64x128xf32, #tpu.memory_space<vmem>>) dst(%dma_wait3A_80 : memref<64x128xf32, #tpu.memory_space<vmem_shared>>)
      tpu.yield
    }) : () -> ()
    %eq3A = arith.constant 15 : i32
    %eq3A_19 = arith.cmpi eq, %arg1, %eq3A : i32
    %convert_element_type3A = arith.extui %eq3A_19 : i1 to i32
    %cond3A = arith.constant 0 : i32
    %cond3A_20 = arith.cmpi ne, %convert_element_type3A, %cond3A : i32
    scf.if %cond3A_20 {
      "tpu.region"() ({
        %run_scoped3A = tpu.sem_alloc : memref<!tpu.dma_semaphore, #tpu.memory_space<semaphore_mem>>
        %dma_start3A_64 = arith.constant 0 : i32
        %dma_start3A_65 = arith.constant 0 : i32
        %dma_start3A_66 = tpu.memref_slice %arg8[%dma_start3A_64, %dma_start3A_65] : memref<80x128xf32, #tpu.memory_space<vmem>> -> memref<16x128xf32, #tpu.memory_space<vmem>>
        %dma_start3A_67 = arith.constant 9984 : i32
        %dma_start3A_68 = arith.constant 0 : i32
        %dma_start3A_69 = tpu.memref_slice %arg13[%dma_start3A_67, %dma_start3A_68] : memref<10000x128xf32, #tpu.memory_space<vmem_shared>> -> memref<16x128xf32, #tpu.memory_space<vmem_shared>>
        %dma_start3A_70 = arith.constant 9984 : i32
        %dma_start3A_71 = arith.constant 0 : i32
        %dma_start3A_72 = tpu.memref_slice %arg13[%dma_start3A_70, %dma_start3A_71] : memref<10000x128xf32, #tpu.memory_space<vmem_shared>> -> memref<16x128xf32, #tpu.memory_space<vmem_shared>>
        %dma_start3A_73 = arith.constant 0 : i32
        %dma_start3A_74 = arith.constant 0 : i32
        %dma_start3A_75 = tpu.memref_slice %arg8[%dma_start3A_73, %dma_start3A_74] : memref<80x128xf32, #tpu.memory_space<vmem>> -> memref<16x128xf32, #tpu.memory_space<vmem>>
        tpu.enqueue_dma source(%dma_start3A_75 : memref<16x128xf32, #tpu.memory_space<vmem>>) target(%dma_start3A_72 : memref<16x128xf32, #tpu.memory_space<vmem_shared>>) target_semaphore(%run_scoped3A : memref<!tpu.dma_semaphore, #tpu.memory_space<semaphore_mem>>)
        %dma_wait3A_76 = arith.constant 0 : i32
        %dma_wait3A_77 = arith.constant 0 : i32
        %dma_wait3A_78 = tpu.memref_slice %arg8[%dma_wait3A_76, %dma_wait3A_77] : memref<80x128xf32, #tpu.memory_space<vmem>> -> memref<16x128xf32, #tpu.memory_space<vmem>>
        %dma_wait3A_79 = arith.constant 9984 : i32
        %dma_wait3A_80 = arith.constant 0 : i32
        %dma_wait3A_81 = tpu.memref_slice %arg13[%dma_wait3A_79, %dma_wait3A_80] : memref<10000x128xf32, #tpu.memory_space<vmem_shared>> -> memref<16x128xf32, #tpu.memory_space<vmem_shared>>
        %dma_wait3A_82 = arith.constant 9984 : i32
        %dma_wait3A_83 = arith.constant 0 : i32
        %dma_wait3A_84 = tpu.memref_slice %arg13[%dma_wait3A_82, %dma_wait3A_83] : memref<10000x128xf32, #tpu.memory_space<vmem_shared>> -> memref<16x128xf32, #tpu.memory_space<vmem_shared>>
        %dma_wait3A_85 = arith.constant 0 : i32
        %dma_wait3A_86 = arith.constant 0 : i32
        %dma_wait3A_87 = tpu.memref_slice %arg8[%dma_wait3A_85, %dma_wait3A_86] : memref<80x128xf32, #tpu.memory_space<vmem>> -> memref<16x128xf32, #tpu.memory_space<vmem>>
        tpu.wait_dma2 semaphore(%run_scoped3A : memref<!tpu.dma_semaphore, #tpu.memory_space<semaphore_mem>>) src(%dma_wait3A_87 : memref<16x128xf32, #tpu.memory_space<vmem>>) dst(%dma_wait3A_84 : memref<16x128xf32, #tpu.memory_space<vmem_shared>>)
        tpu.yield
      }) : () -> ()
    } else {
    }
    %dma_wait3A = tpu.memref_slice %arg2[%add3A_4] : memref<640000xi32, #tpu.memory_space<hbm>> -> memref<6720xi32, #tpu.memory_space<hbm>>
    %dma_wait3A_21 = tpu.memref_slice %arg2[%add3A_4] : memref<640000xi32, #tpu.memory_space<hbm>> -> memref<6720xi32, #tpu.memory_space<hbm>>
    tpu.wait_dma2 semaphore(%arg20 : memref<!tpu.dma_semaphore, #tpu.memory_space<semaphore_mem>>) src(%dma_wait3A_21 : memref<6720xi32, #tpu.memory_space<hbm>>) dst(%arg12 : memref<6720xi32, #tpu.memory_space<vmem>>)
    %barrier3A = arith.constant 0 : index
    tpu.barrier barrier_id(%barrier3A)
    %sub3A = arith.constant 1 : i32
    %sub3A_22 = arith.subi %sub3A, %arg0 : i32
    %mul3A_23 = arith.constant 320000 : i32
    %mul3A_24 = arith.muli %sub3A_22, %mul3A_23 : i32
    %add3A_25 = arith.constant 0 : i32
    %add3A_26 = arith.addi %mul3A_24, %add3A_25 : i32
    %mul3A_27 = arith.constant 84 : i32
    %mul3A_28 = arith.muli %arg1, %mul3A_27 : i32
    %add3A_29 = arith.constant 0 : i32
    %add3A_30 = arith.addi %mul3A_28, %add3A_29 : i32
    %mul3A_31 = arith.constant 80 : i32
    %mul3A_32 = arith.muli %add3A_30, %mul3A_31 : i32
    %add3A_33 = arith.addi %add3A_26, %mul3A_32 : i32
    %dma_start3A_34 = tpu.memref_slice %arg2[%add3A_33] : memref<640000xi32, #tpu.memory_space<hbm>> -> memref<80xi32, #tpu.memory_space<hbm>>
    %dma_start3A_35 = tpu.memref_slice %arg2[%add3A_33] : memref<640000xi32, #tpu.memory_space<hbm>> -> memref<80xi32, #tpu.memory_space<hbm>>
    tpu.enqueue_dma source(%dma_start3A_35 : memref<80xi32, #tpu.memory_space<hbm>>) target(%arg6 : memref<80xi32, #tpu.memory_space<vmem>>) target_semaphore(%arg14 : memref<!tpu.dma_semaphore, #tpu.memory_space<semaphore_mem>>)
    %mul3A_36 = arith.constant 84 : i32
    %mul3A_37 = arith.muli %arg1, %mul3A_36 : i32
    %add3A_38 = arith.constant 0 : i32
    %add3A_39 = arith.addi %mul3A_37, %add3A_38 : i32
    %mul3A_40 = arith.constant 80 : i32
    %mul3A_41 = arith.muli %add3A_39, %mul3A_40 : i32
    %dma_start3A_42 = arith.constant 0 : i32
    %dma_start3A_43 = tpu.memref_slice %arg4[%arg0, %mul3A_41, %dma_start3A_42] : memref<2x107520x128xf32, #tpu.memory_space<hbm>> -> memref<1x80x128xf32, #tpu.memory_space<hbm>>
    %dma_start3A_44 = tpu.memref_squeeze %dma_start3A_43 : memref<1x80x128xf32, #tpu.memory_space<hbm>> -> memref<80x128xf32, #tpu.memory_space<hbm>>
    %dma_start3A_45 = arith.constant 0 : i32
    %dma_start3A_46 = tpu.memref_slice %arg4[%arg0, %mul3A_41, %dma_start3A_45] : memref<2x107520x128xf32, #tpu.memory_space<hbm>> -> memref<1x80x128xf32, #tpu.memory_space<hbm>>
    %dma_start3A_47 = tpu.memref_squeeze %dma_start3A_46 : memref<1x80x128xf32, #tpu.memory_space<hbm>> -> memref<80x128xf32, #tpu.memory_space<hbm>>
    tpu.enqueue_dma source(%dma_start3A_47 : memref<80x128xf32, #tpu.memory_space<hbm>>) target(%arg10 : memref<80x128xf32, #tpu.memory_space<vmem>>) target_semaphore(%arg18 : memref<!tpu.dma_semaphore, #tpu.memory_space<semaphore_mem>>)
    %dma_start3A_48 = arith.constant 0 : i32
    %dma_start3A_49 = tpu.memref_slice %arg12[%dma_start3A_48] : memref<6720xi32, #tpu.memory_space<vmem>> -> memref<80xi32, #tpu.memory_space<vmem>>
    %dma_start3A_50 = arith.constant 0 : i32
    %dma_start3A_51 = arith.constant 0 : i32
    %dma_start3A_52 = tpu.memref_slice %arg3[%dma_start3A_50, %dma_start3A_51] : memref<10000x128xf32, #tpu.memory_space<hbm>> -> memref<10000x128xf32, #tpu.memory_space<hbm>>
    tpu.enqueue_indirect_dma source(%dma_start3A_52 : memref<10000x128xf32, #tpu.memory_space<hbm>>) target(%arg8 : memref<80x128xf32, #tpu.memory_space<vmem>>) offsets(%dma_start3A_49 : memref<80xi32, #tpu.memory_space<vmem>>) semaphore(%arg16 : memref<!tpu.dma_semaphore, #tpu.memory_space<semaphore_mem>>)
    %scan3A_53 = arith.constant 0 : i32
    %scan3A_54 = arith.constant 43 : i32
    %scan3A_55 = arith.addi %scan3A_53, %scan3A_54 : i32
    %scan3A_56 = arith.constant 1 : i32
    scf.for %scan3A_64 = %scan3A_53 to %scan3A_55 step %scan3A_56  : i32 {
      %mul3A_65 = arith.constant 2 : i32
      %mul3A_66 = arith.muli %scan3A_64, %mul3A_65 : i32
      %add3A_67 = arith.constant 0 : i32
      %add3A_68 = arith.addi %add3A_67, %mul3A_66 : i32
      %add3A_69 = arith.constant 0 : i32
      %add3A_70 = arith.addi %add3A_68, %add3A_69 : i32
      %ge3A = arith.constant 1 : i32
      %ge3A_71 = arith.cmpi sge, %add3A_70, %ge3A : i32
      %sub3A_72 = arith.constant 1 : i32
      %sub3A_73 = arith.subi %add3A_70, %sub3A_72 : i32
      %lt3A = arith.constant 84 : i32
      %lt3A_74 = arith.cmpi slt, %sub3A_73, %lt3A : i32
      %and3A = arith.andi %ge3A_71, %lt3A_74 : i1
      %convert_element_type3A_75 = arith.extui %and3A : i1 to i32
      %cond3A_76 = arith.constant 0 : i32
      %cond3A_77 = arith.cmpi ne, %convert_element_type3A_75, %cond3A_76 : i32
      scf.if %cond3A_77 {
        %dma_wait3A_114 = arith.constant 0 : i32
        %dma_wait3A_115 = arith.constant 0 : i32
        %dma_wait3A_116 = tpu.memref_slice %arg13[%dma_wait3A_114, %dma_wait3A_115] : memref<10000x128xf32, #tpu.memory_space<vmem_shared>> -> memref<10000x128xf32, #tpu.memory_space<vmem_shared>>
        tpu.wait_indirect_dma semaphore(%arg21 : memref<!tpu.dma_semaphore, #tpu.memory_space<semaphore_mem>>) src(%arg9 : memref<80x128xf32, #tpu.memory_space<vmem>>) dst(%dma_wait3A_116 : memref<10000x128xf32, #tpu.memory_space<vmem_shared>>)
      } else {
      }
      %add3A_78 = arith.constant 1 : i32
      %add3A_79 = arith.addi %add3A_70, %add3A_78 : i32
      %lt3A_80 = arith.constant 84 : i32
      %lt3A_81 = arith.cmpi slt, %add3A_79, %lt3A_80 : i32
      %convert_element_type3A_82 = arith.extui %lt3A_81 : i1 to i32
      %cond3A_83 = arith.constant 0 : i32
      %cond3A_84 = arith.cmpi ne, %convert_element_type3A_82, %cond3A_83 : i32
      scf.if %cond3A_84 {
        %add3A_114 = arith.constant 1 : i32
        %add3A_115 = arith.addi %add3A_70, %add3A_114 : i32
        %sub3A_116 = arith.constant 1 : i32
        %sub3A_117 = arith.subi %sub3A_116, %arg0 : i32
        %mul3A_118 = arith.constant 320000 : i32
        %mul3A_119 = arith.muli %sub3A_117, %mul3A_118 : i32
        %add3A_120 = arith.constant 0 : i32
        %add3A_121 = arith.addi %mul3A_119, %add3A_120 : i32
        %mul3A_122 = arith.constant 84 : i32
        %mul3A_123 = arith.muli %arg1, %mul3A_122 : i32
        %add3A_124 = arith.addi %mul3A_123, %add3A_115 : i32
        %mul3A_125 = arith.constant 80 : i32
        %mul3A_126 = arith.muli %add3A_124, %mul3A_125 : i32
        %add3A_127 = arith.addi %add3A_121, %mul3A_126 : i32
        %dma_start3A_128 = tpu.memref_slice %arg2[%add3A_127] : memref<640000xi32, #tpu.memory_space<hbm>> -> memref<80xi32, #tpu.memory_space<hbm>>
        %dma_start3A_129 = tpu.memref_slice %arg2[%add3A_127] : memref<640000xi32, #tpu.memory_space<hbm>> -> memref<80xi32, #tpu.memory_space<hbm>>
        tpu.enqueue_dma source(%dma_start3A_129 : memref<80xi32, #tpu.memory_space<hbm>>) target(%arg7 : memref<80xi32, #tpu.memory_space<vmem>>) target_semaphore(%arg15 : memref<!tpu.dma_semaphore, #tpu.memory_space<semaphore_mem>>)
        %add3A_130 = arith.constant 1 : i32
        %add3A_131 = arith.addi %add3A_70, %add3A_130 : i32
        %mul3A_132 = arith.constant 84 : i32
        %mul3A_133 = arith.muli %arg1, %mul3A_132 : i32
        %add3A_134 = arith.addi %mul3A_133, %add3A_131 : i32
        %mul3A_135 = arith.constant 80 : i32
        %mul3A_136 = arith.muli %add3A_134, %mul3A_135 : i32
        %dma_start3A_137 = arith.constant 0 : i32
        %dma_start3A_138 = tpu.memref_slice %arg4[%arg0, %mul3A_136, %dma_start3A_137] : memref<2x107520x128xf32, #tpu.memory_space<hbm>> -> memref<1x80x128xf32, #tpu.memory_space<hbm>>
        %dma_start3A_139 = tpu.memref_squeeze %dma_start3A_138 : memref<1x80x128xf32, #tpu.memory_space<hbm>> -> memref<80x128xf32, #tpu.memory_space<hbm>>
        %dma_start3A_140 = arith.constant 0 : i32
        %dma_start3A_141 = tpu.memref_slice %arg4[%arg0, %mul3A_136, %dma_start3A_140] : memref<2x107520x128xf32, #tpu.memory_space<hbm>> -> memref<1x80x128xf32, #tpu.memory_space<hbm>>
        %dma_start3A_142 = tpu.memref_squeeze %dma_start3A_141 : memref<1x80x128xf32, #tpu.memory_space<hbm>> -> memref<80x128xf32, #tpu.memory_space<hbm>>
        tpu.enqueue_dma source(%dma_start3A_142 : memref<80x128xf32, #tpu.memory_space<hbm>>) target(%arg11 : memref<80x128xf32, #tpu.memory_space<vmem>>) target_semaphore(%arg19 : memref<!tpu.dma_semaphore, #tpu.memory_space<semaphore_mem>>)
        %mul3A_143 = arith.constant 80 : i32
        %mul3A_144 = arith.muli %add3A_131, %mul3A_143 : i32
        %dma_start3A_145 = tpu.memref_slice %arg12[%mul3A_144] : memref<6720xi32, #tpu.memory_space<vmem>> -> memref<80xi32, #tpu.memory_space<vmem>>
        %dma_start3A_146 = arith.constant 0 : i32
        %dma_start3A_147 = arith.constant 0 : i32
        %dma_start3A_148 = tpu.memref_slice %arg3[%dma_start3A_146, %dma_start3A_147] : memref<10000x128xf32, #tpu.memory_space<hbm>> -> memref<10000x128xf32, #tpu.memory_space<hbm>>
        tpu.enqueue_indirect_dma source(%dma_start3A_148 : memref<10000x128xf32, #tpu.memory_space<hbm>>) target(%arg9 : memref<80x128xf32, #tpu.memory_space<vmem>>) offsets(%dma_start3A_145 : memref<80xi32, #tpu.memory_space<vmem>>) semaphore(%arg17 : memref<!tpu.dma_semaphore, #tpu.memory_space<semaphore_mem>>)
      } else {
      }
      %lt3A_85 = arith.constant 84 : i32
      %lt3A_86 = arith.cmpi slt, %add3A_70, %lt3A_85 : i32
      %convert_element_type3A_87 = arith.extui %lt3A_86 : i1 to i32
      %cond3A_88 = arith.constant 0 : i32
      %cond3A_89 = arith.cmpi ne, %convert_element_type3A_87, %cond3A_88 : i32
      scf.if %cond3A_89 {
        %mul3A_114 = arith.constant 84 : i32
        %mul3A_115 = arith.muli %arg1, %mul3A_114 : i32
        %add3A_116 = arith.addi %mul3A_115, %add3A_70 : i32
        %mul3A_117 = arith.constant 80 : i32
        %mul3A_118 = arith.muli %add3A_116, %mul3A_117 : i32
        %dma_wait3A_119 = arith.constant 0 : i32
        %dma_wait3A_120 = tpu.memref_slice %arg4[%arg0, %mul3A_118, %dma_wait3A_119] : memref<2x107520x128xf32, #tpu.memory_space<hbm>> -> memref<1x80x128xf32, #tpu.memory_space<hbm>>
        %dma_wait3A_121 = tpu.memref_squeeze %dma_wait3A_120 : memref<1x80x128xf32, #tpu.memory_space<hbm>> -> memref<80x128xf32, #tpu.memory_space<hbm>>
        %dma_wait3A_122 = arith.constant 0 : i32
        %dma_wait3A_123 = tpu.memref_slice %arg4[%arg0, %mul3A_118, %dma_wait3A_122] : memref<2x107520x128xf32, #tpu.memory_space<hbm>> -> memref<1x80x128xf32, #tpu.memory_space<hbm>>
        %dma_wait3A_124 = tpu.memref_squeeze %dma_wait3A_123 : memref<1x80x128xf32, #tpu.memory_space<hbm>> -> memref<80x128xf32, #tpu.memory_space<hbm>>
        tpu.wait_dma2 semaphore(%arg18 : memref<!tpu.dma_semaphore, #tpu.memory_space<semaphore_mem>>) src(%dma_wait3A_124 : memref<80x128xf32, #tpu.memory_space<hbm>>) dst(%arg10 : memref<80x128xf32, #tpu.memory_space<vmem>>)
        %mul3A_125 = arith.constant 80 : i32
        %mul3A_126 = arith.muli %add3A_70, %mul3A_125 : i32
        %dma_wait3A_127 = tpu.memref_slice %arg12[%mul3A_126] : memref<6720xi32, #tpu.memory_space<vmem>> -> memref<80xi32, #tpu.memory_space<vmem>>
        %dma_wait3A_128 = arith.constant 0 : i32
        %dma_wait3A_129 = arith.constant 0 : i32
        %dma_wait3A_130 = tpu.memref_slice %arg3[%dma_wait3A_128, %dma_wait3A_129] : memref<10000x128xf32, #tpu.memory_space<hbm>> -> memref<10000x128xf32, #tpu.memory_space<hbm>>
        tpu.wait_indirect_dma semaphore(%arg16 : memref<!tpu.dma_semaphore, #tpu.memory_space<semaphore_mem>>) src(%dma_wait3A_130 : memref<10000x128xf32, #tpu.memory_space<hbm>>) dst(%arg8 : memref<80x128xf32, #tpu.memory_space<vmem>>)
        %parallel_loop3A = arith.constant 0 : i32
        %parallel_loop3A_131 = arith.constant 80 : i32
        %parallel_loop3A_132 = arith.constant 1 : i32
        scf.for %parallel_loop3A_150 = %parallel_loop3A to %parallel_loop3A_131 step %parallel_loop3A_132  : i32 {
          %parallel_loop3A_151 = arith.index_cast %parallel_loop3A_150 : i32 to index
          %parallel_loop3A_152 = arith.constant 0 : index
          %parallel_loop3A_153 = tpu.vector_load %arg8[%parallel_loop3A_151, %parallel_loop3A_152] {strides = array<i32>} : memref<80x128xf32, #tpu.memory_space<vmem>>, vector<1x16xf32>,
          %parallel_loop3A_154 = vector.shape_cast %parallel_loop3A_153 : vector<1x16xf32> to vector<16xf32>
          %parallel_loop3A_155 = arith.index_cast %parallel_loop3A_150 : i32 to index
          %parallel_loop3A_156 = arith.constant 0 : index
          %parallel_loop3A_157 = tpu.vector_load %arg10[%parallel_loop3A_155, %parallel_loop3A_156] {strides = array<i32>} : memref<80x128xf32, #tpu.memory_space<vmem>>, vector<1x16xf32>,
          %parallel_loop3A_158 = vector.shape_cast %parallel_loop3A_157 : vector<1x16xf32> to vector<16xf32>
          %parallel_loop3A_159 = arith.addf %parallel_loop3A_154, %parallel_loop3A_158 : vector<16xf32>
          %parallel_loop3A_160 = arith.constant 0.000000e+00 : f32
          %parallel_loop3A_161 = vector.broadcast %parallel_loop3A_160 : f32 to vector<16xf32>
          %parallel_loop3A_162 = arith.maximumf %parallel_loop3A_159, %parallel_loop3A_161 : vector<16xf32>
          %parallel_loop3A_163 = arith.index_cast %parallel_loop3A_150 : i32 to index
          %parallel_loop3A_164 = arith.constant 0 : index
          %parallel_loop3A_165 = tpu.vector_load %arg8[%parallel_loop3A_163, %parallel_loop3A_164] {strides = array<i32>} : memref<80x128xf32, #tpu.memory_space<vmem>>, vector<1x16xf32>,
          %parallel_loop3A_166 = vector.shape_cast %parallel_loop3A_165 : vector<1x16xf32> to vector<16xf32>
          %parallel_loop3A_167 = vector.shape_cast %parallel_loop3A_162 : vector<16xf32> to vector<1x16xf32>
          tpu.vector_store %arg8[%parallel_loop3A_163, %parallel_loop3A_164], %parallel_loop3A_167 {strides = array<i32>} : memref<80x128xf32, #tpu.memory_space<vmem>>, vector<1x16xf32>,
          %parallel_loop3A_168 = arith.index_cast %parallel_loop3A_150 : i32 to index
          %parallel_loop3A_169 = arith.constant 16 : index
          %parallel_loop3A_170 = tpu.vector_load %arg8[%parallel_loop3A_168, %parallel_loop3A_169] {strides = array<i32>} : memref<80x128xf32, #tpu.memory_space<vmem>>, vector<1x16xf32>,
          %parallel_loop3A_171 = vector.shape_cast %parallel_loop3A_170 : vector<1x16xf32> to vector<16xf32>
          %parallel_loop3A_172 = arith.index_cast %parallel_loop3A_150 : i32 to index
          %parallel_loop3A_173 = arith.constant 16 : index
          %parallel_loop3A_174 = tpu.vector_load %arg10[%parallel_loop3A_172, %parallel_loop3A_173] {strides = array<i32>} : memref<80x128xf32, #tpu.memory_space<vmem>>, vector<1x16xf32>,
          %parallel_loop3A_175 = vector.shape_cast %parallel_loop3A_174 : vector<1x16xf32> to vector<16xf32>
          %parallel_loop3A_176 = arith.addf %parallel_loop3A_171, %parallel_loop3A_175 : vector<16xf32>
          %parallel_loop3A_177 = arith.constant 0.000000e+00 : f32
          %parallel_loop3A_178 = vector.broadcast %parallel_loop3A_177 : f32 to vector<16xf32>
          %parallel_loop3A_179 = arith.maximumf %parallel_loop3A_176, %parallel_loop3A_178 : vector<16xf32>
          %parallel_loop3A_180 = arith.index_cast %parallel_loop3A_150 : i32 to index
          %parallel_loop3A_181 = arith.constant 16 : index
          %parallel_loop3A_182 = tpu.vector_load %arg8[%parallel_loop3A_180, %parallel_loop3A_181] {strides = array<i32>} : memref<80x128xf32, #tpu.memory_space<vmem>>, vector<1x16xf32>,
          %parallel_loop3A_183 = vector.shape_cast %parallel_loop3A_182 : vector<1x16xf32> to vector<16xf32>
          %parallel_loop3A_184 = vector.shape_cast %parallel_loop3A_179 : vector<16xf32> to vector<1x16xf32>
          tpu.vector_store %arg8[%parallel_loop3A_180, %parallel_loop3A_181], %parallel_loop3A_184 {strides = array<i32>} : memref<80x128xf32, #tpu.memory_space<vmem>>, vector<1x16xf32>,
          %parallel_loop3A_185 = arith.index_cast %parallel_loop3A_150 : i32 to index
          %parallel_loop3A_186 = arith.constant 32 : index
          %parallel_loop3A_187 = tpu.vector_load %arg8[%parallel_loop3A_185, %parallel_loop3A_186] {strides = array<i32>} : memref<80x128xf32, #tpu.memory_space<vmem>>, vector<1x16xf32>,
          %parallel_loop3A_188 = vector.shape_cast %parallel_loop3A_187 : vector<1x16xf32> to vector<16xf32>
          %parallel_loop3A_189 = arith.index_cast %parallel_loop3A_150 : i32 to index
          %parallel_loop3A_190 = arith.constant 32 : index
          %parallel_loop3A_191 = tpu.vector_load %arg10[%parallel_loop3A_189, %parallel_loop3A_190] {strides = array<i32>} : memref<80x128xf32, #tpu.memory_space<vmem>>, vector<1x16xf32>,
          %parallel_loop3A_192 = vector.shape_cast %parallel_loop3A_191 : vector<1x16xf32> to vector<16xf32>
          %parallel_loop3A_193 = arith.addf %parallel_loop3A_188, %parallel_loop3A_192 : vector<16xf32>
          %parallel_loop3A_194 = arith.constant 0.000000e+00 : f32
          %parallel_loop3A_195 = vector.broadcast %parallel_loop3A_194 : f32 to vector<16xf32>
          %parallel_loop3A_196 = arith.maximumf %parallel_loop3A_193, %parallel_loop3A_195 : vector<16xf32>
          %parallel_loop3A_197 = arith.index_cast %parallel_loop3A_150 : i32 to index
          %parallel_loop3A_198 = arith.constant 32 : index
          %parallel_loop3A_199 = tpu.vector_load %arg8[%parallel_loop3A_197, %parallel_loop3A_198] {strides = array<i32>} : memref<80x128xf32, #tpu.memory_space<vmem>>, vector<1x16xf32>,
          %parallel_loop3A_200 = vector.shape_cast %parallel_loop3A_199 : vector<1x16xf32> to vector<16xf32>
          %parallel_loop3A_201 = vector.shape_cast %parallel_loop3A_196 : vector<16xf32> to vector<1x16xf32>
          tpu.vector_store %arg8[%parallel_loop3A_197, %parallel_loop3A_198], %parallel_loop3A_201 {strides = array<i32>} : memref<80x128xf32, #tpu.memory_space<vmem>>, vector<1x16xf32>,
          %parallel_loop3A_202 = arith.index_cast %parallel_loop3A_150 : i32 to index
          %parallel_loop3A_203 = arith.constant 48 : index
          %parallel_loop3A_204 = tpu.vector_load %arg8[%parallel_loop3A_202, %parallel_loop3A_203] {strides = array<i32>} : memref<80x128xf32, #tpu.memory_space<vmem>>, vector<1x16xf32>,
          %parallel_loop3A_205 = vector.shape_cast %parallel_loop3A_204 : vector<1x16xf32> to vector<16xf32>
          %parallel_loop3A_206 = arith.index_cast %parallel_loop3A_150 : i32 to index
          %parallel_loop3A_207 = arith.constant 48 : index
          %parallel_loop3A_208 = tpu.vector_load %arg10[%parallel_loop3A_206, %parallel_loop3A_207] {strides = array<i32>} : memref<80x128xf32, #tpu.memory_space<vmem>>, vector<1x16xf32>,
          %parallel_loop3A_209 = vector.shape_cast %parallel_loop3A_208 : vector<1x16xf32> to vector<16xf32>
          %parallel_loop3A_210 = arith.addf %parallel_loop3A_205, %parallel_loop3A_209 : vector<16xf32>
          %parallel_loop3A_211 = arith.constant 0.000000e+00 : f32
          %parallel_loop3A_212 = vector.broadcast %parallel_loop3A_211 : f32 to vector<16xf32>
          %parallel_loop3A_213 = arith.maximumf %parallel_loop3A_210, %parallel_loop3A_212 : vector<16xf32>
          %parallel_loop3A_214 = arith.index_cast %parallel_loop3A_150 : i32 to index
          %parallel_loop3A_215 = arith.constant 48 : index
          %parallel_loop3A_216 = tpu.vector_load %arg8[%parallel_loop3A_214, %parallel_loop3A_215] {strides = array<i32>} : memref<80x128xf32, #tpu.memory_space<vmem>>, vector<1x16xf32>,
          %parallel_loop3A_217 = vector.shape_cast %parallel_loop3A_216 : vector<1x16xf32> to vector<16xf32>
          %parallel_loop3A_218 = vector.shape_cast %parallel_loop3A_213 : vector<16xf32> to vector<1x16xf32>
          tpu.vector_store %arg8[%parallel_loop3A_214, %parallel_loop3A_215], %parallel_loop3A_218 {strides = array<i32>} : memref<80x128xf32, #tpu.memory_space<vmem>>, vector<1x16xf32>,
          %parallel_loop3A_219 = arith.index_cast %parallel_loop3A_150 : i32 to index
          %parallel_loop3A_220 = arith.constant 64 : index
          %parallel_loop3A_221 = tpu.vector_load %arg8[%parallel_loop3A_219, %parallel_loop3A_220] {strides = array<i32>} : memref<80x128xf32, #tpu.memory_space<vmem>>, vector<1x16xf32>,
          %parallel_loop3A_222 = vector.shape_cast %parallel_loop3A_221 : vector<1x16xf32> to vector<16xf32>
          %parallel_loop3A_223 = arith.index_cast %parallel_loop3A_150 : i32 to index
          %parallel_loop3A_224 = arith.constant 64 : index
          %parallel_loop3A_225 = tpu.vector_load %arg10[%parallel_loop3A_223, %parallel_loop3A_224] {strides = array<i32>} : memref<80x128xf32, #tpu.memory_space<vmem>>, vector<1x16xf32>,
          %parallel_loop3A_226 = vector.shape_cast %parallel_loop3A_225 : vector<1x16xf32> to vector<16xf32>
          %parallel_loop3A_227 = arith.addf %parallel_loop3A_222, %parallel_loop3A_226 : vector<16xf32>
          %parallel_loop3A_228 = arith.constant 0.000000e+00 : f32
          %parallel_loop3A_229 = vector.broadcast %parallel_loop3A_228 : f32 to vector<16xf32>
          %parallel_loop3A_230 = arith.maximumf %parallel_loop3A_227, %parallel_loop3A_229 : vector<16xf32>
          %parallel_loop3A_231 = arith.index_cast %parallel_loop3A_150 : i32 to index
          %parallel_loop3A_232 = arith.constant 64 : index
          %parallel_loop3A_233 = tpu.vector_load %arg8[%parallel_loop3A_231, %parallel_loop3A_232] {strides = array<i32>} : memref<80x128xf32, #tpu.memory_space<vmem>>, vector<1x16xf32>,
          %parallel_loop3A_234 = vector.shape_cast %parallel_loop3A_233 : vector<1x16xf32> to vector<16xf32>
          %parallel_loop3A_235 = vector.shape_cast %parallel_loop3A_230 : vector<16xf32> to vector<1x16xf32>
          tpu.vector_store %arg8[%parallel_loop3A_231, %parallel_loop3A_232], %parallel_loop3A_235 {strides = array<i32>} : memref<80x128xf32, #tpu.memory_space<vmem>>, vector<1x16xf32>,
          %parallel_loop3A_236 = arith.index_cast %parallel_loop3A_150 : i32 to index
          %parallel_loop3A_237 = arith.constant 80 : index
          %parallel_loop3A_238 = tpu.vector_load %arg8[%parallel_loop3A_236, %parallel_loop3A_237] {strides = array<i32>} : memref<80x128xf32, #tpu.memory_space<vmem>>, vector<1x16xf32>,
          %parallel_loop3A_239 = vector.shape_cast %parallel_loop3A_238 : vector<1x16xf32> to vector<16xf32>
          %parallel_loop3A_240 = arith.index_cast %parallel_loop3A_150 : i32 to index
          %parallel_loop3A_241 = arith.constant 80 : index
          %parallel_loop3A_242 = tpu.vector_load %arg10[%parallel_loop3A_240, %parallel_loop3A_241] {strides = array<i32>} : memref<80x128xf32, #tpu.memory_space<vmem>>, vector<1x16xf32>,
          %parallel_loop3A_243 = vector.shape_cast %parallel_loop3A_242 : vector<1x16xf32> to vector<16xf32>
          %parallel_loop3A_244 = arith.addf %parallel_loop3A_239, %parallel_loop3A_243 : vector<16xf32>
          %parallel_loop3A_245 = arith.constant 0.000000e+00 : f32
          %parallel_loop3A_246 = vector.broadcast %parallel_loop3A_245 : f32 to vector<16xf32>
          %parallel_loop3A_247 = arith.maximumf %parallel_loop3A_244, %parallel_loop3A_246 : vector<16xf32>
          %parallel_loop3A_248 = arith.index_cast %parallel_loop3A_150 : i32 to index
          %parallel_loop3A_249 = arith.constant 80 : index
          %parallel_loop3A_250 = tpu.vector_load %arg8[%parallel_loop3A_248, %parallel_loop3A_249] {strides = array<i32>} : memref<80x128xf32, #tpu.memory_space<vmem>>, vector<1x16xf32>,
          %parallel_loop3A_251 = vector.shape_cast %parallel_loop3A_250 : vector<1x16xf32> to vector<16xf32>
          %parallel_loop3A_252 = vector.shape_cast %parallel_loop3A_247 : vector<16xf32> to vector<1x16xf32>
          tpu.vector_store %arg8[%parallel_loop3A_248, %parallel_loop3A_249], %parallel_loop3A_252 {strides = array<i32>} : memref<80x128xf32, #tpu.memory_space<vmem>>, vector<1x16xf32>,
          %parallel_loop3A_253 = arith.index_cast %parallel_loop3A_150 : i32 to index
          %parallel_loop3A_254 = arith.constant 96 : index
          %parallel_loop3A_255 = tpu.vector_load %arg8[%parallel_loop3A_253, %parallel_loop3A_254] {strides = array<i32>} : memref<80x128xf32, #tpu.memory_space<vmem>>, vector<1x16xf32>,
          %parallel_loop3A_256 = vector.shape_cast %parallel_loop3A_255 : vector<1x16xf32> to vector<16xf32>
          %parallel_loop3A_257 = arith.index_cast %parallel_loop3A_150 : i32 to index
          %parallel_loop3A_258 = arith.constant 96 : index
          %parallel_loop3A_259 = tpu.vector_load %arg10[%parallel_loop3A_257, %parallel_loop3A_258] {strides = array<i32>} : memref<80x128xf32, #tpu.memory_space<vmem>>, vector<1x16xf32>,
          %parallel_loop3A_260 = vector.shape_cast %parallel_loop3A_259 : vector<1x16xf32> to vector<16xf32>
          %parallel_loop3A_261 = arith.addf %parallel_loop3A_256, %parallel_loop3A_260 : vector<16xf32>
          %parallel_loop3A_262 = arith.constant 0.000000e+00 : f32
          %parallel_loop3A_263 = vector.broadcast %parallel_loop3A_262 : f32 to vector<16xf32>
          %parallel_loop3A_264 = arith.maximumf %parallel_loop3A_261, %parallel_loop3A_263 : vector<16xf32>
          %parallel_loop3A_265 = arith.index_cast %parallel_loop3A_150 : i32 to index
          %parallel_loop3A_266 = arith.constant 96 : index
          %parallel_loop3A_267 = tpu.vector_load %arg8[%parallel_loop3A_265, %parallel_loop3A_266] {strides = array<i32>} : memref<80x128xf32, #tpu.memory_space<vmem>>, vector<1x16xf32>,
          %parallel_loop3A_268 = vector.shape_cast %parallel_loop3A_267 : vector<1x16xf32> to vector<16xf32>
          %parallel_loop3A_269 = vector.shape_cast %parallel_loop3A_264 : vector<16xf32> to vector<1x16xf32>
          tpu.vector_store %arg8[%parallel_loop3A_265, %parallel_loop3A_266], %parallel_loop3A_269 {strides = array<i32>} : memref<80x128xf32, #tpu.memory_space<vmem>>, vector<1x16xf32>,
          %parallel_loop3A_270 = arith.index_cast %parallel_loop3A_150 : i32 to index
          %parallel_loop3A_271 = arith.constant 112 : index
          %parallel_loop3A_272 = tpu.vector_load %arg8[%parallel_loop3A_270, %parallel_loop3A_271] {strides = array<i32>} : memref<80x128xf32, #tpu.memory_space<vmem>>, vector<1x16xf32>,
          %parallel_loop3A_273 = vector.shape_cast %parallel_loop3A_272 : vector<1x16xf32> to vector<16xf32>
          %parallel_loop3A_274 = arith.index_cast %parallel_loop3A_150 : i32 to index
          %parallel_loop3A_275 = arith.constant 112 : index
          %parallel_loop3A_276 = tpu.vector_load %arg10[%parallel_loop3A_274, %parallel_loop3A_275] {strides = array<i32>} : memref<80x128xf32, #tpu.memory_space<vmem>>, vector<1x16xf32>,
          %parallel_loop3A_277 = vector.shape_cast %parallel_loop3A_276 : vector<1x16xf32> to vector<16xf32>
          %parallel_loop3A_278 = arith.addf %parallel_loop3A_273, %parallel_loop3A_277 : vector<16xf32>
          %parallel_loop3A_279 = arith.constant 0.000000e+00 : f32
          %parallel_loop3A_280 = vector.broadcast %parallel_loop3A_279 : f32 to vector<16xf32>
          %parallel_loop3A_281 = arith.maximumf %parallel_loop3A_278, %parallel_loop3A_280 : vector<16xf32>
          %parallel_loop3A_282 = arith.index_cast %parallel_loop3A_150 : i32 to index
          %parallel_loop3A_283 = arith.constant 112 : index
          %parallel_loop3A_284 = tpu.vector_load %arg8[%parallel_loop3A_282, %parallel_loop3A_283] {strides = array<i32>} : memref<80x128xf32, #tpu.memory_space<vmem>>, vector<1x16xf32>,
          %parallel_loop3A_285 = vector.shape_cast %parallel_loop3A_284 : vector<1x16xf32> to vector<16xf32>
          %parallel_loop3A_286 = vector.shape_cast %parallel_loop3A_281 : vector<16xf32> to vector<1x16xf32>
          tpu.vector_store %arg8[%parallel_loop3A_282, %parallel_loop3A_283], %parallel_loop3A_286 {strides = array<i32>} : memref<80x128xf32, #tpu.memory_space<vmem>>, vector<1x16xf32>,
        } {sc.loop_unroll_factor = 4 : i64, sc.parallel_access}
        %sub3A_133 = arith.constant 1 : i32
        %sub3A_134 = arith.subi %sub3A_133, %arg0 : i32
        %mul3A_135 = arith.constant 320000 : i32
        %mul3A_136 = arith.muli %sub3A_134, %mul3A_135 : i32
        %add3A_137 = arith.constant 0 : i32
        %add3A_138 = arith.addi %mul3A_136, %add3A_137 : i32
        %mul3A_139 = arith.constant 84 : i32
        %mul3A_140 = arith.muli %arg1, %mul3A_139 : i32
        %add3A_141 = arith.addi %mul3A_140, %add3A_70 : i32
        %mul3A_142 = arith.constant 80 : i32
        %mul3A_143 = arith.muli %add3A_141, %mul3A_142 : i32
        %add3A_144 = arith.addi %add3A_138, %mul3A_143 : i32
        %dma_wait3A_145 = tpu.memref_slice %arg2[%add3A_144] : memref<640000xi32, #tpu.memory_space<hbm>> -> memref<80xi32, #tpu.memory_space<hbm>>
        %dma_wait3A_146 = tpu.memref_slice %arg2[%add3A_144] : memref<640000xi32, #tpu.memory_space<hbm>> -> memref<80xi32, #tpu.memory_space<hbm>>
        tpu.wait_dma2 semaphore(%arg14 : memref<!tpu.dma_semaphore, #tpu.memory_space<semaphore_mem>>) src(%dma_wait3A_146 : memref<80xi32, #tpu.memory_space<hbm>>) dst(%arg6 : memref<80xi32, #tpu.memory_space<vmem>>)
        %dma_start3A_147 = arith.constant 0 : i32
        %dma_start3A_148 = arith.constant 0 : i32
        %dma_start3A_149 = tpu.memref_slice %arg13[%dma_start3A_147, %dma_start3A_148] : memref<10000x128xf32, #tpu.memory_space<vmem_shared>> -> memref<10000x128xf32, #tpu.memory_space<vmem_shared>>
        tpu.enqueue_indirect_dma source(%arg8 : memref<80x128xf32, #tpu.memory_space<vmem>>) target(%dma_start3A_149 : memref<10000x128xf32, #tpu.memory_space<vmem_shared>>) offsets(%arg6 : memref<80xi32, #tpu.memory_space<vmem>>) semaphore(%arg20 : memref<!tpu.dma_semaphore, #tpu.memory_space<semaphore_mem>>) {add = true}
      } else {
      }
      %add3A_90 = arith.constant 1 : i32
      %add3A_91 = arith.addi %add3A_68, %add3A_90 : i32
      %ge3A_92 = arith.constant 1 : i32
      %ge3A_93 = arith.cmpi sge, %add3A_91, %ge3A_92 : i32
      %sub3A_94 = arith.constant 1 : i32
      %sub3A_95 = arith.subi %add3A_91, %sub3A_94 : i32
      %lt3A_96 = arith.constant 84 : i32
      %lt3A_97 = arith.cmpi slt, %sub3A_95, %lt3A_96 : i32
      %and3A_98 = arith.andi %ge3A_93, %lt3A_97 : i1
      %convert_element_type3A_99 = arith.extui %and3A_98 : i1 to i32
      %cond3A_100 = arith.constant 0 : i32
      %cond3A_101 = arith.cmpi ne, %convert_element_type3A_99, %cond3A_100 : i32
      scf.if %cond3A_101 {
        %dma_wait3A_114 = arith.constant 0 : i32
        %dma_wait3A_115 = arith.constant 0 : i32
        %dma_wait3A_116 = tpu.memref_slice %arg13[%dma_wait3A_114, %dma_wait3A_115] : memref<10000x128xf32, #tpu.memory_space<vmem_shared>> -> memref<10000x128xf32, #tpu.memory_space<vmem_shared>>
        tpu.wait_indirect_dma semaphore(%arg20 : memref<!tpu.dma_semaphore, #tpu.memory_space<semaphore_mem>>) src(%arg8 : memref<80x128xf32, #tpu.memory_space<vmem>>) dst(%dma_wait3A_116 : memref<10000x128xf32, #tpu.memory_space<vmem_shared>>)
      } else {
      }
      %add3A_102 = arith.constant 1 : i32
      %add3A_103 = arith.addi %add3A_91, %add3A_102 : i32
      %lt3A_104 = arith.constant 84 : i32
      %lt3A_105 = arith.cmpi slt, %add3A_103, %lt3A_104 : i32
      %convert_element_type3A_106 = arith.extui %lt3A_105 : i1 to i32
      %cond3A_107 = arith.constant 0 : i32
      %cond3A_108 = arith.cmpi ne, %convert_element_type3A_106, %cond3A_107 : i32
      scf.if %cond3A_108 {
        %add3A_114 = arith.constant 1 : i32
        %add3A_115 = arith.addi %add3A_91, %add3A_114 : i32
        %sub3A_116 = arith.constant 1 : i32
        %sub3A_117 = arith.subi %sub3A_116, %arg0 : i32
        %mul3A_118 = arith.constant 320000 : i32
        %mul3A_119 = arith.muli %sub3A_117, %mul3A_118 : i32
        %add3A_120 = arith.constant 0 : i32
        %add3A_121 = arith.addi %mul3A_119, %add3A_120 : i32
        %mul3A_122 = arith.constant 84 : i32
        %mul3A_123 = arith.muli %arg1, %mul3A_122 : i32
        %add3A_124 = arith.addi %mul3A_123, %add3A_115 : i32
        %mul3A_125 = arith.constant 80 : i32
        %mul3A_126 = arith.muli %add3A_124, %mul3A_125 : i32
        %add3A_127 = arith.addi %add3A_121, %mul3A_126 : i32
        %dma_start3A_128 = tpu.memref_slice %arg2[%add3A_127] : memref<640000xi32, #tpu.memory_space<hbm>> -> memref<80xi32, #tpu.memory_space<hbm>>
        %dma_start3A_129 = tpu.memref_slice %arg2[%add3A_127] : memref<640000xi32, #tpu.memory_space<hbm>> -> memref<80xi32, #tpu.memory_space<hbm>>
        tpu.enqueue_dma source(%dma_start3A_129 : memref<80xi32, #tpu.memory_space<hbm>>) target(%arg6 : memref<80xi32, #tpu.memory_space<vmem>>) target_semaphore(%arg14 : memref<!tpu.dma_semaphore, #tpu.memory_space<semaphore_mem>>)
        %add3A_130 = arith.constant 1 : i32
        %add3A_131 = arith.addi %add3A_91, %add3A_130 : i32
        %mul3A_132 = arith.constant 84 : i32
        %mul3A_133 = arith.muli %arg1, %mul3A_132 : i32
        %add3A_134 = arith.addi %mul3A_133, %add3A_131 : i32
        %mul3A_135 = arith.constant 80 : i32
        %mul3A_136 = arith.muli %add3A_134, %mul3A_135 : i32
        %dma_start3A_137 = arith.constant 0 : i32
        %dma_start3A_138 = tpu.memref_slice %arg4[%arg0, %mul3A_136, %dma_start3A_137] : memref<2x107520x128xf32, #tpu.memory_space<hbm>> -> memref<1x80x128xf32, #tpu.memory_space<hbm>>
        %dma_start3A_139 = tpu.memref_squeeze %dma_start3A_138 : memref<1x80x128xf32, #tpu.memory_space<hbm>> -> memref<80x128xf32, #tpu.memory_space<hbm>>
        %dma_start3A_140 = arith.constant 0 : i32
        %dma_start3A_141 = tpu.memref_slice %arg4[%arg0, %mul3A_136, %dma_start3A_140] : memref<2x107520x128xf32, #tpu.memory_space<hbm>> -> memref<1x80x128xf32, #tpu.memory_space<hbm>>
        %dma_start3A_142 = tpu.memref_squeeze %dma_start3A_141 : memref<1x80x128xf32, #tpu.memory_space<hbm>> -> memref<80x128xf32, #tpu.memory_space<hbm>>
        tpu.enqueue_dma source(%dma_start3A_142 : memref<80x128xf32, #tpu.memory_space<hbm>>) target(%arg10 : memref<80x128xf32, #tpu.memory_space<vmem>>) target_semaphore(%arg18 : memref<!tpu.dma_semaphore, #tpu.memory_space<semaphore_mem>>)
        %mul3A_143 = arith.constant 80 : i32
        %mul3A_144 = arith.muli %add3A_131, %mul3A_143 : i32
        %dma_start3A_145 = tpu.memref_slice %arg12[%mul3A_144] : memref<6720xi32, #tpu.memory_space<vmem>> -> memref<80xi32, #tpu.memory_space<vmem>>
        %dma_start3A_146 = arith.constant 0 : i32
        %dma_start3A_147 = arith.constant 0 : i32
        %dma_start3A_148 = tpu.memref_slice %arg3[%dma_start3A_146, %dma_start3A_147] : memref<10000x128xf32, #tpu.memory_space<hbm>> -> memref<10000x128xf32, #tpu.memory_space<hbm>>
        tpu.enqueue_indirect_dma source(%dma_start3A_148 : memref<10000x128xf32, #tpu.memory_space<hbm>>) target(%arg8 : memref<80x128xf32, #tpu.memory_space<vmem>>) offsets(%dma_start3A_145 : memref<80xi32, #tpu.memory_space<vmem>>) semaphore(%arg16 : memref<!tpu.dma_semaphore, #tpu.memory_space<semaphore_mem>>)
      } else {
      }
      %lt3A_109 = arith.constant 84 : i32
      %lt3A_110 = arith.cmpi slt, %add3A_91, %lt3A_109 : i32
      %convert_element_type3A_111 = arith.extui %lt3A_110 : i1 to i32
      %cond3A_112 = arith.constant 0 : i32
      %cond3A_113 = arith.cmpi ne, %convert_element_type3A_111, %cond3A_112 : i32
      scf.if %cond3A_113 {
        %mul3A_114 = arith.constant 84 : i32
        %mul3A_115 = arith.muli %arg1, %mul3A_114 : i32
        %add3A_116 = arith.addi %mul3A_115, %add3A_91 : i32
        %mul3A_117 = arith.constant 80 : i32
        %mul3A_118 = arith.muli %add3A_116, %mul3A_117 : i32
        %dma_wait3A_119 = arith.constant 0 : i32
        %dma_wait3A_120 = tpu.memref_slice %arg4[%arg0, %mul3A_118, %dma_wait3A_119] : memref<2x107520x128xf32, #tpu.memory_space<hbm>> -> memref<1x80x128xf32, #tpu.memory_space<hbm>>
        %dma_wait3A_121 = tpu.memref_squeeze %dma_wait3A_120 : memref<1x80x128xf32, #tpu.memory_space<hbm>> -> memref<80x128xf32, #tpu.memory_space<hbm>>
        %dma_wait3A_122 = arith.constant 0 : i32
        %dma_wait3A_123 = tpu.memref_slice %arg4[%arg0, %mul3A_118, %dma_wait3A_122] : memref<2x107520x128xf32, #tpu.memory_space<hbm>> -> memref<1x80x128xf32, #tpu.memory_space<hbm>>
        %dma_wait3A_124 = tpu.memref_squeeze %dma_wait3A_123 : memref<1x80x128xf32, #tpu.memory_space<hbm>> -> memref<80x128xf32, #tpu.memory_space<hbm>>
        tpu.wait_dma2 semaphore(%arg19 : memref<!tpu.dma_semaphore, #tpu.memory_space<semaphore_mem>>) src(%dma_wait3A_124 : memref<80x128xf32, #tpu.memory_space<hbm>>) dst(%arg11 : memref<80x128xf32, #tpu.memory_space<vmem>>)
        %mul3A_125 = arith.constant 80 : i32
        %mul3A_126 = arith.muli %add3A_91, %mul3A_125 : i32
        %dma_wait3A_127 = tpu.memref_slice %arg12[%mul3A_126] : memref<6720xi32, #tpu.memory_space<vmem>> -> memref<80xi32, #tpu.memory_space<vmem>>
        %dma_wait3A_128 = arith.constant 0 : i32
        %dma_wait3A_129 = arith.constant 0 : i32
        %dma_wait3A_130 = tpu.memref_slice %arg3[%dma_wait3A_128, %dma_wait3A_129] : memref<10000x128xf32, #tpu.memory_space<hbm>> -> memref<10000x128xf32, #tpu.memory_space<hbm>>
        tpu.wait_indirect_dma semaphore(%arg17 : memref<!tpu.dma_semaphore, #tpu.memory_space<semaphore_mem>>) src(%dma_wait3A_130 : memref<10000x128xf32, #tpu.memory_space<hbm>>) dst(%arg9 : memref<80x128xf32, #tpu.memory_space<vmem>>)
        %parallel_loop3A = arith.constant 0 : i32
        %parallel_loop3A_131 = arith.constant 80 : i32
        %parallel_loop3A_132 = arith.constant 1 : i32
        scf.for %parallel_loop3A_150 = %parallel_loop3A to %parallel_loop3A_131 step %parallel_loop3A_132  : i32 {
          %parallel_loop3A_151 = arith.index_cast %parallel_loop3A_150 : i32 to index
          %parallel_loop3A_152 = arith.constant 0 : index
          %parallel_loop3A_153 = tpu.vector_load %arg9[%parallel_loop3A_151, %parallel_loop3A_152] {strides = array<i32>} : memref<80x128xf32, #tpu.memory_space<vmem>>, vector<1x16xf32>,
          %parallel_loop3A_154 = vector.shape_cast %parallel_loop3A_153 : vector<1x16xf32> to vector<16xf32>
          %parallel_loop3A_155 = arith.index_cast %parallel_loop3A_150 : i32 to index
          %parallel_loop3A_156 = arith.constant 0 : index
          %parallel_loop3A_157 = tpu.vector_load %arg11[%parallel_loop3A_155, %parallel_loop3A_156] {strides = array<i32>} : memref<80x128xf32, #tpu.memory_space<vmem>>, vector<1x16xf32>,
          %parallel_loop3A_158 = vector.shape_cast %parallel_loop3A_157 : vector<1x16xf32> to vector<16xf32>
          %parallel_loop3A_159 = arith.addf %parallel_loop3A_154, %parallel_loop3A_158 : vector<16xf32>
          %parallel_loop3A_160 = arith.constant 0.000000e+00 : f32
          %parallel_loop3A_161 = vector.broadcast %parallel_loop3A_160 : f32 to vector<16xf32>
          %parallel_loop3A_162 = arith.maximumf %parallel_loop3A_159, %parallel_loop3A_161 : vector<16xf32>
          %parallel_loop3A_163 = arith.index_cast %parallel_loop3A_150 : i32 to index
          %parallel_loop3A_164 = arith.constant 0 : index
          %parallel_loop3A_165 = tpu.vector_load %arg9[%parallel_loop3A_163, %parallel_loop3A_164] {strides = array<i32>} : memref<80x128xf32, #tpu.memory_space<vmem>>, vector<1x16xf32>,
          %parallel_loop3A_166 = vector.shape_cast %parallel_loop3A_165 : vector<1x16xf32> to vector<16xf32>
          %parallel_loop3A_167 = vector.shape_cast %parallel_loop3A_162 : vector<16xf32> to vector<1x16xf32>
          tpu.vector_store %arg9[%parallel_loop3A_163, %parallel_loop3A_164], %parallel_loop3A_167 {strides = array<i32>} : memref<80x128xf32, #tpu.memory_space<vmem>>, vector<1x16xf32>,
          %parallel_loop3A_168 = arith.index_cast %parallel_loop3A_150 : i32 to index
          %parallel_loop3A_169 = arith.constant 16 : index
          %parallel_loop3A_170 = tpu.vector_load %arg9[%parallel_loop3A_168, %parallel_loop3A_169] {strides = array<i32>} : memref<80x128xf32, #tpu.memory_space<vmem>>, vector<1x16xf32>,
          %parallel_loop3A_171 = vector.shape_cast %parallel_loop3A_170 : vector<1x16xf32> to vector<16xf32>
          %parallel_loop3A_172 = arith.index_cast %parallel_loop3A_150 : i32 to index
          %parallel_loop3A_173 = arith.constant 16 : index
          %parallel_loop3A_174 = tpu.vector_load %arg11[%parallel_loop3A_172, %parallel_loop3A_173] {strides = array<i32>} : memref<80x128xf32, #tpu.memory_space<vmem>>, vector<1x16xf32>,
          %parallel_loop3A_175 = vector.shape_cast %parallel_loop3A_174 : vector<1x16xf32> to vector<16xf32>
          %parallel_loop3A_176 = arith.addf %parallel_loop3A_171, %parallel_loop3A_175 : vector<16xf32>
          %parallel_loop3A_177 = arith.constant 0.000000e+00 : f32
          %parallel_loop3A_178 = vector.broadcast %parallel_loop3A_177 : f32 to vector<16xf32>
          %parallel_loop3A_179 = arith.maximumf %parallel_loop3A_176, %parallel_loop3A_178 : vector<16xf32>
          %parallel_loop3A_180 = arith.index_cast %parallel_loop3A_150 : i32 to index
          %parallel_loop3A_181 = arith.constant 16 : index
          %parallel_loop3A_182 = tpu.vector_load %arg9[%parallel_loop3A_180, %parallel_loop3A_181] {strides = array<i32>} : memref<80x128xf32, #tpu.memory_space<vmem>>, vector<1x16xf32>,
          %parallel_loop3A_183 = vector.shape_cast %parallel_loop3A_182 : vector<1x16xf32> to vector<16xf32>
          %parallel_loop3A_184 = vector.shape_cast %parallel_loop3A_179 : vector<16xf32> to vector<1x16xf32>
          tpu.vector_store %arg9[%parallel_loop3A_180, %parallel_loop3A_181], %parallel_loop3A_184 {strides = array<i32>} : memref<80x128xf32, #tpu.memory_space<vmem>>, vector<1x16xf32>,
          %parallel_loop3A_185 = arith.index_cast %parallel_loop3A_150 : i32 to index
          %parallel_loop3A_186 = arith.constant 32 : index
          %parallel_loop3A_187 = tpu.vector_load %arg9[%parallel_loop3A_185, %parallel_loop3A_186] {strides = array<i32>} : memref<80x128xf32, #tpu.memory_space<vmem>>, vector<1x16xf32>,
          %parallel_loop3A_188 = vector.shape_cast %parallel_loop3A_187 : vector<1x16xf32> to vector<16xf32>
          %parallel_loop3A_189 = arith.index_cast %parallel_loop3A_150 : i32 to index
          %parallel_loop3A_190 = arith.constant 32 : index
          %parallel_loop3A_191 = tpu.vector_load %arg11[%parallel_loop3A_189, %parallel_loop3A_190] {strides = array<i32>} : memref<80x128xf32, #tpu.memory_space<vmem>>, vector<1x16xf32>,
          %parallel_loop3A_192 = vector.shape_cast %parallel_loop3A_191 : vector<1x16xf32> to vector<16xf32>
          %parallel_loop3A_193 = arith.addf %parallel_loop3A_188, %parallel_loop3A_192 : vector<16xf32>
          %parallel_loop3A_194 = arith.constant 0.000000e+00 : f32
          %parallel_loop3A_195 = vector.broadcast %parallel_loop3A_194 : f32 to vector<16xf32>
          %parallel_loop3A_196 = arith.maximumf %parallel_loop3A_193, %parallel_loop3A_195 : vector<16xf32>
          %parallel_loop3A_197 = arith.index_cast %parallel_loop3A_150 : i32 to index
          %parallel_loop3A_198 = arith.constant 32 : index
          %parallel_loop3A_199 = tpu.vector_load %arg9[%parallel_loop3A_197, %parallel_loop3A_198] {strides = array<i32>} : memref<80x128xf32, #tpu.memory_space<vmem>>, vector<1x16xf32>,
          %parallel_loop3A_200 = vector.shape_cast %parallel_loop3A_199 : vector<1x16xf32> to vector<16xf32>
          %parallel_loop3A_201 = vector.shape_cast %parallel_loop3A_196 : vector<16xf32> to vector<1x16xf32>
          tpu.vector_store %arg9[%parallel_loop3A_197, %parallel_loop3A_198], %parallel_loop3A_201 {strides = array<i32>} : memref<80x128xf32, #tpu.memory_space<vmem>>, vector<1x16xf32>,
          %parallel_loop3A_202 = arith.index_cast %parallel_loop3A_150 : i32 to index
          %parallel_loop3A_203 = arith.constant 48 : index
          %parallel_loop3A_204 = tpu.vector_load %arg9[%parallel_loop3A_202, %parallel_loop3A_203] {strides = array<i32>} : memref<80x128xf32, #tpu.memory_space<vmem>>, vector<1x16xf32>,
          %parallel_loop3A_205 = vector.shape_cast %parallel_loop3A_204 : vector<1x16xf32> to vector<16xf32>
          %parallel_loop3A_206 = arith.index_cast %parallel_loop3A_150 : i32 to index
          %parallel_loop3A_207 = arith.constant 48 : index
          %parallel_loop3A_208 = tpu.vector_load %arg11[%parallel_loop3A_206, %parallel_loop3A_207] {strides = array<i32>} : memref<80x128xf32, #tpu.memory_space<vmem>>, vector<1x16xf32>,
          %parallel_loop3A_209 = vector.shape_cast %parallel_loop3A_208 : vector<1x16xf32> to vector<16xf32>
          %parallel_loop3A_210 = arith.addf %parallel_loop3A_205, %parallel_loop3A_209 : vector<16xf32>
          %parallel_loop3A_211 = arith.constant 0.000000e+00 : f32
          %parallel_loop3A_212 = vector.broadcast %parallel_loop3A_211 : f32 to vector<16xf32>
          %parallel_loop3A_213 = arith.maximumf %parallel_loop3A_210, %parallel_loop3A_212 : vector<16xf32>
          %parallel_loop3A_214 = arith.index_cast %parallel_loop3A_150 : i32 to index
          %parallel_loop3A_215 = arith.constant 48 : index
          %parallel_loop3A_216 = tpu.vector_load %arg9[%parallel_loop3A_214, %parallel_loop3A_215] {strides = array<i32>} : memref<80x128xf32, #tpu.memory_space<vmem>>, vector<1x16xf32>,
          %parallel_loop3A_217 = vector.shape_cast %parallel_loop3A_216 : vector<1x16xf32> to vector<16xf32>
          %parallel_loop3A_218 = vector.shape_cast %parallel_loop3A_213 : vector<16xf32> to vector<1x16xf32>
          tpu.vector_store %arg9[%parallel_loop3A_214, %parallel_loop3A_215], %parallel_loop3A_218 {strides = array<i32>} : memref<80x128xf32, #tpu.memory_space<vmem>>, vector<1x16xf32>,
          %parallel_loop3A_219 = arith.index_cast %parallel_loop3A_150 : i32 to index
          %parallel_loop3A_220 = arith.constant 64 : index
          %parallel_loop3A_221 = tpu.vector_load %arg9[%parallel_loop3A_219, %parallel_loop3A_220] {strides = array<i32>} : memref<80x128xf32, #tpu.memory_space<vmem>>, vector<1x16xf32>,
          %parallel_loop3A_222 = vector.shape_cast %parallel_loop3A_221 : vector<1x16xf32> to vector<16xf32>
          %parallel_loop3A_223 = arith.index_cast %parallel_loop3A_150 : i32 to index
          %parallel_loop3A_224 = arith.constant 64 : index
          %parallel_loop3A_225 = tpu.vector_load %arg11[%parallel_loop3A_223, %parallel_loop3A_224] {strides = array<i32>} : memref<80x128xf32, #tpu.memory_space<vmem>>, vector<1x16xf32>,
          %parallel_loop3A_226 = vector.shape_cast %parallel_loop3A_225 : vector<1x16xf32> to vector<16xf32>
          %parallel_loop3A_227 = arith.addf %parallel_loop3A_222, %parallel_loop3A_226 : vector<16xf32>
          %parallel_loop3A_228 = arith.constant 0.000000e+00 : f32
          %parallel_loop3A_229 = vector.broadcast %parallel_loop3A_228 : f32 to vector<16xf32>
          %parallel_loop3A_230 = arith.maximumf %parallel_loop3A_227, %parallel_loop3A_229 : vector<16xf32>
          %parallel_loop3A_231 = arith.index_cast %parallel_loop3A_150 : i32 to index
          %parallel_loop3A_232 = arith.constant 64 : index
          %parallel_loop3A_233 = tpu.vector_load %arg9[%parallel_loop3A_231, %parallel_loop3A_232] {strides = array<i32>} : memref<80x128xf32, #tpu.memory_space<vmem>>, vector<1x16xf32>,
          %parallel_loop3A_234 = vector.shape_cast %parallel_loop3A_233 : vector<1x16xf32> to vector<16xf32>
          %parallel_loop3A_235 = vector.shape_cast %parallel_loop3A_230 : vector<16xf32> to vector<1x16xf32>
          tpu.vector_store %arg9[%parallel_loop3A_231, %parallel_loop3A_232], %parallel_loop3A_235 {strides = array<i32>} : memref<80x128xf32, #tpu.memory_space<vmem>>, vector<1x16xf32>,
          %parallel_loop3A_236 = arith.index_cast %parallel_loop3A_150 : i32 to index
          %parallel_loop3A_237 = arith.constant 80 : index
          %parallel_loop3A_238 = tpu.vector_load %arg9[%parallel_loop3A_236, %parallel_loop3A_237] {strides = array<i32>} : memref<80x128xf32, #tpu.memory_space<vmem>>, vector<1x16xf32>,
          %parallel_loop3A_239 = vector.shape_cast %parallel_loop3A_238 : vector<1x16xf32> to vector<16xf32>
          %parallel_loop3A_240 = arith.index_cast %parallel_loop3A_150 : i32 to index
          %parallel_loop3A_241 = arith.constant 80 : index
          %parallel_loop3A_242 = tpu.vector_load %arg11[%parallel_loop3A_240, %parallel_loop3A_241] {strides = array<i32>} : memref<80x128xf32, #tpu.memory_space<vmem>>, vector<1x16xf32>,
          %parallel_loop3A_243 = vector.shape_cast %parallel_loop3A_242 : vector<1x16xf32> to vector<16xf32>
          %parallel_loop3A_244 = arith.addf %parallel_loop3A_239, %parallel_loop3A_243 : vector<16xf32>
          %parallel_loop3A_245 = arith.constant 0.000000e+00 : f32
          %parallel_loop3A_246 = vector.broadcast %parallel_loop3A_245 : f32 to vector<16xf32>
          %parallel_loop3A_247 = arith.maximumf %parallel_loop3A_244, %parallel_loop3A_246 : vector<16xf32>
          %parallel_loop3A_248 = arith.index_cast %parallel_loop3A_150 : i32 to index
          %parallel_loop3A_249 = arith.constant 80 : index
          %parallel_loop3A_250 = tpu.vector_load %arg9[%parallel_loop3A_248, %parallel_loop3A_249] {strides = array<i32>} : memref<80x128xf32, #tpu.memory_space<vmem>>, vector<1x16xf32>,
          %parallel_loop3A_251 = vector.shape_cast %parallel_loop3A_250 : vector<1x16xf32> to vector<16xf32>
          %parallel_loop3A_252 = vector.shape_cast %parallel_loop3A_247 : vector<16xf32> to vector<1x16xf32>
          tpu.vector_store %arg9[%parallel_loop3A_248, %parallel_loop3A_249], %parallel_loop3A_252 {strides = array<i32>} : memref<80x128xf32, #tpu.memory_space<vmem>>, vector<1x16xf32>,
          %parallel_loop3A_253 = arith.index_cast %parallel_loop3A_150 : i32 to index
          %parallel_loop3A_254 = arith.constant 96 : index
          %parallel_loop3A_255 = tpu.vector_load %arg9[%parallel_loop3A_253, %parallel_loop3A_254] {strides = array<i32>} : memref<80x128xf32, #tpu.memory_space<vmem>>, vector<1x16xf32>,
          %parallel_loop3A_256 = vector.shape_cast %parallel_loop3A_255 : vector<1x16xf32> to vector<16xf32>
          %parallel_loop3A_257 = arith.index_cast %parallel_loop3A_150 : i32 to index
          %parallel_loop3A_258 = arith.constant 96 : index
          %parallel_loop3A_259 = tpu.vector_load %arg11[%parallel_loop3A_257, %parallel_loop3A_258] {strides = array<i32>} : memref<80x128xf32, #tpu.memory_space<vmem>>, vector<1x16xf32>,
          %parallel_loop3A_260 = vector.shape_cast %parallel_loop3A_259 : vector<1x16xf32> to vector<16xf32>
          %parallel_loop3A_261 = arith.addf %parallel_loop3A_256, %parallel_loop3A_260 : vector<16xf32>
          %parallel_loop3A_262 = arith.constant 0.000000e+00 : f32
          %parallel_loop3A_263 = vector.broadcast %parallel_loop3A_262 : f32 to vector<16xf32>
          %parallel_loop3A_264 = arith.maximumf %parallel_loop3A_261, %parallel_loop3A_263 : vector<16xf32>
          %parallel_loop3A_265 = arith.index_cast %parallel_loop3A_150 : i32 to index
          %parallel_loop3A_266 = arith.constant 96 : index
          %parallel_loop3A_267 = tpu.vector_load %arg9[%parallel_loop3A_265, %parallel_loop3A_266] {strides = array<i32>} : memref<80x128xf32, #tpu.memory_space<vmem>>, vector<1x16xf32>,
          %parallel_loop3A_268 = vector.shape_cast %parallel_loop3A_267 : vector<1x16xf32> to vector<16xf32>
          %parallel_loop3A_269 = vector.shape_cast %parallel_loop3A_264 : vector<16xf32> to vector<1x16xf32>
          tpu.vector_store %arg9[%parallel_loop3A_265, %parallel_loop3A_266], %parallel_loop3A_269 {strides = array<i32>} : memref<80x128xf32, #tpu.memory_space<vmem>>, vector<1x16xf32>,
          %parallel_loop3A_270 = arith.index_cast %parallel_loop3A_150 : i32 to index
          %parallel_loop3A_271 = arith.constant 112 : index
          %parallel_loop3A_272 = tpu.vector_load %arg9[%parallel_loop3A_270, %parallel_loop3A_271] {strides = array<i32>} : memref<80x128xf32, #tpu.memory_space<vmem>>, vector<1x16xf32>,
          %parallel_loop3A_273 = vector.shape_cast %parallel_loop3A_272 : vector<1x16xf32> to vector<16xf32>
          %parallel_loop3A_274 = arith.index_cast %parallel_loop3A_150 : i32 to index
          %parallel_loop3A_275 = arith.constant 112 : index
          %parallel_loop3A_276 = tpu.vector_load %arg11[%parallel_loop3A_274, %parallel_loop3A_275] {strides = array<i32>} : memref<80x128xf32, #tpu.memory_space<vmem>>, vector<1x16xf32>,
          %parallel_loop3A_277 = vector.shape_cast %parallel_loop3A_276 : vector<1x16xf32> to vector<16xf32>
          %parallel_loop3A_278 = arith.addf %parallel_loop3A_273, %parallel_loop3A_277 : vector<16xf32>
          %parallel_loop3A_279 = arith.constant 0.000000e+00 : f32
          %parallel_loop3A_280 = vector.broadcast %parallel_loop3A_279 : f32 to vector<16xf32>
          %parallel_loop3A_281 = arith.maximumf %parallel_loop3A_278, %parallel_loop3A_280 : vector<16xf32>
          %parallel_loop3A_282 = arith.index_cast %parallel_loop3A_150 : i32 to index
          %parallel_loop3A_283 = arith.constant 112 : index
          %parallel_loop3A_284 = tpu.vector_load %arg9[%parallel_loop3A_282, %parallel_loop3A_283] {strides = array<i32>} : memref<80x128xf32, #tpu.memory_space<vmem>>, vector<1x16xf32>,
          %parallel_loop3A_285 = vector.shape_cast %parallel_loop3A_284 : vector<1x16xf32> to vector<16xf32>
          %parallel_loop3A_286 = vector.shape_cast %parallel_loop3A_281 : vector<16xf32> to vector<1x16xf32>
          tpu.vector_store %arg9[%parallel_loop3A_282, %parallel_loop3A_283], %parallel_loop3A_286 {strides = array<i32>} : memref<80x128xf32, #tpu.memory_space<vmem>>, vector<1x16xf32>,
        } {sc.loop_unroll_factor = 4 : i64, sc.parallel_access}
        %sub3A_133 = arith.constant 1 : i32
        %sub3A_134 = arith.subi %sub3A_133, %arg0 : i32
        %mul3A_135 = arith.constant 320000 : i32
        %mul3A_136 = arith.muli %sub3A_134, %mul3A_135 : i32
        %add3A_137 = arith.constant 0 : i32
        %add3A_138 = arith.addi %mul3A_136, %add3A_137 : i32
        %mul3A_139 = arith.constant 84 : i32
        %mul3A_140 = arith.muli %arg1, %mul3A_139 : i32
        %add3A_141 = arith.addi %mul3A_140, %add3A_91 : i32
        %mul3A_142 = arith.constant 80 : i32
        %mul3A_143 = arith.muli %add3A_141, %mul3A_142 : i32
        %add3A_144 = arith.addi %add3A_138, %mul3A_143 : i32
        %dma_wait3A_145 = tpu.memref_slice %arg2[%add3A_144] : memref<640000xi32, #tpu.memory_space<hbm>> -> memref<80xi32, #tpu.memory_space<hbm>>
        %dma_wait3A_146 = tpu.memref_slice %arg2[%add3A_144] : memref<640000xi32, #tpu.memory_space<hbm>> -> memref<80xi32, #tpu.memory_space<hbm>>
        tpu.wait_dma2 semaphore(%arg15 : memref<!tpu.dma_semaphore, #tpu.memory_space<semaphore_mem>>) src(%dma_wait3A_146 : memref<80xi32, #tpu.memory_space<hbm>>) dst(%arg7 : memref<80xi32, #tpu.memory_space<vmem>>)
        %dma_start3A_147 = arith.constant 0 : i32
        %dma_start3A_148 = arith.constant 0 : i32
        %dma_start3A_149 = tpu.memref_slice %arg13[%dma_start3A_147, %dma_start3A_148] : memref<10000x128xf32, #tpu.memory_space<vmem_shared>> -> memref<10000x128xf32, #tpu.memory_space<vmem_shared>>
        tpu.enqueue_indirect_dma source(%arg9 : memref<80x128xf32, #tpu.memory_space<vmem>>) target(%dma_start3A_149 : memref<10000x128xf32, #tpu.memory_space<vmem_shared>>) offsets(%arg7 : memref<80xi32, #tpu.memory_space<vmem>>) semaphore(%arg21 : memref<!tpu.dma_semaphore, #tpu.memory_space<semaphore_mem>>) {add = true}
      } else {
      }
    }
    %scan3A_57 = arith.constant 43 : i32
    %barrier3A_58 = arith.constant 0 : index
    tpu.barrier barrier_id(%barrier3A_58)
    "tpu.region"() ({
      %run_scoped3A = tpu.sem_alloc : memref<!tpu.dma_semaphore, #tpu.memory_space<semaphore_mem>>
      %dma_start3A_64 = arith.constant 0 : i32
      %dma_start3A_65 = tpu.memref_slice %arg5[%arg0, %mul3A_11, %dma_start3A_64] : memref<2x10000x128xf32, #tpu.memory_space<hbm>> -> memref<1x624x128xf32, #tpu.memory_space<hbm>>
      %dma_start3A_66 = tpu.memref_squeeze %dma_start3A_65 : memref<1x624x128xf32, #tpu.memory_space<hbm>> -> memref<624x128xf32, #tpu.memory_space<hbm>>
      %dma_start3A_67 = arith.constant 0 : i32
      %dma_start3A_68 = tpu.memref_slice %arg13[%mul3A_11, %dma_start3A_67] : memref<10000x128xf32, #tpu.memory_space<vmem_shared>> -> memref<624x128xf32, #tpu.memory_space<vmem_shared>>
      tpu.enqueue_dma source(%dma_start3A_68 : memref<624x128xf32, #tpu.memory_space<vmem_shared>>) target(%dma_start3A_66 : memref<624x128xf32, #tpu.memory_space<hbm>>) target_semaphore(%run_scoped3A : memref<!tpu.dma_semaphore, #tpu.memory_space<semaphore_mem>>)
      %dma_wait3A_69 = arith.constant 0 : i32
      %dma_wait3A_70 = tpu.memref_slice %arg5[%arg0, %mul3A_11, %dma_wait3A_69] : memref<2x10000x128xf32, #tpu.memory_space<hbm>> -> memref<1x624x128xf32, #tpu.memory_space<hbm>>
      %dma_wait3A_71 = tpu.memref_squeeze %dma_wait3A_70 : memref<1x624x128xf32, #tpu.memory_space<hbm>> -> memref<624x128xf32, #tpu.memory_space<hbm>>
      %dma_wait3A_72 = arith.constant 0 : i32
      %dma_wait3A_73 = tpu.memref_slice %arg13[%mul3A_11, %dma_wait3A_72] : memref<10000x128xf32, #tpu.memory_space<vmem_shared>> -> memref<624x128xf32, #tpu.memory_space<vmem_shared>>
      tpu.wait_dma2 semaphore(%run_scoped3A : memref<!tpu.dma_semaphore, #tpu.memory_space<semaphore_mem>>) src(%dma_wait3A_73 : memref<624x128xf32, #tpu.memory_space<vmem_shared>>) dst(%dma_wait3A_71 : memref<624x128xf32, #tpu.memory_space<hbm>>)
      tpu.yield
    }) : () -> ()
    %eq3A_59 = arith.constant 15 : i32
    %eq3A_60 = arith.cmpi eq, %arg1, %eq3A_59 : i32
    %convert_element_type3A_61 = arith.extui %eq3A_60 : i1 to i32
    %cond3A_62 = arith.constant 0 : i32
    %cond3A_63 = arith.cmpi ne, %convert_element_type3A_61, %cond3A_62 : i32
    scf.if %cond3A_63 {
      "tpu.region"() ({
        %run_scoped3A = tpu.sem_alloc : memref<!tpu.dma_semaphore, #tpu.memory_space<semaphore_mem>>
        %dma_start3A_64 = arith.constant 9984 : i32
        %dma_start3A_65 = arith.constant 0 : i32
        %dma_start3A_66 = tpu.memref_slice %arg5[%arg0, %dma_start3A_64, %dma_start3A_65] : memref<2x10000x128xf32, #tpu.memory_space<hbm>> -> memref<1x16x128xf32, #tpu.memory_space<hbm>>
        %dma_start3A_67 = tpu.memref_squeeze %dma_start3A_66 : memref<1x16x128xf32, #tpu.memory_space<hbm>> -> memref<16x128xf32, #tpu.memory_space<hbm>>
        %dma_start3A_68 = arith.constant 9984 : i32
        %dma_start3A_69 = arith.constant 0 : i32
        %dma_start3A_70 = tpu.memref_slice %arg13[%dma_start3A_68, %dma_start3A_69] : memref<10000x128xf32, #tpu.memory_space<vmem_shared>> -> memref<16x128xf32, #tpu.memory_space<vmem_shared>>
        tpu.enqueue_dma source(%dma_start3A_70 : memref<16x128xf32, #tpu.memory_space<vmem_shared>>) target(%dma_start3A_67 : memref<16x128xf32, #tpu.memory_space<hbm>>) target_semaphore(%run_scoped3A : memref<!tpu.dma_semaphore, #tpu.memory_space<semaphore_mem>>)
        %dma_wait3A_71 = arith.constant 9984 : i32
        %dma_wait3A_72 = arith.constant 0 : i32
        %dma_wait3A_73 = tpu.memref_slice %arg5[%arg0, %dma_wait3A_71, %dma_wait3A_72] : memref<2x10000x128xf32, #tpu.memory_space<hbm>> -> memref<1x16x128xf32, #tpu.memory_space<hbm>>
        %dma_wait3A_74 = tpu.memref_squeeze %dma_wait3A_73 : memref<1x16x128xf32, #tpu.memory_space<hbm>> -> memref<16x128xf32, #tpu.memory_space<hbm>>
        %dma_wait3A_75 = arith.constant 9984 : i32
        %dma_wait3A_76 = arith.constant 0 : i32
        %dma_wait3A_77 = tpu.memref_slice %arg13[%dma_wait3A_75, %dma_wait3A_76] : memref<10000x128xf32, #tpu.memory_space<vmem_shared>> -> memref<16x128xf32, #tpu.memory_space<vmem_shared>>
        tpu.wait_dma2 semaphore(%run_scoped3A : memref<!tpu.dma_semaphore, #tpu.memory_space<semaphore_mem>>) src(%dma_wait3A_77 : memref<16x128xf32, #tpu.memory_space<vmem_shared>>) dst(%dma_wait3A_74 : memref<16x128xf32, #tpu.memory_space<hbm>>)
        tpu.yield
      }) : () -> ()
    } else {
    }
    return
  }
}

module attributes {stable_mosaic.version = 14 : i64} {
  func.func @_edge_linear_body(%arg0: i32, %arg1: memref<1280x128xf32, #tpu.memory_space<vmem>>, %arg2: memref<128x256xbf16, #tpu.memory_space<vmem>>, %arg3: memref<1x256xf32, #tpu.memory_space<vmem>>, %arg4: memref<2x1280x128xf32, #tpu.memory_space<vmem>>) attributes {dimension_semantics = [#tpu.dimension_semantics<parallel>], iteration_bounds = array<i64: 83>, scalar_prefetch = 0 : i64, scratch_operands = 0 : i64, tpu.core_type = #tpu.core_type<tc>, window_params = [{transform_indices = @transform_0, window_bounds = array<i64: 1280, 128>}, {pipeline_mode = #tpu.pipeline_mode<synchronous>, transform_indices = @transform_1, window_bounds = array<i64: 128, 256>}, {pipeline_mode = #tpu.pipeline_mode<synchronous>, transform_indices = @transform_2, window_bounds = array<i64: 1, 256>}, {transform_indices = @transform_3, window_bounds = array<i64: 2, 1280, 128>}]} {
    %get3A = arith.constant 0 : index
    %get3A_0 = arith.constant 0 : index
    %get3A_1 = vector.load %arg1[%get3A, %get3A_0] : memref<1280x128xf32, #tpu.memory_space<vmem>>, vector<1280x128xf32>
    %convert_element_type3A = arith.truncf %get3A_1 : vector<1280x128xf32> to vector<1280x128xbf16>
    %get3A_2 = arith.constant 0 : index
    %get3A_3 = arith.constant 0 : index
    %get3A_4 = vector.load %arg2[%get3A_2, %get3A_3] : memref<128x256xbf16, #tpu.memory_space<vmem>>, vector<128x256xbf16>
    %dot_general3A = arith.constant dense<0.000000e+00> : vector<1280x256xf32>
    %dot_general3A_5 = tpu.matmul %convert_element_type3A, %get3A_4, %dot_general3A {dimension_numbers = #tpu.dot_dimension_numbers<[1], [0], [0], [1], [0, 0, 1, 1], [], []>, transpose_lhs_hint = false} : vector<1280x128xbf16>, vector<128x256xbf16>, vector<1280x256xf32> -> vector<1280x256xf32>
    %get3A_6 = arith.constant 0 : index
    %get3A_7 = arith.constant 0 : index
    %get3A_8 = vector.load %arg3[%get3A_6, %get3A_7] : memref<1x256xf32, #tpu.memory_space<vmem>>, vector<1x256xf32>
    %add3A = vector.broadcast %get3A_8 : vector<1x256xf32> to vector<1280x256xf32>
    %add3A_9 = arith.addf %dot_general3A_5, %add3A : vector<1280x256xf32>
    %slice3A = vector.extract_strided_slice %add3A_9 {offsets = [0, 0], sizes = [1280, 128], strides = [1, 1]} : vector<1280x256xf32> to vector<1280x128xf32>
    %swap3A = arith.constant 0 : index
    %swap3A_10 = arith.constant 0 : index
    %swap3A_11 = arith.constant 0 : index
    %swap3A_12 = vector.load %arg4[%swap3A, %swap3A_10, %swap3A_11] : memref<2x1280x128xf32, #tpu.memory_space<vmem>>, vector<1x1280x128xf32>
    %swap3A_13 = vector.shape_cast %swap3A_12 : vector<1x1280x128xf32> to vector<1280x128xf32>
    %swap3A_14 = vector.shape_cast %slice3A : vector<1280x128xf32> to vector<1x1280x128xf32>
    tpu.vector_store %arg4[%swap3A, %swap3A_10, %swap3A_11], %swap3A_14 {strides = array<i32>} : memref<2x1280x128xf32, #tpu.memory_space<vmem>>, vector<1x1280x128xf32>,
    %slice3A_15 = vector.extract_strided_slice %add3A_9 {offsets = [0, 128], sizes = [1280, 128], strides = [1, 1]} : vector<1280x256xf32> to vector<1280x128xf32>
    %swap3A_16 = arith.constant 1 : index
    %swap3A_17 = arith.constant 0 : index
    %swap3A_18 = arith.constant 0 : index
    %swap3A_19 = vector.load %arg4[%swap3A_16, %swap3A_17, %swap3A_18] : memref<2x1280x128xf32, #tpu.memory_space<vmem>>, vector<1x1280x128xf32>
    %swap3A_20 = vector.shape_cast %swap3A_19 : vector<1x1280x128xf32> to vector<1280x128xf32>
    %swap3A_21 = vector.shape_cast %slice3A_15 : vector<1280x128xf32> to vector<1x1280x128xf32>
    tpu.vector_store %arg4[%swap3A_16, %swap3A_17, %swap3A_18], %swap3A_21 {strides = array<i32>} : memref<2x1280x128xf32, #tpu.memory_space<vmem>>, vector<1x1280x128xf32>,
    return
  }
  func.func @transform_0(%arg0: i32) -> (i32, i32) {
    %add3A = arith.constant 84 : i32
    %add3A_0 = arith.addi %arg0, %add3A : i32
    %c0_i32 = arith.constant 0 : i32
    %c0_i32_1 = arith.constant 0 : i32
    return %add3A_0, %c0_i32 : i32, i32
  }
  func.func @transform_1(%arg0: i32) -> (i32, i32) {
    %c0_i32 = arith.constant 0 : i32
    %c0_i32_0 = arith.constant 0 : i32
    %c0_i32_1 = arith.constant 0 : i32
    return %c0_i32, %c0_i32_0 : i32, i32
  }
  func.func @transform_2(%arg0: i32) -> (i32, i32) {
    %c0_i32 = arith.constant 0 : i32
    %c0_i32_0 = arith.constant 0 : i32
    %c0_i32_1 = arith.constant 0 : i32
    return %c0_i32, %c0_i32_0 : i32, i32
  }
  func.func @transform_3(%arg0: i32) -> (i32, i32, i32) {
    %c0_i32 = arith.constant 0 : i32
    %c0_i32_0 = arith.constant 0 : i32
    %c0_i32_1 = arith.constant 0 : i32
    return %c0_i32, %arg0, %c0_i32_0 : i32, i32, i32
  }
}

module attributes {stable_mosaic.version = 14 : i64} {
  func.func @_edge_linear_body(%arg0: i32, %arg1: memref<1280x128xf32, #tpu.memory_space<vmem>>, %arg2: memref<128x256xbf16, #tpu.memory_space<vmem>>, %arg3: memref<1x256xf32, #tpu.memory_space<vmem>>, %arg4: memref<2x1280x128xf32, #tpu.memory_space<vmem>>) attributes {dimension_semantics = [#tpu.dimension_semantics<parallel>], iteration_bounds = array<i64: 84>, scalar_prefetch = 0 : i64, scratch_operands = 0 : i64, tpu.core_type = #tpu.core_type<tc>, window_params = [{transform_indices = @transform_0, window_bounds = array<i64: 1280, 128>}, {pipeline_mode = #tpu.pipeline_mode<synchronous>, transform_indices = @transform_1, window_bounds = array<i64: 128, 256>}, {pipeline_mode = #tpu.pipeline_mode<synchronous>, transform_indices = @transform_2, window_bounds = array<i64: 1, 256>}, {transform_indices = @transform_3, window_bounds = array<i64: 2, 1280, 128>}]} {
    %get3A = arith.constant 0 : index
    %get3A_0 = arith.constant 0 : index
    %get3A_1 = vector.load %arg1[%get3A, %get3A_0] : memref<1280x128xf32, #tpu.memory_space<vmem>>, vector<1280x128xf32>
    %convert_element_type3A = arith.truncf %get3A_1 : vector<1280x128xf32> to vector<1280x128xbf16>
    %get3A_2 = arith.constant 0 : index
    %get3A_3 = arith.constant 0 : index
    %get3A_4 = vector.load %arg2[%get3A_2, %get3A_3] : memref<128x256xbf16, #tpu.memory_space<vmem>>, vector<128x256xbf16>
    %dot_general3A = arith.constant dense<0.000000e+00> : vector<1280x256xf32>
    %dot_general3A_5 = tpu.matmul %convert_element_type3A, %get3A_4, %dot_general3A {dimension_numbers = #tpu.dot_dimension_numbers<[1], [0], [0], [1], [0, 0, 1, 1], [], []>, transpose_lhs_hint = false} : vector<1280x128xbf16>, vector<128x256xbf16>, vector<1280x256xf32> -> vector<1280x256xf32>
    %get3A_6 = arith.constant 0 : index
    %get3A_7 = arith.constant 0 : index
    %get3A_8 = vector.load %arg3[%get3A_6, %get3A_7] : memref<1x256xf32, #tpu.memory_space<vmem>>, vector<1x256xf32>
    %add3A = vector.broadcast %get3A_8 : vector<1x256xf32> to vector<1280x256xf32>
    %add3A_9 = arith.addf %dot_general3A_5, %add3A : vector<1280x256xf32>
    %slice3A = vector.extract_strided_slice %add3A_9 {offsets = [0, 0], sizes = [1280, 128], strides = [1, 1]} : vector<1280x256xf32> to vector<1280x128xf32>
    %swap3A = arith.constant 0 : index
    %swap3A_10 = arith.constant 0 : index
    %swap3A_11 = arith.constant 0 : index
    %swap3A_12 = vector.load %arg4[%swap3A, %swap3A_10, %swap3A_11] : memref<2x1280x128xf32, #tpu.memory_space<vmem>>, vector<1x1280x128xf32>
    %swap3A_13 = vector.shape_cast %swap3A_12 : vector<1x1280x128xf32> to vector<1280x128xf32>
    %swap3A_14 = vector.shape_cast %slice3A : vector<1280x128xf32> to vector<1x1280x128xf32>
    tpu.vector_store %arg4[%swap3A, %swap3A_10, %swap3A_11], %swap3A_14 {strides = array<i32>} : memref<2x1280x128xf32, #tpu.memory_space<vmem>>, vector<1x1280x128xf32>,
    %slice3A_15 = vector.extract_strided_slice %add3A_9 {offsets = [0, 128], sizes = [1280, 128], strides = [1, 1]} : vector<1280x256xf32> to vector<1280x128xf32>
    %swap3A_16 = arith.constant 1 : index
    %swap3A_17 = arith.constant 0 : index
    %swap3A_18 = arith.constant 0 : index
    %swap3A_19 = vector.load %arg4[%swap3A_16, %swap3A_17, %swap3A_18] : memref<2x1280x128xf32, #tpu.memory_space<vmem>>, vector<1x1280x128xf32>
    %swap3A_20 = vector.shape_cast %swap3A_19 : vector<1x1280x128xf32> to vector<1280x128xf32>
    %swap3A_21 = vector.shape_cast %slice3A_15 : vector<1280x128xf32> to vector<1x1280x128xf32>
    tpu.vector_store %arg4[%swap3A_16, %swap3A_17, %swap3A_18], %swap3A_21 {strides = array<i32>} : memref<2x1280x128xf32, #tpu.memory_space<vmem>>, vector<1x1280x128xf32>,
    return
  }
  func.func @transform_0(%arg0: i32) -> (i32, i32) {
    %add3A = arith.constant 0 : i32
    %add3A_0 = arith.addi %arg0, %add3A : i32
    %c0_i32 = arith.constant 0 : i32
    %c0_i32_1 = arith.constant 0 : i32
    return %add3A_0, %c0_i32 : i32, i32
  }
  func.func @transform_1(%arg0: i32) -> (i32, i32) {
    %c0_i32 = arith.constant 0 : i32
    %c0_i32_0 = arith.constant 0 : i32
    %c0_i32_1 = arith.constant 0 : i32
    return %c0_i32, %c0_i32_0 : i32, i32
  }
  func.func @transform_2(%arg0: i32) -> (i32, i32) {
    %c0_i32 = arith.constant 0 : i32
    %c0_i32_0 = arith.constant 0 : i32
    %c0_i32_1 = arith.constant 0 : i32
    return %c0_i32, %c0_i32_0 : i32, i32
  }
  func.func @transform_3(%arg0: i32) -> (i32, i32, i32) {
    %c0_i32 = arith.constant 0 : i32
    %c0_i32_0 = arith.constant 0 : i32
    %c0_i32_1 = arith.constant 0 : i32
    return %c0_i32, %arg0, %c0_i32_0 : i32, i32, i32
  }
}

module attributes {stable_mosaic.version = 14 : i64} {
  func.func @_edge_linear_body(%arg0: i32, %arg1: memref<1280x128xf32, #tpu.memory_space<vmem>>, %arg2: memref<128x256xbf16, #tpu.memory_space<vmem>>, %arg3: memref<1x256xf32, #tpu.memory_space<vmem>>, %arg4: memref<2x1280x128xf32, #tpu.memory_space<vmem>>) attributes {dimension_semantics = [#tpu.dimension_semantics<parallel>], iteration_bounds = array<i64: 83>, scalar_prefetch = 0 : i64, scratch_operands = 0 : i64, tpu.core_type = #tpu.core_type<tc>, window_params = [{transform_indices = @transform_0, window_bounds = array<i64: 1280, 128>}, {pipeline_mode = #tpu.pipeline_mode<synchronous>, transform_indices = @transform_1, window_bounds = array<i64: 128, 256>}, {pipeline_mode = #tpu.pipeline_mode<synchronous>, transform_indices = @transform_2, window_bounds = array<i64: 1, 256>}, {transform_indices = @transform_3, window_bounds = array<i64: 2, 1280, 128>}]} {
    %get3A = arith.constant 0 : index
    %get3A_0 = arith.constant 0 : index
    %get3A_1 = vector.load %arg1[%get3A, %get3A_0] : memref<1280x128xf32, #tpu.memory_space<vmem>>, vector<1280x128xf32>
    %convert_element_type3A = arith.truncf %get3A_1 : vector<1280x128xf32> to vector<1280x128xbf16>
    %get3A_2 = arith.constant 0 : index
    %get3A_3 = arith.constant 0 : index
    %get3A_4 = vector.load %arg2[%get3A_2, %get3A_3] : memref<128x256xbf16, #tpu.memory_space<vmem>>, vector<128x256xbf16>
    %dot_general3A = arith.constant dense<0.000000e+00> : vector<1280x256xf32>
    %dot_general3A_5 = tpu.matmul %convert_element_type3A, %get3A_4, %dot_general3A {dimension_numbers = #tpu.dot_dimension_numbers<[1], [0], [0], [1], [0, 0, 1, 1], [], []>, transpose_lhs_hint = false} : vector<1280x128xbf16>, vector<128x256xbf16>, vector<1280x256xf32> -> vector<1280x256xf32>
    %get3A_6 = arith.constant 0 : index
    %get3A_7 = arith.constant 0 : index
    %get3A_8 = vector.load %arg3[%get3A_6, %get3A_7] : memref<1x256xf32, #tpu.memory_space<vmem>>, vector<1x256xf32>
    %add3A = vector.broadcast %get3A_8 : vector<1x256xf32> to vector<1280x256xf32>
    %add3A_9 = arith.addf %dot_general3A_5, %add3A : vector<1280x256xf32>
    %slice3A = vector.extract_strided_slice %add3A_9 {offsets = [0, 0], sizes = [1280, 128], strides = [1, 1]} : vector<1280x256xf32> to vector<1280x128xf32>
    %swap3A = arith.constant 0 : index
    %swap3A_10 = arith.constant 0 : index
    %swap3A_11 = arith.constant 0 : index
    %swap3A_12 = vector.load %arg4[%swap3A, %swap3A_10, %swap3A_11] : memref<2x1280x128xf32, #tpu.memory_space<vmem>>, vector<1x1280x128xf32>
    %swap3A_13 = vector.shape_cast %swap3A_12 : vector<1x1280x128xf32> to vector<1280x128xf32>
    %swap3A_14 = vector.shape_cast %slice3A : vector<1280x128xf32> to vector<1x1280x128xf32>
    tpu.vector_store %arg4[%swap3A, %swap3A_10, %swap3A_11], %swap3A_14 {strides = array<i32>} : memref<2x1280x128xf32, #tpu.memory_space<vmem>>, vector<1x1280x128xf32>,
    %slice3A_15 = vector.extract_strided_slice %add3A_9 {offsets = [0, 128], sizes = [1280, 128], strides = [1, 1]} : vector<1280x256xf32> to vector<1280x128xf32>
    %swap3A_16 = arith.constant 1 : index
    %swap3A_17 = arith.constant 0 : index
    %swap3A_18 = arith.constant 0 : index
    %swap3A_19 = vector.load %arg4[%swap3A_16, %swap3A_17, %swap3A_18] : memref<2x1280x128xf32, #tpu.memory_space<vmem>>, vector<1x1280x128xf32>
    %swap3A_20 = vector.shape_cast %swap3A_19 : vector<1x1280x128xf32> to vector<1280x128xf32>
    %swap3A_21 = vector.shape_cast %slice3A_15 : vector<1280x128xf32> to vector<1x1280x128xf32>
    tpu.vector_store %arg4[%swap3A_16, %swap3A_17, %swap3A_18], %swap3A_21 {strides = array<i32>} : memref<2x1280x128xf32, #tpu.memory_space<vmem>>, vector<1x1280x128xf32>,
    return
  }
  func.func @transform_0(%arg0: i32) -> (i32, i32) {
    %add3A = arith.constant 167 : i32
    %add3A_0 = arith.addi %arg0, %add3A : i32
    %c0_i32 = arith.constant 0 : i32
    %c0_i32_1 = arith.constant 0 : i32
    return %add3A_0, %c0_i32 : i32, i32
  }
  func.func @transform_1(%arg0: i32) -> (i32, i32) {
    %c0_i32 = arith.constant 0 : i32
    %c0_i32_0 = arith.constant 0 : i32
    %c0_i32_1 = arith.constant 0 : i32
    return %c0_i32, %c0_i32_0 : i32, i32
  }
  func.func @transform_2(%arg0: i32) -> (i32, i32) {
    %c0_i32 = arith.constant 0 : i32
    %c0_i32_0 = arith.constant 0 : i32
    %c0_i32_1 = arith.constant 0 : i32
    return %c0_i32, %c0_i32_0 : i32, i32
  }
  func.func @transform_3(%arg0: i32) -> (i32, i32, i32) {
    %c0_i32 = arith.constant 0 : i32
    %c0_i32_0 = arith.constant 0 : i32
    %c0_i32_1 = arith.constant 0 : i32
    return %c0_i32, %arg0, %c0_i32_0 : i32, i32, i32
  }
}

module attributes {stable_mosaic.version = 14 : i64} {
  func.func @_node_mlp_body(%arg0: i32, %arg1: memref<1000x128xf32, #tpu.memory_space<vmem>>, %arg2: memref<2x1000x128xf32, #tpu.memory_space<vmem>>, %arg3: memref<2x1000x128xf32, #tpu.memory_space<vmem>>, %arg4: memref<2x1000x128xf32, #tpu.memory_space<vmem>>, %arg5: memref<128x256xf32, #tpu.memory_space<vmem>>, %arg6: memref<1x256xf32, #tpu.memory_space<vmem>>, %arg7: memref<256x128xf32, #tpu.memory_space<vmem>>, %arg8: memref<1x128xf32, #tpu.memory_space<vmem>>, %arg9: memref<384x128xf32, #tpu.memory_space<vmem>>, %arg10: memref<1x128xf32, #tpu.memory_space<vmem>>, %arg11: memref<1000x128xf32, #tpu.memory_space<vmem>>) attributes {dimension_semantics = [#tpu.dimension_semantics<parallel>], iteration_bounds = array<i64: 10>, scalar_prefetch = 0 : i64, scratch_operands = 0 : i64, tpu.core_type = #tpu.core_type<tc>, window_params = [{transform_indices = @transform_0, window_bounds = array<i64: 1000, 128>}, {transform_indices = @transform_1, window_bounds = array<i64: 2, 1000, 128>}, {transform_indices = @transform_2, window_bounds = array<i64: 2, 1000, 128>}, {transform_indices = @transform_3, window_bounds = array<i64: 2, 1000, 128>}, {pipeline_mode = #tpu.pipeline_mode<synchronous>, transform_indices = @transform_4, window_bounds = array<i64: 128, 256>}, {pipeline_mode = #tpu.pipeline_mode<synchronous>, transform_indices = @transform_5, window_bounds = array<i64: 1, 256>}, {pipeline_mode = #tpu.pipeline_mode<synchronous>, transform_indices = @transform_6, window_bounds = array<i64: 256, 128>}, {pipeline_mode = #tpu.pipeline_mode<synchronous>, transform_indices = @transform_7, window_bounds = array<i64: 1, 128>}, {pipeline_mode = #tpu.pipeline_mode<synchronous>, transform_indices = @transform_8, window_bounds = array<i64: 384, 128>}, {pipeline_mode = #tpu.pipeline_mode<synchronous>, transform_indices = @transform_9, window_bounds = array<i64: 1, 128>}, {transform_indices = @transform_10, window_bounds = array<i64: 1000, 128>}]} {
    %get3A = arith.constant 0 : index
    %get3A_0 = arith.constant 0 : index
    %get3A_1 = vector.load %arg5[%get3A, %get3A_0] : memref<128x256xf32, #tpu.memory_space<vmem>>, vector<128x256xf32>
    %get3A_2 = arith.constant 0 : index
    %get3A_3 = arith.constant 0 : index
    %get3A_4 = vector.load %arg6[%get3A_2, %get3A_3] : memref<1x256xf32, #tpu.memory_space<vmem>>, vector<1x256xf32>
    %get3A_5 = arith.constant 0 : index
    %get3A_6 = arith.constant 0 : index
    %get3A_7 = vector.load %arg7[%get3A_5, %get3A_6] : memref<256x128xf32, #tpu.memory_space<vmem>>, vector<256x128xf32>
    %get3A_8 = arith.constant 0 : index
    %get3A_9 = arith.constant 0 : index
    %get3A_10 = vector.load %arg8[%get3A_8, %get3A_9] : memref<1x128xf32, #tpu.memory_space<vmem>>, vector<1x128xf32>
    %get3A_11 = arith.constant 0 : index
    %get3A_12 = arith.constant 0 : index
    %get3A_13 = arith.constant 0 : index
    %get3A_14 = vector.load %arg2[%get3A_11, %get3A_12, %get3A_13] : memref<2x1000x128xf32, #tpu.memory_space<vmem>>, vector<1x1000x128xf32>
    %get3A_15 = vector.shape_cast %get3A_14 : vector<1x1000x128xf32> to vector<1000x128xf32>
    %get3A_16 = arith.constant 0 : index
    %get3A_17 = arith.constant 0 : index
    %get3A_18 = arith.constant 0 : index
    %get3A_19 = vector.load %arg3[%get3A_16, %get3A_17, %get3A_18] : memref<2x1000x128xf32, #tpu.memory_space<vmem>>, vector<1x1000x128xf32>
    %get3A_20 = vector.shape_cast %get3A_19 : vector<1x1000x128xf32> to vector<1000x128xf32>
    %add3A = arith.addf %get3A_15, %get3A_20 : vector<1000x128xf32>
    %get3A_21 = arith.constant 0 : index
    %get3A_22 = arith.constant 0 : index
    %get3A_23 = arith.constant 0 : index
    %get3A_24 = vector.load %arg4[%get3A_21, %get3A_22, %get3A_23] : memref<2x1000x128xf32, #tpu.memory_space<vmem>>, vector<1x1000x128xf32>
    %get3A_25 = vector.shape_cast %get3A_24 : vector<1x1000x128xf32> to vector<1000x128xf32>
    %add3A_26 = arith.addf %add3A, %get3A_25 : vector<1000x128xf32>
    %dot_general3A = arith.constant dense<0.000000e+00> : vector<1000x256xf32>
    %dot_general3A_27 = tpu.matmul %add3A_26, %get3A_1, %dot_general3A {dimension_numbers = #tpu.dot_dimension_numbers<[1], [0], [0], [1], [0, 0, 1, 1], [], []>, transpose_lhs_hint = false} : vector<1000x128xf32>, vector<128x256xf32>, vector<1000x256xf32> -> vector<1000x256xf32>
    %add3A_28 = vector.broadcast %get3A_4 : vector<1x256xf32> to vector<1000x256xf32>
    %add3A_29 = arith.addf %dot_general3A_27, %add3A_28 : vector<1000x256xf32>
    %max3A = arith.constant 0.000000e+00 : f32
    %max3A_30 = vector.broadcast %max3A : f32 to vector<1000x256xf32>
    %max3A_31 = arith.maximumf %add3A_29, %max3A_30 : vector<1000x256xf32>
    %dot_general3A_32 = arith.constant dense<0.000000e+00> : vector<1000x128xf32>
    %dot_general3A_33 = tpu.matmul %max3A_31, %get3A_7, %dot_general3A_32 {dimension_numbers = #tpu.dot_dimension_numbers<[1], [0], [0], [1], [0, 0, 1, 1], [], []>, transpose_lhs_hint = false} : vector<1000x256xf32>, vector<256x128xf32>, vector<1000x128xf32> -> vector<1000x128xf32>
    %add3A_34 = vector.broadcast %get3A_10 : vector<1x128xf32> to vector<1000x128xf32>
    %add3A_35 = arith.addf %dot_general3A_33, %add3A_34 : vector<1000x128xf32>
    %get3A_36 = arith.constant 1 : index
    %get3A_37 = arith.constant 0 : index
    %get3A_38 = arith.constant 0 : index
    %get3A_39 = vector.load %arg2[%get3A_36, %get3A_37, %get3A_38] : memref<2x1000x128xf32, #tpu.memory_space<vmem>>, vector<1x1000x128xf32>
    %get3A_40 = vector.shape_cast %get3A_39 : vector<1x1000x128xf32> to vector<1000x128xf32>
    %get3A_41 = arith.constant 1 : index
    %get3A_42 = arith.constant 0 : index
    %get3A_43 = arith.constant 0 : index
    %get3A_44 = vector.load %arg3[%get3A_41, %get3A_42, %get3A_43] : memref<2x1000x128xf32, #tpu.memory_space<vmem>>, vector<1x1000x128xf32>
    %get3A_45 = vector.shape_cast %get3A_44 : vector<1x1000x128xf32> to vector<1000x128xf32>
    %add3A_46 = arith.addf %get3A_40, %get3A_45 : vector<1000x128xf32>
    %get3A_47 = arith.constant 1 : index
    %get3A_48 = arith.constant 0 : index
    %get3A_49 = arith.constant 0 : index
    %get3A_50 = vector.load %arg4[%get3A_47, %get3A_48, %get3A_49] : memref<2x1000x128xf32, #tpu.memory_space<vmem>>, vector<1x1000x128xf32>
    %get3A_51 = vector.shape_cast %get3A_50 : vector<1x1000x128xf32> to vector<1000x128xf32>
    %add3A_52 = arith.addf %add3A_46, %get3A_51 : vector<1000x128xf32>
    %dot_general3A_53 = arith.constant dense<0.000000e+00> : vector<1000x256xf32>
    %dot_general3A_54 = tpu.matmul %add3A_52, %get3A_1, %dot_general3A_53 {dimension_numbers = #tpu.dot_dimension_numbers<[1], [0], [0], [1], [0, 0, 1, 1], [], []>, transpose_lhs_hint = false} : vector<1000x128xf32>, vector<128x256xf32>, vector<1000x256xf32> -> vector<1000x256xf32>
    %add3A_55 = vector.broadcast %get3A_4 : vector<1x256xf32> to vector<1000x256xf32>
    %add3A_56 = arith.addf %dot_general3A_54, %add3A_55 : vector<1000x256xf32>
    %max3A_57 = arith.constant 0.000000e+00 : f32
    %max3A_58 = vector.broadcast %max3A_57 : f32 to vector<1000x256xf32>
    %max3A_59 = arith.maximumf %add3A_56, %max3A_58 : vector<1000x256xf32>
    %dot_general3A_60 = arith.constant dense<0.000000e+00> : vector<1000x128xf32>
    %dot_general3A_61 = tpu.matmul %max3A_59, %get3A_7, %dot_general3A_60 {dimension_numbers = #tpu.dot_dimension_numbers<[1], [0], [0], [1], [0, 0, 1, 1], [], []>, transpose_lhs_hint = false} : vector<1000x256xf32>, vector<256x128xf32>, vector<1000x128xf32> -> vector<1000x128xf32>
    %add3A_62 = vector.broadcast %get3A_10 : vector<1x128xf32> to vector<1000x128xf32>
    %add3A_63 = arith.addf %dot_general3A_61, %add3A_62 : vector<1000x128xf32>
    %get3A_64 = arith.constant 0 : index
    %get3A_65 = arith.constant 0 : index
    %get3A_66 = vector.load %arg1[%get3A_64, %get3A_65] : memref<1000x128xf32, #tpu.memory_space<vmem>>, vector<1000x128xf32>
    %get3A_67 = arith.constant 0 : index
    %get3A_68 = arith.constant 0 : index
    %get3A_69 = vector.load %arg9[%get3A_67, %get3A_68] : memref<384x128xf32, #tpu.memory_space<vmem>>, vector<128x128xf32>
    %dot_general3A_70 = arith.constant dense<0.000000e+00> : vector<1000x128xf32>
    %dot_general3A_71 = tpu.matmul %get3A_66, %get3A_69, %dot_general3A_70 {dimension_numbers = #tpu.dot_dimension_numbers<[1], [0], [0], [1], [0, 0, 1, 1], [], []>, transpose_lhs_hint = false} : vector<1000x128xf32>, vector<128x128xf32>, vector<1000x128xf32> -> vector<1000x128xf32>
    %get3A_72 = arith.constant 128 : index
    %get3A_73 = arith.constant 0 : index
    %get3A_74 = vector.load %arg9[%get3A_72, %get3A_73] : memref<384x128xf32, #tpu.memory_space<vmem>>, vector<128x128xf32>
    %dot_general3A_75 = arith.constant dense<0.000000e+00> : vector<1000x128xf32>
    %dot_general3A_76 = tpu.matmul %add3A_35, %get3A_74, %dot_general3A_75 {dimension_numbers = #tpu.dot_dimension_numbers<[1], [0], [0], [1], [0, 0, 1, 1], [], []>, transpose_lhs_hint = false} : vector<1000x128xf32>, vector<128x128xf32>, vector<1000x128xf32> -> vector<1000x128xf32>
    %add3A_77 = arith.addf %dot_general3A_71, %dot_general3A_76 : vector<1000x128xf32>
    %get3A_78 = arith.constant 256 : index
    %get3A_79 = arith.constant 0 : index
    %get3A_80 = vector.load %arg9[%get3A_78, %get3A_79] : memref<384x128xf32, #tpu.memory_space<vmem>>, vector<128x128xf32>
    %dot_general3A_81 = arith.constant dense<0.000000e+00> : vector<1000x128xf32>
    %dot_general3A_82 = tpu.matmul %add3A_63, %get3A_80, %dot_general3A_81 {dimension_numbers = #tpu.dot_dimension_numbers<[1], [0], [0], [1], [0, 0, 1, 1], [], []>, transpose_lhs_hint = false} : vector<1000x128xf32>, vector<128x128xf32>, vector<1000x128xf32> -> vector<1000x128xf32>
    %add3A_83 = arith.addf %add3A_77, %dot_general3A_82 : vector<1000x128xf32>
    %get3A_84 = arith.constant 0 : index
    %get3A_85 = arith.constant 0 : index
    %get3A_86 = vector.load %arg10[%get3A_84, %get3A_85] : memref<1x128xf32, #tpu.memory_space<vmem>>, vector<1x128xf32>
    %add3A_87 = vector.broadcast %get3A_86 : vector<1x128xf32> to vector<1000x128xf32>
    %add3A_88 = arith.addf %add3A_83, %add3A_87 : vector<1000x128xf32>
    %swap3A = arith.constant 0 : index
    %swap3A_89 = arith.constant 0 : index
    %swap3A_90 = vector.load %arg11[%swap3A, %swap3A_89] : memref<1000x128xf32, #tpu.memory_space<vmem>>, vector<1000x128xf32>
    tpu.vector_store %arg11[%swap3A, %swap3A_89], %add3A_88 {strides = array<i32>} : memref<1000x128xf32, #tpu.memory_space<vmem>>, vector<1000x128xf32>,
    return
  }
  func.func @transform_0(%arg0: i32) -> (i32, i32) {
    %c0_i32 = arith.constant 0 : i32
    %c0_i32_0 = arith.constant 0 : i32
    return %arg0, %c0_i32 : i32, i32
  }
  func.func @transform_1(%arg0: i32) -> (i32, i32, i32) {
    %c0_i32 = arith.constant 0 : i32
    %c0_i32_0 = arith.constant 0 : i32
    %c0_i32_1 = arith.constant 0 : i32
    return %c0_i32, %arg0, %c0_i32_0 : i32, i32, i32
  }
  func.func @transform_2(%arg0: i32) -> (i32, i32, i32) {
    %c0_i32 = arith.constant 0 : i32
    %c0_i32_0 = arith.constant 0 : i32
    %c0_i32_1 = arith.constant 0 : i32
    return %c0_i32, %arg0, %c0_i32_0 : i32, i32, i32
  }
  func.func @transform_3(%arg0: i32) -> (i32, i32, i32) {
    %c0_i32 = arith.constant 0 : i32
    %c0_i32_0 = arith.constant 0 : i32
    %c0_i32_1 = arith.constant 0 : i32
    return %c0_i32, %arg0, %c0_i32_0 : i32, i32, i32
  }
  func.func @transform_4(%arg0: i32) -> (i32, i32) {
    %c0_i32 = arith.constant 0 : i32
    %c0_i32_0 = arith.constant 0 : i32
    %c0_i32_1 = arith.constant 0 : i32
    return %c0_i32, %c0_i32_0 : i32, i32
  }
  func.func @transform_5(%arg0: i32) -> (i32, i32) {
    %c0_i32 = arith.constant 0 : i32
    %c0_i32_0 = arith.constant 0 : i32
    %c0_i32_1 = arith.constant 0 : i32
    return %c0_i32, %c0_i32_0 : i32, i32
  }
  func.func @transform_6(%arg0: i32) -> (i32, i32) {
    %c0_i32 = arith.constant 0 : i32
    %c0_i32_0 = arith.constant 0 : i32
    %c0_i32_1 = arith.constant 0 : i32
    return %c0_i32, %c0_i32_0 : i32, i32
  }
  func.func @transform_7(%arg0: i32) -> (i32, i32) {
    %c0_i32 = arith.constant 0 : i32
    %c0_i32_0 = arith.constant 0 : i32
    %c0_i32_1 = arith.constant 0 : i32
    return %c0_i32, %c0_i32_0 : i32, i32
  }
  func.func @transform_8(%arg0: i32) -> (i32, i32) {
    %c0_i32 = arith.constant 0 : i32
    %c0_i32_0 = arith.constant 0 : i32
    %c0_i32_1 = arith.constant 0 : i32
    return %c0_i32, %c0_i32_0 : i32, i32
  }
  func.func @transform_9(%arg0: i32) -> (i32, i32) {
    %c0_i32 = arith.constant 0 : i32
    %c0_i32_0 = arith.constant 0 : i32
    %c0_i32_1 = arith.constant 0 : i32
    return %c0_i32, %c0_i32_0 : i32, i32
  }
  func.func @transform_10(%arg0: i32) -> (i32, i32) {
    %c0_i32 = arith.constant 0 : i32
    %c0_i32_0 = arith.constant 0 : i32
    return %arg0, %c0_i32 : i32, i32
  }
}

</mosaic_0001>

<sc_bundles>
// kernel: kernel.12.cloned.1.call-start
scs
__scs_entry_jumppad:
0x0: {  	(pc) =	sbr.rel $0x88, $3  }
0x1: {  	(tag) =	ssettag $0x0;
	lr =	simm.s32 $0x1  }
0x2: {  	[smem:$0x3F94] =	sst lr;
	_ =	strace $0xD0000000  }
0x3: {  	_ = 	snop  }
0x4: {  	_ = 	snop  }
0x5: {  	_ = 	snop  }
0x6: {  	_ = 	snop  }
0x7: {  	_ = 	snop  }
__scs_overlays_trampoline_lowered:
0x8: {  	[smem:$0x3FA3] =	sst s0  }
0x9: {  	[smem:$0x3FA4] =	sst s1  }
0xa: {  	[smem:$0x3FA5] =	sst s2  }
0xb: {  	[smem:$0x3FA6] =	sst s3  }
0xc: {  	[smem:$0x3FA7] =	sst s4  }
0xd: {  	[smem:$0x3FA8] =	sst s5  }
0xe: {  	[smem:$0x3FA9] =	sst s6  }
0xf: {  	[smem:$0x3FAA] =	sst s7  }
0x10: {  	[smem:$0x3FAB] =	sst s8  }
0x11: {  	[smem:$0x3FAC] =	sst s9;
	s0 =	simm.s32 @!p0 $0x0  }
0x12: {  	s1 =	sld [smem:$0x3F92];
	s0 =	simm.s32 @p0 $0x1  }
0x13: {  	[smem:$0x3FAD] =	sst s0;
	s0 =	simm.s32 @!p1 $0x0  }
0x14: {  	s2 =	sld [smem:$0x3F91];
	s0 =	simm.s32 @p1 $0x1  }
0x15: {  	[smem:$0x3FAE] =	sst s0;
	s0 =	simm.s32 @!p2 $0x0  }
0x16: {  	s3 =	sld [smem:$0x3FDB];
	s0 =	simm.s32 @p2 $0x1  }
0x17: {  	s4 =	simm.s32 $0x1BF5;
	[smem:$0x3FB0] =	sst s0  }
0x18: {  	s0 =	sld [smem:$0x3F93];
	_ =	swait.ge [sflag:s4], $0x0  }
0x19: {  	s7 =	sld [smem:$0x3F94]  }
0x1a: {  	s8 =	sadd.s32 $0xFFFFE003, lr  }
0x1b: {  	s9 =	sadd.s32 $0xFFFFFEF7, lr;
	s5 =	simm.s32 $0xFFFFFFFF;
	p2 =	slt.u32 s8, $0xFFFFF086  }
0x1c: {  	p1 =	slt.u32 s9, $0xF7A;
	s5 =	simm.s32 @!p2 $0x0  }
0x1d: {  	s5 =	simm.s32 @p1 $0x1;
	p0 =	seq.s32 s7, s2  }
0x1e: {  	s7 =	smul.u32 @!p0 $0xF7A, s2;
	p2 =	seq.s32 @!p0 s5, $0x0  }
0x1f: {  	s9 =	smul.u32 $0xF7A, s1;
	s8 =	simm.s32 @!p0 $0x1BF5;
	p2 =	por !p2, p0  }
0x20: {  	[sflag:s8] =	ssyncset.s32 @!p0 $0xFFFFF086;
	s6 =	sadd.s32 @!p0 s3, s7;
	s7 =	simm.s32 @!p0 $0x108  }
0x21: {  	s3 =	sadd.s32 s3, s9;
	s6 =	sadd.s32 @!p0 $0x88, s6;
	s7 =	simm.s32 @p2 $0x1082  }
0x22: {  	[simem:s7], [sflag:s8] =	dma.local @!p0 [hbm:s6], $0xF7A  }
0x23: {  	s9 =	sor.u32 $0xD0000000, s2;
	s6 =	simm.s32 $0x108;
	_ =	swait.ge @!p0 [sflag:s8], $0x0  }
0x24: {  	s3 =	sadd.s32 $0x88, s3;
	s6 =	simm.s32 @!p1 $0x1082;
	[sflag:s4] =	ssyncset.s32 $0xFFFFF086  }
0x25: {  	[simem:s6], [sflag:s4] =	dma.local [hbm:s3], $0xF7A  }
0x26: {  	[smem:$0x3F94] =	sst s1;
	(tag) =	ssettag s2;
	_ =	strace s9  }
0x27: {  	s1 =	sld [smem:$0x3FA4]  }
0x28: {  	s2 =	sld [smem:$0x3FA5]  }
0x29: {  	s4 =	sld [smem:$0x3FA7]  }
0x2a: {  	p0 =	seq.s32 s5, $0x0;
	s5 =	sld [smem:$0x3FA8]  }
0x2b: {  	s6 =	sld [smem:$0x3FA9]  }
0x2c: {  	s7 =	sld [smem:$0x3FAA]  }
0x2d: {  	s3 =	simm.s32 $0x108;
	s8 =	sld [smem:$0x3FAB]  }
0x2e: {  	s3 =	simm.s32 @!p0 $0x1082;
	s9 =	sld [smem:$0x3FAC]  }
0x2f: {  	lr =	sadd.s32 s0, s3;
	s0 =	sld [smem:$0x3FA3]  }
0x30: {  	s3 =	sld [smem:$0x3FA6]  }
0x31: {  	[smem:$0x3FAF] =	sst s10  }
0x32: {  	s10 =	sld [smem:$0x3FAD];
	_ =	sdelay $0x3  }
0x33: {  	p0 =	seq.s32 s10, $0x1;
	s10 =	sld [smem:$0x3FAF];
	_ =	sdelay $0x3  }
0x34: {  	[smem:$0x3FAF] =	sst s10  }
0x35: {  	s10 =	sld [smem:$0x3FAE];
	_ =	sdelay $0x3  }
0x36: {  	p1 =	seq.s32 s10, $0x1;
	s10 =	sld [smem:$0x3FAF];
	_ =	sdelay $0x3  }
0x37: {  	[smem:$0x3FAF] =	sst s10  }
0x38: {  	s10 =	sld [smem:$0x3FB0]  }
0x39: {  	_ = 	snop;
	(pc) =	sbr.ind lr, $3  }
0x3a: {  	_ = 	snop  }
0x3b: {  	_ = 	snop  }
0x3c: {  	p2 =	seq.s32 s10, $0x1;
	s10 =	sld [smem:$0x3FAF]  }
0x3d: {  	_ =	shalt  }
0x3e: {  	_ =	shalt  }
0x3f: {  	_ =	shalt  }
0x40: {  	_ =	shalt  }
0x41: {  	_ =	shalt  }
0x42: {  	_ =	shalt  }
0x43: {  	_ =	shalt  }
0x44: {  	_ =	shalt  }
0x45: {  	_ =	shalt  }
0x46: {  	_ =	shalt  }
0x47: {  	_ =	shalt  }
0x48: {  	_ =	shalt  }
0x49: {  	_ =	shalt  }
0x4a: {  	_ =	shalt  }
0x4b: {  	_ =	shalt  }
0x4c: {  	_ =	shalt  }
0x4d: {  	_ =	shalt  }
0x4e: {  	_ =	shalt  }
0x4f: {  	_ =	shalt  }
0x50: {  	_ =	shalt  }
0x51: {  	_ =	shalt  }
0x52: {  	_ =	shalt  }
0x53: {  	_ =	shalt  }
0x54: {  	_ =	shalt  }
0x55: {  	_ =	shalt  }
0x56: {  	_ =	shalt  }
0x57: {  	_ =	shalt  }
0x58: {  	_ =	shalt  }
0x59: {  	_ =	shalt  }
0x5a: {  	_ =	shalt  }
0x5b: {  	_ =	shalt  }
0x5c: {  	_ =	shalt  }
0x5d: {  	_ =	shalt  }
0x5e: {  	_ =	shalt  }
0x5f: {  	_ =	shalt  }
0x60: {  	_ =	shalt  }
0x61: {  	_ =	shalt  }
0x62: {  	_ =	shalt  }
0x63: {  	_ =	shalt  }
0x64: {  	_ =	shalt  }
0x65: {  	_ =	shalt  }
0x66: {  	_ =	shalt  }
0x67: {  	_ =	shalt  }
0x68: {  	_ =	shalt  }
0x69: {  	_ =	shalt  }
0x6a: {  	_ =	shalt  }
0x6b: {  	_ =	shalt  }
0x6c: {  	_ =	shalt  }
0x6d: {  	_ =	shalt  }
0x6e: {  	_ =	shalt  }
0x6f: {  	_ =	shalt  }
0x70: {  	_ =	shalt  }
0x71: {  	_ =	shalt  }
0x72: {  	_ =	shalt  }
0x73: {  	_ =	shalt  }
0x74: {  	_ =	shalt  }
0x75: {  	_ =	shalt  }
0x76: {  	_ =	shalt  }
0x77: {  	_ =	shalt  }
0x78: {  	_ =	shalt  }
0x79: {  	_ =	shalt  }
0x7a: {  	_ =	shalt  }
0x7b: {  	_ =	shalt  }
0x7c: {  	_ =	shalt  }
0x7d: {  	_ =	shalt  }
0x7e: {  	_ =	shalt  }
0x7f: {  	_ =	shalt  }
0x80: {  	_ =	shalt  }
0x81: {  	_ =	shalt  }
0x82: {  	_ =	shalt  }
0x83: {  	_ =	shalt  }
0x84: {  	_ =	shalt  }
0x85: {  	_ =	shalt  }
0x86: {  	_ =	shalt  }
0x87: {  	_ =	shalt  }
.Lfunc_end0:
.L_simem_size_0:
called_computation.1_lowered:
.L_overlay_start_0:
0x88: {  	s2 =	sld [smem:$0x3FD9]  }
0x89: {  	s3 =	sld [smem:$0x3FFE];
	_ =	sdelay $0x1  }
0x8a: {  	s1 =	srdreg.scid  }
0x8b: {  	s0 =	sand.u32 $0x1, s1  }
0x8c: {  	s17 =	sshll.u32 s0, $0xA;
	s2 =	sadd.s32 s3, s2  }
0x8d: {  	s2 =	sadd.s32 s2, s17  }
0x8e: {  	[smem:$0x3FBB] =	sst s2  }
0x8f: {  	_ = 	snop  }
0x90: {  	s18 =	sld [smem:$0x3FC9]  }
0x91: {  	s4 =	sld [smem:$0x3FD0];
	(tm) =	ssettm $0x1  }
0x92: {  	s19 =	sld [smem:$0x3FFB];
	_ =	sdelay $0x3  }
0x93: {  	_ =	strace s19  }
0x94: {  	s2 =	sld [smem:$0x3FFC];
	_ =	sdelay $0x3  }
0x95: {  	_ =	strace s2  }
0x96: {  	s2 =	sld [smem:$0x3FFD];
	_ =	sdelay $0x3  }
0x97: {  	_ =	strace s2  }
0x98: {  	_ =	strace $0x8FFFFFFF  }
0x99: {  	s20 =	sld [smem:$0x3FDB];
	_ =	sdelay $0x1  }
0x9a: {  	s5 =	simm.s32 $_scs_section_size  }
0x9b: {  	s6 =	simm.s32 $_size__tile_overlayer_lowered;
	s7 =	simm.s32 $_tile_overlayer_lowered  }
0x9c: {  	s8 =	simm.s32 $0x1BFF;
	s21 =	sshll.u32 s7, $0x1;
	s5 =	sadd.s32 s5, s20  }
0x9d: {  	s22 =	simm.s32 $0x0;
	s6 =	sshll.u32 s6, $0x1;
	s7 =	sadd.s32 s21, s5  }
0x9e: {  	[timem:s22], [sflag:s8] =	dma.local [hbm:s7], s6  }
0x9f: {  	_ =	swait.ge [sflag:s8], s6  }
0xa0: {  	s6 =	ssub.s32 $0x0, s6;
	[sflag:s8] =	ssyncset.done $0x0  }
0xa1: {  	[sflag:s8] =	ssyncadd.s32 s6;
	_ =	sdelay $0x1  }
0xa2: {  	s23 =	simm.s32 $0x1B8B  }
0xa3: {  	_ =	swait.ge [sflag:s23], $0x1  }
0xa4: {  	[sflag:s23] =	ssyncset.done $0x0  }
0xa5: {  	[sflag:s23] =	ssyncadd.s32 $0xFFFFFFFF  }
0xa6: {  	s6 =	sld [smem:$0x0]  }
0xa7: {  	s7 =	sand.u32 $0xFFFFFFFE, s1  }
0xa8: {  	p0 =	sne.s32 s1, s7  }
0xa9: {  	s7 =	sshll.u32 @p0 s7, $0xE  }
0xaa: {  	s7 =	sadd.s32 @p0 $0x11B8D, s7;
	s8 =	sshll.u32 @p0 s6, $0x11  }
0xab: {  	s7 =	sor.u32 @p0 s8, s7  }
0xac: {  	[sflag:s7] =	ssyncadd.remote.s32 @p0 $0x1;
	_ =	sdelay $0x1  }
0xad: {  	s7 =	simm.s32 @p0 $0x1B8D  }
0xae: {  	_ =	swait.eq @p0 [sflag:s7], $0x1  }
0xaf: {  	[sflag:s7] =	ssyncadd.s32 @p0 $0xFFFFFFFF  }
0xb0: {  	s8 =	sshll.u32 @!p0 s1, $0xE  }
0xb1: {  	s8 =	sor.u32 @!p0 $0x4000, s8;
	s7 =	simm.s32 @!p0 $0x1B8D  }
0xb2: {  	s6 =	sshll.u32 @!p0 s6, $0x11;
	s8 =	sadd.s32 @!p0 $0x11B8D, s8;
	_ =	swait.eq @!p0 [sflag:s7], $0x1  }
0xb3: {  	s6 =	sor.u32 @!p0 s6, s8;
	[sflag:s7] =	ssyncadd.s32 @!p0 $0xFFFFFFFF  }
0xb4: {  	s25 =	simm.s32 $0x1B8E;
	s24 =	sld [smem:$0x3FFE];
	[sflag:s6] =	ssyncadd.remote.s32 @!p0 $0x1  }
0xb5: {  	s26 =	simm.s32 $execute0_lowered;
	[smem:$0x3FD2] =	sst s25  }
0xb6: {  	s7 =	sshll.u32 s26, $0x1;
	_ =	strace $0x80000049;
	[dreg:$0x1] =	wrdreg $0xFFFFFFFF  }
0xb7: {  	s28 =	simm.s32 $_size_execute0_lowered;
	s5 =	sadd.s32 s5, s7;
	[dreg:$0x0] =	wrdreg $0x0  }
0xb8: {  	s7 =	sshll.u32 s28, $0x1;
	[dreg:$0x2] =	wrdreg s5  }
0xb9: {  	[dreg:$0x3] =	wrdreg s7  }
0xba: {  	[dreg:$0x4] =	wrdreg $0xC0  }
0xbb: {  	_ =	task [dreg:s22], $0x5FFFF  }
0xbc: {  	[dreg:$0x1] =	wrdreg $0xFFFFFFFF  }
0xbd: {  	[dreg:$0x0] =	wrdreg $0x60  }
0xbe: {  	[dreg:$0x2] =	wrdreg s4  }
0xbf: {  	[dreg:$0x3] =	wrdreg s18  }
0xc0: {  	[dreg:$0x4] =	wrdreg s24  }
0xc1: {  	[dreg:$0x5] =	wrdreg $0xBB000  }
0xc2: {  	[dreg:$0x6] =	wrdreg $0xA  }
0xc3: {  	_ =	task.clear_ibuf [dreg:s22], $0x7FFFF;
	_ =	strace $0x90000049  }
0xc4: {  	s29 =	simm.s32 $0xA;
	_ =	strace $0x8000004B  }
0xc5: {  	_ =	swait.ge [sflag:s29], $0x1  }
0xc6: {  	[sflag:s29] =	ssyncadd.s32 $0xFFFFFFFF  }
0xc7: {  	_ =	strace $0x9000004B  }
0xc8: {  	_ =	sfence  }
0xc9: {  	s30 =	sld [smem:$0x0];
	_ =	sdelay $0x2  }
0xca: {  	s31 =	sshll.u32 s1, $0xD;
	s1 =	sshrl.u32 s1, $0x2  }
0xcb: {  	s4 =	sand.u32 $0x4000, s31;
	s1 =	sadd.s32 s1, s30  }
0xcc: {  	s0 =	sor.u32 s4, s0;
	s1 =	sshll.u32 s1, $0x11  }
0xcd: {  	s0 =	sor.u32 s1, s0  }
0xce: {  	s0 =	sadd.s32 $0x8F2B, s0  }
0xcf: {  	[sflag:s0] =	ssyncadd.remote.s32 $0x1  }
0xd0: {  	_ =	sfence.sel $0xFFFF  }
0xd1: {  	[dreg:$0x0] =	wrdreg $0xFFFFFFFF;
	(pc) =	sbr.abs _section_cstart, $3  }
0xd2: {  	[dreg:$0x1] =	wrdreg $0xFFFFFFFF  }
0xd3: {  	_ =	task.clear_ibuf [dreg:s22], $0x2FFFF;
	_ =	strace $0x9FFFFFFF  }
0xd4: {  	(tm) =	ssettm $0x7FFFFFFF  }
0xd5: {  	_ =	shalt  }
tec
execute0_lowered:
.L_overlay_start_1:
0x0: {  	(tag) =	ssettag $0x1  }
0x1: {  	s1 =	rddreg [dreg:$0x0]  }
0x2: {  	s2 =	rddreg [dreg:$0x1]  }
0x3: {  	s0 =	rddreg [dreg:$0x2]  }
0x4: {  	s4 =	rddreg [dreg:$0x3];
	s3 =	srdreg.scid  }
0x5: {  	s16 =	stileid.u32;
	s5 =	simm.s32 $0x0;
	s28 =	simm.s32 $0x9  }
0x6: {  	s29 =	simm.s32 $0x7;
	s31 =	simm.s32 $0x50;
	s7 =	smul.u32 $0x19F0, s16  }
0x7: {  	s30 =	simm.s32 $0x80;
	s3 =	sand.u32 $0x1, s3;
	s10 =	smul.u32 $0x4E000, s16  }
0x8: {  	[smem:$0x7FF] =	sst s5;
	s6 =	sadd.s32 $0x397E00, s0;
	s26 =	smul.u32 $0xCF800, s16  }
0x9: {  	s0 =	sadd.s32 $0x6D5E00, s0;
	p0 =	sne.s32 s16, $0xF;
	s8 =	smul.u32 $0x4E200, s3  }
0xa: {  	_ =	strace $0x8000004A;
	s9 =	ssub.s32 $0x2, s3;
	s11 =	sxor.u32 $0x1, s3  }
0xb: {  	s12 =	sshrl.u32 s9, $0x1;
	s11 =	smul.u32 $0x4E200, s11;
	s10 =	sshrl.u32 s10, $0x2  }
0xc: {  	s8 =	sadd.s32 s7, s8;
	s13 =	ssub.s32 s9, s12;
	s10 =	sadd.s32 s10, s4  }
0xd: {  	s12 =	sadd.s32 $0x138000, s4;
	s8 =	sshrl.u32 s8, $0x3;
	s14 =	sadd.s32 $0x11800, s10  }
0xe: {  	s9 =	sadd.s32 $0x1A400, s11;
	s20 =	smax.u32 s13, $0x1;
	[dreg:$0x6] =	wrdreg s14  }
0xf: {  	s21 =	sadd.s32 $0x2800, s10;
	s22 =	sadd.s32 $0x5000, s10;
	[dreg:$0xb] =	wrdreg s20  }
0x10: {  	s23 =	sadd.s32 $0x7800, s10;
	s24 =	sadd.s32 $0xA000, s10;
	[dreg:$0xc] =	wrdreg s21  }
0x11: {  	s25 =	sadd.s32 $0xC800, s10;
	s11 =	simm.s32 $0x5;
	[dreg:$0xd] =	wrdreg s22  }
0x12: {  	s13 =	simm.s32 $0x3;
	s8 =	sadd.s32 s1, s8;
	[dreg:$0xe] =	wrdreg s23  }
0x13: {  	s14 =	smul.u32 $0x13800, s16;
	[dreg:$0xf] =	wrdreg s24;
	s8 =	sadd.s32 $0x3480, s8  }
0x14: {  	s7 =	sadd.s32 s7, s9;
	[dreg:$0x5] =	wrdreg s8;
	s8 =	smul.u32 $0xCF8000, s3  }
0x15: {  	[dreg:$0x10] =	wrdreg s25;
	s7 =	sshrl.u32 s7, $0x3;
	s3 =	smul.u32 $0x138800, s3  }
0x16: {  	s20 =	simm.s32 $0xA100;
	s25 =	simm.s32 $0x6;
	s7 =	sadd.s32 s1, s7  }
0x17: {  	[dreg:$0x7] =	wrdreg s7;
	s15 =	sadd.s32 s26, s8;
	s17 =	sadd.s32 s14, s3  }
0x18: {  	s3 =	sshrl.u32 s3, $0x3;
	s26 =	sadd.s32 $0xF000, s10;
	s14 =	simm.s32 $0x4  }
0x19: {  	s7 =	sshrl.u32 s15, $0x3;
	s18 =	sshrl.u32 s17, $0x3;
	s15 =	smul.u32 $0x53, s16  }
.Ltmp0:
0x1a: {  	s3 =	sadd.s32 s0, s3;
	[dreg:$0x11] =	wrdreg s26;
	(pc) =	sbr.rel .LBB2_1-.Ltmp0, $4  }
0x1b: {  	s26 =	simm.s32 $0x100;
	s16 =	simm.s32 $0x2;
	s7 =	sadd.s32 s6, s7  }
0x1c: {  	s17 =	simm.s32 $0x0;
	s0 =	sadd.s32 s0, s18;
	[dreg:$0x8] =	wrdreg s7  }
0x1d: {  	s19 =	sadd.s32 $0x27000, s3;
	s3 =	simm.s32 $0x7900;
	[dreg:$0x9] =	wrdreg s0  }
0x1e: {  	v0 =	vimm.f32 $0.0e+00;
	[dreg:$0xa] =	wrdreg s19;
	s0 =	simm.s32 $0x1;
	s7 =	simm.s32 $0x2900  }
.LBB2_13:
0x1f: {  	s18 =	stileid.u32  }
0x20: {  	[bflag:$0x0] =	sbarrier.arrive $0xFFFF;
	s18 =	sshll.u32 s18, $0x6  }
0x21: {  	s19 =	sshrl.u32 s10, $0x3;
	s20 =	rddreg [dreg:$0x9];
	s18 =	sor.u32 $0x1C09, s18  }
0x22: {  	[hbm:s20], [sflag:s18] =	dma.local [spmem:s19], $0x2700  }
0x23: {  	_ =	swait.ge [sflag:s28], $0x2700  }
0x24: {  	[sflag:s28] =	ssyncset.done $0x0  }
0x25: {  	s19 =	sshrl.u32 @!p0 s12, $0x3;
	s20 =	rddreg [dreg:$0xa];
	[sflag:s28] =	ssyncadd.s32 $0xFFFFD900  }
0x26: {  	[hbm:s20], [sflag:s18] =	dma.local @!p0 [spmem:s19], $0x100  }
0x27: {  	s18 =	simm.s32 @!p0 $0x9  }
0x28: {  	_ =	swait.ge @!p0 [sflag:s18], $0x100  }
0x29: {  	s17 =	sadd.s32 $0x1, s17;
	s24 =	rddreg [dreg:$0xb]  }
0x2a: {  	p1 =	sne.s32 s17, s24  }
.Ltmp1:
0x2b: {  	_ = 	snop;
	(pc) =	sbr.rel @!p1 .LBB2_14-.Ltmp1, $3  }
0x2c: {  	_ =	sdelay $0x1  }
0x2d: {  	[sflag:s18] =	ssyncset.done @!p0 $0x0  }
0x2e: {  	s20 =	simm.s32 $0xA100;
	[sflag:s18] =	ssyncadd.s32 @!p0 $0xFFFFFF00  }
.LBB2_1:
0x2f: {  	s18 =	rddreg [dreg:$0x5]  }
0x30: {  	[tilespmem:s20], [sflag:$0x7] =	stream.linear.gather [hbm4b:s18+s5], $0x19F0, $0x38;
	[tilespmem:$0x1F380] =	vst v63  }
0x31: {  	s19 =	simm.s32 $0x200;
	s18 =	simm.s32 $0x0  }
.LBB2_2:
0x32: {  	p1 =	sne.s32 s19, $0x9E00;
	[tilespmem:s18+$0x170] =	vst v0  }
0x33: {  	[tilespmem:s18+$0x100] =	vst v0  }
0x34: {  	[tilespmem:s18+$0x110] =	vst v0  }
.Ltmp2:
0x35: {  	[tilespmem:s18+$0x120] =	vst v0;
	(pc) =	sbr.rel @p1 .LBB2_2-.Ltmp2, $4  }
0x36: {  	[tilespmem:s18+$0x130] =	vst v0  }
0x37: {  	[tilespmem:s18+$0x140] =	vst v0  }
0x38: {  	[tilespmem:s18+$0x150] =	vst v0  }
0x39: {  	[tilespmem:s18+$0x160] =	vst v0;
	s18 =	sshra.s32 s19, $0x2;
	s19 =	sadd.s32 $0x200, s19  }
0x3a: {  	[tilespmem:s18+$0x170] =	vst v0  }
0x3b: {  	[tilespmem:s18+$0x100] =	vst v0  }
0x3c: {  	[tilespmem:s18+$0x110] =	vst v0  }
0x3d: {  	[tilespmem:s18+$0x120] =	vst v0  }
0x3e: {  	[tilespmem:s18+$0x130] =	vst v0  }
0x3f: {  	[tilespmem:s18+$0x140] =	vst v0  }
0x40: {  	[tilespmem:s18+$0x150] =	vst v0  }
0x41: {  	[tilespmem:s18+$0x160] =	vst v0  }
0x42: {  	[spmem:s10] =	stream.linear.scatter [tilespmem:s26], [sflag:$0x9], $0x2800, $0x38;
	[tilespmem:$0x1F380] =	vst v63  }
0x43: {  	_ =	swait.ge [sflag:s28], $0x2800  }
0x44: {  	[sflag:s28] =	ssyncset.done $0x0  }
0x45: {  	s22 =	rddreg [dreg:$0xc];
	[sflag:s28] =	ssyncadd.s32 $0xFFFFD800  }
0x46: {  	[spmem:s22] =	stream.linear.scatter [tilespmem:s26], [sflag:$0x9], $0x2800, $0x38;
	[tilespmem:$0x1F380] =	vst v63  }
0x47: {  	_ =	swait.ge [sflag:s28], $0x2800  }
0x48: {  	[sflag:s28] =	ssyncset.done $0x0  }
0x49: {  	s23 =	rddreg [dreg:$0xd];
	[sflag:s28] =	ssyncadd.s32 $0xFFFFD800  }
0x4a: {  	[spmem:s23] =	stream.linear.scatter [tilespmem:s26], [sflag:$0x9], $0x2800, $0x38;
	[tilespmem:$0x1F380] =	vst v63  }
0x4b: {  	_ =	swait.ge [sflag:s28], $0x2800  }
0x4c: {  	[sflag:s28] =	ssyncset.done $0x0  }
0x4d: {  	s24 =	rddreg [dreg:$0xe];
	[sflag:s28] =	ssyncadd.s32 $0xFFFFD800  }
0x4e: {  	[spmem:s24] =	stream.linear.scatter [tilespmem:s26], [sflag:$0x9], $0x2800, $0x38;
	[tilespmem:$0x1F380] =	vst v63  }
0x4f: {  	_ =	swait.ge [sflag:s28], $0x2800  }
0x50: {  	[sflag:s28] =	ssyncset.done $0x0  }
0x51: {  	s19 =	rddreg [dreg:$0xf];
	[sflag:s28] =	ssyncadd.s32 $0xFFFFD800  }
0x52: {  	[spmem:s19] =	stream.linear.scatter [tilespmem:s26], [sflag:$0x9], $0x2800, $0x38;
	[tilespmem:$0x1F380] =	vst v63  }
0x53: {  	_ =	swait.ge [sflag:s28], $0x2800  }
0x54: {  	[sflag:s28] =	ssyncset.done $0x0  }
0x55: {  	s21 =	rddreg [dreg:$0x10];
	[sflag:s28] =	ssyncadd.s32 $0xFFFFD800  }
0x56: {  	[spmem:s21] =	stream.linear.scatter [tilespmem:s26], [sflag:$0x9], $0x2800, $0x38;
	[tilespmem:$0x1F380] =	vst v63  }
0x57: {  	_ =	swait.ge [sflag:s28], $0x2800  }
0x58: {  	[sflag:s28] =	ssyncset.done $0x0  }
0x59: {  	s22 =	rddreg [dreg:$0x11];
	[sflag:s28] =	ssyncadd.s32 $0xFFFFD800  }
0x5a: {  	[spmem:s22] =	stream.linear.scatter [tilespmem:s26], [sflag:$0x9], $0x2800, $0x38;
	[tilespmem:$0x1F380] =	vst v63  }
0x5b: {  	_ =	swait.ge [sflag:s28], $0x2800  }
0x5c: {  	[sflag:s28] =	ssyncset.done $0x0  }
0x5d: {  	s23 =	rddreg [dreg:$0x6];
	[sflag:s28] =	ssyncadd.s32 $0xFFFFD800  }
0x5e: {  	[spmem:s23] =	stream.linear.scatter [tilespmem:s26], [sflag:$0x9], $0x2000, $0x38;
	[tilespmem:$0x1F380] =	vst v63  }
0x5f: {  	_ =	swait.ge [sflag:s28], $0x2000  }
0x60: {  	[sflag:s28] =	ssyncset.done $0x0  }
0x61: {  	s18 =	simm.s32 @!p0 $0x100;
	[sflag:s28] =	ssyncadd.s32 $0xFFFFE000  }
0x62: {  	[spmem:s12] =	stream.linear.scatter @!p0 [tilespmem:s18], [sflag:$0x9], $0x800, $0x38;
	[tilespmem:$0x1F380] =	vst v63  }
0x63: {  	s18 =	simm.s32 @!p0 $0x9  }
0x64: {  	_ =	swait.ge @!p0 [sflag:s18], $0x800  }
0x65: {  	[sflag:s18] =	ssyncset.done @!p0 $0x0  }
0x66: {  	[sflag:s18] =	ssyncadd.s32 @!p0 $0xFFFFF800  }
0x67: {  	_ =	swait.ge [sflag:s29], $0x19F0  }
0x68: {  	[sflag:s29] =	ssyncset.done $0x0  }
0x69: {  	[sflag:s29] =	ssyncadd.s32 $0xFFFFE610  }
0x6a: {  	[bflag:$0x0] =	sbarrier.arrive $0xFFFF  }
0x6b: {  	s18 =	simm.s32 $0x0;
	s19 =	rddreg [dreg:$0x7]  }
0x6c: {  	[tilespmem:s18], [sflag:$0x1] =	stream.linear.gather [hbm4b:s19+s18], $0x50, $0x38;
	[tilespmem:$0x1F380] =	vst v63  }
.Ltmp3:
0x6d: {  	_ = 	snop;
	(pc) =	sbr.rel .LBB2_4-.Ltmp3, $4  }
0x6e: {  	s21 =	simm.s32 $0x5100;
	s24 =	rddreg [dreg:$0x8]  }
0x6f: {  	[tilespmem:s21], [sflag:$0x5] =	stream.linear.gather [hbm4b:s24+s18], $0x2800, $0x38;
	[tilespmem:$0x1F380] =	vst v63  }
0x70: {  	_ = 	snop  }
0x71: {  	[tilespmem:s26], [sflag:$0x3] =	stream.indirect.gather [hbm4b:s2+s31], $0x80, s20, s31, $0xb8;
	[tilespmem:$0x1F380] =	vst v63  }
.LBB2_12:
0x72: {  	s18 =	sadd.s32 $0x1, s18  }
0x73: {  	p1 =	sne.s32 s18, $0x2A  }
.Ltmp4:
0x74: {  	_ = 	snop;
	(pc) =	sbr.rel @!p1 .LBB2_13-.Ltmp4, $1  }
0x75: {  	_ =	sdelay $0x3  }
.LBB2_4:
0x76: {  	s19 =	sshll.u32 s18, $0x1  }
0x77: {  	s20 =	sadd.s32 $0xFFFFFFFF, s19  }
0x78: {  	p2 =	sgt.u32 s20, $0x52  }
0x79: {  	s20 =	sor.u32 @!p2 $0x1, s19  }
0x7a: {  	p1 =	sgt.u32 @!p2 s20, $0x52  }
0x7b: {  	p3 =	por p2, !p1  }
.Ltmp5:
0x7c: {  	_ = 	snop;
	(pc) =	sbr.rel @!p3 .LBB2_6-.Ltmp5, $4  }
0x7d: {  	s21 =	simm.s32 @!p2 $0x8  }
0x7e: {  	_ =	swait.ge @!p2 [sflag:s21], $0x2800  }
0x7f: {  	[sflag:s21] =	ssyncset.done @!p2 $0x0  }
0x80: {  	p1 =	por @!p2 $0x0, $0x0;
	[sflag:s21] =	ssyncadd.s32 @!p2 $0xFFFFD800  }
0x81: {  	s20 =	simm.s32 @p2 $0x1  }
0x82: {  	s21 =	sadd.s32 s15, s20  }
0x83: {  	s22 =	smul.u32 $0x50, s21  }
0x84: {  	s21 =	smul.u32 $0x2800, s21  }
0x85: {  	s22 =	sadd.s32 s9, s22  }
0x86: {  	s21 =	sadd.s32 s8, s21;
	s22 =	sshrl.u32 s22, $0x3  }
0x87: {  	s20 =	smul.u32 $0x140, s20;
	s21 =	sshrl.u32 s21, $0x3;
	s22 =	sadd.s32 s1, s22  }
0x88: {  	[tilespmem:s30], [sflag:$0x2] =	stream.linear.gather [hbm4b:s22+s5], $0x50, $0x38;
	[tilespmem:$0x1F380] =	vst v63  }
0x89: {  	s20 =	sshra.s32 s20, $0x2;
	s21 =	sadd.s32 s6, s21  }
0x8a: {  	[tilespmem:s3], [sflag:$0x6] =	stream.linear.gather [hbm4b:s21+s5], $0x2800, $0x38;
	[tilespmem:$0x1F380] =	vst v63  }
0x8b: {  	p1 =	por $0x1, $0x1;
	s20 =	sadd.s32 $0xA100, s20  }
0x8c: {  	[tilespmem:s7], [sflag:$0x4] =	stream.indirect.gather [hbm4b:s2+s31], $0x80, s20, s31, $0xb8;
	[tilespmem:$0x1F380] =	vst v63  }
.LBB2_6:
0x8d: {  	_ =	swait.ge [sflag:s11], $0x2800  }
0x8e: {  	[sflag:s11] =	ssyncset.done $0x0  }
0x8f: {  	[sflag:s11] =	ssyncadd.s32 $0xFFFFD800  }
0x90: {  	_ =	swait.ge [sflag:s13], $0x2800  }
0x91: {  	[sflag:s13] =	ssyncset.done $0x0  }
0x92: {  	s20 =	simm.s32 $0x200;
	[sflag:s13] =	ssyncadd.s32 $0xFFFFD800  }
0x93: {  	s21 =	simm.s32 $0x5200;
	v1 =	vld [tilespmem:s20+$0x80]  }
0x94: {  	v2 =	vld [tilespmem:s21+$0x80]  }
0x95: {  	v3 =	vld [tilespmem:s21+$0xFFFFFF00]  }
0x96: {  	v4 =	vld [tilespmem:s20+$0xFFFFFF80]  }
0x97: {  	v5 =	vld [tilespmem:s21+$0xFFFFFF80]  }
0x98: {  	v6 =	vld [tilespmem:s21+$0x0]  }
0x99: {  	v1 =	vadd.f32 v2, v1;
	v2 =	vld [tilespmem:s20+$0x0]  }
0x9a: {  	v7 =	vld [tilespmem:s20+$0xFFFFFF00]  }
0x9b: {  	v1 =	vmax.f32 v1, $0.0e+00  }
0x9c: {  	v4 =	vadd.f32 v5, v4;
	[tilespmem:s20+$0x80] =	vst v1;
	v1 =	vld [tilespmem:s20+$0x90]  }
0x9d: {  	v8 =	vld [tilespmem:s21+$0x90]  }
0x9e: {  	v9 =	vld [tilespmem:s20+$0xFFFFFF90];
	v4 =	vmax.f32 v4, $0.0e+00;
	v2 =	vadd.f32 v6, v2  }
0x9f: {  	v5 =	vld [tilespmem:s20+$0xFFFFFF10];
	v3 =	vadd.f32 v3, v7;
	[tilespmem:s20+$0xFFFFFF80] =	vst v4  }
0xa0: {  	v6 =	vld [tilespmem:s21+$0xFFFFFF90];
	v2 =	vmax.f32 v2, $0.0e+00  }
0xa1: {  	v3 =	vmax.f32 v3, $0.0e+00;
	v4 =	vld [tilespmem:s20+$0x10];
	[tilespmem:s20+$0x0] =	vst v2  }
0xa2: {  	[tilespmem:s20+$0xFFFFFF00] =	vst v3;
	v1 =	vadd.f32 v8, v1;
	v2 =	vld [tilespmem:s21+$0x10]  }
0xa3: {  	v3 =	vld [tilespmem:s21+$0xFFFFFF10]  }
0xa4: {  	v1 =	vmax.f32 v1, $0.0e+00  }
0xa5: {  	v6 =	vadd.f32 v6, v9;
	[tilespmem:s20+$0x90] =	vst v1;
	v1 =	vld [tilespmem:s20+$0xA0]  }
0xa6: {  	v8 =	vld [tilespmem:s21+$0xA0]  }
0xa7: {  	v7 =	vld [tilespmem:s20+$0xFFFFFF20];
	v6 =	vmax.f32 v6, $0.0e+00;
	v2 =	vadd.f32 v2, v4  }
0xa8: {  	v3 =	vadd.f32 v3, v5;
	v9 =	vld [tilespmem:s20+$0xFFFFFFA0];
	[tilespmem:s20+$0xFFFFFF90] =	vst v6  }
0xa9: {  	v5 =	vld [tilespmem:s21+$0xFFFFFFA0];
	v2 =	vmax.f32 v2, $0.0e+00  }
0xaa: {  	v3 =	vmax.f32 v3, $0.0e+00;
	v4 =	vld [tilespmem:s20+$0x20];
	[tilespmem:s20+$0x10] =	vst v2  }
0xab: {  	[tilespmem:s20+$0xFFFFFF10] =	vst v3;
	v1 =	vadd.f32 v8, v1;
	v2 =	vld [tilespmem:s21+$0x20]  }
0xac: {  	v3 =	vld [tilespmem:s21+$0xFFFFFF20]  }
0xad: {  	v1 =	vmax.f32 v1, $0.0e+00  }
0xae: {  	v5 =	vadd.f32 v5, v9;
	[tilespmem:s20+$0xA0] =	vst v1;
	v1 =	vld [tilespmem:s20+$0xB0]  }
0xaf: {  	v8 =	vld [tilespmem:s21+$0xB0]  }
0xb0: {  	v10 =	vld [tilespmem:s20+$0x30];
	v5 =	vmax.f32 v5, $0.0e+00;
	v2 =	vadd.f32 v2, v4  }
0xb1: {  	v3 =	vadd.f32 v3, v7;
	v9 =	vld [tilespmem:s20+$0xFFFFFFB0];
	[tilespmem:s20+$0xFFFFFFA0] =	vst v5  }
0xb2: {  	v4 =	vld [tilespmem:s21+$0xFFFFFFB0];
	v2 =	vmax.f32 v2, $0.0e+00  }
0xb3: {  	v6 =	vld [tilespmem:s20+$0xFFFFFF30];
	[tilespmem:s20+$0x20] =	vst v2;
	v2 =	vmax.f32 v3, $0.0e+00  }
0xb4: {  	v1 =	vadd.f32 v8, v1;
	[tilespmem:s20+$0xFFFFFF20] =	vst v2;
	v2 =	vld [tilespmem:s21+$0x30]  }
0xb5: {  	v7 =	vld [tilespmem:s21+$0xFFFFFF30]  }
0xb6: {  	v11 =	vld [tilespmem:s20+$0xFFFFFF40];
	v1 =	vmax.f32 v1, $0.0e+00  }
0xb7: {  	v4 =	vadd.f32 v4, v9;
	[tilespmem:s20+$0xB0] =	vst v1;
	v1 =	vld [tilespmem:s20+$0xC0]  }
0xb8: {  	v8 =	vld [tilespmem:s21+$0xC0]  }
0xb9: {  	v12 =	vld [tilespmem:s20+$0xFFFFFFD0];
	v4 =	vmax.f32 v4, $0.0e+00;
	v2 =	vadd.f32 v2, v10  }
0xba: {  	v5 =	vld [tilespmem:s20+$0xFFFFFFC0];
	[tilespmem:s20+$0xFFFFFFB0] =	vst v4;
	v6 =	vadd.f32 v7, v6  }
0xbb: {  	v7 =	vld [tilespmem:s21+$0xFFFFFFC0];
	v2 =	vmax.f32 v2, $0.0e+00  }
0xbc: {  	v3 =	vld [tilespmem:s20+$0x40];
	[tilespmem:s20+$0x30] =	vst v2;
	v2 =	vmax.f32 v6, $0.0e+00  }
0xbd: {  	v1 =	vadd.f32 v8, v1;
	v6 =	vld [tilespmem:s21+$0x40];
	[tilespmem:s20+$0xFFFFFF30] =	vst v2  }
0xbe: {  	v2 =	vld [tilespmem:s21+$0xFFFFFF40]  }
0xbf: {  	v9 =	vld [tilespmem:s20+$0xFFFFFF50];
	v1 =	vmax.f32 v1, $0.0e+00  }
0xc0: {  	[tilespmem:s20+$0xC0] =	vst v1;
	v1 =	vadd.f32 v7, v5;
	v7 =	vld [tilespmem:s20+$0xD0]  }
0xc1: {  	v8 =	vld [tilespmem:s21+$0xD0]  }
0xc2: {  	v4 =	vld [tilespmem:s20+$0xFFFFFF60];
	v1 =	vmax.f32 v1, $0.0e+00;
	v3 =	vadd.f32 v6, v3  }
0xc3: {  	v10 =	vld [tilespmem:s20+$0x50];
	[tilespmem:s20+$0xFFFFFFC0] =	vst v1;
	v1 =	vadd.f32 v2, v11  }
0xc4: {  	v2 =	vld [tilespmem:s21+$0xFFFFFFD0];
	v3 =	vmax.f32 v3, $0.0e+00  }
0xc5: {  	v5 =	vld [tilespmem:s20+$0xFFFFFFE0];
	[tilespmem:s20+$0x40] =	vst v3;
	v1 =	vmax.f32 v1, $0.0e+00  }
0xc6: {  	v3 =	vld [tilespmem:s21+$0x50];
	v7 =	vadd.f32 v8, v7;
	[tilespmem:s20+$0xFFFFFF40] =	vst v1  }
0xc7: {  	v1 =	vld [tilespmem:s21+$0xFFFFFF50]  }
0xc8: {  	v6 =	vld [tilespmem:s20+$0x60];
	v7 =	vmax.f32 v7, $0.0e+00  }
0xc9: {  	v2 =	vadd.f32 v2, v12;
	[tilespmem:s20+$0xD0] =	vst v7;
	v7 =	vld [tilespmem:s20+$0xE0]  }
0xca: {  	v11 =	vld [tilespmem:s21+$0xE0]  }
0xcb: {  	v2 =	vmax.f32 v2, $0.0e+00;
	v8 =	vadd.f32 v3, v10;
	v3 =	vld [tilespmem:s20+$0xFFFFFF70]  }
0xcc: {  	[tilespmem:s20+$0xFFFFFFD0] =	vst v2;
	v1 =	vadd.f32 v1, v9;
	v2 =	vld [tilespmem:s20+$0xFFFFFFF0]  }
0xcd: {  	v9 =	vmax.f32 v8, $0.0e+00;
	v8 =	vld [tilespmem:s21+$0xFFFFFFE0]  }
0xce: {  	[tilespmem:s20+$0x50] =	vst v9;
	v9 =	vmax.f32 v1, $0.0e+00;
	v1 =	vld [tilespmem:s20+$0x70]  }
0xcf: {  	[tilespmem:s20+$0xFFFFFF50] =	vst v9;
	v9 =	vld [tilespmem:s21+$0x60];
	v7 =	vadd.f32 v11, v7  }
0xd0: {  	v10 =	vld [tilespmem:s21+$0xFFFFFF60]  }
0xd1: {  	s22 =	simm.s32 $0x0;
	s23 =	simm.s32 $0x400;
	s24 =	simm.s32 $0x5200;
	v11 =	vmax.f32 v7, $0.0e+00;
	v7 =	vld [tilespmem:s20+$0xF0]  }
.LBB2_7:
0xd2: {  	v12 =	vld [tilespmem:s23+$0x80];
	v5 =	vadd.f32 v8, v5;
	[tilespmem:s20+$0xE0] =	vst v11  }
0xd3: {  	s24 =	sadd.s32 $0x200, s24;
	v8 =	vld [tilespmem:s21+$0xF0]  }
0xd4: {  	s22 =	sadd.s32 $0x4, s22;
	v11 =	vld [tilespmem:s24+$0x80];
	v5 =	vmax.f32 v5, $0.0e+00;
	v6 =	vadd.f32 v9, v6  }
0xd5: {  	p2 =	slt.u32 s22, $0x4C;
	v9 =	vld [tilespmem:s24+$0xFFFFFF00];
	v4 =	vadd.f32 v10, v4;
	[tilespmem:s20+$0xFFFFFFE0] =	vst v5  }
0xd6: {  	v5 =	vld [tilespmem:s23+$0xFFFFFF80];
	v6 =	vmax.f32 v6, $0.0e+00  }
0xd7: {  	v10 =	vld [tilespmem:s24+$0xFFFFFF80];
	v4 =	vmax.f32 v4, $0.0e+00;
	[tilespmem:s20+$0x60] =	vst v6  }
0xd8: {  	v6 =	vld [tilespmem:s23+$0x0];
	[tilespmem:s20+$0xFFFFFF60] =	vst v4;
	v4 =	vadd.f32 v8, v7  }
0xd9: {  	v7 =	vld [tilespmem:s24+$0x0];
	v8 =	vadd.f32 v11, v12  }
0xda: {  	v11 =	vld [tilespmem:s23+$0xFFFFFF00];
	v4 =	vmax.f32 v4, $0.0e+00  }
0xdb: {  	v12 =	vld [tilespmem:s23+$0xFFFFFF10];
	v8 =	vmax.f32 v8, $0.0e+00;
	[tilespmem:s20+$0xF0] =	vst v4  }
0xdc: {  	v4 =	vadd.f32 v10, v5;
	[tilespmem:s23+$0x80] =	vst v8;
	v5 =	vld [tilespmem:s23+$0x90]  }
0xdd: {  	v8 =	vld [tilespmem:s24+$0x90]  }
0xde: {  	v4 =	vmax.f32 v4, $0.0e+00;
	v10 =	vld [tilespmem:s23+$0xFFFFFF90];
	v6 =	vadd.f32 v7, v6  }
0xdf: {  	v7 =	vadd.f32 v9, v11;
	[tilespmem:s23+$0xFFFFFF80] =	vst v4;
	v4 =	vld [tilespmem:s23+$0x10]  }
0xe0: {  	v9 =	vld [tilespmem:s24+$0xFFFFFF90];
	v6 =	vmax.f32 v6, $0.0e+00  }
0xe1: {  	v7 =	vmax.f32 v7, $0.0e+00;
	v11 =	vld [tilespmem:s23+$0xFFFFFF20];
	[tilespmem:s23+$0x0] =	vst v6  }
0xe2: {  	[tilespmem:s23+$0xFFFFFF00] =	vst v7;
	v6 =	vld [tilespmem:s24+$0x10];
	v5 =	vadd.f32 v8, v5  }
0xe3: {  	v7 =	vld [tilespmem:s24+$0xFFFFFF10]  }
0xe4: {  	v8 =	vld [tilespmem:s23+$0xFFFFFFA0];
	v5 =	vmax.f32 v5, $0.0e+00  }
0xe5: {  	v9 =	vadd.f32 v9, v10;
	[tilespmem:s23+$0x90] =	vst v5;
	v5 =	vld [tilespmem:s23+$0xA0]  }
0xe6: {  	v10 =	vld [tilespmem:s24+$0xA0]  }
0xe7: {  	v9 =	vmax.f32 v9, $0.0e+00;
	v4 =	vadd.f32 v6, v4;
	v6 =	vld [tilespmem:s23+$0x20]  }
0xe8: {  	v7 =	vadd.f32 v7, v12;
	v12 =	vld [tilespmem:s23+$0xFFFFFF30];
	[tilespmem:s23+$0xFFFFFF90] =	vst v9  }
0xe9: {  	v9 =	vld [tilespmem:s24+$0xFFFFFFA0];
	v4 =	vmax.f32 v4, $0.0e+00  }
0xea: {  	v7 =	vmax.f32 v7, $0.0e+00;
	v13 =	vld [tilespmem:s23+$0xFFFFFFB0];
	[tilespmem:s23+$0x10] =	vst v4  }
0xeb: {  	[tilespmem:s23+$0xFFFFFF10] =	vst v7;
	v4 =	vld [tilespmem:s24+$0x20];
	v5 =	vadd.f32 v10, v5  }
0xec: {  	v7 =	vld [tilespmem:s24+$0xFFFFFF20]  }
0xed: {  	v10 =	vld [tilespmem:s23+$0x30];
	v5 =	vmax.f32 v5, $0.0e+00  }
0xee: {  	v8 =	vadd.f32 v9, v8;
	[tilespmem:s23+$0xA0] =	vst v5;
	v5 =	vld [tilespmem:s23+$0xB0]  }
0xef: {  	v9 =	vld [tilespmem:s24+$0xB0]  }
0xf0: {  	v14 =	vld [tilespmem:s23+$0xFFFFFF40];
	v8 =	vmax.f32 v8, $0.0e+00;
	v4 =	vadd.f32 v4, v6  }
0xf1: {  	v6 =	vadd.f32 v7, v11;
	[tilespmem:s23+$0xFFFFFFA0] =	vst v8;
	v7 =	vld [tilespmem:s23+$0xFFFFFFC0]  }
0xf2: {  	v8 =	vld [tilespmem:s24+$0xFFFFFFB0];
	v4 =	vmax.f32 v4, $0.0e+00  }
0xf3: {  	v6 =	vmax.f32 v6, $0.0e+00;
	[tilespmem:s23+$0x20] =	vst v4;
	v11 =	vld [tilespmem:s23+$0x40]  }
0xf4: {  	[tilespmem:s23+$0xFFFFFF20] =	vst v6;
	v4 =	vld [tilespmem:s24+$0x30];
	v5 =	vadd.f32 v9, v5  }
0xf5: {  	v6 =	vld [tilespmem:s24+$0xFFFFFF30]  }
0xf6: {  	v9 =	vld [tilespmem:s23+$0xFFFFFF50];
	v5 =	vmax.f32 v5, $0.0e+00  }
0xf7: {  	v8 =	vadd.f32 v8, v13;
	[tilespmem:s23+$0xB0] =	vst v5;
	v5 =	vld [tilespmem:s23+$0xC0]  }
0xf8: {  	v13 =	vld [tilespmem:s24+$0xC0]  }
0xf9: {  	v8 =	vmax.f32 v8, $0.0e+00;
	v15 =	vld [tilespmem:s23+$0xFFFFFFD0];
	v4 =	vadd.f32 v4, v10  }
0xfa: {  	v6 =	vadd.f32 v6, v12;
	[tilespmem:s23+$0xFFFFFFB0] =	vst v8;
	v8 =	vld [tilespmem:s23+$0x50]  }
0xfb: {  	v10 =	vld [tilespmem:s24+$0xFFFFFFC0];
	v12 =	vmax.f32 v4, $0.0e+00  }
0xfc: {  	v6 =	vmax.f32 v6, $0.0e+00;
	v4 =	vld [tilespmem:s23+$0xFFFFFF60];
	[tilespmem:s23+$0x30] =	vst v12  }
0xfd: {  	[tilespmem:s23+$0xFFFFFF30] =	vst v6;
	v6 =	vld [tilespmem:s24+$0x40];
	v12 =	vadd.f32 v13, v5  }
0xfe: {  	v13 =	vld [tilespmem:s24+$0xFFFFFF40]  }
0xff: {  	v5 =	vld [tilespmem:s23+$0xFFFFFFE0];
	v12 =	vmax.f32 v12, $0.0e+00  }
0x100: {  	v7 =	vadd.f32 v10, v7;
	[tilespmem:s23+$0xC0] =	vst v12;
	v10 =	vld [tilespmem:s23+$0xD0]  }
0x101: {  	v12 =	vld [tilespmem:s24+$0xD0]  }
0x102: {  	v7 =	vmax.f32 v7, $0.0e+00;
	v11 =	vadd.f32 v6, v11;
	v6 =	vld [tilespmem:s23+$0x60]  }
0x103: {  	v13 =	vadd.f32 v13, v14;
	[tilespmem:s23+$0xFFFFFFC0] =	vst v7;
	v7 =	vld [tilespmem:s21+$0xFFFFFF70]  }
0x104: {  	v14 =	vld [tilespmem:s24+$0xFFFFFFD0];
	v11 =	vmax.f32 v11, $0.0e+00  }
0x105: {  	v13 =	vmax.f32 v13, $0.0e+00;
	[tilespmem:s23+$0x40] =	vst v11;
	v11 =	vld [tilespmem:s21+$0xFFFFFFF0]  }
0x106: {  	[tilespmem:s23+$0xFFFFFF40] =	vst v13;
	v13 =	vld [tilespmem:s24+$0x50];
	v10 =	vadd.f32 v12, v10  }
0x107: {  	v12 =	vld [tilespmem:s24+$0xFFFFFF50]  }
0x108: {  	v10 =	vmax.f32 v10, $0.0e+00;
	v3 =	vadd.f32 v7, v3;
	v7 =	vld [tilespmem:s21+$0x70];
	s21 =	smov.u32 s24  }
0x109: {  	v14 =	vadd.f32 v14, v15;
	[tilespmem:s23+$0xD0] =	vst v10;
	v10 =	vld [tilespmem:s23+$0xE0]  }
0x10a: {  	v15 =	vld [tilespmem:s24+$0xE0];
	v16 =	vmax.f32 v3, $0.0e+00;
	v11 =	vadd.f32 v11, v2  }
0x10b: {  	v3 =	vld [tilespmem:s23+$0xFFFFFF70];
	v2 =	vmax.f32 v14, $0.0e+00;
	v13 =	vadd.f32 v13, v8;
	[tilespmem:s20+$0xFFFFFF70] =	vst v16  }
0x10c: {  	v9 =	vadd.f32 v12, v9;
	[tilespmem:s23+$0xFFFFFFD0] =	vst v2;
	v2 =	vld [tilespmem:s23+$0xFFFFFFF0];
	v11 =	vmax.f32 v11, $0.0e+00  }
.Ltmp6:
0x10d: {  	v8 =	vld [tilespmem:s24+$0xFFFFFFE0];
	v12 =	vmax.f32 v13, $0.0e+00;
	[tilespmem:s20+$0xFFFFFFF0] =	vst v11;
	v7 =	vadd.f32 v7, v1;
	(pc) =	sbr.rel @p2 .LBB2_7-.Ltmp6, $4  }
0x10e: {  	v9 =	vmax.f32 v9, $0.0e+00;
	[tilespmem:s23+$0x50] =	vst v12;
	v1 =	vld [tilespmem:s23+$0x70]  }
0x10f: {  	[tilespmem:s23+$0xFFFFFF50] =	vst v9;
	v9 =	vld [tilespmem:s24+$0x60];
	v11 =	vadd.f32 v15, v10;
	v7 =	vmax.f32 v7, $0.0e+00  }
0x110: {  	v10 =	vld [tilespmem:s24+$0xFFFFFF60];
	[tilespmem:s20+$0x70] =	vst v7;
	s20 =	smov.u32 s23  }
0x111: {  	s23 =	sadd.s32 $0x200, s23;
	v11 =	vmax.f32 v11, $0.0e+00;
	v7 =	vld [tilespmem:s20+$0xF0]  }
0x112: {  	_ = 	snop  }
0x113: {  	v5 =	vadd.f32 v8, v5  }
0x114: {  	v6 =	vadd.f32 v9, v6  }
0x115: {  	[tilespmem:s20+$0xE0] =	vst v11;
	v5 =	vmax.f32 v5, $0.0e+00;
	v4 =	vadd.f32 v10, v4  }
0x116: {  	v58 =	vld [tilespmem:s21+$0xF0];
	[tilespmem:s20+$0xFFFFFFE0] =	vst v5;
	v59 =	vmax.f32 v6, $0.0e+00  }
0x117: {  	v61 =	vld [tilespmem:s21+$0xFFFFFFF0];
	v4 =	vmax.f32 v4, $0.0e+00;
	[tilespmem:s20+$0x60] =	vst v59  }
0x118: {  	[tilespmem:s20+$0xFFFFFF60] =	vst v4;
	v62 =	vld [tilespmem:s21+$0x70]  }
0x119: {  	v60 =	vld [tilespmem:s21+$0xFFFFFF70];
	_ =	sdelay $0x1  }
0x11a: {  	v7 =	vadd.f32 v58, v7  }
0x11b: {  	v2 =	vadd.f32 v61, v2  }
0x11c: {  	v63 =	vmax.f32 v7, $0.0e+00;
	v1 =	vadd.f32 v62, v1  }
0x11d: {  	[tilespmem:s20+$0xF0] =	vst v63;
	v2 =	vmax.f32 v2, $0.0e+00;
	v3 =	vadd.f32 v60, v3  }
0x11e: {  	[tilespmem:s20+$0xFFFFFFF0] =	vst v2;
	v1 =	vmax.f32 v1, $0.0e+00  }
0x11f: {  	v3 =	vmax.f32 v3, $0.0e+00;
	[tilespmem:s20+$0x70] =	vst v1  }
0x120: {  	p2 =	seq.s32 s18, $0x29;
	[tilespmem:s20+$0xFFFFFF70] =	vst v3  }
0x121: {  	s19 =	sadd.s32 @!p2 $0x2, s19;
	_ =	swait.ge [sflag:s0], $0x50  }
0x122: {  	s20 =	sadd.s32 @!p2 s15, s19;
	[sflag:s0] =	ssyncset.done $0x0  }
0x123: {  	s22 =	simm.s32 @!p2 $0x0;
	s21 =	smul.u32 @!p2 $0x50, s20;
	[sflag:s0] =	ssyncadd.s32 $0xFFFFFFB0  }
0x124: {  	[spmem:s4] =	stream.indirect.scatter.add.f32 [tilespmem:s26], [sflag:$0x7], $0x80, s5, s31, $0xb8;
	[tilespmem:$0x1F380] =	vst v63  }
0x125: {  	s20 =	smul.u32 @!p2 $0x2800, s20;
	s21 =	sadd.s32 @!p2 s9, s21;
	_ =	swait.ge [sflag:s29], $0x2800  }
0x126: {  	s19 =	smul.u32 @!p2 $0x140, s19;
	s21 =	sshrl.u32 @!p2 s21, $0x3;
	[sflag:s29] =	ssyncset.done $0x0  }
0x127: {  	s20 =	sadd.s32 @!p2 s8, s20;
	s21 =	sadd.s32 @!p2 s1, s21;
	[sflag:s29] =	ssyncadd.s32 $0xFFFFD800  }
0x128: {  	[tilespmem:s22], [sflag:$0x1] =	stream.linear.gather @!p2 [hbm4b:s21+s22], $0x50, $0x38;
	[tilespmem:$0x1F380] =	vst v63  }
.Ltmp7:
0x129: {  	s20 =	sshrl.u32 @!p2 s20, $0x3;
	(pc) =	sbr.rel @!p1 .LBB2_12-.Ltmp7, $4  }
0x12a: {  	s19 =	sshra.s32 @!p2 s19, $0x2;
	s20 =	sadd.s32 @!p2 s6, s20;
	s21 =	simm.s32 @!p2 $0x5100  }
0x12b: {  	[tilespmem:s21], [sflag:$0x5] =	stream.linear.gather @!p2 [hbm4b:s20+s22], $0x2800, $0x38;
	[tilespmem:$0x1F380] =	vst v63  }
0x12c: {  	s19 =	sadd.s32 @!p2 $0xA100, s19;
	s20 =	simm.s32 @!p2 $0x50;
	s21 =	simm.s32 @!p2 $0x100  }
0x12d: {  	[tilespmem:s21], [sflag:$0x3] =	stream.indirect.gather @!p2 [hbm4b:s2+s20], $0x80, s19, s20, $0xb8;
	[tilespmem:$0x1F380] =	vst v63  }
0x12e: {  	_ =	swait.ge [sflag:s25], $0x2800  }
0x12f: {  	[sflag:s25] =	ssyncset.done $0x0  }
0x130: {  	[sflag:s25] =	ssyncadd.s32 $0xFFFFD800  }
0x131: {  	_ =	swait.ge [sflag:s14], $0x2800  }
0x132: {  	[sflag:s14] =	ssyncset.done $0x0  }
0x133: {  	s19 =	simm.s32 $0x2A00;
	[sflag:s14] =	ssyncadd.s32 $0xFFFFD800  }
0x134: {  	s20 =	simm.s32 $0x7A00;
	v1 =	vld [tilespmem:s19+$0x80]  }
0x135: {  	v2 =	vld [tilespmem:s20+$0x80]  }
0x136: {  	v3 =	vld [tilespmem:s20+$0xFFFFFF00]  }
0x137: {  	v4 =	vld [tilespmem:s19+$0xFFFFFF80]  }
0x138: {  	v5 =	vld [tilespmem:s20+$0xFFFFFF80]  }
0x139: {  	v6 =	vld [tilespmem:s20+$0x0]  }
0x13a: {  	v1 =	vadd.f32 v2, v1;
	v2 =	vld [tilespmem:s19+$0x0]  }
0x13b: {  	v7 =	vld [tilespmem:s19+$0xFFFFFF00]  }
0x13c: {  	v1 =	vmax.f32 v1, $0.0e+00  }
0x13d: {  	v4 =	vadd.f32 v5, v4;
	[tilespmem:s19+$0x80] =	vst v1;
	v1 =	vld [tilespmem:s19+$0x90]  }
0x13e: {  	v8 =	vld [tilespmem:s20+$0x90]  }
0x13f: {  	v9 =	vld [tilespmem:s19+$0xFFFFFF90];
	v4 =	vmax.f32 v4, $0.0e+00;
	v2 =	vadd.f32 v6, v2  }
0x140: {  	v5 =	vld [tilespmem:s19+$0xFFFFFF10];
	v3 =	vadd.f32 v3, v7;
	[tilespmem:s19+$0xFFFFFF80] =	vst v4  }
0x141: {  	v6 =	vld [tilespmem:s20+$0xFFFFFF90];
	v2 =	vmax.f32 v2, $0.0e+00  }
0x142: {  	v3 =	vmax.f32 v3, $0.0e+00;
	v4 =	vld [tilespmem:s19+$0x10];
	[tilespmem:s19+$0x0] =	vst v2  }
0x143: {  	[tilespmem:s19+$0xFFFFFF00] =	vst v3;
	v1 =	vadd.f32 v8, v1;
	v2 =	vld [tilespmem:s20+$0x10]  }
0x144: {  	v3 =	vld [tilespmem:s20+$0xFFFFFF10]  }
0x145: {  	v1 =	vmax.f32 v1, $0.0e+00  }
0x146: {  	v6 =	vadd.f32 v6, v9;
	[tilespmem:s19+$0x90] =	vst v1;
	v1 =	vld [tilespmem:s19+$0xA0]  }
0x147: {  	v8 =	vld [tilespmem:s20+$0xA0]  }
0x148: {  	v7 =	vld [tilespmem:s19+$0xFFFFFF20];
	v6 =	vmax.f32 v6, $0.0e+00;
	v2 =	vadd.f32 v2, v4  }
0x149: {  	v3 =	vadd.f32 v3, v5;
	v9 =	vld [tilespmem:s19+$0xFFFFFFA0];
	[tilespmem:s19+$0xFFFFFF90] =	vst v6  }
0x14a: {  	v5 =	vld [tilespmem:s20+$0xFFFFFFA0];
	v2 =	vmax.f32 v2, $0.0e+00  }
0x14b: {  	v3 =	vmax.f32 v3, $0.0e+00;
	v4 =	vld [tilespmem:s19+$0x20];
	[tilespmem:s19+$0x10] =	vst v2  }
0x14c: {  	[tilespmem:s19+$0xFFFFFF10] =	vst v3;
	v1 =	vadd.f32 v8, v1;
	v2 =	vld [tilespmem:s20+$0x20]  }
0x14d: {  	v3 =	vld [tilespmem:s20+$0xFFFFFF20]  }
0x14e: {  	v1 =	vmax.f32 v1, $0.0e+00  }
0x14f: {  	v5 =	vadd.f32 v5, v9;
	[tilespmem:s19+$0xA0] =	vst v1;
	v1 =	vld [tilespmem:s19+$0xB0]  }
0x150: {  	v8 =	vld [tilespmem:s20+$0xB0]  }
0x151: {  	v10 =	vld [tilespmem:s19+$0x30];
	v5 =	vmax.f32 v5, $0.0e+00;
	v2 =	vadd.f32 v2, v4  }
0x152: {  	v3 =	vadd.f32 v3, v7;
	v9 =	vld [tilespmem:s19+$0xFFFFFFB0];
	[tilespmem:s19+$0xFFFFFFA0] =	vst v5  }
0x153: {  	v4 =	vld [tilespmem:s20+$0xFFFFFFB0];
	v2 =	vmax.f32 v2, $0.0e+00  }
0x154: {  	v6 =	vld [tilespmem:s19+$0xFFFFFF30];
	[tilespmem:s19+$0x20] =	vst v2;
	v2 =	vmax.f32 v3, $0.0e+00  }
0x155: {  	v1 =	vadd.f32 v8, v1;
	[tilespmem:s19+$0xFFFFFF20] =	vst v2;
	v2 =	vld [tilespmem:s20+$0x30]  }
0x156: {  	v7 =	vld [tilespmem:s20+$0xFFFFFF30]  }
0x157: {  	v11 =	vld [tilespmem:s19+$0xFFFFFF40];
	v1 =	vmax.f32 v1, $0.0e+00  }
0x158: {  	v4 =	vadd.f32 v4, v9;
	[tilespmem:s19+$0xB0] =	vst v1;
	v1 =	vld [tilespmem:s19+$0xC0]  }
0x159: {  	v8 =	vld [tilespmem:s20+$0xC0]  }
0x15a: {  	v12 =	vld [tilespmem:s19+$0xFFFFFFD0];
	v4 =	vmax.f32 v4, $0.0e+00;
	v2 =	vadd.f32 v2, v10  }
0x15b: {  	v5 =	vld [tilespmem:s19+$0xFFFFFFC0];
	[tilespmem:s19+$0xFFFFFFB0] =	vst v4;
	v6 =	vadd.f32 v7, v6  }
0x15c: {  	v7 =	vld [tilespmem:s20+$0xFFFFFFC0];
	v2 =	vmax.f32 v2, $0.0e+00  }
0x15d: {  	v3 =	vld [tilespmem:s19+$0x40];
	[tilespmem:s19+$0x30] =	vst v2;
	v2 =	vmax.f32 v6, $0.0e+00  }
0x15e: {  	v1 =	vadd.f32 v8, v1;
	v6 =	vld [tilespmem:s20+$0x40];
	[tilespmem:s19+$0xFFFFFF30] =	vst v2  }
0x15f: {  	v2 =	vld [tilespmem:s20+$0xFFFFFF40]  }
0x160: {  	v9 =	vld [tilespmem:s19+$0xFFFFFF50];
	v1 =	vmax.f32 v1, $0.0e+00  }
0x161: {  	[tilespmem:s19+$0xC0] =	vst v1;
	v1 =	vadd.f32 v7, v5;
	v7 =	vld [tilespmem:s19+$0xD0]  }
0x162: {  	v8 =	vld [tilespmem:s20+$0xD0]  }
0x163: {  	v4 =	vld [tilespmem:s19+$0xFFFFFF60];
	v1 =	vmax.f32 v1, $0.0e+00;
	v3 =	vadd.f32 v6, v3  }
0x164: {  	v10 =	vld [tilespmem:s19+$0x50];
	[tilespmem:s19+$0xFFFFFFC0] =	vst v1;
	v1 =	vadd.f32 v2, v11  }
0x165: {  	v2 =	vld [tilespmem:s20+$0xFFFFFFD0];
	v3 =	vmax.f32 v3, $0.0e+00  }
0x166: {  	v5 =	vld [tilespmem:s19+$0xFFFFFFE0];
	[tilespmem:s19+$0x40] =	vst v3;
	v1 =	vmax.f32 v1, $0.0e+00  }
0x167: {  	v3 =	vld [tilespmem:s20+$0x50];
	v7 =	vadd.f32 v8, v7;
	[tilespmem:s19+$0xFFFFFF40] =	vst v1  }
0x168: {  	v1 =	vld [tilespmem:s20+$0xFFFFFF50]  }
0x169: {  	v6 =	vld [tilespmem:s19+$0x60];
	v7 =	vmax.f32 v7, $0.0e+00  }
0x16a: {  	v2 =	vadd.f32 v2, v12;
	[tilespmem:s19+$0xD0] =	vst v7;
	v7 =	vld [tilespmem:s19+$0xE0]  }
0x16b: {  	v11 =	vld [tilespmem:s20+$0xE0]  }
0x16c: {  	v2 =	vmax.f32 v2, $0.0e+00;
	v8 =	vadd.f32 v3, v10;
	v3 =	vld [tilespmem:s19+$0xFFFFFF70]  }
0x16d: {  	[tilespmem:s19+$0xFFFFFFD0] =	vst v2;
	v1 =	vadd.f32 v1, v9;
	v2 =	vld [tilespmem:s19+$0xFFFFFFF0]  }
0x16e: {  	v9 =	vmax.f32 v8, $0.0e+00;
	v8 =	vld [tilespmem:s20+$0xFFFFFFE0]  }
0x16f: {  	[tilespmem:s19+$0x50] =	vst v9;
	v9 =	vmax.f32 v1, $0.0e+00;
	v1 =	vld [tilespmem:s19+$0x70]  }
0x170: {  	[tilespmem:s19+$0xFFFFFF50] =	vst v9;
	v9 =	vld [tilespmem:s20+$0x60];
	v7 =	vadd.f32 v11, v7  }
0x171: {  	v10 =	vld [tilespmem:s20+$0xFFFFFF60]  }
0x172: {  	s21 =	simm.s32 $0x0;
	s22 =	simm.s32 $0x2C00;
	s23 =	simm.s32 $0x7A00;
	v11 =	vmax.f32 v7, $0.0e+00;
	v7 =	vld [tilespmem:s19+$0xF0]  }
.LBB2_10:
0x173: {  	v12 =	vld [tilespmem:s22+$0x80];
	v5 =	vadd.f32 v8, v5;
	[tilespmem:s19+$0xE0] =	vst v11  }
0x174: {  	s23 =	sadd.s32 $0x200, s23;
	v8 =	vld [tilespmem:s20+$0xF0]  }
0x175: {  	s21 =	sadd.s32 $0x4, s21;
	v11 =	vld [tilespmem:s23+$0x80];
	v5 =	vmax.f32 v5, $0.0e+00;
	v6 =	vadd.f32 v9, v6  }
0x176: {  	p1 =	slt.u32 s21, $0x4C;
	v9 =	vld [tilespmem:s23+$0xFFFFFF00];
	v4 =	vadd.f32 v10, v4;
	[tilespmem:s19+$0xFFFFFFE0] =	vst v5  }
0x177: {  	v5 =	vld [tilespmem:s22+$0xFFFFFF80];
	v6 =	vmax.f32 v6, $0.0e+00  }
0x178: {  	v10 =	vld [tilespmem:s23+$0xFFFFFF80];
	v4 =	vmax.f32 v4, $0.0e+00;
	[tilespmem:s19+$0x60] =	vst v6  }
0x179: {  	v6 =	vld [tilespmem:s22+$0x0];
	[tilespmem:s19+$0xFFFFFF60] =	vst v4;
	v4 =	vadd.f32 v8, v7  }
0x17a: {  	v7 =	vld [tilespmem:s23+$0x0];
	v8 =	vadd.f32 v11, v12  }
0x17b: {  	v11 =	vld [tilespmem:s22+$0xFFFFFF00];
	v4 =	vmax.f32 v4, $0.0e+00  }
0x17c: {  	v12 =	vld [tilespmem:s22+$0xFFFFFF10];
	v8 =	vmax.f32 v8, $0.0e+00;
	[tilespmem:s19+$0xF0] =	vst v4  }
0x17d: {  	v4 =	vadd.f32 v10, v5;
	[tilespmem:s22+$0x80] =	vst v8;
	v5 =	vld [tilespmem:s22+$0x90]  }
0x17e: {  	v8 =	vld [tilespmem:s23+$0x90]  }
0x17f: {  	v4 =	vmax.f32 v4, $0.0e+00;
	v10 =	vld [tilespmem:s22+$0xFFFFFF90];
	v6 =	vadd.f32 v7, v6  }
0x180: {  	v7 =	vadd.f32 v9, v11;
	[tilespmem:s22+$0xFFFFFF80] =	vst v4;
	v4 =	vld [tilespmem:s22+$0x10]  }
0x181: {  	v9 =	vld [tilespmem:s23+$0xFFFFFF90];
	v6 =	vmax.f32 v6, $0.0e+00  }
0x182: {  	v7 =	vmax.f32 v7, $0.0e+00;
	v11 =	vld [tilespmem:s22+$0xFFFFFF20];
	[tilespmem:s22+$0x0] =	vst v6  }
0x183: {  	[tilespmem:s22+$0xFFFFFF00] =	vst v7;
	v6 =	vld [tilespmem:s23+$0x10];
	v5 =	vadd.f32 v8, v5  }
0x184: {  	v7 =	vld [tilespmem:s23+$0xFFFFFF10]  }
0x185: {  	v8 =	vld [tilespmem:s22+$0xFFFFFFA0];
	v5 =	vmax.f32 v5, $0.0e+00  }
0x186: {  	v9 =	vadd.f32 v9, v10;
	[tilespmem:s22+$0x90] =	vst v5;
	v5 =	vld [tilespmem:s22+$0xA0]  }
0x187: {  	v10 =	vld [tilespmem:s23+$0xA0]  }
0x188: {  	v9 =	vmax.f32 v9, $0.0e+00;
	v4 =	vadd.f32 v6, v4;
	v6 =	vld [tilespmem:s22+$0x20]  }
0x189: {  	v7 =	vadd.f32 v7, v12;
	v12 =	vld [tilespmem:s22+$0xFFFFFF30];
	[tilespmem:s22+$0xFFFFFF90] =	vst v9  }
0x18a: {  	v9 =	vld [tilespmem:s23+$0xFFFFFFA0];
	v4 =	vmax.f32 v4, $0.0e+00  }
0x18b: {  	v7 =	vmax.f32 v7, $0.0e+00;
	v13 =	vld [tilespmem:s22+$0xFFFFFFB0];
	[tilespmem:s22+$0x10] =	vst v4  }
0x18c: {  	[tilespmem:s22+$0xFFFFFF10] =	vst v7;
	v4 =	vld [tilespmem:s23+$0x20];
	v5 =	vadd.f32 v10, v5  }
0x18d: {  	v7 =	vld [tilespmem:s23+$0xFFFFFF20]  }
0x18e: {  	v10 =	vld [tilespmem:s22+$0x30];
	v5 =	vmax.f32 v5, $0.0e+00  }
0x18f: {  	v8 =	vadd.f32 v9, v8;
	[tilespmem:s22+$0xA0] =	vst v5;
	v5 =	vld [tilespmem:s22+$0xB0]  }
0x190: {  	v9 =	vld [tilespmem:s23+$0xB0]  }
0x191: {  	v14 =	vld [tilespmem:s22+$0xFFFFFF40];
	v8 =	vmax.f32 v8, $0.0e+00;
	v4 =	vadd.f32 v4, v6  }
0x192: {  	v6 =	vadd.f32 v7, v11;
	[tilespmem:s22+$0xFFFFFFA0] =	vst v8;
	v7 =	vld [tilespmem:s22+$0xFFFFFFC0]  }
0x193: {  	v8 =	vld [tilespmem:s23+$0xFFFFFFB0];
	v4 =	vmax.f32 v4, $0.0e+00  }
0x194: {  	v6 =	vmax.f32 v6, $0.0e+00;
	[tilespmem:s22+$0x20] =	vst v4;
	v11 =	vld [tilespmem:s22+$0x40]  }
0x195: {  	[tilespmem:s22+$0xFFFFFF20] =	vst v6;
	v4 =	vld [tilespmem:s23+$0x30];
	v5 =	vadd.f32 v9, v5  }
0x196: {  	v6 =	vld [tilespmem:s23+$0xFFFFFF30]  }
0x197: {  	v9 =	vld [tilespmem:s22+$0xFFFFFF50];
	v5 =	vmax.f32 v5, $0.0e+00  }
0x198: {  	v8 =	vadd.f32 v8, v13;
	[tilespmem:s22+$0xB0] =	vst v5;
	v5 =	vld [tilespmem:s22+$0xC0]  }
0x199: {  	v13 =	vld [tilespmem:s23+$0xC0]  }
0x19a: {  	v8 =	vmax.f32 v8, $0.0e+00;
	v15 =	vld [tilespmem:s22+$0xFFFFFFD0];
	v4 =	vadd.f32 v4, v10  }
0x19b: {  	v6 =	vadd.f32 v6, v12;
	[tilespmem:s22+$0xFFFFFFB0] =	vst v8;
	v8 =	vld [tilespmem:s22+$0x50]  }
0x19c: {  	v10 =	vld [tilespmem:s23+$0xFFFFFFC0];
	v12 =	vmax.f32 v4, $0.0e+00  }
0x19d: {  	v6 =	vmax.f32 v6, $0.0e+00;
	v4 =	vld [tilespmem:s22+$0xFFFFFF60];
	[tilespmem:s22+$0x30] =	vst v12  }
0x19e: {  	[tilespmem:s22+$0xFFFFFF30] =	vst v6;
	v6 =	vld [tilespmem:s23+$0x40];
	v12 =	vadd.f32 v13, v5  }
0x19f: {  	v13 =	vld [tilespmem:s23+$0xFFFFFF40]  }
0x1a0: {  	v5 =	vld [tilespmem:s22+$0xFFFFFFE0];
	v12 =	vmax.f32 v12, $0.0e+00  }
0x1a1: {  	v7 =	vadd.f32 v10, v7;
	[tilespmem:s22+$0xC0] =	vst v12;
	v10 =	vld [tilespmem:s22+$0xD0]  }
0x1a2: {  	v12 =	vld [tilespmem:s23+$0xD0]  }
0x1a3: {  	v7 =	vmax.f32 v7, $0.0e+00;
	v11 =	vadd.f32 v6, v11;
	v6 =	vld [tilespmem:s22+$0x60]  }
0x1a4: {  	v13 =	vadd.f32 v13, v14;
	[tilespmem:s22+$0xFFFFFFC0] =	vst v7;
	v7 =	vld [tilespmem:s20+$0xFFFFFF70]  }
0x1a5: {  	v14 =	vld [tilespmem:s23+$0xFFFFFFD0];
	v11 =	vmax.f32 v11, $0.0e+00  }
0x1a6: {  	v13 =	vmax.f32 v13, $0.0e+00;
	[tilespmem:s22+$0x40] =	vst v11;
	v11 =	vld [tilespmem:s20+$0xFFFFFFF0]  }
0x1a7: {  	[tilespmem:s22+$0xFFFFFF40] =	vst v13;
	v13 =	vld [tilespmem:s23+$0x50];
	v10 =	vadd.f32 v12, v10  }
0x1a8: {  	v12 =	vld [tilespmem:s23+$0xFFFFFF50]  }
0x1a9: {  	v10 =	vmax.f32 v10, $0.0e+00;
	v3 =	vadd.f32 v7, v3;
	v7 =	vld [tilespmem:s20+$0x70];
	s20 =	smov.u32 s23  }
0x1aa: {  	v14 =	vadd.f32 v14, v15;
	[tilespmem:s22+$0xD0] =	vst v10;
	v10 =	vld [tilespmem:s22+$0xE0]  }
0x1ab: {  	v15 =	vld [tilespmem:s23+$0xE0];
	v16 =	vmax.f32 v3, $0.0e+00;
	v11 =	vadd.f32 v11, v2  }
0x1ac: {  	v3 =	vld [tilespmem:s22+$0xFFFFFF70];
	v2 =	vmax.f32 v14, $0.0e+00;
	v13 =	vadd.f32 v13, v8;
	[tilespmem:s19+$0xFFFFFF70] =	vst v16  }
0x1ad: {  	v9 =	vadd.f32 v12, v9;
	[tilespmem:s22+$0xFFFFFFD0] =	vst v2;
	v2 =	vld [tilespmem:s22+$0xFFFFFFF0];
	v11 =	vmax.f32 v11, $0.0e+00  }
.Ltmp8:
0x1ae: {  	v8 =	vld [tilespmem:s23+$0xFFFFFFE0];
	v12 =	vmax.f32 v13, $0.0e+00;
	[tilespmem:s19+$0xFFFFFFF0] =	vst v11;
	v7 =	vadd.f32 v7, v1;
	(pc) =	sbr.rel @p1 .LBB2_10-.Ltmp8, $4  }
0x1af: {  	v9 =	vmax.f32 v9, $0.0e+00;
	[tilespmem:s22+$0x50] =	vst v12;
	v1 =	vld [tilespmem:s22+$0x70]  }
0x1b0: {  	[tilespmem:s22+$0xFFFFFF50] =	vst v9;
	v9 =	vld [tilespmem:s23+$0x60];
	v11 =	vadd.f32 v15, v10;
	v7 =	vmax.f32 v7, $0.0e+00  }
0x1b1: {  	v10 =	vld [tilespmem:s23+$0xFFFFFF60];
	[tilespmem:s19+$0x70] =	vst v7;
	s19 =	smov.u32 s22  }
0x1b2: {  	s22 =	sadd.s32 $0x200, s22;
	v11 =	vmax.f32 v11, $0.0e+00;
	v7 =	vld [tilespmem:s19+$0xF0]  }
0x1b3: {  	_ = 	snop  }
0x1b4: {  	v5 =	vadd.f32 v8, v5  }
0x1b5: {  	v6 =	vadd.f32 v9, v6  }
0x1b6: {  	[tilespmem:s19+$0xE0] =	vst v11;
	v5 =	vmax.f32 v5, $0.0e+00;
	v4 =	vadd.f32 v10, v4  }
0x1b7: {  	v58 =	vld [tilespmem:s20+$0xF0];
	[tilespmem:s19+$0xFFFFFFE0] =	vst v5;
	v59 =	vmax.f32 v6, $0.0e+00  }
0x1b8: {  	v61 =	vld [tilespmem:s20+$0xFFFFFFF0];
	v4 =	vmax.f32 v4, $0.0e+00;
	[tilespmem:s19+$0x60] =	vst v59  }
0x1b9: {  	[tilespmem:s19+$0xFFFFFF60] =	vst v4;
	v62 =	vld [tilespmem:s20+$0x70]  }
0x1ba: {  	v60 =	vld [tilespmem:s20+$0xFFFFFF70];
	_ =	sdelay $0x1  }
0x1bb: {  	v7 =	vadd.f32 v58, v7  }
0x1bc: {  	v2 =	vadd.f32 v61, v2  }
0x1bd: {  	v63 =	vmax.f32 v7, $0.0e+00;
	v1 =	vadd.f32 v62, v1  }
0x1be: {  	[tilespmem:s19+$0xF0] =	vst v63;
	v2 =	vmax.f32 v2, $0.0e+00;
	v3 =	vadd.f32 v60, v3  }
0x1bf: {  	[tilespmem:s19+$0xFFFFFFF0] =	vst v2;
	v1 =	vmax.f32 v1, $0.0e+00  }
0x1c0: {  	v3 =	vmax.f32 v3, $0.0e+00;
	[tilespmem:s19+$0x70] =	vst v1  }
.Ltmp9:
0x1c1: {  	[tilespmem:s19+$0xFFFFFF70] =	vst v3;
	(pc) =	sbr.rel .LBB2_12-.Ltmp9, $4  }
0x1c2: {  	_ =	swait.ge [sflag:s16], $0x50  }
0x1c3: {  	[sflag:s16] =	ssyncset.done $0x0  }
0x1c4: {  	[sflag:s16] =	ssyncadd.s32 $0xFFFFFFB0  }
0x1c5: {  	[spmem:s4] =	stream.indirect.scatter.add.f32 [tilespmem:s7], [sflag:$0x8], $0x80, s30, s31, $0xb8;
	[tilespmem:$0x1F380] =	vst v63  }
.LBB2_14:
0x1c6: {  	_ =	sfence.sel $0x180000  }
0x1c7: {  	[bflag:$0x0] =	sbarrier.arrive $0xFFFF  }
0x1c8: {  	_ =	strace $0x9000004A  }
0x1c9: {  	s0 =	stileid.u32;
	[bflag:$0x2] =	sbarrier.arrive $0xFFFF  }
0x1ca: {  	p0 =	sne.s32 s0, $0x0;
	s0 =	rddreg [dreg:$0x4]  }
0x1cb: {  	s0 =	sadd.s32 @!p0 $0x100000, s0  }
0x1cc: {  	[sflag:s0] =	ssyncadd.tile.s32 @!p0 $0x1;
	_ =	shalt  }
.Lfunc_end2:
_tile_overlayer_lowered:
.L_overlay_start_2:
0x1cd: {  	(tag) =	ssettag $0x2  }
0x1ce: {  	s0 =	rddreg [dreg:$0x0];
	s2 =	stileid.u32  }
0x1cf: {  	s1 =	rddreg [dreg:$0x1];
	p0 =	sne.s32 s2, $0x0  }
0x1d0: {  	s3 =	rddreg [dreg:$0x2];
	[bflag:$0x3] =	sbarrier.arrive $0xFFFF;
	s2 =	simm.s32 @!p0 $0x1C09  }
0x1d1: {  	[timem:s3], [sflag:s2] =	dma.local @!p0 [hbm:s0], s1  }
0x1d2: {  	s0 =	simm.s32 @!p0 $0x9  }
0x1d3: {  	_ =	swait.ge @!p0 [sflag:s0], s1  }
0x1d4: {  	s1 =	ssub.s32 @!p0 $0x0, s1;
	[sflag:s0] =	ssyncset.done @!p0 $0x0  }
0x1d5: {  	[sflag:s0] =	ssyncadd.s32 @!p0 s1  }
0x1d6: {  	[bflag:$0x3] =	sbarrier.arrive $0xFFFF  }
0x1d7: {  	_ =	shalt  }

// kernel: kernel.15.cloned.1.call-start
scs
__scs_entry_jumppad:
0x0: {  	(pc) =	sbr.rel $0x88, $3  }
0x1: {  	(tag) =	ssettag $0x0;
	lr =	simm.s32 $0x1  }
0x2: {  	[smem:$0x3F94] =	sst lr;
	_ =	strace $0xD0000000  }
0x3: {  	_ = 	snop  }
0x4: {  	_ = 	snop  }
0x5: {  	_ = 	snop  }
0x6: {  	_ = 	snop  }
0x7: {  	_ = 	snop  }
__scs_overlays_trampoline_lowered:
0x8: {  	[smem:$0x3FA3] =	sst s0  }
0x9: {  	[smem:$0x3FA4] =	sst s1  }
0xa: {  	[smem:$0x3FA5] =	sst s2  }
0xb: {  	[smem:$0x3FA6] =	sst s3  }
0xc: {  	[smem:$0x3FA7] =	sst s4  }
0xd: {  	[smem:$0x3FA8] =	sst s5  }
0xe: {  	[smem:$0x3FA9] =	sst s6  }
0xf: {  	[smem:$0x3FAA] =	sst s7  }
0x10: {  	[smem:$0x3FAB] =	sst s8  }
0x11: {  	[smem:$0x3FAC] =	sst s9;
	s0 =	simm.s32 @!p0 $0x0  }
0x12: {  	s1 =	sld [smem:$0x3F92];
	s0 =	simm.s32 @p0 $0x1  }
0x13: {  	[smem:$0x3FAD] =	sst s0;
	s0 =	simm.s32 @!p1 $0x0  }
0x14: {  	s2 =	sld [smem:$0x3F91];
	s0 =	simm.s32 @p1 $0x1  }
0x15: {  	[smem:$0x3FAE] =	sst s0;
	s0 =	simm.s32 @!p2 $0x0  }
0x16: {  	s3 =	sld [smem:$0x3FDB];
	s0 =	simm.s32 @p2 $0x1  }
0x17: {  	s4 =	simm.s32 $0x1BF5;
	[smem:$0x3FB0] =	sst s0  }
0x18: {  	s0 =	sld [smem:$0x3F93];
	_ =	swait.ge [sflag:s4], $0x0  }
0x19: {  	s7 =	sld [smem:$0x3F94]  }
0x1a: {  	s8 =	sadd.s32 $0xFFFFE003, lr  }
0x1b: {  	s9 =	sadd.s32 $0xFFFFFEF7, lr;
	s5 =	simm.s32 $0xFFFFFFFF;
	p2 =	slt.u32 s8, $0xFFFFF086  }
0x1c: {  	p1 =	slt.u32 s9, $0xF7A;
	s5 =	simm.s32 @!p2 $0x0  }
0x1d: {  	s5 =	simm.s32 @p1 $0x1;
	p0 =	seq.s32 s7, s2  }
0x1e: {  	s7 =	smul.u32 @!p0 $0xF7A, s2;
	p2 =	seq.s32 @!p0 s5, $0x0  }
0x1f: {  	s9 =	smul.u32 $0xF7A, s1;
	s8 =	simm.s32 @!p0 $0x1BF5;
	p2 =	por !p2, p0  }
0x20: {  	[sflag:s8] =	ssyncset.s32 @!p0 $0xFFFFF086;
	s6 =	sadd.s32 @!p0 s3, s7;
	s7 =	simm.s32 @!p0 $0x108  }
0x21: {  	s3 =	sadd.s32 s3, s9;
	s6 =	sadd.s32 @!p0 $0x88, s6;
	s7 =	simm.s32 @p2 $0x1082  }
0x22: {  	[simem:s7], [sflag:s8] =	dma.local @!p0 [hbm:s6], $0xF7A  }
0x23: {  	s9 =	sor.u32 $0xD0000000, s2;
	s6 =	simm.s32 $0x108;
	_ =	swait.ge @!p0 [sflag:s8], $0x0  }
0x24: {  	s3 =	sadd.s32 $0x88, s3;
	s6 =	simm.s32 @!p1 $0x1082;
	[sflag:s4] =	ssyncset.s32 $0xFFFFF086  }
0x25: {  	[simem:s6], [sflag:s4] =	dma.local [hbm:s3], $0xF7A  }
0x26: {  	[smem:$0x3F94] =	sst s1;
	(tag) =	ssettag s2;
	_ =	strace s9  }
0x27: {  	s1 =	sld [smem:$0x3FA4]  }
0x28: {  	s2 =	sld [smem:$0x3FA5]  }
0x29: {  	s4 =	sld [smem:$0x3FA7]  }
0x2a: {  	p0 =	seq.s32 s5, $0x0;
	s5 =	sld [smem:$0x3FA8]  }
0x2b: {  	s6 =	sld [smem:$0x3FA9]  }
0x2c: {  	s7 =	sld [smem:$0x3FAA]  }
0x2d: {  	s3 =	simm.s32 $0x108;
	s8 =	sld [smem:$0x3FAB]  }
0x2e: {  	s3 =	simm.s32 @!p0 $0x1082;
	s9 =	sld [smem:$0x3FAC]  }
0x2f: {  	lr =	sadd.s32 s0, s3;
	s0 =	sld [smem:$0x3FA3]  }
0x30: {  	s3 =	sld [smem:$0x3FA6]  }
0x31: {  	[smem:$0x3FAF] =	sst s10  }
0x32: {  	s10 =	sld [smem:$0x3FAD];
	_ =	sdelay $0x3  }
0x33: {  	p0 =	seq.s32 s10, $0x1;
	s10 =	sld [smem:$0x3FAF];
	_ =	sdelay $0x3  }
0x34: {  	[smem:$0x3FAF] =	sst s10  }
0x35: {  	s10 =	sld [smem:$0x3FAE];
	_ =	sdelay $0x3  }
0x36: {  	p1 =	seq.s32 s10, $0x1;
	s10 =	sld [smem:$0x3FAF];
	_ =	sdelay $0x3  }
0x37: {  	[smem:$0x3FAF] =	sst s10  }
0x38: {  	s10 =	sld [smem:$0x3FB0]  }
0x39: {  	_ = 	snop;
	(pc) =	sbr.ind lr, $3  }
0x3a: {  	_ = 	snop  }
0x3b: {  	_ = 	snop  }
0x3c: {  	p2 =	seq.s32 s10, $0x1;
	s10 =	sld [smem:$0x3FAF]  }
0x3d: {  	_ =	shalt  }
0x3e: {  	_ =	shalt  }
0x3f: {  	_ =	shalt  }
0x40: {  	_ =	shalt  }
0x41: {  	_ =	shalt  }
0x42: {  	_ =	shalt  }
0x43: {  	_ =	shalt  }
0x44: {  	_ =	shalt  }
0x45: {  	_ =	shalt  }
0x46: {  	_ =	shalt  }
0x47: {  	_ =	shalt  }
0x48: {  	_ =	shalt  }
0x49: {  	_ =	shalt  }
0x4a: {  	_ =	shalt  }
0x4b: {  	_ =	shalt  }
0x4c: {  	_ =	shalt  }
0x4d: {  	_ =	shalt  }
0x4e: {  	_ =	shalt  }
0x4f: {  	_ =	shalt  }
0x50: {  	_ =	shalt  }
0x51: {  	_ =	shalt  }
0x52: {  	_ =	shalt  }
0x53: {  	_ =	shalt  }
0x54: {  	_ =	shalt  }
0x55: {  	_ =	shalt  }
0x56: {  	_ =	shalt  }
0x57: {  	_ =	shalt  }
0x58: {  	_ =	shalt  }
0x59: {  	_ =	shalt  }
0x5a: {  	_ =	shalt  }
0x5b: {  	_ =	shalt  }
0x5c: {  	_ =	shalt  }
0x5d: {  	_ =	shalt  }
0x5e: {  	_ =	shalt  }
0x5f: {  	_ =	shalt  }
0x60: {  	_ =	shalt  }
0x61: {  	_ =	shalt  }
0x62: {  	_ =	shalt  }
0x63: {  	_ =	shalt  }
0x64: {  	_ =	shalt  }
0x65: {  	_ =	shalt  }
0x66: {  	_ =	shalt  }
0x67: {  	_ =	shalt  }
0x68: {  	_ =	shalt  }
0x69: {  	_ =	shalt  }
0x6a: {  	_ =	shalt  }
0x6b: {  	_ =	shalt  }
0x6c: {  	_ =	shalt  }
0x6d: {  	_ =	shalt  }
0x6e: {  	_ =	shalt  }
0x6f: {  	_ =	shalt  }
0x70: {  	_ =	shalt  }
0x71: {  	_ =	shalt  }
0x72: {  	_ =	shalt  }
0x73: {  	_ =	shalt  }
0x74: {  	_ =	shalt  }
0x75: {  	_ =	shalt  }
0x76: {  	_ =	shalt  }
0x77: {  	_ =	shalt  }
0x78: {  	_ =	shalt  }
0x79: {  	_ =	shalt  }
0x7a: {  	_ =	shalt  }
0x7b: {  	_ =	shalt  }
0x7c: {  	_ =	shalt  }
0x7d: {  	_ =	shalt  }
0x7e: {  	_ =	shalt  }
0x7f: {  	_ =	shalt  }
0x80: {  	_ =	shalt  }
0x81: {  	_ =	shalt  }
0x82: {  	_ =	shalt  }
0x83: {  	_ =	shalt  }
0x84: {  	_ =	shalt  }
0x85: {  	_ =	shalt  }
0x86: {  	_ =	shalt  }
0x87: {  	_ =	shalt  }
.Lfunc_end0:
.L_simem_size_0:
called_computation.2_lowered:
.L_overlay_start_0:
0x88: {  	s2 =	sld [smem:$0x3FD9]  }
0x89: {  	s3 =	sld [smem:$0x3FFE];
	_ =	sdelay $0x1  }
0x8a: {  	s1 =	srdreg.scid  }
0x8b: {  	s0 =	sand.u32 $0x1, s1  }
0x8c: {  	s17 =	sshll.u32 s0, $0xA;
	s2 =	sadd.s32 s3, s2  }
0x8d: {  	s2 =	sadd.s32 s2, s17  }
0x8e: {  	[smem:$0x3FBB] =	sst s2  }
0x8f: {  	_ = 	snop  }
0x90: {  	s18 =	sld [smem:$0x3FC9]  }
0x91: {  	s4 =	sld [smem:$0x3FD0];
	(tm) =	ssettm $0x1  }
0x92: {  	s19 =	sld [smem:$0x3FFB];
	_ =	sdelay $0x3  }
0x93: {  	_ =	strace s19  }
0x94: {  	s2 =	sld [smem:$0x3FFC];
	_ =	sdelay $0x3  }
0x95: {  	_ =	strace s2  }
0x96: {  	s2 =	sld [smem:$0x3FFD];
	_ =	sdelay $0x3  }
0x97: {  	_ =	strace s2  }
0x98: {  	_ =	strace $0x8FFFFFFF  }
0x99: {  	s20 =	sld [smem:$0x3FDB];
	_ =	sdelay $0x1  }
0x9a: {  	s5 =	simm.s32 $_scs_section_size  }
0x9b: {  	s6 =	simm.s32 $_size__tile_overlayer_lowered;
	s7 =	simm.s32 $_tile_overlayer_lowered  }
0x9c: {  	s8 =	simm.s32 $0x1BFF;
	s21 =	sshll.u32 s7, $0x1;
	s5 =	sadd.s32 s5, s20  }
0x9d: {  	s22 =	simm.s32 $0x0;
	s6 =	sshll.u32 s6, $0x1;
	s7 =	sadd.s32 s21, s5  }
0x9e: {  	[timem:s22], [sflag:s8] =	dma.local [hbm:s7], s6  }
0x9f: {  	_ =	swait.ge [sflag:s8], s6  }
0xa0: {  	s6 =	ssub.s32 $0x0, s6;
	[sflag:s8] =	ssyncset.done $0x0  }
0xa1: {  	[sflag:s8] =	ssyncadd.s32 s6;
	_ =	sdelay $0x1  }
0xa2: {  	s23 =	simm.s32 $0x1B8B  }
0xa3: {  	_ =	swait.ge [sflag:s23], $0x1  }
0xa4: {  	[sflag:s23] =	ssyncset.done $0x0  }
0xa5: {  	[sflag:s23] =	ssyncadd.s32 $0xFFFFFFFF  }
0xa6: {  	s6 =	sld [smem:$0x0]  }
0xa7: {  	s7 =	sand.u32 $0xFFFFFFFE, s1  }
0xa8: {  	p0 =	sne.s32 s1, s7  }
0xa9: {  	s7 =	sshll.u32 @p0 s7, $0xE  }
0xaa: {  	s7 =	sadd.s32 @p0 $0x11B8D, s7;
	s8 =	sshll.u32 @p0 s6, $0x11  }
0xab: {  	s7 =	sor.u32 @p0 s8, s7  }
0xac: {  	[sflag:s7] =	ssyncadd.remote.s32 @p0 $0x1;
	_ =	sdelay $0x1  }
0xad: {  	s7 =	simm.s32 @p0 $0x1B8D  }
0xae: {  	_ =	swait.eq @p0 [sflag:s7], $0x1  }
0xaf: {  	[sflag:s7] =	ssyncadd.s32 @p0 $0xFFFFFFFF  }
0xb0: {  	s8 =	sshll.u32 @!p0 s1, $0xE  }
0xb1: {  	s8 =	sor.u32 @!p0 $0x4000, s8;
	s7 =	simm.s32 @!p0 $0x1B8D  }
0xb2: {  	s6 =	sshll.u32 @!p0 s6, $0x11;
	s8 =	sadd.s32 @!p0 $0x11B8D, s8;
	_ =	swait.eq @!p0 [sflag:s7], $0x1  }
0xb3: {  	s6 =	sor.u32 @!p0 s6, s8;
	[sflag:s7] =	ssyncadd.s32 @!p0 $0xFFFFFFFF  }
0xb4: {  	s25 =	simm.s32 $0x1B8E;
	s24 =	sld [smem:$0x3FFE];
	[sflag:s6] =	ssyncadd.remote.s32 @!p0 $0x1  }
0xb5: {  	s26 =	simm.s32 $execute0_lowered;
	[smem:$0x3FD2] =	sst s25  }
0xb6: {  	s7 =	sshll.u32 s26, $0x1;
	_ =	strace $0x8000004C;
	[dreg:$0x1] =	wrdreg $0xFFFFFFFF  }
0xb7: {  	s28 =	simm.s32 $_size_execute0_lowered;
	s5 =	sadd.s32 s5, s7;
	[dreg:$0x0] =	wrdreg $0x0  }
0xb8: {  	s7 =	sshll.u32 s28, $0x1;
	[dreg:$0x2] =	wrdreg s5  }
0xb9: {  	[dreg:$0x3] =	wrdreg s7  }
0xba: {  	[dreg:$0x4] =	wrdreg $0xC0  }
0xbb: {  	_ =	task [dreg:s22], $0x5FFFF  }
0xbc: {  	[dreg:$0x1] =	wrdreg $0xFFFFFFFF  }
0xbd: {  	[dreg:$0x0] =	wrdreg $0x60  }
0xbe: {  	[dreg:$0x2] =	wrdreg s4  }
0xbf: {  	[dreg:$0x3] =	wrdreg s18  }
0xc0: {  	[dreg:$0x4] =	wrdreg s24  }
0xc1: {  	[dreg:$0x5] =	wrdreg $0xBB000  }
0xc2: {  	[dreg:$0x6] =	wrdreg $0xB  }
0xc3: {  	_ =	task.clear_ibuf [dreg:s22], $0x7FFFF;
	_ =	strace $0x9000004C  }
0xc4: {  	s29 =	simm.s32 $0xB;
	_ =	strace $0x8000004E  }
0xc5: {  	_ =	swait.ge [sflag:s29], $0x1  }
0xc6: {  	[sflag:s29] =	ssyncadd.s32 $0xFFFFFFFF  }
0xc7: {  	_ =	strace $0x9000004E  }
0xc8: {  	_ =	sfence  }
0xc9: {  	s30 =	sld [smem:$0x0];
	_ =	sdelay $0x2  }
0xca: {  	s31 =	sshll.u32 s1, $0xD;
	s1 =	sshrl.u32 s1, $0x2  }
0xcb: {  	s4 =	sand.u32 $0x4000, s31;
	s1 =	sadd.s32 s1, s30  }
0xcc: {  	s0 =	sor.u32 s4, s0;
	s1 =	sshll.u32 s1, $0x11  }
0xcd: {  	s0 =	sor.u32 s1, s0  }
0xce: {  	s0 =	sadd.s32 $0x8F2B, s0  }
0xcf: {  	[sflag:s0] =	ssyncadd.remote.s32 $0x1  }
0xd0: {  	_ =	sfence.sel $0xFFFF  }
0xd1: {  	[dreg:$0x0] =	wrdreg $0xFFFFFFFF;
	(pc) =	sbr.abs _section_cstart, $3  }
0xd2: {  	[dreg:$0x1] =	wrdreg $0xFFFFFFFF  }
0xd3: {  	_ =	task.clear_ibuf [dreg:s22], $0x2FFFF;
	_ =	strace $0x9FFFFFFF  }
0xd4: {  	(tm) =	ssettm $0x7FFFFFFF  }
0xd5: {  	_ =	shalt  }
tec
execute0_lowered:
.L_overlay_start_1:
0x0: {  	(tag) =	ssettag $0x1  }
0x1: {  	s1 =	rddreg [dreg:$0x0]  }
0x2: {  	s2 =	rddreg [dreg:$0x1]  }
0x3: {  	s0 =	rddreg [dreg:$0x2]  }
0x4: {  	s4 =	rddreg [dreg:$0x3];
	s3 =	srdreg.scid  }
0x5: {  	s16 =	stileid.u32;
	s5 =	simm.s32 $0x0;
	s28 =	simm.s32 $0x9  }
0x6: {  	s29 =	simm.s32 $0x7;
	s31 =	simm.s32 $0x50;
	s7 =	smul.u32 $0x19F0, s16  }
0x7: {  	s30 =	simm.s32 $0x80;
	s3 =	sand.u32 $0x1, s3;
	s10 =	smul.u32 $0x4E000, s16  }
0x8: {  	[smem:$0x7FF] =	sst s5;
	s6 =	sadd.s32 $0x724000, s0;
	s26 =	smul.u32 $0xCF800, s16  }
0x9: {  	s0 =	sadd.s32 $0xA62000, s0;
	p0 =	sne.s32 s16, $0xF;
	s8 =	smul.u32 $0x4E200, s3  }
0xa: {  	_ =	strace $0x8000004D;
	s9 =	ssub.s32 $0x2, s3;
	s11 =	sxor.u32 $0x1, s3  }
0xb: {  	s12 =	sshrl.u32 s9, $0x1;
	s11 =	smul.u32 $0x4E200, s11;
	s10 =	sshrl.u32 s10, $0x2  }
0xc: {  	s8 =	sadd.s32 s7, s8;
	s13 =	ssub.s32 s9, s12;
	s10 =	sadd.s32 s10, s4  }
0xd: {  	s12 =	sadd.s32 $0x138000, s4;
	s8 =	sshrl.u32 s8, $0x3;
	s14 =	sadd.s32 $0x11800, s10  }
0xe: {  	s9 =	sadd.s32 $0x34300, s11;
	s20 =	smax.u32 s13, $0x1;
	[dreg:$0x6] =	wrdreg s14  }
0xf: {  	s21 =	sadd.s32 $0x2800, s10;
	s22 =	sadd.s32 $0x5000, s10;
	[dreg:$0xb] =	wrdreg s20  }
0x10: {  	s23 =	sadd.s32 $0x7800, s10;
	s24 =	sadd.s32 $0xA000, s10;
	[dreg:$0xc] =	wrdreg s21  }
0x11: {  	s25 =	sadd.s32 $0xC800, s10;
	s11 =	simm.s32 $0x5;
	[dreg:$0xd] =	wrdreg s22  }
0x12: {  	s13 =	simm.s32 $0x3;
	s8 =	sadd.s32 s1, s8;
	[dreg:$0xe] =	wrdreg s23  }
0x13: {  	s14 =	smul.u32 $0x13800, s16;
	[dreg:$0xf] =	wrdreg s24;
	s8 =	sadd.s32 $0x6860, s8  }
0x14: {  	s7 =	sadd.s32 s7, s9;
	[dreg:$0x5] =	wrdreg s8;
	s8 =	smul.u32 $0xCF8000, s3  }
0x15: {  	[dreg:$0x10] =	wrdreg s25;
	s7 =	sshrl.u32 s7, $0x3;
	s3 =	smul.u32 $0x138800, s3  }
0x16: {  	s20 =	simm.s32 $0xA100;
	s25 =	simm.s32 $0x6;
	s7 =	sadd.s32 s1, s7  }
0x17: {  	[dreg:$0x7] =	wrdreg s7;
	s15 =	sadd.s32 s26, s8;
	s17 =	sadd.s32 s14, s3  }
0x18: {  	s3 =	sshrl.u32 s3, $0x3;
	s26 =	sadd.s32 $0xF000, s10;
	s14 =	simm.s32 $0x4  }
0x19: {  	s7 =	sshrl.u32 s15, $0x3;
	s18 =	sshrl.u32 s17, $0x3;
	s15 =	smul.u32 $0x53, s16  }
.Ltmp0:
0x1a: {  	s3 =	sadd.s32 s0, s3;
	[dreg:$0x11] =	wrdreg s26;
	(pc) =	sbr.rel .LBB2_1-.Ltmp0, $4  }
0x1b: {  	s26 =	simm.s32 $0x100;
	s16 =	simm.s32 $0x2;
	s7 =	sadd.s32 s6, s7  }
0x1c: {  	s17 =	simm.s32 $0x0;
	s0 =	sadd.s32 s0, s18;
	[dreg:$0x8] =	wrdreg s7  }
0x1d: {  	s19 =	sadd.s32 $0x27000, s3;
	s3 =	simm.s32 $0x7900;
	[dreg:$0x9] =	wrdreg s0  }
0x1e: {  	v0 =	vimm.f32 $0.0e+00;
	[dreg:$0xa] =	wrdreg s19;
	s0 =	simm.s32 $0x1;
	s7 =	simm.s32 $0x2900  }
.LBB2_13:
0x1f: {  	s18 =	stileid.u32  }
0x20: {  	[bflag:$0x0] =	sbarrier.arrive $0xFFFF;
	s18 =	sshll.u32 s18, $0x6  }
0x21: {  	s19 =	sshrl.u32 s10, $0x3;
	s20 =	rddreg [dreg:$0x9];
	s18 =	sor.u32 $0x1C09, s18  }
0x22: {  	[hbm:s20], [sflag:s18] =	dma.local [spmem:s19], $0x2700  }
0x23: {  	_ =	swait.ge [sflag:s28], $0x2700  }
0x24: {  	[sflag:s28] =	ssyncset.done $0x0  }
0x25: {  	s19 =	sshrl.u32 @!p0 s12, $0x3;
	s20 =	rddreg [dreg:$0xa];
	[sflag:s28] =	ssyncadd.s32 $0xFFFFD900  }
0x26: {  	[hbm:s20], [sflag:s18] =	dma.local @!p0 [spmem:s19], $0x100  }
0x27: {  	s18 =	simm.s32 @!p0 $0x9  }
0x28: {  	_ =	swait.ge @!p0 [sflag:s18], $0x100  }
0x29: {  	s17 =	sadd.s32 $0x1, s17;
	s24 =	rddreg [dreg:$0xb]  }
0x2a: {  	p1 =	sne.s32 s17, s24  }
.Ltmp1:
0x2b: {  	_ = 	snop;
	(pc) =	sbr.rel @!p1 .LBB2_14-.Ltmp1, $3  }
0x2c: {  	_ =	sdelay $0x1  }
0x2d: {  	[sflag:s18] =	ssyncset.done @!p0 $0x0  }
0x2e: {  	s20 =	simm.s32 $0xA100;
	[sflag:s18] =	ssyncadd.s32 @!p0 $0xFFFFFF00  }
.LBB2_1:
0x2f: {  	s18 =	rddreg [dreg:$0x5]  }
0x30: {  	[tilespmem:s20], [sflag:$0x7] =	stream.linear.gather [hbm4b:s18+s5], $0x19F0, $0x38;
	[tilespmem:$0x1F380] =	vst v63  }
0x31: {  	s19 =	simm.s32 $0x200;
	s18 =	simm.s32 $0x0  }
.LBB2_2:
0x32: {  	p1 =	sne.s32 s19, $0x9E00;
	[tilespmem:s18+$0x170] =	vst v0  }
0x33: {  	[tilespmem:s18+$0x100] =	vst v0  }
0x34: {  	[tilespmem:s18+$0x110] =	vst v0  }
.Ltmp2:
0x35: {  	[tilespmem:s18+$0x120] =	vst v0;
	(pc) =	sbr.rel @p1 .LBB2_2-.Ltmp2, $4  }
0x36: {  	[tilespmem:s18+$0x130] =	vst v0  }
0x37: {  	[tilespmem:s18+$0x140] =	vst v0  }
0x38: {  	[tilespmem:s18+$0x150] =	vst v0  }
0x39: {  	[tilespmem:s18+$0x160] =	vst v0;
	s18 =	sshra.s32 s19, $0x2;
	s19 =	sadd.s32 $0x200, s19  }
0x3a: {  	[tilespmem:s18+$0x170] =	vst v0  }
0x3b: {  	[tilespmem:s18+$0x100] =	vst v0  }
0x3c: {  	[tilespmem:s18+$0x110] =	vst v0  }
0x3d: {  	[tilespmem:s18+$0x120] =	vst v0  }
0x3e: {  	[tilespmem:s18+$0x130] =	vst v0  }
0x3f: {  	[tilespmem:s18+$0x140] =	vst v0  }
0x40: {  	[tilespmem:s18+$0x150] =	vst v0  }
0x41: {  	[tilespmem:s18+$0x160] =	vst v0  }
0x42: {  	[spmem:s10] =	stream.linear.scatter [tilespmem:s26], [sflag:$0x9], $0x2800, $0x38;
	[tilespmem:$0x1F380] =	vst v63  }
0x43: {  	_ =	swait.ge [sflag:s28], $0x2800  }
0x44: {  	[sflag:s28] =	ssyncset.done $0x0  }
0x45: {  	s22 =	rddreg [dreg:$0xc];
	[sflag:s28] =	ssyncadd.s32 $0xFFFFD800  }
0x46: {  	[spmem:s22] =	stream.linear.scatter [tilespmem:s26], [sflag:$0x9], $0x2800, $0x38;
	[tilespmem:$0x1F380] =	vst v63  }
0x47: {  	_ =	swait.ge [sflag:s28], $0x2800  }
0x48: {  	[sflag:s28] =	ssyncset.done $0x0  }
0x49: {  	s23 =	rddreg [dreg:$0xd];
	[sflag:s28] =	ssyncadd.s32 $0xFFFFD800  }
0x4a: {  	[spmem:s23] =	stream.linear.scatter [tilespmem:s26], [sflag:$0x9], $0x2800, $0x38;
	[tilespmem:$0x1F380] =	vst v63  }
0x4b: {  	_ =	swait.ge [sflag:s28], $0x2800  }
0x4c: {  	[sflag:s28] =	ssyncset.done $0x0  }
0x4d: {  	s24 =	rddreg [dreg:$0xe];
	[sflag:s28] =	ssyncadd.s32 $0xFFFFD800  }
0x4e: {  	[spmem:s24] =	stream.linear.scatter [tilespmem:s26], [sflag:$0x9], $0x2800, $0x38;
	[tilespmem:$0x1F380] =	vst v63  }
0x4f: {  	_ =	swait.ge [sflag:s28], $0x2800  }
0x50: {  	[sflag:s28] =	ssyncset.done $0x0  }
0x51: {  	s19 =	rddreg [dreg:$0xf];
	[sflag:s28] =	ssyncadd.s32 $0xFFFFD800  }
0x52: {  	[spmem:s19] =	stream.linear.scatter [tilespmem:s26], [sflag:$0x9], $0x2800, $0x38;
	[tilespmem:$0x1F380] =	vst v63  }
0x53: {  	_ =	swait.ge [sflag:s28], $0x2800  }
0x54: {  	[sflag:s28] =	ssyncset.done $0x0  }
0x55: {  	s21 =	rddreg [dreg:$0x10];
	[sflag:s28] =	ssyncadd.s32 $0xFFFFD800  }
0x56: {  	[spmem:s21] =	stream.linear.scatter [tilespmem:s26], [sflag:$0x9], $0x2800, $0x38;
	[tilespmem:$0x1F380] =	vst v63  }
0x57: {  	_ =	swait.ge [sflag:s28], $0x2800  }
0x58: {  	[sflag:s28] =	ssyncset.done $0x0  }
0x59: {  	s22 =	rddreg [dreg:$0x11];
	[sflag:s28] =	ssyncadd.s32 $0xFFFFD800  }
0x5a: {  	[spmem:s22] =	stream.linear.scatter [tilespmem:s26], [sflag:$0x9], $0x2800, $0x38;
	[tilespmem:$0x1F380] =	vst v63  }
0x5b: {  	_ =	swait.ge [sflag:s28], $0x2800  }
0x5c: {  	[sflag:s28] =	ssyncset.done $0x0  }
0x5d: {  	s23 =	rddreg [dreg:$0x6];
	[sflag:s28] =	ssyncadd.s32 $0xFFFFD800  }
0x5e: {  	[spmem:s23] =	stream.linear.scatter [tilespmem:s26], [sflag:$0x9], $0x2000, $0x38;
	[tilespmem:$0x1F380] =	vst v63  }
0x5f: {  	_ =	swait.ge [sflag:s28], $0x2000  }
0x60: {  	[sflag:s28] =	ssyncset.done $0x0  }
0x61: {  	s18 =	simm.s32 @!p0 $0x100;
	[sflag:s28] =	ssyncadd.s32 $0xFFFFE000  }
0x62: {  	[spmem:s12] =	stream.linear.scatter @!p0 [tilespmem:s18], [sflag:$0x9], $0x800, $0x38;
	[tilespmem:$0x1F380] =	vst v63  }
0x63: {  	s18 =	simm.s32 @!p0 $0x9  }
0x64: {  	_ =	swait.ge @!p0 [sflag:s18], $0x800  }
0x65: {  	[sflag:s18] =	ssyncset.done @!p0 $0x0  }
0x66: {  	[sflag:s18] =	ssyncadd.s32 @!p0 $0xFFFFF800  }
0x67: {  	_ =	swait.ge [sflag:s29], $0x19F0  }
0x68: {  	[sflag:s29] =	ssyncset.done $0x0  }
0x69: {  	[sflag:s29] =	ssyncadd.s32 $0xFFFFE610  }
0x6a: {  	[bflag:$0x0] =	sbarrier.arrive $0xFFFF  }
0x6b: {  	s18 =	simm.s32 $0x0;
	s19 =	rddreg [dreg:$0x7]  }
0x6c: {  	[tilespmem:s18], [sflag:$0x1] =	stream.linear.gather [hbm4b:s19+s18], $0x50, $0x38;
	[tilespmem:$0x1F380] =	vst v63  }
.Ltmp3:
0x6d: {  	_ = 	snop;
	(pc) =	sbr.rel .LBB2_4-.Ltmp3, $4  }
0x6e: {  	s21 =	simm.s32 $0x5100;
	s24 =	rddreg [dreg:$0x8]  }
0x6f: {  	[tilespmem:s21], [sflag:$0x5] =	stream.linear.gather [hbm4b:s24+s18], $0x2800, $0x38;
	[tilespmem:$0x1F380] =	vst v63  }
0x70: {  	_ = 	snop  }
0x71: {  	[tilespmem:s26], [sflag:$0x3] =	stream.indirect.gather [hbm4b:s2+s31], $0x80, s20, s31, $0xb8;
	[tilespmem:$0x1F380] =	vst v63  }
.LBB2_12:
0x72: {  	s18 =	sadd.s32 $0x1, s18  }
0x73: {  	p1 =	sne.s32 s18, $0x2A  }
.Ltmp4:
0x74: {  	_ = 	snop;
	(pc) =	sbr.rel @!p1 .LBB2_13-.Ltmp4, $1  }
0x75: {  	_ =	sdelay $0x3  }
.LBB2_4:
0x76: {  	s19 =	sshll.u32 s18, $0x1  }
0x77: {  	s20 =	sadd.s32 $0xFFFFFFFF, s19  }
0x78: {  	p2 =	sgt.u32 s20, $0x52  }
0x79: {  	s20 =	sor.u32 @!p2 $0x1, s19  }
0x7a: {  	p1 =	sgt.u32 @!p2 s20, $0x52  }
0x7b: {  	p3 =	por p2, !p1  }
.Ltmp5:
0x7c: {  	_ = 	snop;
	(pc) =	sbr.rel @!p3 .LBB2_6-.Ltmp5, $4  }
0x7d: {  	s21 =	simm.s32 @!p2 $0x8  }
0x7e: {  	_ =	swait.ge @!p2 [sflag:s21], $0x2800  }
0x7f: {  	[sflag:s21] =	ssyncset.done @!p2 $0x0  }
0x80: {  	p1 =	por @!p2 $0x0, $0x0;
	[sflag:s21] =	ssyncadd.s32 @!p2 $0xFFFFD800  }
0x81: {  	s20 =	simm.s32 @p2 $0x1  }
0x82: {  	s21 =	sadd.s32 s15, s20  }
0x83: {  	s22 =	smul.u32 $0x50, s21  }
0x84: {  	s21 =	smul.u32 $0x2800, s21  }
0x85: {  	s22 =	sadd.s32 s9, s22  }
0x86: {  	s21 =	sadd.s32 s8, s21;
	s22 =	sshrl.u32 s22, $0x3  }
0x87: {  	s20 =	smul.u32 $0x140, s20;
	s21 =	sshrl.u32 s21, $0x3;
	s22 =	sadd.s32 s1, s22  }
0x88: {  	[tilespmem:s30], [sflag:$0x2] =	stream.linear.gather [hbm4b:s22+s5], $0x50, $0x38;
	[tilespmem:$0x1F380] =	vst v63  }
0x89: {  	s20 =	sshra.s32 s20, $0x2;
	s21 =	sadd.s32 s6, s21  }
0x8a: {  	[tilespmem:s3], [sflag:$0x6] =	stream.linear.gather [hbm4b:s21+s5], $0x2800, $0x38;
	[tilespmem:$0x1F380] =	vst v63  }
0x8b: {  	p1 =	por $0x1, $0x1;
	s20 =	sadd.s32 $0xA100, s20  }
0x8c: {  	[tilespmem:s7], [sflag:$0x4] =	stream.indirect.gather [hbm4b:s2+s31], $0x80, s20, s31, $0xb8;
	[tilespmem:$0x1F380] =	vst v63  }
.LBB2_6:
0x8d: {  	_ =	swait.ge [sflag:s11], $0x2800  }
0x8e: {  	[sflag:s11] =	ssyncset.done $0x0  }
0x8f: {  	[sflag:s11] =	ssyncadd.s32 $0xFFFFD800  }
0x90: {  	_ =	swait.ge [sflag:s13], $0x2800  }
0x91: {  	[sflag:s13] =	ssyncset.done $0x0  }
0x92: {  	s20 =	simm.s32 $0x200;
	[sflag:s13] =	ssyncadd.s32 $0xFFFFD800  }
0x93: {  	s21 =	simm.s32 $0x5200;
	v1 =	vld [tilespmem:s20+$0x80]  }
0x94: {  	v2 =	vld [tilespmem:s21+$0x80]  }
0x95: {  	v3 =	vld [tilespmem:s21+$0xFFFFFF00]  }
0x96: {  	v4 =	vld [tilespmem:s20+$0xFFFFFF80]  }
0x97: {  	v5 =	vld [tilespmem:s21+$0xFFFFFF80]  }
0x98: {  	v6 =	vld [tilespmem:s21+$0x0]  }
0x99: {  	v1 =	vadd.f32 v2, v1;
	v2 =	vld [tilespmem:s20+$0x0]  }
0x9a: {  	v7 =	vld [tilespmem:s20+$0xFFFFFF00]  }
0x9b: {  	v1 =	vmax.f32 v1, $0.0e+00  }
0x9c: {  	v4 =	vadd.f32 v5, v4;
	[tilespmem:s20+$0x80] =	vst v1;
	v1 =	vld [tilespmem:s20+$0x90]  }
0x9d: {  	v8 =	vld [tilespmem:s21+$0x90]  }
0x9e: {  	v9 =	vld [tilespmem:s20+$0xFFFFFF90];
	v4 =	vmax.f32 v4, $0.0e+00;
	v2 =	vadd.f32 v6, v2  }
0x9f: {  	v5 =	vld [tilespmem:s20+$0xFFFFFF10];
	v3 =	vadd.f32 v3, v7;
	[tilespmem:s20+$0xFFFFFF80] =	vst v4  }
0xa0: {  	v6 =	vld [tilespmem:s21+$0xFFFFFF90];
	v2 =	vmax.f32 v2, $0.0e+00  }
0xa1: {  	v3 =	vmax.f32 v3, $0.0e+00;
	v4 =	vld [tilespmem:s20+$0x10];
	[tilespmem:s20+$0x0] =	vst v2  }
0xa2: {  	[tilespmem:s20+$0xFFFFFF00] =	vst v3;
	v1 =	vadd.f32 v8, v1;
	v2 =	vld [tilespmem:s21+$0x10]  }
0xa3: {  	v3 =	vld [tilespmem:s21+$0xFFFFFF10]  }
0xa4: {  	v1 =	vmax.f32 v1, $0.0e+00  }
0xa5: {  	v6 =	vadd.f32 v6, v9;
	[tilespmem:s20+$0x90] =	vst v1;
	v1 =	vld [tilespmem:s20+$0xA0]  }
0xa6: {  	v8 =	vld [tilespmem:s21+$0xA0]  }
0xa7: {  	v7 =	vld [tilespmem:s20+$0xFFFFFF20];
	v6 =	vmax.f32 v6, $0.0e+00;
	v2 =	vadd.f32 v2, v4  }
0xa8: {  	v3 =	vadd.f32 v3, v5;
	v9 =	vld [tilespmem:s20+$0xFFFFFFA0];
	[tilespmem:s20+$0xFFFFFF90] =	vst v6  }
0xa9: {  	v5 =	vld [tilespmem:s21+$0xFFFFFFA0];
	v2 =	vmax.f32 v2, $0.0e+00  }
0xaa: {  	v3 =	vmax.f32 v3, $0.0e+00;
	v4 =	vld [tilespmem:s20+$0x20];
	[tilespmem:s20+$0x10] =	vst v2  }
0xab: {  	[tilespmem:s20+$0xFFFFFF10] =	vst v3;
	v1 =	vadd.f32 v8, v1;
	v2 =	vld [tilespmem:s21+$0x20]  }
0xac: {  	v3 =	vld [tilespmem:s21+$0xFFFFFF20]  }
0xad: {  	v1 =	vmax.f32 v1, $0.0e+00  }
0xae: {  	v5 =	vadd.f32 v5, v9;
	[tilespmem:s20+$0xA0] =	vst v1;
	v1 =	vld [tilespmem:s20+$0xB0]  }
0xaf: {  	v8 =	vld [tilespmem:s21+$0xB0]  }
0xb0: {  	v10 =	vld [tilespmem:s20+$0x30];
	v5 =	vmax.f32 v5, $0.0e+00;
	v2 =	vadd.f32 v2, v4  }
0xb1: {  	v3 =	vadd.f32 v3, v7;
	v9 =	vld [tilespmem:s20+$0xFFFFFFB0];
	[tilespmem:s20+$0xFFFFFFA0] =	vst v5  }
0xb2: {  	v4 =	vld [tilespmem:s21+$0xFFFFFFB0];
	v2 =	vmax.f32 v2, $0.0e+00  }
0xb3: {  	v6 =	vld [tilespmem:s20+$0xFFFFFF30];
	[tilespmem:s20+$0x20] =	vst v2;
	v2 =	vmax.f32 v3, $0.0e+00  }
0xb4: {  	v1 =	vadd.f32 v8, v1;
	[tilespmem:s20+$0xFFFFFF20] =	vst v2;
	v2 =	vld [tilespmem:s21+$0x30]  }
0xb5: {  	v7 =	vld [tilespmem:s21+$0xFFFFFF30]  }
0xb6: {  	v11 =	vld [tilespmem:s20+$0xFFFFFF40];
	v1 =	vmax.f32 v1, $0.0e+00  }
0xb7: {  	v4 =	vadd.f32 v4, v9;
	[tilespmem:s20+$0xB0] =	vst v1;
	v1 =	vld [tilespmem:s20+$0xC0]  }
0xb8: {  	v8 =	vld [tilespmem:s21+$0xC0]  }
0xb9: {  	v12 =	vld [tilespmem:s20+$0xFFFFFFD0];
	v4 =	vmax.f32 v4, $0.0e+00;
	v2 =	vadd.f32 v2, v10  }
0xba: {  	v5 =	vld [tilespmem:s20+$0xFFFFFFC0];
	[tilespmem:s20+$0xFFFFFFB0] =	vst v4;
	v6 =	vadd.f32 v7, v6  }
0xbb: {  	v7 =	vld [tilespmem:s21+$0xFFFFFFC0];
	v2 =	vmax.f32 v2, $0.0e+00  }
0xbc: {  	v3 =	vld [tilespmem:s20+$0x40];
	[tilespmem:s20+$0x30] =	vst v2;
	v2 =	vmax.f32 v6, $0.0e+00  }
0xbd: {  	v1 =	vadd.f32 v8, v1;
	v6 =	vld [tilespmem:s21+$0x40];
	[tilespmem:s20+$0xFFFFFF30] =	vst v2  }
0xbe: {  	v2 =	vld [tilespmem:s21+$0xFFFFFF40]  }
0xbf: {  	v9 =	vld [tilespmem:s20+$0xFFFFFF50];
	v1 =	vmax.f32 v1, $0.0e+00  }
0xc0: {  	[tilespmem:s20+$0xC0] =	vst v1;
	v1 =	vadd.f32 v7, v5;
	v7 =	vld [tilespmem:s20+$0xD0]  }
0xc1: {  	v8 =	vld [tilespmem:s21+$0xD0]  }
0xc2: {  	v4 =	vld [tilespmem:s20+$0xFFFFFF60];
	v1 =	vmax.f32 v1, $0.0e+00;
	v3 =	vadd.f32 v6, v3  }
0xc3: {  	v10 =	vld [tilespmem:s20+$0x50];
	[tilespmem:s20+$0xFFFFFFC0] =	vst v1;
	v1 =	vadd.f32 v2, v11  }
0xc4: {  	v2 =	vld [tilespmem:s21+$0xFFFFFFD0];
	v3 =	vmax.f32 v3, $0.0e+00  }
0xc5: {  	v5 =	vld [tilespmem:s20+$0xFFFFFFE0];
	[tilespmem:s20+$0x40] =	vst v3;
	v1 =	vmax.f32 v1, $0.0e+00  }
0xc6: {  	v3 =	vld [tilespmem:s21+$0x50];
	v7 =	vadd.f32 v8, v7;
	[tilespmem:s20+$0xFFFFFF40] =	vst v1  }
0xc7: {  	v1 =	vld [tilespmem:s21+$0xFFFFFF50]  }
0xc8: {  	v6 =	vld [tilespmem:s20+$0x60];
	v7 =	vmax.f32 v7, $0.0e+00  }
0xc9: {  	v2 =	vadd.f32 v2, v12;
	[tilespmem:s20+$0xD0] =	vst v7;
	v7 =	vld [tilespmem:s20+$0xE0]  }
0xca: {  	v11 =	vld [tilespmem:s21+$0xE0]  }
0xcb: {  	v2 =	vmax.f32 v2, $0.0e+00;
	v8 =	vadd.f32 v3, v10;
	v3 =	vld [tilespmem:s20+$0xFFFFFF70]  }
0xcc: {  	[tilespmem:s20+$0xFFFFFFD0] =	vst v2;
	v1 =	vadd.f32 v1, v9;
	v2 =	vld [tilespmem:s20+$0xFFFFFFF0]  }
0xcd: {  	v9 =	vmax.f32 v8, $0.0e+00;
	v8 =	vld [tilespmem:s21+$0xFFFFFFE0]  }
0xce: {  	[tilespmem:s20+$0x50] =	vst v9;
	v9 =	vmax.f32 v1, $0.0e+00;
	v1 =	vld [tilespmem:s20+$0x70]  }
0xcf: {  	[tilespmem:s20+$0xFFFFFF50] =	vst v9;
	v9 =	vld [tilespmem:s21+$0x60];
	v7 =	vadd.f32 v11, v7  }
0xd0: {  	v10 =	vld [tilespmem:s21+$0xFFFFFF60]  }
0xd1: {  	s22 =	simm.s32 $0x0;
	s23 =	simm.s32 $0x400;
	s24 =	simm.s32 $0x5200;
	v11 =	vmax.f32 v7, $0.0e+00;
	v7 =	vld [tilespmem:s20+$0xF0]  }
.LBB2_7:
0xd2: {  	v12 =	vld [tilespmem:s23+$0x80];
	v5 =	vadd.f32 v8, v5;
	[tilespmem:s20+$0xE0] =	vst v11  }
0xd3: {  	s24 =	sadd.s32 $0x200, s24;
	v8 =	vld [tilespmem:s21+$0xF0]  }
0xd4: {  	s22 =	sadd.s32 $0x4, s22;
	v11 =	vld [tilespmem:s24+$0x80];
	v5 =	vmax.f32 v5, $0.0e+00;
	v6 =	vadd.f32 v9, v6  }
0xd5: {  	p2 =	slt.u32 s22, $0x4C;
	v9 =	vld [tilespmem:s24+$0xFFFFFF00];
	v4 =	vadd.f32 v10, v4;
	[tilespmem:s20+$0xFFFFFFE0] =	vst v5  }
0xd6: {  	v5 =	vld [tilespmem:s23+$0xFFFFFF80];
	v6 =	vmax.f32 v6, $0.0e+00  }
0xd7: {  	v10 =	vld [tilespmem:s24+$0xFFFFFF80];
	v4 =	vmax.f32 v4, $0.0e+00;
	[tilespmem:s20+$0x60] =	vst v6  }
0xd8: {  	v6 =	vld [tilespmem:s23+$0x0];
	[tilespmem:s20+$0xFFFFFF60] =	vst v4;
	v4 =	vadd.f32 v8, v7  }
0xd9: {  	v7 =	vld [tilespmem:s24+$0x0];
	v8 =	vadd.f32 v11, v12  }
0xda: {  	v11 =	vld [tilespmem:s23+$0xFFFFFF00];
	v4 =	vmax.f32 v4, $0.0e+00  }
0xdb: {  	v12 =	vld [tilespmem:s23+$0xFFFFFF10];
	v8 =	vmax.f32 v8, $0.0e+00;
	[tilespmem:s20+$0xF0] =	vst v4  }
0xdc: {  	v4 =	vadd.f32 v10, v5;
	[tilespmem:s23+$0x80] =	vst v8;
	v5 =	vld [tilespmem:s23+$0x90]  }
0xdd: {  	v8 =	vld [tilespmem:s24+$0x90]  }
0xde: {  	v4 =	vmax.f32 v4, $0.0e+00;
	v10 =	vld [tilespmem:s23+$0xFFFFFF90];
	v6 =	vadd.f32 v7, v6  }
0xdf: {  	v7 =	vadd.f32 v9, v11;
	[tilespmem:s23+$0xFFFFFF80] =	vst v4;
	v4 =	vld [tilespmem:s23+$0x10]  }
0xe0: {  	v9 =	vld [tilespmem:s24+$0xFFFFFF90];
	v6 =	vmax.f32 v6, $0.0e+00  }
0xe1: {  	v7 =	vmax.f32 v7, $0.0e+00;
	v11 =	vld [tilespmem:s23+$0xFFFFFF20];
	[tilespmem:s23+$0x0] =	vst v6  }
0xe2: {  	[tilespmem:s23+$0xFFFFFF00] =	vst v7;
	v6 =	vld [tilespmem:s24+$0x10];
	v5 =	vadd.f32 v8, v5  }
0xe3: {  	v7 =	vld [tilespmem:s24+$0xFFFFFF10]  }
0xe4: {  	v8 =	vld [tilespmem:s23+$0xFFFFFFA0];
	v5 =	vmax.f32 v5, $0.0e+00  }
0xe5: {  	v9 =	vadd.f32 v9, v10;
	[tilespmem:s23+$0x90] =	vst v5;
	v5 =	vld [tilespmem:s23+$0xA0]  }
0xe6: {  	v10 =	vld [tilespmem:s24+$0xA0]  }
0xe7: {  	v9 =	vmax.f32 v9, $0.0e+00;
	v4 =	vadd.f32 v6, v4;
	v6 =	vld [tilespmem:s23+$0x20]  }
0xe8: {  	v7 =	vadd.f32 v7, v12;
	v12 =	vld [tilespmem:s23+$0xFFFFFF30];
	[tilespmem:s23+$0xFFFFFF90] =	vst v9  }
0xe9: {  	v9 =	vld [tilespmem:s24+$0xFFFFFFA0];
	v4 =	vmax.f32 v4, $0.0e+00  }
0xea: {  	v7 =	vmax.f32 v7, $0.0e+00;
	v13 =	vld [tilespmem:s23+$0xFFFFFFB0];
	[tilespmem:s23+$0x10] =	vst v4  }
0xeb: {  	[tilespmem:s23+$0xFFFFFF10] =	vst v7;
	v4 =	vld [tilespmem:s24+$0x20];
	v5 =	vadd.f32 v10, v5  }
0xec: {  	v7 =	vld [tilespmem:s24+$0xFFFFFF20]  }
0xed: {  	v10 =	vld [tilespmem:s23+$0x30];
	v5 =	vmax.f32 v5, $0.0e+00  }
0xee: {  	v8 =	vadd.f32 v9, v8;
	[tilespmem:s23+$0xA0] =	vst v5;
	v5 =	vld [tilespmem:s23+$0xB0]  }
0xef: {  	v9 =	vld [tilespmem:s24+$0xB0]  }
0xf0: {  	v14 =	vld [tilespmem:s23+$0xFFFFFF40];
	v8 =	vmax.f32 v8, $0.0e+00;
	v4 =	vadd.f32 v4, v6  }
0xf1: {  	v6 =	vadd.f32 v7, v11;
	[tilespmem:s23+$0xFFFFFFA0] =	vst v8;
	v7 =	vld [tilespmem:s23+$0xFFFFFFC0]  }
0xf2: {  	v8 =	vld [tilespmem:s24+$0xFFFFFFB0];
	v4 =	vmax.f32 v4, $0.0e+00  }
0xf3: {  	v6 =	vmax.f32 v6, $0.0e+00;
	[tilespmem:s23+$0x20] =	vst v4;
	v11 =	vld [tilespmem:s23+$0x40]  }
0xf4: {  	[tilespmem:s23+$0xFFFFFF20] =	vst v6;
	v4 =	vld [tilespmem:s24+$0x30];
	v5 =	vadd.f32 v9, v5  }
0xf5: {  	v6 =	vld [tilespmem:s24+$0xFFFFFF30]  }
0xf6: {  	v9 =	vld [tilespmem:s23+$0xFFFFFF50];
	v5 =	vmax.f32 v5, $0.0e+00  }
0xf7: {  	v8 =	vadd.f32 v8, v13;
	[tilespmem:s23+$0xB0] =	vst v5;
	v5 =	vld [tilespmem:s23+$0xC0]  }
0xf8: {  	v13 =	vld [tilespmem:s24+$0xC0]  }
0xf9: {  	v8 =	vmax.f32 v8, $0.0e+00;
	v15 =	vld [tilespmem:s23+$0xFFFFFFD0];
	v4 =	vadd.f32 v4, v10  }
0xfa: {  	v6 =	vadd.f32 v6, v12;
	[tilespmem:s23+$0xFFFFFFB0] =	vst v8;
	v8 =	vld [tilespmem:s23+$0x50]  }
0xfb: {  	v10 =	vld [tilespmem:s24+$0xFFFFFFC0];
	v12 =	vmax.f32 v4, $0.0e+00  }
0xfc: {  	v6 =	vmax.f32 v6, $0.0e+00;
	v4 =	vld [tilespmem:s23+$0xFFFFFF60];
	[tilespmem:s23+$0x30] =	vst v12  }
0xfd: {  	[tilespmem:s23+$0xFFFFFF30] =	vst v6;
	v6 =	vld [tilespmem:s24+$0x40];
	v12 =	vadd.f32 v13, v5  }
0xfe: {  	v13 =	vld [tilespmem:s24+$0xFFFFFF40]  }
0xff: {  	v5 =	vld [tilespmem:s23+$0xFFFFFFE0];
	v12 =	vmax.f32 v12, $0.0e+00  }
0x100: {  	v7 =	vadd.f32 v10, v7;
	[tilespmem:s23+$0xC0] =	vst v12;
	v10 =	vld [tilespmem:s23+$0xD0]  }
0x101: {  	v12 =	vld [tilespmem:s24+$0xD0]  }
0x102: {  	v7 =	vmax.f32 v7, $0.0e+00;
	v11 =	vadd.f32 v6, v11;
	v6 =	vld [tilespmem:s23+$0x60]  }
0x103: {  	v13 =	vadd.f32 v13, v14;
	[tilespmem:s23+$0xFFFFFFC0] =	vst v7;
	v7 =	vld [tilespmem:s21+$0xFFFFFF70]  }
0x104: {  	v14 =	vld [tilespmem:s24+$0xFFFFFFD0];
	v11 =	vmax.f32 v11, $0.0e+00  }
0x105: {  	v13 =	vmax.f32 v13, $0.0e+00;
	[tilespmem:s23+$0x40] =	vst v11;
	v11 =	vld [tilespmem:s21+$0xFFFFFFF0]  }
0x106: {  	[tilespmem:s23+$0xFFFFFF40] =	vst v13;
	v13 =	vld [tilespmem:s24+$0x50];
	v10 =	vadd.f32 v12, v10  }
0x107: {  	v12 =	vld [tilespmem:s24+$0xFFFFFF50]  }
0x108: {  	v10 =	vmax.f32 v10, $0.0e+00;
	v3 =	vadd.f32 v7, v3;
	v7 =	vld [tilespmem:s21+$0x70];
	s21 =	smov.u32 s24  }
0x109: {  	v14 =	vadd.f32 v14, v15;
	[tilespmem:s23+$0xD0] =	vst v10;
	v10 =	vld [tilespmem:s23+$0xE0]  }
0x10a: {  	v15 =	vld [tilespmem:s24+$0xE0];
	v16 =	vmax.f32 v3, $0.0e+00;
	v11 =	vadd.f32 v11, v2  }
0x10b: {  	v3 =	vld [tilespmem:s23+$0xFFFFFF70];
	v2 =	vmax.f32 v14, $0.0e+00;
	v13 =	vadd.f32 v13, v8;
	[tilespmem:s20+$0xFFFFFF70] =	vst v16  }
0x10c: {  	v9 =	vadd.f32 v12, v9;
	[tilespmem:s23+$0xFFFFFFD0] =	vst v2;
	v2 =	vld [tilespmem:s23+$0xFFFFFFF0];
	v11 =	vmax.f32 v11, $0.0e+00  }
.Ltmp6:
0x10d: {  	v8 =	vld [tilespmem:s24+$0xFFFFFFE0];
	v12 =	vmax.f32 v13, $0.0e+00;
	[tilespmem:s20+$0xFFFFFFF0] =	vst v11;
	v7 =	vadd.f32 v7, v1;
	(pc) =	sbr.rel @p2 .LBB2_7-.Ltmp6, $4  }
0x10e: {  	v9 =	vmax.f32 v9, $0.0e+00;
	[tilespmem:s23+$0x50] =	vst v12;
	v1 =	vld [tilespmem:s23+$0x70]  }
0x10f: {  	[tilespmem:s23+$0xFFFFFF50] =	vst v9;
	v9 =	vld [tilespmem:s24+$0x60];
	v11 =	vadd.f32 v15, v10;
	v7 =	vmax.f32 v7, $0.0e+00  }
0x110: {  	v10 =	vld [tilespmem:s24+$0xFFFFFF60];
	[tilespmem:s20+$0x70] =	vst v7;
	s20 =	smov.u32 s23  }
0x111: {  	s23 =	sadd.s32 $0x200, s23;
	v11 =	vmax.f32 v11, $0.0e+00;
	v7 =	vld [tilespmem:s20+$0xF0]  }
0x112: {  	_ = 	snop  }
0x113: {  	v5 =	vadd.f32 v8, v5  }
0x114: {  	v6 =	vadd.f32 v9, v6  }
0x115: {  	[tilespmem:s20+$0xE0] =	vst v11;
	v5 =	vmax.f32 v5, $0.0e+00;
	v4 =	vadd.f32 v10, v4  }
0x116: {  	v58 =	vld [tilespmem:s21+$0xF0];
	[tilespmem:s20+$0xFFFFFFE0] =	vst v5;
	v59 =	vmax.f32 v6, $0.0e+00  }
0x117: {  	v61 =	vld [tilespmem:s21+$0xFFFFFFF0];
	v4 =	vmax.f32 v4, $0.0e+00;
	[tilespmem:s20+$0x60] =	vst v59  }
0x118: {  	[tilespmem:s20+$0xFFFFFF60] =	vst v4;
	v62 =	vld [tilespmem:s21+$0x70]  }
0x119: {  	v60 =	vld [tilespmem:s21+$0xFFFFFF70];
	_ =	sdelay $0x1  }
0x11a: {  	v7 =	vadd.f32 v58, v7  }
0x11b: {  	v2 =	vadd.f32 v61, v2  }
0x11c: {  	v63 =	vmax.f32 v7, $0.0e+00;
	v1 =	vadd.f32 v62, v1  }
0x11d: {  	[tilespmem:s20+$0xF0] =	vst v63;
	v2 =	vmax.f32 v2, $0.0e+00;
	v3 =	vadd.f32 v60, v3  }
0x11e: {  	[tilespmem:s20+$0xFFFFFFF0] =	vst v2;
	v1 =	vmax.f32 v1, $0.0e+00  }
0x11f: {  	v3 =	vmax.f32 v3, $0.0e+00;
	[tilespmem:s20+$0x70] =	vst v1  }
0x120: {  	p2 =	seq.s32 s18, $0x29;
	[tilespmem:s20+$0xFFFFFF70] =	vst v3  }
0x121: {  	s19 =	sadd.s32 @!p2 $0x2, s19;
	_ =	swait.ge [sflag:s0], $0x50  }
0x122: {  	s20 =	sadd.s32 @!p2 s15, s19;
	[sflag:s0] =	ssyncset.done $0x0  }
0x123: {  	s22 =	simm.s32 @!p2 $0x0;
	s21 =	smul.u32 @!p2 $0x50, s20;
	[sflag:s0] =	ssyncadd.s32 $0xFFFFFFB0  }
0x124: {  	[spmem:s4] =	stream.indirect.scatter.add.f32 [tilespmem:s26], [sflag:$0x7], $0x80, s5, s31, $0xb8;
	[tilespmem:$0x1F380] =	vst v63  }
0x125: {  	s20 =	smul.u32 @!p2 $0x2800, s20;
	s21 =	sadd.s32 @!p2 s9, s21;
	_ =	swait.ge [sflag:s29], $0x2800  }
0x126: {  	s19 =	smul.u32 @!p2 $0x140, s19;
	s21 =	sshrl.u32 @!p2 s21, $0x3;
	[sflag:s29] =	ssyncset.done $0x0  }
0x127: {  	s20 =	sadd.s32 @!p2 s8, s20;
	s21 =	sadd.s32 @!p2 s1, s21;
	[sflag:s29] =	ssyncadd.s32 $0xFFFFD800  }
0x128: {  	[tilespmem:s22], [sflag:$0x1] =	stream.linear.gather @!p2 [hbm4b:s21+s22], $0x50, $0x38;
	[tilespmem:$0x1F380] =	vst v63  }
.Ltmp7:
0x129: {  	s20 =	sshrl.u32 @!p2 s20, $0x3;
	(pc) =	sbr.rel @!p1 .LBB2_12-.Ltmp7, $4  }
0x12a: {  	s19 =	sshra.s32 @!p2 s19, $0x2;
	s20 =	sadd.s32 @!p2 s6, s20;
	s21 =	simm.s32 @!p2 $0x5100  }
0x12b: {  	[tilespmem:s21], [sflag:$0x5] =	stream.linear.gather @!p2 [hbm4b:s20+s22], $0x2800, $0x38;
	[tilespmem:$0x1F380] =	vst v63  }
0x12c: {  	s19 =	sadd.s32 @!p2 $0xA100, s19;
	s20 =	simm.s32 @!p2 $0x50;
	s21 =	simm.s32 @!p2 $0x100  }
0x12d: {  	[tilespmem:s21], [sflag:$0x3] =	stream.indirect.gather @!p2 [hbm4b:s2+s20], $0x80, s19, s20, $0xb8;
	[tilespmem:$0x1F380] =	vst v63  }
0x12e: {  	_ =	swait.ge [sflag:s25], $0x2800  }
0x12f: {  	[sflag:s25] =	ssyncset.done $0x0  }
0x130: {  	[sflag:s25] =	ssyncadd.s32 $0xFFFFD800  }
0x131: {  	_ =	swait.ge [sflag:s14], $0x2800  }
0x132: {  	[sflag:s14] =	ssyncset.done $0x0  }
0x133: {  	s19 =	simm.s32 $0x2A00;
	[sflag:s14] =	ssyncadd.s32 $0xFFFFD800  }
0x134: {  	s20 =	simm.s32 $0x7A00;
	v1 =	vld [tilespmem:s19+$0x80]  }
0x135: {  	v2 =	vld [tilespmem:s20+$0x80]  }
0x136: {  	v3 =	vld [tilespmem:s20+$0xFFFFFF00]  }
0x137: {  	v4 =	vld [tilespmem:s19+$0xFFFFFF80]  }
0x138: {  	v5 =	vld [tilespmem:s20+$0xFFFFFF80]  }
0x139: {  	v6 =	vld [tilespmem:s20+$0x0]  }
0x13a: {  	v1 =	vadd.f32 v2, v1;
	v2 =	vld [tilespmem:s19+$0x0]  }
0x13b: {  	v7 =	vld [tilespmem:s19+$0xFFFFFF00]  }
0x13c: {  	v1 =	vmax.f32 v1, $0.0e+00  }
0x13d: {  	v4 =	vadd.f32 v5, v4;
	[tilespmem:s19+$0x80] =	vst v1;
	v1 =	vld [tilespmem:s19+$0x90]  }
0x13e: {  	v8 =	vld [tilespmem:s20+$0x90]  }
0x13f: {  	v9 =	vld [tilespmem:s19+$0xFFFFFF90];
	v4 =	vmax.f32 v4, $0.0e+00;
	v2 =	vadd.f32 v6, v2  }
0x140: {  	v5 =	vld [tilespmem:s19+$0xFFFFFF10];
	v3 =	vadd.f32 v3, v7;
	[tilespmem:s19+$0xFFFFFF80] =	vst v4  }
0x141: {  	v6 =	vld [tilespmem:s20+$0xFFFFFF90];
	v2 =	vmax.f32 v2, $0.0e+00  }
0x142: {  	v3 =	vmax.f32 v3, $0.0e+00;
	v4 =	vld [tilespmem:s19+$0x10];
	[tilespmem:s19+$0x0] =	vst v2  }
0x143: {  	[tilespmem:s19+$0xFFFFFF00] =	vst v3;
	v1 =	vadd.f32 v8, v1;
	v2 =	vld [tilespmem:s20+$0x10]  }
0x144: {  	v3 =	vld [tilespmem:s20+$0xFFFFFF10]  }
0x145: {  	v1 =	vmax.f32 v1, $0.0e+00  }
0x146: {  	v6 =	vadd.f32 v6, v9;
	[tilespmem:s19+$0x90] =	vst v1;
	v1 =	vld [tilespmem:s19+$0xA0]  }
0x147: {  	v8 =	vld [tilespmem:s20+$0xA0]  }
0x148: {  	v7 =	vld [tilespmem:s19+$0xFFFFFF20];
	v6 =	vmax.f32 v6, $0.0e+00;
	v2 =	vadd.f32 v2, v4  }
0x149: {  	v3 =	vadd.f32 v3, v5;
	v9 =	vld [tilespmem:s19+$0xFFFFFFA0];
	[tilespmem:s19+$0xFFFFFF90] =	vst v6  }
0x14a: {  	v5 =	vld [tilespmem:s20+$0xFFFFFFA0];
	v2 =	vmax.f32 v2, $0.0e+00  }
0x14b: {  	v3 =	vmax.f32 v3, $0.0e+00;
	v4 =	vld [tilespmem:s19+$0x20];
	[tilespmem:s19+$0x10] =	vst v2  }
0x14c: {  	[tilespmem:s19+$0xFFFFFF10] =	vst v3;
	v1 =	vadd.f32 v8, v1;
	v2 =	vld [tilespmem:s20+$0x20]  }
0x14d: {  	v3 =	vld [tilespmem:s20+$0xFFFFFF20]  }
0x14e: {  	v1 =	vmax.f32 v1, $0.0e+00  }
0x14f: {  	v5 =	vadd.f32 v5, v9;
	[tilespmem:s19+$0xA0] =	vst v1;
	v1 =	vld [tilespmem:s19+$0xB0]  }
0x150: {  	v8 =	vld [tilespmem:s20+$0xB0]  }
0x151: {  	v10 =	vld [tilespmem:s19+$0x30];
	v5 =	vmax.f32 v5, $0.0e+00;
	v2 =	vadd.f32 v2, v4  }
0x152: {  	v3 =	vadd.f32 v3, v7;
	v9 =	vld [tilespmem:s19+$0xFFFFFFB0];
	[tilespmem:s19+$0xFFFFFFA0] =	vst v5  }
0x153: {  	v4 =	vld [tilespmem:s20+$0xFFFFFFB0];
	v2 =	vmax.f32 v2, $0.0e+00  }
0x154: {  	v6 =	vld [tilespmem:s19+$0xFFFFFF30];
	[tilespmem:s19+$0x20] =	vst v2;
	v2 =	vmax.f32 v3, $0.0e+00  }
0x155: {  	v1 =	vadd.f32 v8, v1;
	[tilespmem:s19+$0xFFFFFF20] =	vst v2;
	v2 =	vld [tilespmem:s20+$0x30]  }
0x156: {  	v7 =	vld [tilespmem:s20+$0xFFFFFF30]  }
0x157: {  	v11 =	vld [tilespmem:s19+$0xFFFFFF40];
	v1 =	vmax.f32 v1, $0.0e+00  }
0x158: {  	v4 =	vadd.f32 v4, v9;
	[tilespmem:s19+$0xB0] =	vst v1;
	v1 =	vld [tilespmem:s19+$0xC0]  }
0x159: {  	v8 =	vld [tilespmem:s20+$0xC0]  }
0x15a: {  	v12 =	vld [tilespmem:s19+$0xFFFFFFD0];
	v4 =	vmax.f32 v4, $0.0e+00;
	v2 =	vadd.f32 v2, v10  }
0x15b: {  	v5 =	vld [tilespmem:s19+$0xFFFFFFC0];
	[tilespmem:s19+$0xFFFFFFB0] =	vst v4;
	v6 =	vadd.f32 v7, v6  }
0x15c: {  	v7 =	vld [tilespmem:s20+$0xFFFFFFC0];
	v2 =	vmax.f32 v2, $0.0e+00  }
0x15d: {  	v3 =	vld [tilespmem:s19+$0x40];
	[tilespmem:s19+$0x30] =	vst v2;
	v2 =	vmax.f32 v6, $0.0e+00  }
0x15e: {  	v1 =	vadd.f32 v8, v1;
	v6 =	vld [tilespmem:s20+$0x40];
	[tilespmem:s19+$0xFFFFFF30] =	vst v2  }
0x15f: {  	v2 =	vld [tilespmem:s20+$0xFFFFFF40]  }
0x160: {  	v9 =	vld [tilespmem:s19+$0xFFFFFF50];
	v1 =	vmax.f32 v1, $0.0e+00  }
0x161: {  	[tilespmem:s19+$0xC0] =	vst v1;
	v1 =	vadd.f32 v7, v5;
	v7 =	vld [tilespmem:s19+$0xD0]  }
0x162: {  	v8 =	vld [tilespmem:s20+$0xD0]  }
0x163: {  	v4 =	vld [tilespmem:s19+$0xFFFFFF60];
	v1 =	vmax.f32 v1, $0.0e+00;
	v3 =	vadd.f32 v6, v3  }
0x164: {  	v10 =	vld [tilespmem:s19+$0x50];
	[tilespmem:s19+$0xFFFFFFC0] =	vst v1;
	v1 =	vadd.f32 v2, v11  }
0x165: {  	v2 =	vld [tilespmem:s20+$0xFFFFFFD0];
	v3 =	vmax.f32 v3, $0.0e+00  }
0x166: {  	v5 =	vld [tilespmem:s19+$0xFFFFFFE0];
	[tilespmem:s19+$0x40] =	vst v3;
	v1 =	vmax.f32 v1, $0.0e+00  }
0x167: {  	v3 =	vld [tilespmem:s20+$0x50];
	v7 =	vadd.f32 v8, v7;
	[tilespmem:s19+$0xFFFFFF40] =	vst v1  }
0x168: {  	v1 =	vld [tilespmem:s20+$0xFFFFFF50]  }
0x169: {  	v6 =	vld [tilespmem:s19+$0x60];
	v7 =	vmax.f32 v7, $0.0e+00  }
0x16a: {  	v2 =	vadd.f32 v2, v12;
	[tilespmem:s19+$0xD0] =	vst v7;
	v7 =	vld [tilespmem:s19+$0xE0]  }
0x16b: {  	v11 =	vld [tilespmem:s20+$0xE0]  }
0x16c: {  	v2 =	vmax.f32 v2, $0.0e+00;
	v8 =	vadd.f32 v3, v10;
	v3 =	vld [tilespmem:s19+$0xFFFFFF70]  }
0x16d: {  	[tilespmem:s19+$0xFFFFFFD0] =	vst v2;
	v1 =	vadd.f32 v1, v9;
	v2 =	vld [tilespmem:s19+$0xFFFFFFF0]  }
0x16e: {  	v9 =	vmax.f32 v8, $0.0e+00;
	v8 =	vld [tilespmem:s20+$0xFFFFFFE0]  }
0x16f: {  	[tilespmem:s19+$0x50] =	vst v9;
	v9 =	vmax.f32 v1, $0.0e+00;
	v1 =	vld [tilespmem:s19+$0x70]  }
0x170: {  	[tilespmem:s19+$0xFFFFFF50] =	vst v9;
	v9 =	vld [tilespmem:s20+$0x60];
	v7 =	vadd.f32 v11, v7  }
0x171: {  	v10 =	vld [tilespmem:s20+$0xFFFFFF60]  }
0x172: {  	s21 =	simm.s32 $0x0;
	s22 =	simm.s32 $0x2C00;
	s23 =	simm.s32 $0x7A00;
	v11 =	vmax.f32 v7, $0.0e+00;
	v7 =	vld [tilespmem:s19+$0xF0]  }
.LBB2_10:
0x173: {  	v12 =	vld [tilespmem:s22+$0x80];
	v5 =	vadd.f32 v8, v5;
	[tilespmem:s19+$0xE0] =	vst v11  }
0x174: {  	s23 =	sadd.s32 $0x200, s23;
	v8 =	vld [tilespmem:s20+$0xF0]  }
0x175: {  	s21 =	sadd.s32 $0x4, s21;
	v11 =	vld [tilespmem:s23+$0x80];
	v5 =	vmax.f32 v5, $0.0e+00;
	v6 =	vadd.f32 v9, v6  }
0x176: {  	p1 =	slt.u32 s21, $0x4C;
	v9 =	vld [tilespmem:s23+$0xFFFFFF00];
	v4 =	vadd.f32 v10, v4;
	[tilespmem:s19+$0xFFFFFFE0] =	vst v5  }
0x177: {  	v5 =	vld [tilespmem:s22+$0xFFFFFF80];
	v6 =	vmax.f32 v6, $0.0e+00  }
0x178: {  	v10 =	vld [tilespmem:s23+$0xFFFFFF80];
	v4 =	vmax.f32 v4, $0.0e+00;
	[tilespmem:s19+$0x60] =	vst v6  }
0x179: {  	v6 =	vld [tilespmem:s22+$0x0];
	[tilespmem:s19+$0xFFFFFF60] =	vst v4;
	v4 =	vadd.f32 v8, v7  }
0x17a: {  	v7 =	vld [tilespmem:s23+$0x0];
	v8 =	vadd.f32 v11, v12  }
0x17b: {  	v11 =	vld [tilespmem:s22+$0xFFFFFF00];
	v4 =	vmax.f32 v4, $0.0e+00  }
0x17c: {  	v12 =	vld [tilespmem:s22+$0xFFFFFF10];
	v8 =	vmax.f32 v8, $0.0e+00;
	[tilespmem:s19+$0xF0] =	vst v4  }
0x17d: {  	v4 =	vadd.f32 v10, v5;
	[tilespmem:s22+$0x80] =	vst v8;
	v5 =	vld [tilespmem:s22+$0x90]  }
0x17e: {  	v8 =	vld [tilespmem:s23+$0x90]  }
0x17f: {  	v4 =	vmax.f32 v4, $0.0e+00;
	v10 =	vld [tilespmem:s22+$0xFFFFFF90];
	v6 =	vadd.f32 v7, v6  }
0x180: {  	v7 =	vadd.f32 v9, v11;
	[tilespmem:s22+$0xFFFFFF80] =	vst v4;
	v4 =	vld [tilespmem:s22+$0x10]  }
0x181: {  	v9 =	vld [tilespmem:s23+$0xFFFFFF90];
	v6 =	vmax.f32 v6, $0.0e+00  }
0x182: {  	v7 =	vmax.f32 v7, $0.0e+00;
	v11 =	vld [tilespmem:s22+$0xFFFFFF20];
	[tilespmem:s22+$0x0] =	vst v6  }
0x183: {  	[tilespmem:s22+$0xFFFFFF00] =	vst v7;
	v6 =	vld [tilespmem:s23+$0x10];
	v5 =	vadd.f32 v8, v5  }
0x184: {  	v7 =	vld [tilespmem:s23+$0xFFFFFF10]  }
0x185: {  	v8 =	vld [tilespmem:s22+$0xFFFFFFA0];
	v5 =	vmax.f32 v5, $0.0e+00  }
0x186: {  	v9 =	vadd.f32 v9, v10;
	[tilespmem:s22+$0x90] =	vst v5;
	v5 =	vld [tilespmem:s22+$0xA0]  }
0x187: {  	v10 =	vld [tilespmem:s23+$0xA0]  }
0x188: {  	v9 =	vmax.f32 v9, $0.0e+00;
	v4 =	vadd.f32 v6, v4;
	v6 =	vld [tilespmem:s22+$0x20]  }
0x189: {  	v7 =	vadd.f32 v7, v12;
	v12 =	vld [tilespmem:s22+$0xFFFFFF30];
	[tilespmem:s22+$0xFFFFFF90] =	vst v9  }
0x18a: {  	v9 =	vld [tilespmem:s23+$0xFFFFFFA0];
	v4 =	vmax.f32 v4, $0.0e+00  }
0x18b: {  	v7 =	vmax.f32 v7, $0.0e+00;
	v13 =	vld [tilespmem:s22+$0xFFFFFFB0];
	[tilespmem:s22+$0x10] =	vst v4  }
0x18c: {  	[tilespmem:s22+$0xFFFFFF10] =	vst v7;
	v4 =	vld [tilespmem:s23+$0x20];
	v5 =	vadd.f32 v10, v5  }
0x18d: {  	v7 =	vld [tilespmem:s23+$0xFFFFFF20]  }
0x18e: {  	v10 =	vld [tilespmem:s22+$0x30];
	v5 =	vmax.f32 v5, $0.0e+00  }
0x18f: {  	v8 =	vadd.f32 v9, v8;
	[tilespmem:s22+$0xA0] =	vst v5;
	v5 =	vld [tilespmem:s22+$0xB0]  }
0x190: {  	v9 =	vld [tilespmem:s23+$0xB0]  }
0x191: {  	v14 =	vld [tilespmem:s22+$0xFFFFFF40];
	v8 =	vmax.f32 v8, $0.0e+00;
	v4 =	vadd.f32 v4, v6  }
0x192: {  	v6 =	vadd.f32 v7, v11;
	[tilespmem:s22+$0xFFFFFFA0] =	vst v8;
	v7 =	vld [tilespmem:s22+$0xFFFFFFC0]  }
0x193: {  	v8 =	vld [tilespmem:s23+$0xFFFFFFB0];
	v4 =	vmax.f32 v4, $0.0e+00  }
0x194: {  	v6 =	vmax.f32 v6, $0.0e+00;
	[tilespmem:s22+$0x20] =	vst v4;
	v11 =	vld [tilespmem:s22+$0x40]  }
0x195: {  	[tilespmem:s22+$0xFFFFFF20] =	vst v6;
	v4 =	vld [tilespmem:s23+$0x30];
	v5 =	vadd.f32 v9, v5  }
0x196: {  	v6 =	vld [tilespmem:s23+$0xFFFFFF30]  }
0x197: {  	v9 =	vld [tilespmem:s22+$0xFFFFFF50];
	v5 =	vmax.f32 v5, $0.0e+00  }
0x198: {  	v8 =	vadd.f32 v8, v13;
	[tilespmem:s22+$0xB0] =	vst v5;
	v5 =	vld [tilespmem:s22+$0xC0]  }
0x199: {  	v13 =	vld [tilespmem:s23+$0xC0]  }
0x19a: {  	v8 =	vmax.f32 v8, $0.0e+00;
	v15 =	vld [tilespmem:s22+$0xFFFFFFD0];
	v4 =	vadd.f32 v4, v10  }
0x19b: {  	v6 =	vadd.f32 v6, v12;
	[tilespmem:s22+$0xFFFFFFB0] =	vst v8;
	v8 =	vld [tilespmem:s22+$0x50]  }
0x19c: {  	v10 =	vld [tilespmem:s23+$0xFFFFFFC0];
	v12 =	vmax.f32 v4, $0.0e+00  }
0x19d: {  	v6 =	vmax.f32 v6, $0.0e+00;
	v4 =	vld [tilespmem:s22+$0xFFFFFF60];
	[tilespmem:s22+$0x30] =	vst v12  }
0x19e: {  	[tilespmem:s22+$0xFFFFFF30] =	vst v6;
	v6 =	vld [tilespmem:s23+$0x40];
	v12 =	vadd.f32 v13, v5  }
0x19f: {  	v13 =	vld [tilespmem:s23+$0xFFFFFF40]  }
0x1a0: {  	v5 =	vld [tilespmem:s22+$0xFFFFFFE0];
	v12 =	vmax.f32 v12, $0.0e+00  }
0x1a1: {  	v7 =	vadd.f32 v10, v7;
	[tilespmem:s22+$0xC0] =	vst v12;
	v10 =	vld [tilespmem:s22+$0xD0]  }
0x1a2: {  	v12 =	vld [tilespmem:s23+$0xD0]  }
0x1a3: {  	v7 =	vmax.f32 v7, $0.0e+00;
	v11 =	vadd.f32 v6, v11;
	v6 =	vld [tilespmem:s22+$0x60]  }
0x1a4: {  	v13 =	vadd.f32 v13, v14;
	[tilespmem:s22+$0xFFFFFFC0] =	vst v7;
	v7 =	vld [tilespmem:s20+$0xFFFFFF70]  }
0x1a5: {  	v14 =	vld [tilespmem:s23+$0xFFFFFFD0];
	v11 =	vmax.f32 v11, $0.0e+00  }
0x1a6: {  	v13 =	vmax.f32 v13, $0.0e+00;
	[tilespmem:s22+$0x40] =	vst v11;
	v11 =	vld [tilespmem:s20+$0xFFFFFFF0]  }
0x1a7: {  	[tilespmem:s22+$0xFFFFFF40] =	vst v13;
	v13 =	vld [tilespmem:s23+$0x50];
	v10 =	vadd.f32 v12, v10  }
0x1a8: {  	v12 =	vld [tilespmem:s23+$0xFFFFFF50]  }
0x1a9: {  	v10 =	vmax.f32 v10, $0.0e+00;
	v3 =	vadd.f32 v7, v3;
	v7 =	vld [tilespmem:s20+$0x70];
	s20 =	smov.u32 s23  }
0x1aa: {  	v14 =	vadd.f32 v14, v15;
	[tilespmem:s22+$0xD0] =	vst v10;
	v10 =	vld [tilespmem:s22+$0xE0]  }
0x1ab: {  	v15 =	vld [tilespmem:s23+$0xE0];
	v16 =	vmax.f32 v3, $0.0e+00;
	v11 =	vadd.f32 v11, v2  }
0x1ac: {  	v3 =	vld [tilespmem:s22+$0xFFFFFF70];
	v2 =	vmax.f32 v14, $0.0e+00;
	v13 =	vadd.f32 v13, v8;
	[tilespmem:s19+$0xFFFFFF70] =	vst v16  }
0x1ad: {  	v9 =	vadd.f32 v12, v9;
	[tilespmem:s22+$0xFFFFFFD0] =	vst v2;
	v2 =	vld [tilespmem:s22+$0xFFFFFFF0];
	v11 =	vmax.f32 v11, $0.0e+00  }
.Ltmp8:
0x1ae: {  	v8 =	vld [tilespmem:s23+$0xFFFFFFE0];
	v12 =	vmax.f32 v13, $0.0e+00;
	[tilespmem:s19+$0xFFFFFFF0] =	vst v11;
	v7 =	vadd.f32 v7, v1;
	(pc) =	sbr.rel @p1 .LBB2_10-.Ltmp8, $4  }
0x1af: {  	v9 =	vmax.f32 v9, $0.0e+00;
	[tilespmem:s22+$0x50] =	vst v12;
	v1 =	vld [tilespmem:s22+$0x70]  }
0x1b0: {  	[tilespmem:s22+$0xFFFFFF50] =	vst v9;
	v9 =	vld [tilespmem:s23+$0x60];
	v11 =	vadd.f32 v15, v10;
	v7 =	vmax.f32 v7, $0.0e+00  }
0x1b1: {  	v10 =	vld [tilespmem:s23+$0xFFFFFF60];
	[tilespmem:s19+$0x70] =	vst v7;
	s19 =	smov.u32 s22  }
0x1b2: {  	s22 =	sadd.s32 $0x200, s22;
	v11 =	vmax.f32 v11, $0.0e+00;
	v7 =	vld [tilespmem:s19+$0xF0]  }
0x1b3: {  	_ = 	snop  }
0x1b4: {  	v5 =	vadd.f32 v8, v5  }
0x1b5: {  	v6 =	vadd.f32 v9, v6  }
0x1b6: {  	[tilespmem:s19+$0xE0] =	vst v11;
	v5 =	vmax.f32 v5, $0.0e+00;
	v4 =	vadd.f32 v10, v4  }
0x1b7: {  	v58 =	vld [tilespmem:s20+$0xF0];
	[tilespmem:s19+$0xFFFFFFE0] =	vst v5;
	v59 =	vmax.f32 v6, $0.0e+00  }
0x1b8: {  	v61 =	vld [tilespmem:s20+$0xFFFFFFF0];
	v4 =	vmax.f32 v4, $0.0e+00;
	[tilespmem:s19+$0x60] =	vst v59  }
0x1b9: {  	[tilespmem:s19+$0xFFFFFF60] =	vst v4;
	v62 =	vld [tilespmem:s20+$0x70]  }
0x1ba: {  	v60 =	vld [tilespmem:s20+$0xFFFFFF70];
	_ =	sdelay $0x1  }
0x1bb: {  	v7 =	vadd.f32 v58, v7  }
0x1bc: {  	v2 =	vadd.f32 v61, v2  }
0x1bd: {  	v63 =	vmax.f32 v7, $0.0e+00;
	v1 =	vadd.f32 v62, v1  }
0x1be: {  	[tilespmem:s19+$0xF0] =	vst v63;
	v2 =	vmax.f32 v2, $0.0e+00;
	v3 =	vadd.f32 v60, v3  }
0x1bf: {  	[tilespmem:s19+$0xFFFFFFF0] =	vst v2;
	v1 =	vmax.f32 v1, $0.0e+00  }
0x1c0: {  	v3 =	vmax.f32 v3, $0.0e+00;
	[tilespmem:s19+$0x70] =	vst v1  }
.Ltmp9:
0x1c1: {  	[tilespmem:s19+$0xFFFFFF70] =	vst v3;
	(pc) =	sbr.rel .LBB2_12-.Ltmp9, $4  }
0x1c2: {  	_ =	swait.ge [sflag:s16], $0x50  }
0x1c3: {  	[sflag:s16] =	ssyncset.done $0x0  }
0x1c4: {  	[sflag:s16] =	ssyncadd.s32 $0xFFFFFFB0  }
0x1c5: {  	[spmem:s4] =	stream.indirect.scatter.add.f32 [tilespmem:s7], [sflag:$0x8], $0x80, s30, s31, $0xb8;
	[tilespmem:$0x1F380] =	vst v63  }
.LBB2_14:
0x1c6: {  	_ =	sfence.sel $0x180000  }
0x1c7: {  	[bflag:$0x0] =	sbarrier.arrive $0xFFFF  }
0x1c8: {  	_ =	strace $0x9000004D  }
0x1c9: {  	s0 =	stileid.u32;
	[bflag:$0x2] =	sbarrier.arrive $0xFFFF  }
0x1ca: {  	p0 =	sne.s32 s0, $0x0;
	s0 =	rddreg [dreg:$0x4]  }
0x1cb: {  	s0 =	sadd.s32 @!p0 $0x100000, s0  }
0x1cc: {  	[sflag:s0] =	ssyncadd.tile.s32 @!p0 $0x1;
	_ =	shalt  }
.Lfunc_end2:
_tile_overlayer_lowered:
.L_overlay_start_2:
0x1cd: {  	(tag) =	ssettag $0x2  }
0x1ce: {  	s0 =	rddreg [dreg:$0x0];
	s2 =	stileid.u32  }
0x1cf: {  	s1 =	rddreg [dreg:$0x1];
	p0 =	sne.s32 s2, $0x0  }
0x1d0: {  	s3 =	rddreg [dreg:$0x2];
	[bflag:$0x3] =	sbarrier.arrive $0xFFFF;
	s2 =	simm.s32 @!p0 $0x1C09  }
0x1d1: {  	[timem:s3], [sflag:s2] =	dma.local @!p0 [hbm:s0], s1  }
0x1d2: {  	s0 =	simm.s32 @!p0 $0x9  }
0x1d3: {  	_ =	swait.ge @!p0 [sflag:s0], s1  }
0x1d4: {  	s1 =	ssub.s32 @!p0 $0x0, s1;
	[sflag:s0] =	ssyncset.done @!p0 $0x0  }
0x1d5: {  	[sflag:s0] =	ssyncadd.s32 @!p0 s1  }
0x1d6: {  	[bflag:$0x3] =	sbarrier.arrive $0xFFFF  }
0x1d7: {  	_ =	shalt  }

// kernel: kernel.9.cloned.1.call-start
scs
__scs_entry_jumppad:
0x0: {  	(pc) =	sbr.rel $0x88, $3  }
0x1: {  	(tag) =	ssettag $0x0;
	lr =	simm.s32 $0x1  }
0x2: {  	[smem:$0x3F94] =	sst lr;
	_ =	strace $0xD0000000  }
0x3: {  	_ = 	snop  }
0x4: {  	_ = 	snop  }
0x5: {  	_ = 	snop  }
0x6: {  	_ = 	snop  }
0x7: {  	_ = 	snop  }
__scs_overlays_trampoline_lowered:
0x8: {  	[smem:$0x3FA3] =	sst s0  }
0x9: {  	[smem:$0x3FA4] =	sst s1  }
0xa: {  	[smem:$0x3FA5] =	sst s2  }
0xb: {  	[smem:$0x3FA6] =	sst s3  }
0xc: {  	[smem:$0x3FA7] =	sst s4  }
0xd: {  	[smem:$0x3FA8] =	sst s5  }
0xe: {  	[smem:$0x3FA9] =	sst s6  }
0xf: {  	[smem:$0x3FAA] =	sst s7  }
0x10: {  	[smem:$0x3FAB] =	sst s8  }
0x11: {  	[smem:$0x3FAC] =	sst s9;
	s0 =	simm.s32 @!p0 $0x0  }
0x12: {  	s1 =	sld [smem:$0x3F92];
	s0 =	simm.s32 @p0 $0x1  }
0x13: {  	[smem:$0x3FAD] =	sst s0;
	s0 =	simm.s32 @!p1 $0x0  }
0x14: {  	s2 =	sld [smem:$0x3F91];
	s0 =	simm.s32 @p1 $0x1  }
0x15: {  	[smem:$0x3FAE] =	sst s0;
	s0 =	simm.s32 @!p2 $0x0  }
0x16: {  	s3 =	sld [smem:$0x3FDB];
	s0 =	simm.s32 @p2 $0x1  }
0x17: {  	s4 =	simm.s32 $0x1BF5;
	[smem:$0x3FB0] =	sst s0  }
0x18: {  	s0 =	sld [smem:$0x3F93];
	_ =	swait.ge [sflag:s4], $0x0  }
0x19: {  	s7 =	sld [smem:$0x3F94]  }
0x1a: {  	s8 =	sadd.s32 $0xFFFFE003, lr  }
0x1b: {  	s9 =	sadd.s32 $0xFFFFFEF7, lr;
	s5 =	simm.s32 $0xFFFFFFFF;
	p2 =	slt.u32 s8, $0xFFFFF086  }
0x1c: {  	p1 =	slt.u32 s9, $0xF7A;
	s5 =	simm.s32 @!p2 $0x0  }
0x1d: {  	s5 =	simm.s32 @p1 $0x1;
	p0 =	seq.s32 s7, s2  }
0x1e: {  	s7 =	smul.u32 @!p0 $0xF7A, s2;
	p2 =	seq.s32 @!p0 s5, $0x0  }
0x1f: {  	s9 =	smul.u32 $0xF7A, s1;
	s8 =	simm.s32 @!p0 $0x1BF5;
	p2 =	por !p2, p0  }
0x20: {  	[sflag:s8] =	ssyncset.s32 @!p0 $0xFFFFF086;
	s6 =	sadd.s32 @!p0 s3, s7;
	s7 =	simm.s32 @!p0 $0x108  }
0x21: {  	s3 =	sadd.s32 s3, s9;
	s6 =	sadd.s32 @!p0 $0x88, s6;
	s7 =	simm.s32 @p2 $0x1082  }
0x22: {  	[simem:s7], [sflag:s8] =	dma.local @!p0 [hbm:s6], $0xF7A  }
0x23: {  	s9 =	sor.u32 $0xD0000000, s2;
	s6 =	simm.s32 $0x108;
	_ =	swait.ge @!p0 [sflag:s8], $0x0  }
0x24: {  	s3 =	sadd.s32 $0x88, s3;
	s6 =	simm.s32 @!p1 $0x1082;
	[sflag:s4] =	ssyncset.s32 $0xFFFFF086  }
0x25: {  	[simem:s6], [sflag:s4] =	dma.local [hbm:s3], $0xF7A  }
0x26: {  	[smem:$0x3F94] =	sst s1;
	(tag) =	ssettag s2;
	_ =	strace s9  }
0x27: {  	s1 =	sld [smem:$0x3FA4]  }
0x28: {  	s2 =	sld [smem:$0x3FA5]  }
0x29: {  	s4 =	sld [smem:$0x3FA7]  }
0x2a: {  	p0 =	seq.s32 s5, $0x0;
	s5 =	sld [smem:$0x3FA8]  }
0x2b: {  	s6 =	sld [smem:$0x3FA9]  }
0x2c: {  	s7 =	sld [smem:$0x3FAA]  }
0x2d: {  	s3 =	simm.s32 $0x108;
	s8 =	sld [smem:$0x3FAB]  }
0x2e: {  	s3 =	simm.s32 @!p0 $0x1082;
	s9 =	sld [smem:$0x3FAC]  }
0x2f: {  	lr =	sadd.s32 s0, s3;
	s0 =	sld [smem:$0x3FA3]  }
0x30: {  	s3 =	sld [smem:$0x3FA6]  }
0x31: {  	[smem:$0x3FAF] =	sst s10  }
0x32: {  	s10 =	sld [smem:$0x3FAD];
	_ =	sdelay $0x3  }
0x33: {  	p0 =	seq.s32 s10, $0x1;
	s10 =	sld [smem:$0x3FAF];
	_ =	sdelay $0x3  }
0x34: {  	[smem:$0x3FAF] =	sst s10  }
0x35: {  	s10 =	sld [smem:$0x3FAE];
	_ =	sdelay $0x3  }
0x36: {  	p1 =	seq.s32 s10, $0x1;
	s10 =	sld [smem:$0x3FAF];
	_ =	sdelay $0x3  }
0x37: {  	[smem:$0x3FAF] =	sst s10  }
0x38: {  	s10 =	sld [smem:$0x3FB0]  }
0x39: {  	_ = 	snop;
	(pc) =	sbr.ind lr, $3  }
0x3a: {  	_ = 	snop  }
0x3b: {  	_ = 	snop  }
0x3c: {  	p2 =	seq.s32 s10, $0x1;
	s10 =	sld [smem:$0x3FAF]  }
0x3d: {  	_ =	shalt  }
0x3e: {  	_ =	shalt  }
0x3f: {  	_ =	shalt  }
0x40: {  	_ =	shalt  }
0x41: {  	_ =	shalt  }
0x42: {  	_ =	shalt  }
0x43: {  	_ =	shalt  }
0x44: {  	_ =	shalt  }
0x45: {  	_ =	shalt  }
0x46: {  	_ =	shalt  }
0x47: {  	_ =	shalt  }
0x48: {  	_ =	shalt  }
0x49: {  	_ =	shalt  }
0x4a: {  	_ =	shalt  }
0x4b: {  	_ =	shalt  }
0x4c: {  	_ =	shalt  }
0x4d: {  	_ =	shalt  }
0x4e: {  	_ =	shalt  }
0x4f: {  	_ =	shalt  }
0x50: {  	_ =	shalt  }
0x51: {  	_ =	shalt  }
0x52: {  	_ =	shalt  }
0x53: {  	_ =	shalt  }
0x54: {  	_ =	shalt  }
0x55: {  	_ =	shalt  }
0x56: {  	_ =	shalt  }
0x57: {  	_ =	shalt  }
0x58: {  	_ =	shalt  }
0x59: {  	_ =	shalt  }
0x5a: {  	_ =	shalt  }
0x5b: {  	_ =	shalt  }
0x5c: {  	_ =	shalt  }
0x5d: {  	_ =	shalt  }
0x5e: {  	_ =	shalt  }
0x5f: {  	_ =	shalt  }
0x60: {  	_ =	shalt  }
0x61: {  	_ =	shalt  }
0x62: {  	_ =	shalt  }
0x63: {  	_ =	shalt  }
0x64: {  	_ =	shalt  }
0x65: {  	_ =	shalt  }
0x66: {  	_ =	shalt  }
0x67: {  	_ =	shalt  }
0x68: {  	_ =	shalt  }
0x69: {  	_ =	shalt  }
0x6a: {  	_ =	shalt  }
0x6b: {  	_ =	shalt  }
0x6c: {  	_ =	shalt  }
0x6d: {  	_ =	shalt  }
0x6e: {  	_ =	shalt  }
0x6f: {  	_ =	shalt  }
0x70: {  	_ =	shalt  }
0x71: {  	_ =	shalt  }
0x72: {  	_ =	shalt  }
0x73: {  	_ =	shalt  }
0x74: {  	_ =	shalt  }
0x75: {  	_ =	shalt  }
0x76: {  	_ =	shalt  }
0x77: {  	_ =	shalt  }
0x78: {  	_ =	shalt  }
0x79: {  	_ =	shalt  }
0x7a: {  	_ =	shalt  }
0x7b: {  	_ =	shalt  }
0x7c: {  	_ =	shalt  }
0x7d: {  	_ =	shalt  }
0x7e: {  	_ =	shalt  }
0x7f: {  	_ =	shalt  }
0x80: {  	_ =	shalt  }
0x81: {  	_ =	shalt  }
0x82: {  	_ =	shalt  }
0x83: {  	_ =	shalt  }
0x84: {  	_ =	shalt  }
0x85: {  	_ =	shalt  }
0x86: {  	_ =	shalt  }
0x87: {  	_ =	shalt  }
.Lfunc_end0:
.L_simem_size_0:
called_computation_lowered:
.L_overlay_start_0:
0x88: {  	s2 =	sld [smem:$0x3FD9]  }
0x89: {  	s3 =	sld [smem:$0x3FFE];
	_ =	sdelay $0x1  }
0x8a: {  	s1 =	srdreg.scid  }
0x8b: {  	s0 =	sand.u32 $0x1, s1  }
0x8c: {  	s17 =	sshll.u32 s0, $0xA;
	s2 =	sadd.s32 s3, s2  }
0x8d: {  	s2 =	sadd.s32 s2, s17  }
0x8e: {  	[smem:$0x3FBB] =	sst s2  }
0x8f: {  	_ = 	snop  }
0x90: {  	s2 =	sld [smem:$0x3FC9]  }
0x91: {  	s18 =	sld [smem:$0x3FD0];
	(tm) =	ssettm $0x1  }
0x92: {  	s4 =	sld [smem:$0x3FFB];
	_ =	sdelay $0x3  }
0x93: {  	_ =	strace s4  }
0x94: {  	s4 =	sld [smem:$0x3FFC];
	_ =	sdelay $0x3  }
0x95: {  	_ =	strace s4  }
0x96: {  	s4 =	sld [smem:$0x3FFD];
	_ =	sdelay $0x3  }
0x97: {  	_ =	strace s4  }
0x98: {  	_ =	strace $0x8FFFFFFF  }
0x99: {  	s19 =	sld [smem:$0x3FDB];
	_ =	sdelay $0x1  }
0x9a: {  	s5 =	simm.s32 $_scs_section_size  }
0x9b: {  	s6 =	simm.s32 $_size__tile_overlayer_lowered;
	s7 =	simm.s32 $_tile_overlayer_lowered  }
0x9c: {  	s22 =	simm.s32 $0x1BFF;
	s21 =	sshll.u32 s7, $0x1;
	s4 =	sadd.s32 s5, s19  }
0x9d: {  	s8 =	simm.s32 $0x0;
	s20 =	sshll.u32 s6, $0x1;
	s6 =	sadd.s32 s21, s4  }
0x9e: {  	[timem:s8], [sflag:s22] =	dma.local [hbm:s6], s20  }
0x9f: {  	_ =	swait.ge [sflag:s22], s20  }
0xa0: {  	s5 =	ssub.s32 $0x0, s20;
	[sflag:s22] =	ssyncset.done $0x0  }
0xa1: {  	[sflag:s22] =	ssyncadd.s32 s5;
	_ =	sdelay $0x1  }
0xa2: {  	s23 =	simm.s32 $0x1B8B  }
0xa3: {  	_ =	swait.ge [sflag:s23], $0x1  }
0xa4: {  	[sflag:s23] =	ssyncset.done $0x0  }
0xa5: {  	s25 =	simm.s32 $0x1B8E;
	s24 =	sld [smem:$0x3FFE];
	[sflag:s23] =	ssyncadd.s32 $0xFFFFFFFF  }
0xa6: {  	s26 =	simm.s32 $execute0_lowered;
	[smem:$0x3FD2] =	sst s25  }
0xa7: {  	s6 =	sshll.u32 s26, $0x1;
	_ =	strace $0x80000046;
	[dreg:$0x1] =	wrdreg $0xFFFFFFFF  }
0xa8: {  	s28 =	simm.s32 $_size_execute0_lowered;
	s4 =	sadd.s32 s4, s6;
	[dreg:$0x0] =	wrdreg $0x0  }
0xa9: {  	s6 =	sshll.u32 s28, $0x1;
	[dreg:$0x2] =	wrdreg s4  }
0xaa: {  	[dreg:$0x3] =	wrdreg s6  }
0xab: {  	[dreg:$0x4] =	wrdreg $0xC0  }
0xac: {  	_ =	task [dreg:s8], $0x5FFFF  }
0xad: {  	[dreg:$0x1] =	wrdreg $0xFFFFFFFF  }
0xae: {  	[dreg:$0x0] =	wrdreg $0x60  }
0xaf: {  	[dreg:$0x2] =	wrdreg s18  }
0xb0: {  	[dreg:$0x3] =	wrdreg s2  }
0xb1: {  	[dreg:$0x4] =	wrdreg s24  }
0xb2: {  	[dreg:$0x5] =	wrdreg $0xBB800  }
0xb3: {  	[dreg:$0x6] =	wrdreg $0x9  }
0xb4: {  	_ =	task.clear_ibuf [dreg:s8], $0x7FFFF;
	_ =	strace $0x90000046  }
0xb5: {  	s29 =	simm.s32 $0x9;
	_ =	strace $0x80000048  }
0xb6: {  	_ =	swait.ge [sflag:s29], $0x1  }
0xb7: {  	[sflag:s29] =	ssyncadd.s32 $0xFFFFFFFF  }
0xb8: {  	_ =	strace $0x90000048  }
0xb9: {  	_ =	sfence  }
0xba: {  	s30 =	sld [smem:$0x0];
	_ =	sdelay $0x2  }
0xbb: {  	s31 =	sshll.u32 s1, $0xD;
	s1 =	sshrl.u32 s1, $0x2  }
0xbc: {  	s3 =	sand.u32 $0x4000, s31;
	s1 =	sadd.s32 s1, s30  }
0xbd: {  	s0 =	sor.u32 s3, s0;
	s1 =	sshll.u32 s1, $0x11  }
0xbe: {  	s0 =	sor.u32 s1, s0  }
0xbf: {  	s0 =	sadd.s32 $0x8F2B, s0  }
0xc0: {  	[sflag:s0] =	ssyncadd.remote.s32 $0x1  }
0xc1: {  	_ =	sfence.sel $0xFFFF  }
0xc2: {  	[dreg:$0x0] =	wrdreg $0xFFFFFFFF;
	(pc) =	sbr.abs _section_cstart, $3  }
0xc3: {  	[dreg:$0x1] =	wrdreg $0xFFFFFFFF  }
0xc4: {  	_ =	task.clear_ibuf [dreg:s8], $0x2FFFF;
	_ =	strace $0x9FFFFFFF  }
0xc5: {  	(tm) =	ssettm $0x7FFFFFFF  }
tec
execute0_lowered:
.L_overlay_start_1:
0x0: {  	(tag) =	ssettag $0x1  }
0x1: {  	s1 =	rddreg [dreg:$0x0]  }
0x2: {  	s2 =	rddreg [dreg:$0x1]  }
0x3: {  	s0 =	rddreg [dreg:$0x2]  }
0x4: {  	s3 =	rddreg [dreg:$0x3];
	s5 =	simm.s32 $0x0;
	s4 =	srdreg.scid  }
0x5: {  	s16 =	stileid.u32;
	s28 =	simm.s32 $0x9;
	s29 =	simm.s32 $0x7  }
0x6: {  	s31 =	simm.s32 $0x50;
	s30 =	simm.s32 $0x7900;
	s9 =	smul.u32 $0x1A40, s16  }
0x7: {  	[smem:$0x7FF] =	sst s5;
	s4 =	sand.u32 $0x1, s4;
	s10 =	smul.u32 $0x4E000, s16  }
0x8: {  	s6 =	sadd.s32 $0x1C00, s0;
	s0 =	sadd.s32 $0x349C00, s0;
	s26 =	smul.u32 $0xD2000, s16  }
0x9: {  	p0 =	sne.s32 s16, $0xF;
	s7 =	smul.u32 $0x4E200, s4;
	s8 =	ssub.s32 $0x2, s4  }
0xa: {  	_ =	strace $0x80000047;
	s11 =	sxor.u32 $0x1, s4;
	s12 =	sshrl.u32 s8, $0x1  }
0xb: {  	s10 =	sshrl.u32 s10, $0x2;
	s13 =	sadd.s32 s9, s7;
	s7 =	smul.u32 $0x4E200, s11  }
0xc: {  	s24 =	ssub.s32 s8, s12;
	s8 =	smul.u32 $0xD20000, s4;
	s10 =	sadd.s32 s10, s3  }
0xd: {  	s4 =	smul.u32 $0x138800, s4;
	s11 =	simm.s32 $0x3;
	s14 =	sadd.s32 $0x11800, s10  }
0xe: {  	s25 =	sshrl.u32 s13, $0x3;
	s20 =	smax.u32 s24, $0x1;
	[dreg:$0x6] =	wrdreg s14  }
0xf: {  	s21 =	sadd.s32 $0x2800, s10;
	s22 =	sadd.s32 $0x5000, s10;
	[dreg:$0xb] =	wrdreg s20  }
0x10: {  	s23 =	sadd.s32 $0x7800, s10;
	s24 =	sadd.s32 $0xA000, s10;
	[dreg:$0xc] =	wrdreg s21  }
0x11: {  	s13 =	simm.s32 $0x1;
	s12 =	sadd.s32 s1, s25;
	[dreg:$0xd] =	wrdreg s22  }
0x12: {  	s9 =	sadd.s32 s9, s7;
	s14 =	smul.u32 $0x13800, s16;
	[dreg:$0xe] =	wrdreg s23  }
0x13: {  	s15 =	sadd.s32 s26, s8;
	[dreg:$0xf] =	wrdreg s24;
	s25 =	sadd.s32 $0xC800, s10  }
0x14: {  	s26 =	sadd.s32 $0xF000, s10;
	s20 =	simm.s32 $0xA100;
	[dreg:$0x5] =	wrdreg s12  }
0x15: {  	s9 =	sshrl.u32 s9, $0x3;
	s12 =	sadd.s32 $0x138000, s3;
	[dreg:$0x10] =	wrdreg s25  }
0x16: {  	[dreg:$0x11] =	wrdreg s26;
	s26 =	simm.s32 $0x100;
	s25 =	simm.s32 $0x6  }
0x17: {  	s9 =	sadd.s32 s1, s9;
	s17 =	sadd.s32 s14, s4;
	s4 =	sshrl.u32 s4, $0x3  }
0x18: {  	s14 =	simm.s32 $0x4;
	[dreg:$0x7] =	wrdreg s9;
	s9 =	sshrl.u32 s15, $0x3  }
.Ltmp0:
0x19: {  	s18 =	sshrl.u32 s17, $0x3;
	s4 =	sadd.s32 s0, s4;
	(pc) =	sbr.rel .LBB2_1-.Ltmp0, $4  }
0x1a: {  	s15 =	smul.u32 $0x54, s16;
	s16 =	simm.s32 $0x2;
	s9 =	sadd.s32 s6, s9  }
0x1b: {  	s17 =	simm.s32 $0x0;
	s0 =	sadd.s32 s0, s18;
	[dreg:$0x8] =	wrdreg s9  }
0x1c: {  	s19 =	sadd.s32 $0x27000, s4;
	s4 =	simm.s32 $0x2900;
	[dreg:$0x9] =	wrdreg s0  }
0x1d: {  	v0 =	vimm.f32 $0.0e+00;
	[dreg:$0xa] =	wrdreg s19;
	s0 =	simm.s32 $0x80;
	s9 =	simm.s32 $0x5  }
.LBB2_10:
0x1e: {  	s18 =	stileid.u32  }
0x1f: {  	[bflag:$0x0] =	sbarrier.arrive $0xFFFF;
	s18 =	sshll.u32 s18, $0x6  }
0x20: {  	s19 =	sshrl.u32 s10, $0x3;
	s20 =	rddreg [dreg:$0x9];
	s18 =	sor.u32 $0x1C09, s18  }
0x21: {  	[hbm:s20], [sflag:s18] =	dma.local [spmem:s19], $0x2700  }
0x22: {  	_ =	swait.ge [sflag:s28], $0x2700  }
0x23: {  	[sflag:s28] =	ssyncset.done $0x0  }
0x24: {  	s19 =	sshrl.u32 @!p0 s12, $0x3;
	s20 =	rddreg [dreg:$0xa];
	[sflag:s28] =	ssyncadd.s32 $0xFFFFD900  }
0x25: {  	[hbm:s20], [sflag:s18] =	dma.local @!p0 [spmem:s19], $0x100  }
0x26: {  	s18 =	simm.s32 @!p0 $0x9  }
0x27: {  	_ =	swait.ge @!p0 [sflag:s18], $0x100  }
0x28: {  	s17 =	sadd.s32 $0x1, s17;
	s24 =	rddreg [dreg:$0xb]  }
0x29: {  	p1 =	sne.s32 s17, s24  }
.Ltmp1:
0x2a: {  	_ = 	snop;
	(pc) =	sbr.rel @!p1 .LBB2_11-.Ltmp1, $3  }
0x2b: {  	_ =	sdelay $0x1  }
0x2c: {  	[sflag:s18] =	ssyncset.done @!p0 $0x0  }
0x2d: {  	s20 =	simm.s32 $0xA100;
	[sflag:s18] =	ssyncadd.s32 @!p0 $0xFFFFFF00  }
.LBB2_1:
0x2e: {  	s18 =	rddreg [dreg:$0x5]  }
0x2f: {  	[tilespmem:s20], [sflag:$0x7] =	stream.linear.gather [hbm4b:s18+s5], $0x1A40, $0x38;
	[tilespmem:$0x1F400] =	vst v63  }
0x30: {  	s19 =	simm.s32 $0x200;
	s18 =	simm.s32 $0x0  }
.LBB2_2:
0x31: {  	p1 =	sne.s32 s19, $0x9E00;
	[tilespmem:s18+$0x170] =	vst v0  }
0x32: {  	[tilespmem:s18+$0x100] =	vst v0  }
0x33: {  	[tilespmem:s18+$0x110] =	vst v0  }
.Ltmp2:
0x34: {  	[tilespmem:s18+$0x120] =	vst v0;
	(pc) =	sbr.rel @p1 .LBB2_2-.Ltmp2, $4  }
0x35: {  	[tilespmem:s18+$0x130] =	vst v0  }
0x36: {  	[tilespmem:s18+$0x140] =	vst v0  }
0x37: {  	[tilespmem:s18+$0x150] =	vst v0  }
0x38: {  	[tilespmem:s18+$0x160] =	vst v0;
	s18 =	sshra.s32 s19, $0x2;
	s19 =	sadd.s32 $0x200, s19  }
0x39: {  	[tilespmem:s18+$0x170] =	vst v0  }
0x3a: {  	[tilespmem:s18+$0x100] =	vst v0  }
0x3b: {  	[tilespmem:s18+$0x110] =	vst v0  }
0x3c: {  	[tilespmem:s18+$0x120] =	vst v0  }
0x3d: {  	[tilespmem:s18+$0x130] =	vst v0  }
0x3e: {  	[tilespmem:s18+$0x140] =	vst v0  }
0x3f: {  	[tilespmem:s18+$0x150] =	vst v0  }
0x40: {  	[tilespmem:s18+$0x160] =	vst v0  }
0x41: {  	[spmem:s10] =	stream.linear.scatter [tilespmem:s26], [sflag:$0x9], $0x2800, $0x38;
	[tilespmem:$0x1F400] =	vst v63  }
0x42: {  	_ =	swait.ge [sflag:s28], $0x2800  }
0x43: {  	[sflag:s28] =	ssyncset.done $0x0  }
0x44: {  	s22 =	rddreg [dreg:$0xc];
	[sflag:s28] =	ssyncadd.s32 $0xFFFFD800  }
0x45: {  	[spmem:s22] =	stream.linear.scatter [tilespmem:s26], [sflag:$0x9], $0x2800, $0x38;
	[tilespmem:$0x1F400] =	vst v63  }
0x46: {  	_ =	swait.ge [sflag:s28], $0x2800  }
0x47: {  	[sflag:s28] =	ssyncset.done $0x0  }
0x48: {  	s23 =	rddreg [dreg:$0xd];
	[sflag:s28] =	ssyncadd.s32 $0xFFFFD800  }
0x49: {  	[spmem:s23] =	stream.linear.scatter [tilespmem:s26], [sflag:$0x9], $0x2800, $0x38;
	[tilespmem:$0x1F400] =	vst v63  }
0x4a: {  	_ =	swait.ge [sflag:s28], $0x2800  }
0x4b: {  	[sflag:s28] =	ssyncset.done $0x0  }
0x4c: {  	s24 =	rddreg [dreg:$0xe];
	[sflag:s28] =	ssyncadd.s32 $0xFFFFD800  }
0x4d: {  	[spmem:s24] =	stream.linear.scatter [tilespmem:s26], [sflag:$0x9], $0x2800, $0x38;
	[tilespmem:$0x1F400] =	vst v63  }
0x4e: {  	_ =	swait.ge [sflag:s28], $0x2800  }
0x4f: {  	[sflag:s28] =	ssyncset.done $0x0  }
0x50: {  	s19 =	rddreg [dreg:$0xf];
	[sflag:s28] =	ssyncadd.s32 $0xFFFFD800  }
0x51: {  	[spmem:s19] =	stream.linear.scatter [tilespmem:s26], [sflag:$0x9], $0x2800, $0x38;
	[tilespmem:$0x1F400] =	vst v63  }
0x52: {  	_ =	swait.ge [sflag:s28], $0x2800  }
0x53: {  	[sflag:s28] =	ssyncset.done $0x0  }
0x54: {  	s21 =	rddreg [dreg:$0x10];
	[sflag:s28] =	ssyncadd.s32 $0xFFFFD800  }
0x55: {  	[spmem:s21] =	stream.linear.scatter [tilespmem:s26], [sflag:$0x9], $0x2800, $0x38;
	[tilespmem:$0x1F400] =	vst v63  }
0x56: {  	_ =	swait.ge [sflag:s28], $0x2800  }
0x57: {  	[sflag:s28] =	ssyncset.done $0x0  }
0x58: {  	s22 =	rddreg [dreg:$0x11];
	[sflag:s28] =	ssyncadd.s32 $0xFFFFD800  }
0x59: {  	[spmem:s22] =	stream.linear.scatter [tilespmem:s26], [sflag:$0x9], $0x2800, $0x38;
	[tilespmem:$0x1F400] =	vst v63  }
0x5a: {  	_ =	swait.ge [sflag:s28], $0x2800  }
0x5b: {  	[sflag:s28] =	ssyncset.done $0x0  }
0x5c: {  	s23 =	rddreg [dreg:$0x6];
	[sflag:s28] =	ssyncadd.s32 $0xFFFFD800  }
0x5d: {  	[spmem:s23] =	stream.linear.scatter [tilespmem:s26], [sflag:$0x9], $0x2000, $0x38;
	[tilespmem:$0x1F400] =	vst v63  }
0x5e: {  	_ =	swait.ge [sflag:s28], $0x2000  }
0x5f: {  	[sflag:s28] =	ssyncset.done $0x0  }
0x60: {  	s18 =	simm.s32 @!p0 $0x100;
	[sflag:s28] =	ssyncadd.s32 $0xFFFFE000  }
0x61: {  	[spmem:s12] =	stream.linear.scatter @!p0 [tilespmem:s18], [sflag:$0x9], $0x800, $0x38;
	[tilespmem:$0x1F400] =	vst v63  }
0x62: {  	s18 =	simm.s32 @!p0 $0x9  }
0x63: {  	_ =	swait.ge @!p0 [sflag:s18], $0x800  }
0x64: {  	[sflag:s18] =	ssyncset.done @!p0 $0x0  }
0x65: {  	[sflag:s18] =	ssyncadd.s32 @!p0 $0xFFFFF800  }
0x66: {  	_ =	swait.ge [sflag:s29], $0x1A40  }
0x67: {  	[sflag:s29] =	ssyncset.done $0x0  }
0x68: {  	[sflag:s29] =	ssyncadd.s32 $0xFFFFE5C0  }
0x69: {  	[bflag:$0x0] =	sbarrier.arrive $0xFFFF  }
0x6a: {  	s18 =	simm.s32 $0x0;
	s19 =	rddreg [dreg:$0x7]  }
0x6b: {  	[tilespmem:s18], [sflag:$0x1] =	stream.linear.gather [hbm4b:s19+s18], $0x50, $0x38;
	[tilespmem:$0x1F400] =	vst v63  }
0x6c: {  	s21 =	simm.s32 $0x5100;
	s24 =	rddreg [dreg:$0x8]  }
0x6d: {  	[tilespmem:s21], [sflag:$0x5] =	stream.linear.gather [hbm4b:s24+s18], $0x2800, $0x38;
	[tilespmem:$0x1F400] =	vst v63  }
0x6e: {  	_ = 	snop  }
0x6f: {  	[tilespmem:s26], [sflag:$0x3] =	stream.indirect.gather [hbm4b:s2+s31], $0x80, s20, s31, $0xb8;
	[tilespmem:$0x1F400] =	vst v63  }
.LBB2_4:
0x70: {  	s19 =	sshll.u32 s18, $0x1  }
0x71: {  	p2 =	seq.s32 s18, $0x2A;
	s20 =	sadd.s32 $0xFFFFFFFE, s19  }
.Ltmp3:
0x72: {  	p1 =	sgt.u32 s20, $0x53;
	(pc) =	sbr.rel @p2 .LBB2_10-.Ltmp3, $4  }
0x73: {  	s20 =	simm.s32 @!p1 $0x8  }
0x74: {  	_ =	swait.ge @!p1 [sflag:s20], $0x2800  }
0x75: {  	[sflag:s20] =	ssyncset.done @!p1 $0x0  }
0x76: {  	[sflag:s20] =	ssyncadd.s32 @!p1 $0xFFFFD800  }
0x77: {  	s20 =	sor.u32 $0x1, s19  }
0x78: {  	s21 =	sadd.s32 s15, s20  }
0x79: {  	s22 =	smul.u32 $0x50, s21  }
0x7a: {  	s21 =	smul.u32 $0x2800, s21  }
0x7b: {  	s22 =	sadd.s32 s7, s22  }
0x7c: {  	s21 =	sadd.s32 s8, s21;
	s22 =	sshrl.u32 s22, $0x3  }
0x7d: {  	s20 =	smul.u32 $0x140, s20;
	s21 =	sshrl.u32 s21, $0x3;
	s22 =	sadd.s32 s1, s22  }
0x7e: {  	[tilespmem:s0], [sflag:$0x2] =	stream.linear.gather [hbm4b:s22+s5], $0x50, $0x38;
	[tilespmem:$0x1F400] =	vst v63  }
0x7f: {  	s20 =	sshra.s32 s20, $0x2;
	s21 =	sadd.s32 s6, s21  }
0x80: {  	[tilespmem:s30], [sflag:$0x6] =	stream.linear.gather [hbm4b:s21+s5], $0x2800, $0x38;
	[tilespmem:$0x1F400] =	vst v63  }
0x81: {  	s20 =	sadd.s32 $0xA100, s20  }
0x82: {  	[tilespmem:s4], [sflag:$0x4] =	stream.indirect.gather [hbm4b:s2+s31], $0x80, s20, s31, $0xb8;
	[tilespmem:$0x1F400] =	vst v63  }
0x83: {  	_ =	swait.ge [sflag:s9], $0x2800  }
0x84: {  	[sflag:s9] =	ssyncset.done $0x0  }
0x85: {  	[sflag:s9] =	ssyncadd.s32 $0xFFFFD800  }
0x86: {  	_ =	swait.ge [sflag:s11], $0x2800  }
0x87: {  	[sflag:s11] =	ssyncset.done $0x0  }
0x88: {  	s20 =	simm.s32 $0x200;
	[sflag:s11] =	ssyncadd.s32 $0xFFFFD800  }
0x89: {  	s21 =	simm.s32 $0x5200;
	v1 =	vld [tilespmem:s20+$0x80]  }
0x8a: {  	v2 =	vld [tilespmem:s21+$0x80]  }
0x8b: {  	v3 =	vld [tilespmem:s21+$0xFFFFFF00]  }
0x8c: {  	v4 =	vld [tilespmem:s20+$0xFFFFFF80]  }
0x8d: {  	v5 =	vld [tilespmem:s21+$0xFFFFFF80]  }
0x8e: {  	v6 =	vld [tilespmem:s21+$0x0]  }
0x8f: {  	v1 =	vadd.f32 v2, v1;
	v2 =	vld [tilespmem:s20+$0x0]  }
0x90: {  	v7 =	vld [tilespmem:s20+$0xFFFFFF00]  }
0x91: {  	v1 =	vmax.f32 v1, $0.0e+00  }
0x92: {  	v4 =	vadd.f32 v5, v4;
	[tilespmem:s20+$0x80] =	vst v1;
	v1 =	vld [tilespmem:s20+$0x90]  }
0x93: {  	v8 =	vld [tilespmem:s21+$0x90]  }
0x94: {  	v9 =	vld [tilespmem:s20+$0xFFFFFF90];
	v4 =	vmax.f32 v4, $0.0e+00;
	v2 =	vadd.f32 v6, v2  }
0x95: {  	v5 =	vld [tilespmem:s20+$0xFFFFFF10];
	v3 =	vadd.f32 v3, v7;
	[tilespmem:s20+$0xFFFFFF80] =	vst v4  }
0x96: {  	v6 =	vld [tilespmem:s21+$0xFFFFFF90];
	v2 =	vmax.f32 v2, $0.0e+00  }
0x97: {  	v3 =	vmax.f32 v3, $0.0e+00;
	v4 =	vld [tilespmem:s20+$0x10];
	[tilespmem:s20+$0x0] =	vst v2  }
0x98: {  	[tilespmem:s20+$0xFFFFFF00] =	vst v3;
	v1 =	vadd.f32 v8, v1;
	v2 =	vld [tilespmem:s21+$0x10]  }
0x99: {  	v3 =	vld [tilespmem:s21+$0xFFFFFF10]  }
0x9a: {  	v1 =	vmax.f32 v1, $0.0e+00  }
0x9b: {  	v6 =	vadd.f32 v6, v9;
	[tilespmem:s20+$0x90] =	vst v1;
	v1 =	vld [tilespmem:s20+$0xA0]  }
0x9c: {  	v8 =	vld [tilespmem:s21+$0xA0]  }
0x9d: {  	v7 =	vld [tilespmem:s20+$0xFFFFFF20];
	v6 =	vmax.f32 v6, $0.0e+00;
	v2 =	vadd.f32 v2, v4  }
0x9e: {  	v3 =	vadd.f32 v3, v5;
	v9 =	vld [tilespmem:s20+$0xFFFFFFA0];
	[tilespmem:s20+$0xFFFFFF90] =	vst v6  }
0x9f: {  	v5 =	vld [tilespmem:s21+$0xFFFFFFA0];
	v2 =	vmax.f32 v2, $0.0e+00  }
0xa0: {  	v3 =	vmax.f32 v3, $0.0e+00;
	v4 =	vld [tilespmem:s20+$0x20];
	[tilespmem:s20+$0x10] =	vst v2  }
0xa1: {  	[tilespmem:s20+$0xFFFFFF10] =	vst v3;
	v1 =	vadd.f32 v8, v1;
	v2 =	vld [tilespmem:s21+$0x20]  }
0xa2: {  	v3 =	vld [tilespmem:s21+$0xFFFFFF20]  }
0xa3: {  	v1 =	vmax.f32 v1, $0.0e+00  }
0xa4: {  	v5 =	vadd.f32 v5, v9;
	[tilespmem:s20+$0xA0] =	vst v1;
	v1 =	vld [tilespmem:s20+$0xB0]  }
0xa5: {  	v8 =	vld [tilespmem:s21+$0xB0]  }
0xa6: {  	v10 =	vld [tilespmem:s20+$0x30];
	v5 =	vmax.f32 v5, $0.0e+00;
	v2 =	vadd.f32 v2, v4  }
0xa7: {  	v3 =	vadd.f32 v3, v7;
	v9 =	vld [tilespmem:s20+$0xFFFFFFB0];
	[tilespmem:s20+$0xFFFFFFA0] =	vst v5  }
0xa8: {  	v4 =	vld [tilespmem:s21+$0xFFFFFFB0];
	v2 =	vmax.f32 v2, $0.0e+00  }
0xa9: {  	v6 =	vld [tilespmem:s20+$0xFFFFFF30];
	[tilespmem:s20+$0x20] =	vst v2;
	v2 =	vmax.f32 v3, $0.0e+00  }
0xaa: {  	v1 =	vadd.f32 v8, v1;
	[tilespmem:s20+$0xFFFFFF20] =	vst v2;
	v2 =	vld [tilespmem:s21+$0x30]  }
0xab: {  	v7 =	vld [tilespmem:s21+$0xFFFFFF30]  }
0xac: {  	v11 =	vld [tilespmem:s20+$0xFFFFFF40];
	v1 =	vmax.f32 v1, $0.0e+00  }
0xad: {  	v4 =	vadd.f32 v4, v9;
	[tilespmem:s20+$0xB0] =	vst v1;
	v1 =	vld [tilespmem:s20+$0xC0]  }
0xae: {  	v8 =	vld [tilespmem:s21+$0xC0]  }
0xaf: {  	v12 =	vld [tilespmem:s20+$0xFFFFFFD0];
	v4 =	vmax.f32 v4, $0.0e+00;
	v2 =	vadd.f32 v2, v10  }
0xb0: {  	v5 =	vld [tilespmem:s20+$0xFFFFFFC0];
	[tilespmem:s20+$0xFFFFFFB0] =	vst v4;
	v6 =	vadd.f32 v7, v6  }
0xb1: {  	v7 =	vld [tilespmem:s21+$0xFFFFFFC0];
	v2 =	vmax.f32 v2, $0.0e+00  }
0xb2: {  	v3 =	vld [tilespmem:s20+$0x40];
	[tilespmem:s20+$0x30] =	vst v2;
	v2 =	vmax.f32 v6, $0.0e+00  }
0xb3: {  	v1 =	vadd.f32 v8, v1;
	v6 =	vld [tilespmem:s21+$0x40];
	[tilespmem:s20+$0xFFFFFF30] =	vst v2  }
0xb4: {  	v2 =	vld [tilespmem:s21+$0xFFFFFF40]  }
0xb5: {  	v9 =	vld [tilespmem:s20+$0xFFFFFF50];
	v1 =	vmax.f32 v1, $0.0e+00  }
0xb6: {  	[tilespmem:s20+$0xC0] =	vst v1;
	v1 =	vadd.f32 v7, v5;
	v7 =	vld [tilespmem:s20+$0xD0]  }
0xb7: {  	v8 =	vld [tilespmem:s21+$0xD0]  }
0xb8: {  	v4 =	vld [tilespmem:s20+$0xFFFFFF60];
	v1 =	vmax.f32 v1, $0.0e+00;
	v3 =	vadd.f32 v6, v3  }
0xb9: {  	v10 =	vld [tilespmem:s20+$0x50];
	[tilespmem:s20+$0xFFFFFFC0] =	vst v1;
	v1 =	vadd.f32 v2, v11  }
0xba: {  	v2 =	vld [tilespmem:s21+$0xFFFFFFD0];
	v3 =	vmax.f32 v3, $0.0e+00  }
0xbb: {  	v5 =	vld [tilespmem:s20+$0xFFFFFFE0];
	[tilespmem:s20+$0x40] =	vst v3;
	v1 =	vmax.f32 v1, $0.0e+00  }
0xbc: {  	v3 =	vld [tilespmem:s21+$0x50];
	v7 =	vadd.f32 v8, v7;
	[tilespmem:s20+$0xFFFFFF40] =	vst v1  }
0xbd: {  	v1 =	vld [tilespmem:s21+$0xFFFFFF50]  }
0xbe: {  	v6 =	vld [tilespmem:s20+$0x60];
	v7 =	vmax.f32 v7, $0.0e+00  }
0xbf: {  	v2 =	vadd.f32 v2, v12;
	[tilespmem:s20+$0xD0] =	vst v7;
	v7 =	vld [tilespmem:s20+$0xE0]  }
0xc0: {  	v11 =	vld [tilespmem:s21+$0xE0]  }
0xc1: {  	v2 =	vmax.f32 v2, $0.0e+00;
	v8 =	vadd.f32 v3, v10;
	v3 =	vld [tilespmem:s20+$0xFFFFFF70]  }
0xc2: {  	[tilespmem:s20+$0xFFFFFFD0] =	vst v2;
	v1 =	vadd.f32 v1, v9;
	v2 =	vld [tilespmem:s20+$0xFFFFFFF0]  }
0xc3: {  	v9 =	vmax.f32 v8, $0.0e+00;
	v8 =	vld [tilespmem:s21+$0xFFFFFFE0]  }
0xc4: {  	[tilespmem:s20+$0x50] =	vst v9;
	v9 =	vmax.f32 v1, $0.0e+00;
	v1 =	vld [tilespmem:s20+$0x70]  }
0xc5: {  	[tilespmem:s20+$0xFFFFFF50] =	vst v9;
	v9 =	vld [tilespmem:s21+$0x60];
	v7 =	vadd.f32 v11, v7  }
0xc6: {  	v10 =	vld [tilespmem:s21+$0xFFFFFF60]  }
0xc7: {  	s23 =	simm.s32 $0x400;
	s24 =	simm.s32 $0x5200;
	s22 =	simm.s32 $0x0;
	v11 =	vmax.f32 v7, $0.0e+00;
	v7 =	vld [tilespmem:s20+$0xF0]  }
.LBB2_6:
0xc8: {  	v12 =	vld [tilespmem:s23+$0x80];
	v5 =	vadd.f32 v8, v5;
	[tilespmem:s20+$0xE0] =	vst v11  }
0xc9: {  	s24 =	sadd.s32 $0x200, s24;
	v8 =	vld [tilespmem:s21+$0xF0]  }
0xca: {  	s22 =	sadd.s32 $0x4, s22;
	v11 =	vld [tilespmem:s24+$0x80];
	v5 =	vmax.f32 v5, $0.0e+00;
	v6 =	vadd.f32 v9, v6  }
0xcb: {  	p1 =	slt.u32 s22, $0x4C;
	v9 =	vld [tilespmem:s24+$0xFFFFFF00];
	v4 =	vadd.f32 v10, v4;
	[tilespmem:s20+$0xFFFFFFE0] =	vst v5  }
0xcc: {  	v5 =	vld [tilespmem:s23+$0xFFFFFF80];
	v6 =	vmax.f32 v6, $0.0e+00  }
0xcd: {  	v10 =	vld [tilespmem:s24+$0xFFFFFF80];
	v4 =	vmax.f32 v4, $0.0e+00;
	[tilespmem:s20+$0x60] =	vst v6  }
0xce: {  	v6 =	vld [tilespmem:s23+$0x0];
	[tilespmem:s20+$0xFFFFFF60] =	vst v4;
	v4 =	vadd.f32 v8, v7  }
0xcf: {  	v7 =	vld [tilespmem:s24+$0x0];
	v8 =	vadd.f32 v11, v12  }
0xd0: {  	v11 =	vld [tilespmem:s23+$0xFFFFFF00];
	v4 =	vmax.f32 v4, $0.0e+00  }
0xd1: {  	v12 =	vld [tilespmem:s23+$0xFFFFFF10];
	v8 =	vmax.f32 v8, $0.0e+00;
	[tilespmem:s20+$0xF0] =	vst v4  }
0xd2: {  	v4 =	vadd.f32 v10, v5;
	[tilespmem:s23+$0x80] =	vst v8;
	v5 =	vld [tilespmem:s23+$0x90]  }
0xd3: {  	v8 =	vld [tilespmem:s24+$0x90]  }
0xd4: {  	v4 =	vmax.f32 v4, $0.0e+00;
	v10 =	vld [tilespmem:s23+$0xFFFFFF90];
	v6 =	vadd.f32 v7, v6  }
0xd5: {  	v7 =	vadd.f32 v9, v11;
	[tilespmem:s23+$0xFFFFFF80] =	vst v4;
	v4 =	vld [tilespmem:s23+$0x10]  }
0xd6: {  	v9 =	vld [tilespmem:s24+$0xFFFFFF90];
	v6 =	vmax.f32 v6, $0.0e+00  }
0xd7: {  	v7 =	vmax.f32 v7, $0.0e+00;
	v11 =	vld [tilespmem:s23+$0xFFFFFF20];
	[tilespmem:s23+$0x0] =	vst v6  }
0xd8: {  	[tilespmem:s23+$0xFFFFFF00] =	vst v7;
	v6 =	vld [tilespmem:s24+$0x10];
	v5 =	vadd.f32 v8, v5  }
0xd9: {  	v7 =	vld [tilespmem:s24+$0xFFFFFF10]  }
0xda: {  	v8 =	vld [tilespmem:s23+$0xFFFFFFA0];
	v5 =	vmax.f32 v5, $0.0e+00  }
0xdb: {  	v9 =	vadd.f32 v9, v10;
	[tilespmem:s23+$0x90] =	vst v5;
	v5 =	vld [tilespmem:s23+$0xA0]  }
0xdc: {  	v10 =	vld [tilespmem:s24+$0xA0]  }
0xdd: {  	v9 =	vmax.f32 v9, $0.0e+00;
	v4 =	vadd.f32 v6, v4;
	v6 =	vld [tilespmem:s23+$0x20]  }
0xde: {  	v7 =	vadd.f32 v7, v12;
	v12 =	vld [tilespmem:s23+$0xFFFFFF30];
	[tilespmem:s23+$0xFFFFFF90] =	vst v9  }
0xdf: {  	v9 =	vld [tilespmem:s24+$0xFFFFFFA0];
	v4 =	vmax.f32 v4, $0.0e+00  }
0xe0: {  	v7 =	vmax.f32 v7, $0.0e+00;
	v13 =	vld [tilespmem:s23+$0xFFFFFFB0];
	[tilespmem:s23+$0x10] =	vst v4  }
0xe1: {  	[tilespmem:s23+$0xFFFFFF10] =	vst v7;
	v4 =	vld [tilespmem:s24+$0x20];
	v5 =	vadd.f32 v10, v5  }
0xe2: {  	v7 =	vld [tilespmem:s24+$0xFFFFFF20]  }
0xe3: {  	v10 =	vld [tilespmem:s23+$0x30];
	v5 =	vmax.f32 v5, $0.0e+00  }
0xe4: {  	v8 =	vadd.f32 v9, v8;
	[tilespmem:s23+$0xA0] =	vst v5;
	v5 =	vld [tilespmem:s23+$0xB0]  }
0xe5: {  	v9 =	vld [tilespmem:s24+$0xB0]  }
0xe6: {  	v14 =	vld [tilespmem:s23+$0xFFFFFF40];
	v8 =	vmax.f32 v8, $0.0e+00;
	v4 =	vadd.f32 v4, v6  }
0xe7: {  	v6 =	vadd.f32 v7, v11;
	[tilespmem:s23+$0xFFFFFFA0] =	vst v8;
	v7 =	vld [tilespmem:s23+$0xFFFFFFC0]  }
0xe8: {  	v8 =	vld [tilespmem:s24+$0xFFFFFFB0];
	v4 =	vmax.f32 v4, $0.0e+00  }
0xe9: {  	v6 =	vmax.f32 v6, $0.0e+00;
	[tilespmem:s23+$0x20] =	vst v4;
	v11 =	vld [tilespmem:s23+$0x40]  }
0xea: {  	[tilespmem:s23+$0xFFFFFF20] =	vst v6;
	v4 =	vld [tilespmem:s24+$0x30];
	v5 =	vadd.f32 v9, v5  }
0xeb: {  	v6 =	vld [tilespmem:s24+$0xFFFFFF30]  }
0xec: {  	v9 =	vld [tilespmem:s23+$0xFFFFFF50];
	v5 =	vmax.f32 v5, $0.0e+00  }
0xed: {  	v8 =	vadd.f32 v8, v13;
	[tilespmem:s23+$0xB0] =	vst v5;
	v5 =	vld [tilespmem:s23+$0xC0]  }
0xee: {  	v13 =	vld [tilespmem:s24+$0xC0]  }
0xef: {  	v8 =	vmax.f32 v8, $0.0e+00;
	v15 =	vld [tilespmem:s23+$0xFFFFFFD0];
	v4 =	vadd.f32 v4, v10  }
0xf0: {  	v6 =	vadd.f32 v6, v12;
	[tilespmem:s23+$0xFFFFFFB0] =	vst v8;
	v8 =	vld [tilespmem:s23+$0x50]  }
0xf1: {  	v10 =	vld [tilespmem:s24+$0xFFFFFFC0];
	v12 =	vmax.f32 v4, $0.0e+00  }
0xf2: {  	v6 =	vmax.f32 v6, $0.0e+00;
	v4 =	vld [tilespmem:s23+$0xFFFFFF60];
	[tilespmem:s23+$0x30] =	vst v12  }
0xf3: {  	[tilespmem:s23+$0xFFFFFF30] =	vst v6;
	v6 =	vld [tilespmem:s24+$0x40];
	v12 =	vadd.f32 v13, v5  }
0xf4: {  	v13 =	vld [tilespmem:s24+$0xFFFFFF40]  }
0xf5: {  	v5 =	vld [tilespmem:s23+$0xFFFFFFE0];
	v12 =	vmax.f32 v12, $0.0e+00  }
0xf6: {  	v7 =	vadd.f32 v10, v7;
	[tilespmem:s23+$0xC0] =	vst v12;
	v10 =	vld [tilespmem:s23+$0xD0]  }
0xf7: {  	v12 =	vld [tilespmem:s24+$0xD0]  }
0xf8: {  	v7 =	vmax.f32 v7, $0.0e+00;
	v11 =	vadd.f32 v6, v11;
	v6 =	vld [tilespmem:s23+$0x60]  }
0xf9: {  	v13 =	vadd.f32 v13, v14;
	[tilespmem:s23+$0xFFFFFFC0] =	vst v7;
	v7 =	vld [tilespmem:s21+$0xFFFFFF70]  }
0xfa: {  	v14 =	vld [tilespmem:s24+$0xFFFFFFD0];
	v11 =	vmax.f32 v11, $0.0e+00  }
0xfb: {  	v13 =	vmax.f32 v13, $0.0e+00;
	[tilespmem:s23+$0x40] =	vst v11;
	v11 =	vld [tilespmem:s21+$0xFFFFFFF0]  }
0xfc: {  	[tilespmem:s23+$0xFFFFFF40] =	vst v13;
	v13 =	vld [tilespmem:s24+$0x50];
	v10 =	vadd.f32 v12, v10  }
0xfd: {  	v12 =	vld [tilespmem:s24+$0xFFFFFF50]  }
0xfe: {  	v10 =	vmax.f32 v10, $0.0e+00;
	v3 =	vadd.f32 v7, v3;
	v7 =	vld [tilespmem:s21+$0x70];
	s21 =	smov.u32 s24  }
0xff: {  	v14 =	vadd.f32 v14, v15;
	[tilespmem:s23+$0xD0] =	vst v10;
	v10 =	vld [tilespmem:s23+$0xE0]  }
0x100: {  	v15 =	vld [tilespmem:s24+$0xE0];
	v16 =	vmax.f32 v3, $0.0e+00;
	v11 =	vadd.f32 v11, v2  }
0x101: {  	v3 =	vld [tilespmem:s23+$0xFFFFFF70];
	v2 =	vmax.f32 v14, $0.0e+00;
	v13 =	vadd.f32 v13, v8;
	[tilespmem:s20+$0xFFFFFF70] =	vst v16  }
0x102: {  	v9 =	vadd.f32 v12, v9;
	[tilespmem:s23+$0xFFFFFFD0] =	vst v2;
	v2 =	vld [tilespmem:s23+$0xFFFFFFF0];
	v11 =	vmax.f32 v11, $0.0e+00  }
.Ltmp4:
0x103: {  	v8 =	vld [tilespmem:s24+$0xFFFFFFE0];
	v12 =	vmax.f32 v13, $0.0e+00;
	[tilespmem:s20+$0xFFFFFFF0] =	vst v11;
	v7 =	vadd.f32 v7, v1;
	(pc) =	sbr.rel @p1 .LBB2_6-.Ltmp4, $4  }
0x104: {  	v9 =	vmax.f32 v9, $0.0e+00;
	[tilespmem:s23+$0x50] =	vst v12;
	v1 =	vld [tilespmem:s23+$0x70]  }
0x105: {  	[tilespmem:s23+$0xFFFFFF50] =	vst v9;
	v9 =	vld [tilespmem:s24+$0x60];
	v11 =	vadd.f32 v15, v10;
	v7 =	vmax.f32 v7, $0.0e+00  }
0x106: {  	v10 =	vld [tilespmem:s24+$0xFFFFFF60];
	[tilespmem:s20+$0x70] =	vst v7;
	s20 =	smov.u32 s23  }
0x107: {  	s23 =	sadd.s32 $0x200, s23;
	v11 =	vmax.f32 v11, $0.0e+00;
	v7 =	vld [tilespmem:s20+$0xF0]  }
0x108: {  	_ =	sdelay $0x2  }
0x109: {  	v4 =	vadd.f32 v10, v4  }
0x10a: {  	v5 =	vadd.f32 v8, v5  }
0x10b: {  	[tilespmem:s20+$0xE0] =	vst v11;
	v6 =	vadd.f32 v9, v6;
	v4 =	vmax.f32 v4, $0.0e+00  }
0x10c: {  	v8 =	vld [tilespmem:s21+$0xF0];
	v5 =	vmax.f32 v5, $0.0e+00;
	[tilespmem:s20+$0xFFFFFF60] =	vst v4  }
0x10d: {  	[tilespmem:s20+$0xFFFFFFE0] =	vst v5;
	v4 =	vmax.f32 v6, $0.0e+00;
	v5 =	vld [tilespmem:s21+$0xFFFFFF70]  }
0x10e: {  	[tilespmem:s20+$0x60] =	vst v4;
	v4 =	vld [tilespmem:s21+$0xFFFFFFF0]  }
0x10f: {  	v6 =	vld [tilespmem:s21+$0x70];
	_ =	sdelay $0x1  }
0x110: {  	v7 =	vadd.f32 v8, v7  }
0x111: {  	v3 =	vadd.f32 v5, v3  }
0x112: {  	v5 =	vmax.f32 v7, $0.0e+00;
	v2 =	vadd.f32 v4, v2  }
0x113: {  	[tilespmem:s20+$0xF0] =	vst v5;
	v1 =	vadd.f32 v6, v1;
	v3 =	vmax.f32 v3, $0.0e+00  }
0x114: {  	v2 =	vmax.f32 v2, $0.0e+00;
	[tilespmem:s20+$0xFFFFFF70] =	vst v3  }
0x115: {  	p1 =	sgt.u32 s18, $0x28;
	[tilespmem:s20+$0xFFFFFFF0] =	vst v2;
	v1 =	vmax.f32 v1, $0.0e+00  }
0x116: {  	s19 =	sadd.s32 @!p1 $0x2, s19;
	[tilespmem:s20+$0x70] =	vst v1  }
0x117: {  	s20 =	sadd.s32 @!p1 s15, s19;
	_ =	swait.ge [sflag:s13], $0x50  }
0x118: {  	s21 =	smul.u32 @!p1 $0x50, s20;
	[sflag:s13] =	ssyncset.done $0x0  }
0x119: {  	s22 =	simm.s32 @!p1 $0x0;
	s20 =	smul.u32 @!p1 $0x2800, s20;
	[sflag:s13] =	ssyncadd.s32 $0xFFFFFFB0  }
0x11a: {  	[spmem:s3] =	stream.indirect.scatter.add.f32 [tilespmem:s26], [sflag:$0x7], $0x80, s5, s31, $0xb8;
	[tilespmem:$0x1F400] =	vst v63  }
0x11b: {  	s19 =	smul.u32 @!p1 $0x140, s19;
	s21 =	sadd.s32 @!p1 s7, s21;
	_ =	swait.ge [sflag:s29], $0x2800  }
0x11c: {  	s20 =	sadd.s32 @!p1 s8, s20;
	s21 =	sshrl.u32 @!p1 s21, $0x3;
	[sflag:s29] =	ssyncset.done $0x0  }
0x11d: {  	s20 =	sshrl.u32 @!p1 s20, $0x3;
	s21 =	sadd.s32 @!p1 s1, s21;
	[sflag:s29] =	ssyncadd.s32 $0xFFFFD800  }
0x11e: {  	[tilespmem:s22], [sflag:$0x1] =	stream.linear.gather @!p1 [hbm4b:s21+s22], $0x50, $0x38;
	[tilespmem:$0x1F400] =	vst v63  }
0x11f: {  	s19 =	sshra.s32 @!p1 s19, $0x2;
	s20 =	sadd.s32 @!p1 s6, s20;
	s21 =	simm.s32 @!p1 $0x5100  }
0x120: {  	[tilespmem:s21], [sflag:$0x5] =	stream.linear.gather @!p1 [hbm4b:s20+s22], $0x2800, $0x38;
	[tilespmem:$0x1F400] =	vst v63  }
0x121: {  	s19 =	sadd.s32 @!p1 $0xA100, s19;
	s20 =	simm.s32 @!p1 $0x50;
	s21 =	simm.s32 @!p1 $0x100  }
0x122: {  	[tilespmem:s21], [sflag:$0x3] =	stream.indirect.gather @!p1 [hbm4b:s2+s20], $0x80, s19, s20, $0xb8;
	[tilespmem:$0x1F400] =	vst v63  }
0x123: {  	_ =	swait.ge [sflag:s25], $0x2800  }
0x124: {  	[sflag:s25] =	ssyncset.done $0x0  }
0x125: {  	[sflag:s25] =	ssyncadd.s32 $0xFFFFD800  }
0x126: {  	_ =	swait.ge [sflag:s14], $0x2800  }
0x127: {  	[sflag:s14] =	ssyncset.done $0x0  }
0x128: {  	s19 =	simm.s32 $0x2A00;
	[sflag:s14] =	ssyncadd.s32 $0xFFFFD800  }
0x129: {  	s20 =	simm.s32 $0x7A00;
	v1 =	vld [tilespmem:s19+$0x80]  }
0x12a: {  	v2 =	vld [tilespmem:s20+$0x80]  }
0x12b: {  	v3 =	vld [tilespmem:s20+$0xFFFFFF00]  }
0x12c: {  	v4 =	vld [tilespmem:s19+$0xFFFFFF80]  }
0x12d: {  	v5 =	vld [tilespmem:s20+$0xFFFFFF80]  }
0x12e: {  	v6 =	vld [tilespmem:s20+$0x0]  }
0x12f: {  	v1 =	vadd.f32 v2, v1;
	v2 =	vld [tilespmem:s19+$0x0]  }
0x130: {  	v7 =	vld [tilespmem:s19+$0xFFFFFF00]  }
0x131: {  	v1 =	vmax.f32 v1, $0.0e+00  }
0x132: {  	v4 =	vadd.f32 v5, v4;
	[tilespmem:s19+$0x80] =	vst v1;
	v1 =	vld [tilespmem:s19+$0x90]  }
0x133: {  	v8 =	vld [tilespmem:s20+$0x90]  }
0x134: {  	v9 =	vld [tilespmem:s19+$0xFFFFFF90];
	v4 =	vmax.f32 v4, $0.0e+00;
	v2 =	vadd.f32 v6, v2  }
0x135: {  	v5 =	vld [tilespmem:s19+$0xFFFFFF10];
	v3 =	vadd.f32 v3, v7;
	[tilespmem:s19+$0xFFFFFF80] =	vst v4  }
0x136: {  	v6 =	vld [tilespmem:s20+$0xFFFFFF90];
	v2 =	vmax.f32 v2, $0.0e+00  }
0x137: {  	v3 =	vmax.f32 v3, $0.0e+00;
	v4 =	vld [tilespmem:s19+$0x10];
	[tilespmem:s19+$0x0] =	vst v2  }
0x138: {  	[tilespmem:s19+$0xFFFFFF00] =	vst v3;
	v1 =	vadd.f32 v8, v1;
	v2 =	vld [tilespmem:s20+$0x10]  }
0x139: {  	v3 =	vld [tilespmem:s20+$0xFFFFFF10]  }
0x13a: {  	v1 =	vmax.f32 v1, $0.0e+00  }
0x13b: {  	v6 =	vadd.f32 v6, v9;
	[tilespmem:s19+$0x90] =	vst v1;
	v1 =	vld [tilespmem:s19+$0xA0]  }
0x13c: {  	v8 =	vld [tilespmem:s20+$0xA0]  }
0x13d: {  	v7 =	vld [tilespmem:s19+$0xFFFFFF20];
	v6 =	vmax.f32 v6, $0.0e+00;
	v2 =	vadd.f32 v2, v4  }
0x13e: {  	v3 =	vadd.f32 v3, v5;
	v9 =	vld [tilespmem:s19+$0xFFFFFFA0];
	[tilespmem:s19+$0xFFFFFF90] =	vst v6  }
0x13f: {  	v5 =	vld [tilespmem:s20+$0xFFFFFFA0];
	v2 =	vmax.f32 v2, $0.0e+00  }
0x140: {  	v3 =	vmax.f32 v3, $0.0e+00;
	v4 =	vld [tilespmem:s19+$0x20];
	[tilespmem:s19+$0x10] =	vst v2  }
0x141: {  	[tilespmem:s19+$0xFFFFFF10] =	vst v3;
	v1 =	vadd.f32 v8, v1;
	v2 =	vld [tilespmem:s20+$0x20]  }
0x142: {  	v3 =	vld [tilespmem:s20+$0xFFFFFF20]  }
0x143: {  	v1 =	vmax.f32 v1, $0.0e+00  }
0x144: {  	v5 =	vadd.f32 v5, v9;
	[tilespmem:s19+$0xA0] =	vst v1;
	v1 =	vld [tilespmem:s19+$0xB0]  }
0x145: {  	v8 =	vld [tilespmem:s20+$0xB0]  }
0x146: {  	v10 =	vld [tilespmem:s19+$0x30];
	v5 =	vmax.f32 v5, $0.0e+00;
	v2 =	vadd.f32 v2, v4  }
0x147: {  	v3 =	vadd.f32 v3, v7;
	v9 =	vld [tilespmem:s19+$0xFFFFFFB0];
	[tilespmem:s19+$0xFFFFFFA0] =	vst v5  }
0x148: {  	v4 =	vld [tilespmem:s20+$0xFFFFFFB0];
	v2 =	vmax.f32 v2, $0.0e+00  }
0x149: {  	v6 =	vld [tilespmem:s19+$0xFFFFFF30];
	[tilespmem:s19+$0x20] =	vst v2;
	v2 =	vmax.f32 v3, $0.0e+00  }
0x14a: {  	v1 =	vadd.f32 v8, v1;
	[tilespmem:s19+$0xFFFFFF20] =	vst v2;
	v2 =	vld [tilespmem:s20+$0x30]  }
0x14b: {  	v7 =	vld [tilespmem:s20+$0xFFFFFF30]  }
0x14c: {  	v11 =	vld [tilespmem:s19+$0xFFFFFF40];
	v1 =	vmax.f32 v1, $0.0e+00  }
0x14d: {  	v4 =	vadd.f32 v4, v9;
	[tilespmem:s19+$0xB0] =	vst v1;
	v1 =	vld [tilespmem:s19+$0xC0]  }
0x14e: {  	v8 =	vld [tilespmem:s20+$0xC0]  }
0x14f: {  	v12 =	vld [tilespmem:s19+$0xFFFFFFD0];
	v4 =	vmax.f32 v4, $0.0e+00;
	v2 =	vadd.f32 v2, v10  }
0x150: {  	v5 =	vld [tilespmem:s19+$0xFFFFFFC0];
	[tilespmem:s19+$0xFFFFFFB0] =	vst v4;
	v6 =	vadd.f32 v7, v6  }
0x151: {  	v7 =	vld [tilespmem:s20+$0xFFFFFFC0];
	v2 =	vmax.f32 v2, $0.0e+00  }
0x152: {  	v3 =	vld [tilespmem:s19+$0x40];
	[tilespmem:s19+$0x30] =	vst v2;
	v2 =	vmax.f32 v6, $0.0e+00  }
0x153: {  	v1 =	vadd.f32 v8, v1;
	v6 =	vld [tilespmem:s20+$0x40];
	[tilespmem:s19+$0xFFFFFF30] =	vst v2  }
0x154: {  	v2 =	vld [tilespmem:s20+$0xFFFFFF40]  }
0x155: {  	v9 =	vld [tilespmem:s19+$0xFFFFFF50];
	v1 =	vmax.f32 v1, $0.0e+00  }
0x156: {  	[tilespmem:s19+$0xC0] =	vst v1;
	v1 =	vadd.f32 v7, v5;
	v7 =	vld [tilespmem:s19+$0xD0]  }
0x157: {  	v8 =	vld [tilespmem:s20+$0xD0]  }
0x158: {  	v4 =	vld [tilespmem:s19+$0xFFFFFF60];
	v1 =	vmax.f32 v1, $0.0e+00;
	v3 =	vadd.f32 v6, v3  }
0x159: {  	v10 =	vld [tilespmem:s19+$0x50];
	[tilespmem:s19+$0xFFFFFFC0] =	vst v1;
	v1 =	vadd.f32 v2, v11  }
0x15a: {  	v2 =	vld [tilespmem:s20+$0xFFFFFFD0];
	v3 =	vmax.f32 v3, $0.0e+00  }
0x15b: {  	v5 =	vld [tilespmem:s19+$0xFFFFFFE0];
	[tilespmem:s19+$0x40] =	vst v3;
	v1 =	vmax.f32 v1, $0.0e+00  }
0x15c: {  	v3 =	vld [tilespmem:s20+$0x50];
	v7 =	vadd.f32 v8, v7;
	[tilespmem:s19+$0xFFFFFF40] =	vst v1  }
0x15d: {  	v1 =	vld [tilespmem:s20+$0xFFFFFF50]  }
0x15e: {  	v6 =	vld [tilespmem:s19+$0x60];
	v7 =	vmax.f32 v7, $0.0e+00  }
0x15f: {  	v2 =	vadd.f32 v2, v12;
	[tilespmem:s19+$0xD0] =	vst v7;
	v7 =	vld [tilespmem:s19+$0xE0]  }
0x160: {  	v11 =	vld [tilespmem:s20+$0xE0]  }
0x161: {  	v2 =	vmax.f32 v2, $0.0e+00;
	v8 =	vadd.f32 v3, v10;
	v3 =	vld [tilespmem:s19+$0xFFFFFF70]  }
0x162: {  	[tilespmem:s19+$0xFFFFFFD0] =	vst v2;
	v1 =	vadd.f32 v1, v9;
	v2 =	vld [tilespmem:s19+$0xFFFFFFF0]  }
0x163: {  	v9 =	vmax.f32 v8, $0.0e+00;
	v8 =	vld [tilespmem:s20+$0xFFFFFFE0]  }
0x164: {  	[tilespmem:s19+$0x50] =	vst v9;
	v9 =	vmax.f32 v1, $0.0e+00;
	v1 =	vld [tilespmem:s19+$0x70]  }
0x165: {  	[tilespmem:s19+$0xFFFFFF50] =	vst v9;
	v9 =	vld [tilespmem:s20+$0x60];
	v7 =	vadd.f32 v11, v7  }
0x166: {  	v10 =	vld [tilespmem:s20+$0xFFFFFF60]  }
0x167: {  	s23 =	simm.s32 $0x7A00;
	s22 =	simm.s32 $0x2C00;
	s21 =	simm.s32 $0x0;
	v11 =	vmax.f32 v7, $0.0e+00;
	v7 =	vld [tilespmem:s19+$0xF0]  }
.LBB2_8:
0x168: {  	v12 =	vld [tilespmem:s22+$0x80];
	v5 =	vadd.f32 v8, v5;
	[tilespmem:s19+$0xE0] =	vst v11  }
0x169: {  	s23 =	sadd.s32 $0x200, s23;
	v8 =	vld [tilespmem:s20+$0xF0]  }
0x16a: {  	s21 =	sadd.s32 $0x4, s21;
	v11 =	vld [tilespmem:s23+$0x80];
	v5 =	vmax.f32 v5, $0.0e+00;
	v6 =	vadd.f32 v9, v6  }
0x16b: {  	p1 =	slt.u32 s21, $0x4C;
	v9 =	vld [tilespmem:s23+$0xFFFFFF00];
	v4 =	vadd.f32 v10, v4;
	[tilespmem:s19+$0xFFFFFFE0] =	vst v5  }
0x16c: {  	v5 =	vld [tilespmem:s22+$0xFFFFFF80];
	v6 =	vmax.f32 v6, $0.0e+00  }
0x16d: {  	v10 =	vld [tilespmem:s23+$0xFFFFFF80];
	v4 =	vmax.f32 v4, $0.0e+00;
	[tilespmem:s19+$0x60] =	vst v6  }
0x16e: {  	v6 =	vld [tilespmem:s22+$0x0];
	[tilespmem:s19+$0xFFFFFF60] =	vst v4;
	v4 =	vadd.f32 v8, v7  }
0x16f: {  	v7 =	vld [tilespmem:s23+$0x0];
	v8 =	vadd.f32 v11, v12  }
0x170: {  	v11 =	vld [tilespmem:s22+$0xFFFFFF00];
	v4 =	vmax.f32 v4, $0.0e+00  }
0x171: {  	v12 =	vld [tilespmem:s22+$0xFFFFFF10];
	v8 =	vmax.f32 v8, $0.0e+00;
	[tilespmem:s19+$0xF0] =	vst v4  }
0x172: {  	v4 =	vadd.f32 v10, v5;
	[tilespmem:s22+$0x80] =	vst v8;
	v5 =	vld [tilespmem:s22+$0x90]  }
0x173: {  	v8 =	vld [tilespmem:s23+$0x90]  }
0x174: {  	v4 =	vmax.f32 v4, $0.0e+00;
	v10 =	vld [tilespmem:s22+$0xFFFFFF90];
	v6 =	vadd.f32 v7, v6  }
0x175: {  	v7 =	vadd.f32 v9, v11;
	[tilespmem:s22+$0xFFFFFF80] =	vst v4;
	v4 =	vld [tilespmem:s22+$0x10]  }
0x176: {  	v9 =	vld [tilespmem:s23+$0xFFFFFF90];
	v6 =	vmax.f32 v6, $0.0e+00  }
0x177: {  	v7 =	vmax.f32 v7, $0.0e+00;
	v11 =	vld [tilespmem:s22+$0xFFFFFF20];
	[tilespmem:s22+$0x0] =	vst v6  }
0x178: {  	[tilespmem:s22+$0xFFFFFF00] =	vst v7;
	v6 =	vld [tilespmem:s23+$0x10];
	v5 =	vadd.f32 v8, v5  }
0x179: {  	v7 =	vld [tilespmem:s23+$0xFFFFFF10]  }
0x17a: {  	v8 =	vld [tilespmem:s22+$0xFFFFFFA0];
	v5 =	vmax.f32 v5, $0.0e+00  }
0x17b: {  	v9 =	vadd.f32 v9, v10;
	[tilespmem:s22+$0x90] =	vst v5;
	v5 =	vld [tilespmem:s22+$0xA0]  }
0x17c: {  	v10 =	vld [tilespmem:s23+$0xA0]  }
0x17d: {  	v9 =	vmax.f32 v9, $0.0e+00;
	v4 =	vadd.f32 v6, v4;
	v6 =	vld [tilespmem:s22+$0x20]  }
0x17e: {  	v7 =	vadd.f32 v7, v12;
	v12 =	vld [tilespmem:s22+$0xFFFFFF30];
	[tilespmem:s22+$0xFFFFFF90] =	vst v9  }
0x17f: {  	v9 =	vld [tilespmem:s23+$0xFFFFFFA0];
	v4 =	vmax.f32 v4, $0.0e+00  }
0x180: {  	v7 =	vmax.f32 v7, $0.0e+00;
	v13 =	vld [tilespmem:s22+$0xFFFFFFB0];
	[tilespmem:s22+$0x10] =	vst v4  }
0x181: {  	[tilespmem:s22+$0xFFFFFF10] =	vst v7;
	v4 =	vld [tilespmem:s23+$0x20];
	v5 =	vadd.f32 v10, v5  }
0x182: {  	v7 =	vld [tilespmem:s23+$0xFFFFFF20]  }
0x183: {  	v10 =	vld [tilespmem:s22+$0x30];
	v5 =	vmax.f32 v5, $0.0e+00  }
0x184: {  	v8 =	vadd.f32 v9, v8;
	[tilespmem:s22+$0xA0] =	vst v5;
	v5 =	vld [tilespmem:s22+$0xB0]  }
0x185: {  	v9 =	vld [tilespmem:s23+$0xB0]  }
0x186: {  	v14 =	vld [tilespmem:s22+$0xFFFFFF40];
	v8 =	vmax.f32 v8, $0.0e+00;
	v4 =	vadd.f32 v4, v6  }
0x187: {  	v6 =	vadd.f32 v7, v11;
	[tilespmem:s22+$0xFFFFFFA0] =	vst v8;
	v7 =	vld [tilespmem:s22+$0xFFFFFFC0]  }
0x188: {  	v8 =	vld [tilespmem:s23+$0xFFFFFFB0];
	v4 =	vmax.f32 v4, $0.0e+00  }
0x189: {  	v6 =	vmax.f32 v6, $0.0e+00;
	[tilespmem:s22+$0x20] =	vst v4;
	v11 =	vld [tilespmem:s22+$0x40]  }
0x18a: {  	[tilespmem:s22+$0xFFFFFF20] =	vst v6;
	v4 =	vld [tilespmem:s23+$0x30];
	v5 =	vadd.f32 v9, v5  }
0x18b: {  	v6 =	vld [tilespmem:s23+$0xFFFFFF30]  }
0x18c: {  	v9 =	vld [tilespmem:s22+$0xFFFFFF50];
	v5 =	vmax.f32 v5, $0.0e+00  }
0x18d: {  	v8 =	vadd.f32 v8, v13;
	[tilespmem:s22+$0xB0] =	vst v5;
	v5 =	vld [tilespmem:s22+$0xC0]  }
0x18e: {  	v13 =	vld [tilespmem:s23+$0xC0]  }
0x18f: {  	v8 =	vmax.f32 v8, $0.0e+00;
	v15 =	vld [tilespmem:s22+$0xFFFFFFD0];
	v4 =	vadd.f32 v4, v10  }
0x190: {  	v6 =	vadd.f32 v6, v12;
	[tilespmem:s22+$0xFFFFFFB0] =	vst v8;
	v8 =	vld [tilespmem:s22+$0x50]  }
0x191: {  	v10 =	vld [tilespmem:s23+$0xFFFFFFC0];
	v12 =	vmax.f32 v4, $0.0e+00  }
0x192: {  	v6 =	vmax.f32 v6, $0.0e+00;
	v4 =	vld [tilespmem:s22+$0xFFFFFF60];
	[tilespmem:s22+$0x30] =	vst v12  }
0x193: {  	[tilespmem:s22+$0xFFFFFF30] =	vst v6;
	v6 =	vld [tilespmem:s23+$0x40];
	v12 =	vadd.f32 v13, v5  }
0x194: {  	v13 =	vld [tilespmem:s23+$0xFFFFFF40]  }
0x195: {  	v5 =	vld [tilespmem:s22+$0xFFFFFFE0];
	v12 =	vmax.f32 v12, $0.0e+00  }
0x196: {  	v7 =	vadd.f32 v10, v7;
	[tilespmem:s22+$0xC0] =	vst v12;
	v10 =	vld [tilespmem:s22+$0xD0]  }
0x197: {  	v12 =	vld [tilespmem:s23+$0xD0]  }
0x198: {  	v7 =	vmax.f32 v7, $0.0e+00;
	v11 =	vadd.f32 v6, v11;
	v6 =	vld [tilespmem:s22+$0x60]  }
0x199: {  	v13 =	vadd.f32 v13, v14;
	[tilespmem:s22+$0xFFFFFFC0] =	vst v7;
	v7 =	vld [tilespmem:s20+$0xFFFFFF70]  }
0x19a: {  	v14 =	vld [tilespmem:s23+$0xFFFFFFD0];
	v11 =	vmax.f32 v11, $0.0e+00  }
0x19b: {  	v13 =	vmax.f32 v13, $0.0e+00;
	[tilespmem:s22+$0x40] =	vst v11;
	v11 =	vld [tilespmem:s20+$0xFFFFFFF0]  }
0x19c: {  	[tilespmem:s22+$0xFFFFFF40] =	vst v13;
	v13 =	vld [tilespmem:s23+$0x50];
	v10 =	vadd.f32 v12, v10  }
0x19d: {  	v12 =	vld [tilespmem:s23+$0xFFFFFF50]  }
0x19e: {  	v10 =	vmax.f32 v10, $0.0e+00;
	v3 =	vadd.f32 v7, v3;
	v7 =	vld [tilespmem:s20+$0x70];
	s20 =	smov.u32 s23  }
0x19f: {  	v14 =	vadd.f32 v14, v15;
	[tilespmem:s22+$0xD0] =	vst v10;
	v10 =	vld [tilespmem:s22+$0xE0]  }
0x1a0: {  	v15 =	vld [tilespmem:s23+$0xE0];
	v16 =	vmax.f32 v3, $0.0e+00;
	v11 =	vadd.f32 v11, v2  }
0x1a1: {  	v3 =	vld [tilespmem:s22+$0xFFFFFF70];
	v2 =	vmax.f32 v14, $0.0e+00;
	v13 =	vadd.f32 v13, v8;
	[tilespmem:s19+$0xFFFFFF70] =	vst v16  }
0x1a2: {  	v9 =	vadd.f32 v12, v9;
	[tilespmem:s22+$0xFFFFFFD0] =	vst v2;
	v2 =	vld [tilespmem:s22+$0xFFFFFFF0];
	v11 =	vmax.f32 v11, $0.0e+00  }
.Ltmp5:
0x1a3: {  	v8 =	vld [tilespmem:s23+$0xFFFFFFE0];
	v12 =	vmax.f32 v13, $0.0e+00;
	[tilespmem:s19+$0xFFFFFFF0] =	vst v11;
	v7 =	vadd.f32 v7, v1;
	(pc) =	sbr.rel @p1 .LBB2_8-.Ltmp5, $4  }
0x1a4: {  	v9 =	vmax.f32 v9, $0.0e+00;
	[tilespmem:s22+$0x50] =	vst v12;
	v1 =	vld [tilespmem:s22+$0x70]  }
0x1a5: {  	[tilespmem:s22+$0xFFFFFF50] =	vst v9;
	v9 =	vld [tilespmem:s23+$0x60];
	v11 =	vadd.f32 v15, v10;
	v7 =	vmax.f32 v7, $0.0e+00  }
0x1a6: {  	v10 =	vld [tilespmem:s23+$0xFFFFFF60];
	[tilespmem:s19+$0x70] =	vst v7;
	s19 =	smov.u32 s22  }
0x1a7: {  	s22 =	sadd.s32 $0x200, s22;
	v11 =	vmax.f32 v11, $0.0e+00;
	v7 =	vld [tilespmem:s19+$0xF0]  }
0x1a8: {  	_ = 	snop  }
0x1a9: {  	v5 =	vadd.f32 v8, v5  }
0x1aa: {  	v6 =	vadd.f32 v9, v6  }
0x1ab: {  	[tilespmem:s19+$0xE0] =	vst v11;
	v5 =	vmax.f32 v5, $0.0e+00;
	v4 =	vadd.f32 v10, v4  }
0x1ac: {  	v58 =	vld [tilespmem:s20+$0xF0];
	[tilespmem:s19+$0xFFFFFFE0] =	vst v5;
	v59 =	vmax.f32 v6, $0.0e+00  }
0x1ad: {  	v61 =	vld [tilespmem:s20+$0xFFFFFFF0];
	v4 =	vmax.f32 v4, $0.0e+00;
	[tilespmem:s19+$0x60] =	vst v59  }
0x1ae: {  	[tilespmem:s19+$0xFFFFFF60] =	vst v4;
	v62 =	vld [tilespmem:s20+$0x70]  }
0x1af: {  	v60 =	vld [tilespmem:s20+$0xFFFFFF70];
	_ =	sdelay $0x1  }
0x1b0: {  	v7 =	vadd.f32 v58, v7  }
0x1b1: {  	v2 =	vadd.f32 v61, v2  }
0x1b2: {  	v63 =	vmax.f32 v7, $0.0e+00;
	v1 =	vadd.f32 v62, v1  }
0x1b3: {  	[tilespmem:s19+$0xF0] =	vst v63;
	v2 =	vmax.f32 v2, $0.0e+00;
	v3 =	vadd.f32 v60, v3  }
0x1b4: {  	s18 =	sadd.s32 $0x1, s18;
	[tilespmem:s19+$0xFFFFFFF0] =	vst v2;
	v1 =	vmax.f32 v1, $0.0e+00  }
0x1b5: {  	p1 =	sne.s32 s18, $0x2B;
	v3 =	vmax.f32 v3, $0.0e+00;
	[tilespmem:s19+$0x70] =	vst v1  }
.Ltmp6:
0x1b6: {  	[tilespmem:s19+$0xFFFFFF70] =	vst v3;
	(pc) =	sbr.rel @p1 .LBB2_4-.Ltmp6, $4  }
.Ltmp7:
0x1b7: {  	_ =	swait.ge [sflag:s16], $0x50;
	(pc) =	sbr.rel @!p1 .LBB2_10-.Ltmp7, $4  }
0x1b8: {  	[sflag:s16] =	ssyncset.done $0x0  }
0x1b9: {  	[sflag:s16] =	ssyncadd.s32 $0xFFFFFFB0  }
0x1ba: {  	[spmem:s3] =	stream.indirect.scatter.add.f32 [tilespmem:s4], [sflag:$0x8], $0x80, s0, s31, $0xb8;
	[tilespmem:$0x1F400] =	vst v63  }
0x1bb: {  	_ = 	snop  }
.LBB2_11:
0x1bc: {  	_ =	sfence.sel $0x180000  }
0x1bd: {  	[bflag:$0x0] =	sbarrier.arrive $0xFFFF  }
0x1be: {  	_ =	strace $0x90000047  }
0x1bf: {  	s0 =	stileid.u32;
	[bflag:$0x2] =	sbarrier.arrive $0xFFFF  }
0x1c0: {  	p0 =	sne.s32 s0, $0x0;
	s0 =	rddreg [dreg:$0x4]  }
0x1c1: {  	s0 =	sadd.s32 @!p0 $0x100000, s0  }
0x1c2: {  	[sflag:s0] =	ssyncadd.tile.s32 @!p0 $0x1;
	_ =	shalt  }
.Lfunc_end2:
_tile_overlayer_lowered:
.L_overlay_start_2:
0x1c3: {  	(tag) =	ssettag $0x2  }
0x1c4: {  	s0 =	rddreg [dreg:$0x0];
	s2 =	stileid.u32  }
0x1c5: {  	s1 =	rddreg [dreg:$0x1];
	p0 =	sne.s32 s2, $0x0  }
0x1c6: {  	s3 =	rddreg [dreg:$0x2];
	[bflag:$0x3] =	sbarrier.arrive $0xFFFF;
	s2 =	simm.s32 @!p0 $0x1C09  }
0x1c7: {  	[timem:s3], [sflag:s2] =	dma.local @!p0 [hbm:s0], s1  }
0x1c8: {  	s0 =	simm.s32 @!p0 $0x9  }
0x1c9: {  	_ =	swait.ge @!p0 [sflag:s0], s1  }
0x1ca: {  	s1 =	ssub.s32 @!p0 $0x0, s1;
	[sflag:s0] =	ssyncset.done @!p0 $0x0  }
0x1cb: {  	[sflag:s0] =	ssyncadd.s32 @!p0 s1  }
0x1cc: {  	[bflag:$0x3] =	sbarrier.arrive $0xFFFF  }
0x1cd: {  	_ =	shalt  }

</sc_bundles>
